<compile_context>
chip_gen: v7x
topology: tpu7x:2x2x1
jax: 0.10.2.dev20260603
libtpu: 0.0.44.dev20260713+nightly
codegen_flags: <defaults>
</compile_context>

<pallas_src>
import functools
import jax
import jax.numpy as jnp
from jax import lax
from jax.experimental import pallas as pl
from jax.experimental.pallas import tpu as pltpu
from jax.experimental.pallas import tpu_sc as plsc

_SCALE = 1.0 + 0.1
_NC = 2
_NS = 16
_NW = _NC * _NS
_N = 128
_F = 256
_LANES = 16
_TPW = 1
_CHUNKS = 8
_CROWS = _N // _CHUNKS


def _sc_body(x_hbm, sz_hbm, o_hbm, sz_v, buf_a, buf_b, buf_c, zbuf,
             sem_ra, sem_rb, sem_rc, sem_wa, sem_wb, sem_wc):
    wid = lax.axis_index("s") * _NC + lax.axis_index("c")
    base_t = wid * _TPW
    pltpu.sync_copy(sz_hbm.at[pl.ds((base_t // 8) * 8, _LANES)], sz_v)
    szv = sz_v[...]

    @pl.loop(0, _CROWS)
    def _(r):
        for k in range(_F // _LANES):
            zbuf[r, pl.ds(k * _LANES, _LANES)] = jnp.zeros((_LANES,),
                                                           jnp.float32)

    bufs = (buf_a, buf_b, buf_c)
    rsems = (sem_ra, sem_rb, sem_rc)
    wsems = (sem_wa, sem_wb, sem_wc)

    def read_chunks(j):
        s = szv[j]
        buf, sem = bufs[j % 3], rsems[j % 3]
        row0 = (base_t + j) * _N
        for c in range(_CHUNKS):
            @pl.when(s > c * _CROWS)
            def _():
                pltpu.make_async_copy(
                    x_hbm.at[pl.ds(row0 + c * _CROWS, _CROWS)],
                    buf.at[pl.ds(c * _CROWS, _CROWS)], sem).start()

    def wait_read_chunks(j):
        s = szv[j]
        buf, sem = bufs[j % 3], rsems[j % 3]
        row0 = (base_t + j) * _N
        for c in range(_CHUNKS):
            @pl.when(s > c * _CROWS)
            def _():
                pltpu.make_async_copy(
                    x_hbm.at[pl.ds(row0 + c * _CROWS, _CROWS)],
                    buf.at[pl.ds(c * _CROWS, _CROWS)], sem).wait()

    def compute(j):
        s = szv[j]
        buf = bufs[j % 3]
        for c in range(_CHUNKS):
            @pl.when(s > c * _CROWS)
            def _():
                @plsc.parallel_loop(c * _CROWS, (c + 1) * _CROWS, 1, unroll=2)
                def _(r):
                    for k in range(_F // _LANES):
                        sl = pl.ds(k * _LANES, _LANES)
                        buf[r, sl] = buf[r, sl] * _SCALE

        tail_hi = (s + (_CROWS - 1)) // _CROWS * _CROWS

        @pl.loop(s, tail_hi)
        def _(r):
            for k in range(_F // _LANES):
                buf[r, pl.ds(k * _LANES, _LANES)] = jnp.zeros((_LANES,),
                                                              jnp.float32)

    def write_chunks(j):
        s = szv[j]
        buf, sem = bufs[j % 3], wsems[j % 3]
        row0 = (base_t + j) * _N
        for c in range(_CHUNKS):
            dst = o_hbm.at[pl.ds(row0 + c * _CROWS, _CROWS)]

            @pl.when(s > c * _CROWS)
            def _():
                pltpu.make_async_copy(
                    buf.at[pl.ds(c * _CROWS, _CROWS)], dst, sem).start()

            @pl.when(s <= c * _CROWS)
            def _():
                pltpu.make_async_copy(zbuf, dst, sem).start()

    def wait_write_chunks(j):
        s = szv[j]
        buf, sem = bufs[j % 3], wsems[j % 3]
        row0 = (base_t + j) * _N
        for c in range(_CHUNKS):
            dst = o_hbm.at[pl.ds(row0 + c * _CROWS, _CROWS)]

            @pl.when(s > c * _CROWS)
            def _():
                pltpu.make_async_copy(
                    buf.at[pl.ds(c * _CROWS, _CROWS)], dst, sem).wait()

            @pl.when(s <= c * _CROWS)
            def _():
                pltpu.make_async_copy(zbuf, dst, sem).wait()

    read_chunks(0)
    for j in range(_TPW):
        if j >= 2:
            wait_write_chunks(j - 2)
        if j + 1 < _TPW:
            read_chunks(j + 1)
        wait_read_chunks(j)
        compute(j)
        write_chunks(j)
    for j in range(max(0, _TPW - 2), _TPW):
        wait_write_chunks(j)


def kernel(input_tensor, batch_set_size):
    B, T, N, F = input_tensor.shape
    BT = B * T
    x = input_tensor.reshape(BT * N, F)
    sizes = jnp.pad(batch_set_size.reshape(BT), (0, _LANES))

    mesh = plsc.VectorSubcoreMesh(core_axis_name="c", subcore_axis_name="s")
    run = functools.partial(
        pl.kernel,
        mesh=mesh,
        out_type=jax.ShapeDtypeStruct((BT * N, F), input_tensor.dtype),
        scratch_types=[
            pltpu.VMEM((_LANES,), jnp.int32),
            pltpu.VMEM((_N, _F), jnp.float32),
            pltpu.VMEM((_N, _F), jnp.float32),
            pltpu.VMEM((_N, _F), jnp.float32),
            pltpu.VMEM((_CROWS, _F), jnp.float32),
            pltpu.SemaphoreType.DMA,
            pltpu.SemaphoreType.DMA,
            pltpu.SemaphoreType.DMA,
            pltpu.SemaphoreType.DMA,
            pltpu.SemaphoreType.DMA,
            pltpu.SemaphoreType.DMA,
        ],
    )(_sc_body)
    out = run(x, sizes)
    return out.reshape(B, T, N, F)

# --- scband reference (transcript-rebuilt; emitter-appended) ---
"""Pipeline reference for scband-element-relationships-18098992185823 (READ-ONLY COPY).

The authoritative reference and input builder live on the scoring server;
editing this copy changes nothing except your own understanding.
"""

import jax, jax.numpy as jnp
import numpy as np

ALPHA = 1.0
BETA = 0.1

def setup_inputs(seed: int = 0) -> dict:
    key = jax.random.key(seed)
    k1, k2 = jax.random.split(key)
    input_tensor = jax.random.normal(k1, (8, 32, 128, 256), dtype=jnp.float32)
    batch_set_size = jax.random.randint(k2, (8, 32), 0, 129, dtype=jnp.int32)
    return {"input_tensor": input_tensor, "batch_set_size": batch_set_size}

def reference(input_tensor, batch_set_size):
    # Faithful translation of ElementRelationships.forward.
    # batch_scores[b,t,:s,:s] = beta; batch_scores[b,t,i,i] += alpha for i < s,
    # where s = batch_set_size[b,t]. Built vectorized instead of python loops.
    B, T, N, F = input_tensor.shape
    idx = jnp.arange(N)
    mask = (idx[None, None, :] < batch_set_size[:, :, None]).astype(input_tensor.dtype)  # [B,T,N]
    pair = mask[:, :, :, None] * mask[:, :, None, :]  # [B,T,N,N] block mask
    eye = jnp.eye(N, dtype=input_tensor.dtype)
    batch_scores = pair * (BETA + ALPHA * eye[None, None, :, :])
    # einsum 'btnn,btnf->btnf': repeated n in first operand extracts the diagonal,
    # then scales input elementwise along n.
    output_tensor = jnp.einsum('btnn,btnf->btnf', batch_scores, input_tensor)
    # dropout(p=0.0) is identity in this configuration.
    return output_tensor

if __name__ == "__main__":
    import jax
    _d = setup_inputs()
    print(jax.jit(kernel)(*tuple(_d.values())))

</pallas_src>

<mosaic_0001>
#map = affine_map<(d0, d1) -> (0, 0)>
#map1 = affine_map<(d0, d1) -> (0)>
module attributes {stable_mosaic.version = 14 : i64} {
  func.func @_sc_body(%arg0: i32, %arg1: i32, %arg2: memref<32768x256xf32, #tpu.memory_space<hbm>>, %arg3: memref<272xi32, #tpu.memory_space<hbm>>, %arg4: memref<32768x256xf32, #tpu.memory_space<hbm>>, %arg5: memref<16xi32, #tpu.memory_space<vmem>>, %arg6: memref<128x256xf32, #tpu.memory_space<vmem>>, %arg7: memref<128x256xf32, #tpu.memory_space<vmem>>, %arg8: memref<128x256xf32, #tpu.memory_space<vmem>>, %arg9: memref<16x256xf32, #tpu.memory_space<vmem>>, %arg10: memref<!tpu.dma_semaphore, #tpu.memory_space<semaphore_mem>>, %arg11: memref<!tpu.dma_semaphore, #tpu.memory_space<semaphore_mem>>, %arg12: memref<!tpu.dma_semaphore, #tpu.memory_space<semaphore_mem>>, %arg13: memref<!tpu.dma_semaphore, #tpu.memory_space<semaphore_mem>>, %arg14: memref<!tpu.dma_semaphore, #tpu.memory_space<semaphore_mem>>, %arg15: memref<!tpu.dma_semaphore, #tpu.memory_space<semaphore_mem>>) attributes {dimension_semantics = [#tpu.dimension_semantics<core_parallel>, #tpu.dimension_semantics<subcore_parallel>], iteration_bounds = array<i64: 2, 16>, scalar_prefetch = 0 : i64, scratch_operands = 11 : i64, tpu.core_type = #tpu.core_type<sc_vector_subcore>, window_params = [{transform_indices = #map}, {transform_indices = #map1}, {transform_indices = #map}]} {
    %mul3A = arith.constant 2 : i32
    %mul3A_0 = arith.muli %arg1, %mul3A : i32
    %add3A = arith.addi %mul3A_0, %arg0 : i32
    %mul3A_1 = arith.constant 1 : i32
    %mul3A_2 = arith.muli %add3A, %mul3A_1 : i32
    %jit3A = arith.constant 8 : i32
    %div3A = arith.divsi %mul3A_2, %jit3A : i32
    %sign3A = arith.constant 0 : i32
    %sign3A_3 = arith.cmpi sgt, %mul3A_2, %sign3A : i32
    %sign3A_4 = arith.extui %sign3A_3 : i1 to i32
    %sign3A_5 = arith.constant 0 : i32
    %sign3A_6 = arith.cmpi slt, %mul3A_2, %sign3A_5 : i32
    %sign3A_7 = arith.extui %sign3A_6 : i1 to i32
    %sign3A_8 = arith.subi %sign3A_4, %sign3A_7 : i32
    %sign3A_9 = arith.constant 0 : i32
    %sign3A_10 = arith.cmpi sgt, %jit3A, %sign3A_9 : i32
    %sign3A_11 = arith.extui %sign3A_10 : i1 to i32
    %sign3A_12 = arith.constant 0 : i32
    %sign3A_13 = arith.cmpi slt, %jit3A, %sign3A_12 : i32
    %sign3A_14 = arith.extui %sign3A_13 : i1 to i32
    %sign3A_15 = arith.subi %sign3A_11, %sign3A_14 : i32
    %ne3A = arith.cmpi ne, %sign3A_8, %sign3A_15 : i32
    %rem3A = arith.remsi %mul3A_2, %jit3A : i32
    %ne3A_16 = arith.constant 0 : i32
    %ne3A_17 = arith.cmpi ne, %rem3A, %ne3A_16 : i32
    %and3A = arith.andi %ne3A, %ne3A_17 : i1
    %sub3A = arith.constant 1 : i32
    %sub3A_18 = arith.subi %div3A, %sub3A : i32
    %select_n3A = arith.select %and3A, %sub3A_18, %div3A : i32
    %mul3A_19 = arith.constant 8 : i32
    %mul3A_20 = arith.muli %select_n3A, %mul3A_19 : i32
    "tpu.region"() ({
      %run_scoped3A = tpu.sem_alloc : memref<!tpu.dma_semaphore, #tpu.memory_space<semaphore_mem>>
      %dma_start3A = tpu.memref_slice %arg3[%mul3A_20] : memref<272xi32, #tpu.memory_space<hbm>> -> memref<16xi32, #tpu.memory_space<hbm>>
      %dma_start3A_403 = tpu.memref_slice %arg3[%mul3A_20] : memref<272xi32, #tpu.memory_space<hbm>> -> memref<16xi32, #tpu.memory_space<hbm>>
      tpu.enqueue_dma source(%dma_start3A_403 : memref<16xi32, #tpu.memory_space<hbm>>) target(%arg5 : memref<16xi32, #tpu.memory_space<vmem>>) target_semaphore(%run_scoped3A : memref<!tpu.dma_semaphore, #tpu.memory_space<semaphore_mem>>)
      %dma_wait3A = tpu.memref_slice %arg3[%mul3A_20] : memref<272xi32, #tpu.memory_space<hbm>> -> memref<16xi32, #tpu.memory_space<hbm>>
      %dma_wait3A_404 = tpu.memref_slice %arg3[%mul3A_20] : memref<272xi32, #tpu.memory_space<hbm>> -> memref<16xi32, #tpu.memory_space<hbm>>
      tpu.wait_dma2 semaphore(%run_scoped3A : memref<!tpu.dma_semaphore, #tpu.memory_space<semaphore_mem>>) src(%dma_wait3A_404 : memref<16xi32, #tpu.memory_space<hbm>>) dst(%arg5 : memref<16xi32, #tpu.memory_space<vmem>>)
      tpu.yield
    }) : () -> ()
    %get3A = arith.constant 0 : index
    %get3A_21 = tpu.vector_load %arg5[%get3A] {strides = array<i32>} : memref<16xi32, #tpu.memory_space<vmem>>, vector<16xi32>,
    %get3A_22 = vector.shape_cast %get3A_21 : vector<16xi32> to vector<16xi32>
    %scan3A = arith.constant 0 : i32
    %scan3A_23 = arith.constant 16 : i32
    %scan3A_24 = arith.addi %scan3A, %scan3A_23 : i32
    %scan3A_25 = arith.constant 1 : i32
    scf.for %scan3A_403 = %scan3A to %scan3A_24 step %scan3A_25  : i32 {
      %mul3A_404 = arith.constant 1 : i32
      %mul3A_405 = arith.muli %scan3A_403, %mul3A_404 : i32
      %add3A_406 = arith.constant 0 : i32
      %add3A_407 = arith.addi %add3A_406, %mul3A_405 : i32
      %broadcast_in_dim3A = arith.constant 0.000000e+00 : f32
      %broadcast_in_dim3A_408 = vector.broadcast %broadcast_in_dim3A : f32 to vector<16xf32>
      %swap3A = arith.index_cast %add3A_407 : i32 to index
      %swap3A_409 = arith.constant 0 : index
      %swap3A_410 = tpu.vector_load %arg9[%swap3A, %swap3A_409] {strides = array<i32>} : memref<16x256xf32, #tpu.memory_space<vmem>>, vector<1x16xf32>,
      %swap3A_411 = vector.shape_cast %swap3A_410 : vector<1x16xf32> to vector<16xf32>
      %swap3A_412 = vector.shape_cast %broadcast_in_dim3A_408 : vector<16xf32> to vector<1x16xf32>
      tpu.vector_store %arg9[%swap3A, %swap3A_409], %swap3A_412 {strides = array<i32>} : memref<16x256xf32, #tpu.memory_space<vmem>>, vector<1x16xf32>,
      %broadcast_in_dim3A_413 = arith.constant 0.000000e+00 : f32
      %broadcast_in_dim3A_414 = vector.broadcast %broadcast_in_dim3A_413 : f32 to vector<16xf32>
      %swap3A_415 = arith.index_cast %add3A_407 : i32 to index
      %swap3A_416 = arith.constant 16 : index
      %swap3A_417 = tpu.vector_load %arg9[%swap3A_415, %swap3A_416] {strides = array<i32>} : memref<16x256xf32, #tpu.memory_space<vmem>>, vector<1x16xf32>,
      %swap3A_418 = vector.shape_cast %swap3A_417 : vector<1x16xf32> to vector<16xf32>
      %swap3A_419 = vector.shape_cast %broadcast_in_dim3A_414 : vector<16xf32> to vector<1x16xf32>
      tpu.vector_store %arg9[%swap3A_415, %swap3A_416], %swap3A_419 {strides = array<i32>} : memref<16x256xf32, #tpu.memory_space<vmem>>, vector<1x16xf32>,
      %broadcast_in_dim3A_420 = arith.constant 0.000000e+00 : f32
      %broadcast_in_dim3A_421 = vector.broadcast %broadcast_in_dim3A_420 : f32 to vector<16xf32>
      %swap3A_422 = arith.index_cast %add3A_407 : i32 to index
      %swap3A_423 = arith.constant 32 : index
      %swap3A_424 = tpu.vector_load %arg9[%swap3A_422, %swap3A_423] {strides = array<i32>} : memref<16x256xf32, #tpu.memory_space<vmem>>, vector<1x16xf32>,
      %swap3A_425 = vector.shape_cast %swap3A_424 : vector<1x16xf32> to vector<16xf32>
      %swap3A_426 = vector.shape_cast %broadcast_in_dim3A_421 : vector<16xf32> to vector<1x16xf32>
      tpu.vector_store %arg9[%swap3A_422, %swap3A_423], %swap3A_426 {strides = array<i32>} : memref<16x256xf32, #tpu.memory_space<vmem>>, vector<1x16xf32>,
      %broadcast_in_dim3A_427 = arith.constant 0.000000e+00 : f32
      %broadcast_in_dim3A_428 = vector.broadcast %broadcast_in_dim3A_427 : f32 to vector<16xf32>
      %swap3A_429 = arith.index_cast %add3A_407 : i32 to index
      %swap3A_430 = arith.constant 48 : index
      %swap3A_431 = tpu.vector_load %arg9[%swap3A_429, %swap3A_430] {strides = array<i32>} : memref<16x256xf32, #tpu.memory_space<vmem>>, vector<1x16xf32>,
      %swap3A_432 = vector.shape_cast %swap3A_431 : vector<1x16xf32> to vector<16xf32>
      %swap3A_433 = vector.shape_cast %broadcast_in_dim3A_428 : vector<16xf32> to vector<1x16xf32>
      tpu.vector_store %arg9[%swap3A_429, %swap3A_430], %swap3A_433 {strides = array<i32>} : memref<16x256xf32, #tpu.memory_space<vmem>>, vector<1x16xf32>,
      %broadcast_in_dim3A_434 = arith.constant 0.000000e+00 : f32
      %broadcast_in_dim3A_435 = vector.broadcast %broadcast_in_dim3A_434 : f32 to vector<16xf32>
      %swap3A_436 = arith.index_cast %add3A_407 : i32 to index
      %swap3A_437 = arith.constant 64 : index
      %swap3A_438 = tpu.vector_load %arg9[%swap3A_436, %swap3A_437] {strides = array<i32>} : memref<16x256xf32, #tpu.memory_space<vmem>>, vector<1x16xf32>,
      %swap3A_439 = vector.shape_cast %swap3A_438 : vector<1x16xf32> to vector<16xf32>
      %swap3A_440 = vector.shape_cast %broadcast_in_dim3A_435 : vector<16xf32> to vector<1x16xf32>
      tpu.vector_store %arg9[%swap3A_436, %swap3A_437], %swap3A_440 {strides = array<i32>} : memref<16x256xf32, #tpu.memory_space<vmem>>, vector<1x16xf32>,
      %broadcast_in_dim3A_441 = arith.constant 0.000000e+00 : f32
      %broadcast_in_dim3A_442 = vector.broadcast %broadcast_in_dim3A_441 : f32 to vector<16xf32>
      %swap3A_443 = arith.index_cast %add3A_407 : i32 to index
      %swap3A_444 = arith.constant 80 : index
      %swap3A_445 = tpu.vector_load %arg9[%swap3A_443, %swap3A_444] {strides = array<i32>} : memref<16x256xf32, #tpu.memory_space<vmem>>, vector<1x16xf32>,
      %swap3A_446 = vector.shape_cast %swap3A_445 : vector<1x16xf32> to vector<16xf32>
      %swap3A_447 = vector.shape_cast %broadcast_in_dim3A_442 : vector<16xf32> to vector<1x16xf32>
      tpu.vector_store %arg9[%swap3A_443, %swap3A_444], %swap3A_447 {strides = array<i32>} : memref<16x256xf32, #tpu.memory_space<vmem>>, vector<1x16xf32>,
      %broadcast_in_dim3A_448 = arith.constant 0.000000e+00 : f32
      %broadcast_in_dim3A_449 = vector.broadcast %broadcast_in_dim3A_448 : f32 to vector<16xf32>
      %swap3A_450 = arith.index_cast %add3A_407 : i32 to index
      %swap3A_451 = arith.constant 96 : index
      %swap3A_452 = tpu.vector_load %arg9[%swap3A_450, %swap3A_451] {strides = array<i32>} : memref<16x256xf32, #tpu.memory_space<vmem>>, vector<1x16xf32>,
      %swap3A_453 = vector.shape_cast %swap3A_452 : vector<1x16xf32> to vector<16xf32>
      %swap3A_454 = vector.shape_cast %broadcast_in_dim3A_449 : vector<16xf32> to vector<1x16xf32>
      tpu.vector_store %arg9[%swap3A_450, %swap3A_451], %swap3A_454 {strides = array<i32>} : memref<16x256xf32, #tpu.memory_space<vmem>>, vector<1x16xf32>,
      %broadcast_in_dim3A_455 = arith.constant 0.000000e+00 : f32
      %broadcast_in_dim3A_456 = vector.broadcast %broadcast_in_dim3A_455 : f32 to vector<16xf32>
      %swap3A_457 = arith.index_cast %add3A_407 : i32 to index
      %swap3A_458 = arith.constant 112 : index
      %swap3A_459 = tpu.vector_load %arg9[%swap3A_457, %swap3A_458] {strides = array<i32>} : memref<16x256xf32, #tpu.memory_space<vmem>>, vector<1x16xf32>,
      %swap3A_460 = vector.shape_cast %swap3A_459 : vector<1x16xf32> to vector<16xf32>
      %swap3A_461 = vector.shape_cast %broadcast_in_dim3A_456 : vector<16xf32> to vector<1x16xf32>
      tpu.vector_store %arg9[%swap3A_457, %swap3A_458], %swap3A_461 {strides = array<i32>} : memref<16x256xf32, #tpu.memory_space<vmem>>, vector<1x16xf32>,
      %broadcast_in_dim3A_462 = arith.constant 0.000000e+00 : f32
      %broadcast_in_dim3A_463 = vector.broadcast %broadcast_in_dim3A_462 : f32 to vector<16xf32>
      %swap3A_464 = arith.index_cast %add3A_407 : i32 to index
      %swap3A_465 = arith.constant 128 : index
      %swap3A_466 = tpu.vector_load %arg9[%swap3A_464, %swap3A_465] {strides = array<i32>} : memref<16x256xf32, #tpu.memory_space<vmem>>, vector<1x16xf32>,
      %swap3A_467 = vector.shape_cast %swap3A_466 : vector<1x16xf32> to vector<16xf32>
      %swap3A_468 = vector.shape_cast %broadcast_in_dim3A_463 : vector<16xf32> to vector<1x16xf32>
      tpu.vector_store %arg9[%swap3A_464, %swap3A_465], %swap3A_468 {strides = array<i32>} : memref<16x256xf32, #tpu.memory_space<vmem>>, vector<1x16xf32>,
      %broadcast_in_dim3A_469 = arith.constant 0.000000e+00 : f32
      %broadcast_in_dim3A_470 = vector.broadcast %broadcast_in_dim3A_469 : f32 to vector<16xf32>
      %swap3A_471 = arith.index_cast %add3A_407 : i32 to index
      %swap3A_472 = arith.constant 144 : index
      %swap3A_473 = tpu.vector_load %arg9[%swap3A_471, %swap3A_472] {strides = array<i32>} : memref<16x256xf32, #tpu.memory_space<vmem>>, vector<1x16xf32>,
      %swap3A_474 = vector.shape_cast %swap3A_473 : vector<1x16xf32> to vector<16xf32>
      %swap3A_475 = vector.shape_cast %broadcast_in_dim3A_470 : vector<16xf32> to vector<1x16xf32>
      tpu.vector_store %arg9[%swap3A_471, %swap3A_472], %swap3A_475 {strides = array<i32>} : memref<16x256xf32, #tpu.memory_space<vmem>>, vector<1x16xf32>,
      %broadcast_in_dim3A_476 = arith.constant 0.000000e+00 : f32
      %broadcast_in_dim3A_477 = vector.broadcast %broadcast_in_dim3A_476 : f32 to vector<16xf32>
      %swap3A_478 = arith.index_cast %add3A_407 : i32 to index
      %swap3A_479 = arith.constant 160 : index
      %swap3A_480 = tpu.vector_load %arg9[%swap3A_478, %swap3A_479] {strides = array<i32>} : memref<16x256xf32, #tpu.memory_space<vmem>>, vector<1x16xf32>,
      %swap3A_481 = vector.shape_cast %swap3A_480 : vector<1x16xf32> to vector<16xf32>
      %swap3A_482 = vector.shape_cast %broadcast_in_dim3A_477 : vector<16xf32> to vector<1x16xf32>
      tpu.vector_store %arg9[%swap3A_478, %swap3A_479], %swap3A_482 {strides = array<i32>} : memref<16x256xf32, #tpu.memory_space<vmem>>, vector<1x16xf32>,
      %broadcast_in_dim3A_483 = arith.constant 0.000000e+00 : f32
      %broadcast_in_dim3A_484 = vector.broadcast %broadcast_in_dim3A_483 : f32 to vector<16xf32>
      %swap3A_485 = arith.index_cast %add3A_407 : i32 to index
      %swap3A_486 = arith.constant 176 : index
      %swap3A_487 = tpu.vector_load %arg9[%swap3A_485, %swap3A_486] {strides = array<i32>} : memref<16x256xf32, #tpu.memory_space<vmem>>, vector<1x16xf32>,
      %swap3A_488 = vector.shape_cast %swap3A_487 : vector<1x16xf32> to vector<16xf32>
      %swap3A_489 = vector.shape_cast %broadcast_in_dim3A_484 : vector<16xf32> to vector<1x16xf32>
      tpu.vector_store %arg9[%swap3A_485, %swap3A_486], %swap3A_489 {strides = array<i32>} : memref<16x256xf32, #tpu.memory_space<vmem>>, vector<1x16xf32>,
      %broadcast_in_dim3A_490 = arith.constant 0.000000e+00 : f32
      %broadcast_in_dim3A_491 = vector.broadcast %broadcast_in_dim3A_490 : f32 to vector<16xf32>
      %swap3A_492 = arith.index_cast %add3A_407 : i32 to index
      %swap3A_493 = arith.constant 192 : index
      %swap3A_494 = tpu.vector_load %arg9[%swap3A_492, %swap3A_493] {strides = array<i32>} : memref<16x256xf32, #tpu.memory_space<vmem>>, vector<1x16xf32>,
      %swap3A_495 = vector.shape_cast %swap3A_494 : vector<1x16xf32> to vector<16xf32>
      %swap3A_496 = vector.shape_cast %broadcast_in_dim3A_491 : vector<16xf32> to vector<1x16xf32>
      tpu.vector_store %arg9[%swap3A_492, %swap3A_493], %swap3A_496 {strides = array<i32>} : memref<16x256xf32, #tpu.memory_space<vmem>>, vector<1x16xf32>,
      %broadcast_in_dim3A_497 = arith.constant 0.000000e+00 : f32
      %broadcast_in_dim3A_498 = vector.broadcast %broadcast_in_dim3A_497 : f32 to vector<16xf32>
      %swap3A_499 = arith.index_cast %add3A_407 : i32 to index
      %swap3A_500 = arith.constant 208 : index
      %swap3A_501 = tpu.vector_load %arg9[%swap3A_499, %swap3A_500] {strides = array<i32>} : memref<16x256xf32, #tpu.memory_space<vmem>>, vector<1x16xf32>,
      %swap3A_502 = vector.shape_cast %swap3A_501 : vector<1x16xf32> to vector<16xf32>
      %swap3A_503 = vector.shape_cast %broadcast_in_dim3A_498 : vector<16xf32> to vector<1x16xf32>
      tpu.vector_store %arg9[%swap3A_499, %swap3A_500], %swap3A_503 {strides = array<i32>} : memref<16x256xf32, #tpu.memory_space<vmem>>, vector<1x16xf32>,
      %broadcast_in_dim3A_504 = arith.constant 0.000000e+00 : f32
      %broadcast_in_dim3A_505 = vector.broadcast %broadcast_in_dim3A_504 : f32 to vector<16xf32>
      %swap3A_506 = arith.index_cast %add3A_407 : i32 to index
      %swap3A_507 = arith.constant 224 : index
      %swap3A_508 = tpu.vector_load %arg9[%swap3A_506, %swap3A_507] {strides = array<i32>} : memref<16x256xf32, #tpu.memory_space<vmem>>, vector<1x16xf32>,
      %swap3A_509 = vector.shape_cast %swap3A_508 : vector<1x16xf32> to vector<16xf32>
      %swap3A_510 = vector.shape_cast %broadcast_in_dim3A_505 : vector<16xf32> to vector<1x16xf32>
      tpu.vector_store %arg9[%swap3A_506, %swap3A_507], %swap3A_510 {strides = array<i32>} : memref<16x256xf32, #tpu.memory_space<vmem>>, vector<1x16xf32>,
      %broadcast_in_dim3A_511 = arith.constant 0.000000e+00 : f32
      %broadcast_in_dim3A_512 = vector.broadcast %broadcast_in_dim3A_511 : f32 to vector<16xf32>
      %swap3A_513 = arith.index_cast %add3A_407 : i32 to index
      %swap3A_514 = arith.constant 240 : index
      %swap3A_515 = tpu.vector_load %arg9[%swap3A_513, %swap3A_514] {strides = array<i32>} : memref<16x256xf32, #tpu.memory_space<vmem>>, vector<1x16xf32>,
      %swap3A_516 = vector.shape_cast %swap3A_515 : vector<1x16xf32> to vector<16xf32>
      %swap3A_517 = vector.shape_cast %broadcast_in_dim3A_512 : vector<16xf32> to vector<1x16xf32>
      tpu.vector_store %arg9[%swap3A_513, %swap3A_514], %swap3A_517 {strides = array<i32>} : memref<16x256xf32, #tpu.memory_space<vmem>>, vector<1x16xf32>,
    }
    %scan3A_26 = arith.constant 16 : i32
    %slice3A = vector.extract_strided_slice %get3A_22 {offsets = [0], sizes = [1], strides = [1]} : vector<16xi32> to vector<1xi32>
    %squeeze3A = vector.extract %slice3A[0] : i32 from vector<1xi32>
    %add3A_27 = arith.constant 0 : i32
    %add3A_28 = arith.addi %mul3A_2, %add3A_27 : i32
    %mul3A_29 = arith.constant 128 : i32
    %mul3A_30 = arith.muli %add3A_28, %mul3A_29 : i32
    %gt3A = arith.constant 0 : i32
    %gt3A_31 = arith.cmpi sgt, %squeeze3A, %gt3A : i32
    %convert_element_type3A = arith.extui %gt3A_31 : i1 to i32
    %cond3A = arith.constant 0 : i32
    %cond3A_32 = arith.cmpi ne, %convert_element_type3A, %cond3A : i32
    scf.if %cond3A_32 {
      %add3A_403 = arith.constant 0 : i32
      %add3A_404 = arith.addi %mul3A_30, %add3A_403 : i32
      %dma_start3A = arith.constant 0 : i32
      %dma_start3A_405 = arith.constant 0 : i32
      %dma_start3A_406 = tpu.memref_slice %arg6[%dma_start3A, %dma_start3A_405] : memref<128x256xf32, #tpu.memory_space<vmem>> -> memref<16x256xf32, #tpu.memory_space<vmem>>
      %dma_start3A_407 = arith.constant 0 : i32
      %dma_start3A_408 = tpu.memref_slice %arg2[%add3A_404, %dma_start3A_407] : memref<32768x256xf32, #tpu.memory_space<hbm>> -> memref<16x256xf32, #tpu.memory_space<hbm>>
      %dma_start3A_409 = arith.constant 0 : i32
      %dma_start3A_410 = arith.constant 0 : i32
      %dma_start3A_411 = tpu.memref_slice %arg6[%dma_start3A_409, %dma_start3A_410] : memref<128x256xf32, #tpu.memory_space<vmem>> -> memref<16x256xf32, #tpu.memory_space<vmem>>
      %dma_start3A_412 = arith.constant 0 : i32
      %dma_start3A_413 = tpu.memref_slice %arg2[%add3A_404, %dma_start3A_412] : memref<32768x256xf32, #tpu.memory_space<hbm>> -> memref<16x256xf32, #tpu.memory_space<hbm>>
      tpu.enqueue_dma source(%dma_start3A_413 : memref<16x256xf32, #tpu.memory_space<hbm>>) target(%dma_start3A_411 : memref<16x256xf32, #tpu.memory_space<vmem>>) target_semaphore(%arg10 : memref<!tpu.dma_semaphore, #tpu.memory_space<semaphore_mem>>)
    } else {
    }
    %gt3A_33 = arith.constant 16 : i32
    %gt3A_34 = arith.cmpi sgt, %squeeze3A, %gt3A_33 : i32
    %convert_element_type3A_35 = arith.extui %gt3A_34 : i1 to i32
    %cond3A_36 = arith.constant 0 : i32
    %cond3A_37 = arith.cmpi ne, %convert_element_type3A_35, %cond3A_36 : i32
    scf.if %cond3A_37 {
      %add3A_403 = arith.constant 16 : i32
      %add3A_404 = arith.addi %mul3A_30, %add3A_403 : i32
      %dma_start3A = arith.constant 16 : i32
      %dma_start3A_405 = arith.constant 0 : i32
      %dma_start3A_406 = tpu.memref_slice %arg6[%dma_start3A, %dma_start3A_405] : memref<128x256xf32, #tpu.memory_space<vmem>> -> memref<16x256xf32, #tpu.memory_space<vmem>>
      %dma_start3A_407 = arith.constant 0 : i32
      %dma_start3A_408 = tpu.memref_slice %arg2[%add3A_404, %dma_start3A_407] : memref<32768x256xf32, #tpu.memory_space<hbm>> -> memref<16x256xf32, #tpu.memory_space<hbm>>
      %dma_start3A_409 = arith.constant 16 : i32
      %dma_start3A_410 = arith.constant 0 : i32
      %dma_start3A_411 = tpu.memref_slice %arg6[%dma_start3A_409, %dma_start3A_410] : memref<128x256xf32, #tpu.memory_space<vmem>> -> memref<16x256xf32, #tpu.memory_space<vmem>>
      %dma_start3A_412 = arith.constant 0 : i32
      %dma_start3A_413 = tpu.memref_slice %arg2[%add3A_404, %dma_start3A_412] : memref<32768x256xf32, #tpu.memory_space<hbm>> -> memref<16x256xf32, #tpu.memory_space<hbm>>
      tpu.enqueue_dma source(%dma_start3A_413 : memref<16x256xf32, #tpu.memory_space<hbm>>) target(%dma_start3A_411 : memref<16x256xf32, #tpu.memory_space<vmem>>) target_semaphore(%arg10 : memref<!tpu.dma_semaphore, #tpu.memory_space<semaphore_mem>>)
    } else {
    }
    %gt3A_38 = arith.constant 32 : i32
    %gt3A_39 = arith.cmpi sgt, %squeeze3A, %gt3A_38 : i32
    %convert_element_type3A_40 = arith.extui %gt3A_39 : i1 to i32
    %cond3A_41 = arith.constant 0 : i32
    %cond3A_42 = arith.cmpi ne, %convert_element_type3A_40, %cond3A_41 : i32
    scf.if %cond3A_42 {
      %add3A_403 = arith.constant 32 : i32
      %add3A_404 = arith.addi %mul3A_30, %add3A_403 : i32
      %dma_start3A = arith.constant 32 : i32
      %dma_start3A_405 = arith.constant 0 : i32
      %dma_start3A_406 = tpu.memref_slice %arg6[%dma_start3A, %dma_start3A_405] : memref<128x256xf32, #tpu.memory_space<vmem>> -> memref<16x256xf32, #tpu.memory_space<vmem>>
      %dma_start3A_407 = arith.constant 0 : i32
      %dma_start3A_408 = tpu.memref_slice %arg2[%add3A_404, %dma_start3A_407] : memref<32768x256xf32, #tpu.memory_space<hbm>> -> memref<16x256xf32, #tpu.memory_space<hbm>>
      %dma_start3A_409 = arith.constant 32 : i32
      %dma_start3A_410 = arith.constant 0 : i32
      %dma_start3A_411 = tpu.memref_slice %arg6[%dma_start3A_409, %dma_start3A_410] : memref<128x256xf32, #tpu.memory_space<vmem>> -> memref<16x256xf32, #tpu.memory_space<vmem>>
      %dma_start3A_412 = arith.constant 0 : i32
      %dma_start3A_413 = tpu.memref_slice %arg2[%add3A_404, %dma_start3A_412] : memref<32768x256xf32, #tpu.memory_space<hbm>> -> memref<16x256xf32, #tpu.memory_space<hbm>>
      tpu.enqueue_dma source(%dma_start3A_413 : memref<16x256xf32, #tpu.memory_space<hbm>>) target(%dma_start3A_411 : memref<16x256xf32, #tpu.memory_space<vmem>>) target_semaphore(%arg10 : memref<!tpu.dma_semaphore, #tpu.memory_space<semaphore_mem>>)
    } else {
    }
    %gt3A_43 = arith.constant 48 : i32
    %gt3A_44 = arith.cmpi sgt, %squeeze3A, %gt3A_43 : i32
    %convert_element_type3A_45 = arith.extui %gt3A_44 : i1 to i32
    %cond3A_46 = arith.constant 0 : i32
    %cond3A_47 = arith.cmpi ne, %convert_element_type3A_45, %cond3A_46 : i32
    scf.if %cond3A_47 {
      %add3A_403 = arith.constant 48 : i32
      %add3A_404 = arith.addi %mul3A_30, %add3A_403 : i32
      %dma_start3A = arith.constant 48 : i32
      %dma_start3A_405 = arith.constant 0 : i32
      %dma_start3A_406 = tpu.memref_slice %arg6[%dma_start3A, %dma_start3A_405] : memref<128x256xf32, #tpu.memory_space<vmem>> -> memref<16x256xf32, #tpu.memory_space<vmem>>
      %dma_start3A_407 = arith.constant 0 : i32
      %dma_start3A_408 = tpu.memref_slice %arg2[%add3A_404, %dma_start3A_407] : memref<32768x256xf32, #tpu.memory_space<hbm>> -> memref<16x256xf32, #tpu.memory_space<hbm>>
      %dma_start3A_409 = arith.constant 48 : i32
      %dma_start3A_410 = arith.constant 0 : i32
      %dma_start3A_411 = tpu.memref_slice %arg6[%dma_start3A_409, %dma_start3A_410] : memref<128x256xf32, #tpu.memory_space<vmem>> -> memref<16x256xf32, #tpu.memory_space<vmem>>
      %dma_start3A_412 = arith.constant 0 : i32
      %dma_start3A_413 = tpu.memref_slice %arg2[%add3A_404, %dma_start3A_412] : memref<32768x256xf32, #tpu.memory_space<hbm>> -> memref<16x256xf32, #tpu.memory_space<hbm>>
      tpu.enqueue_dma source(%dma_start3A_413 : memref<16x256xf32, #tpu.memory_space<hbm>>) target(%dma_start3A_411 : memref<16x256xf32, #tpu.memory_space<vmem>>) target_semaphore(%arg10 : memref<!tpu.dma_semaphore, #tpu.memory_space<semaphore_mem>>)
    } else {
    }
    %gt3A_48 = arith.constant 64 : i32
    %gt3A_49 = arith.cmpi sgt, %squeeze3A, %gt3A_48 : i32
    %convert_element_type3A_50 = arith.extui %gt3A_49 : i1 to i32
    %cond3A_51 = arith.constant 0 : i32
    %cond3A_52 = arith.cmpi ne, %convert_element_type3A_50, %cond3A_51 : i32
    scf.if %cond3A_52 {
      %add3A_403 = arith.constant 64 : i32
      %add3A_404 = arith.addi %mul3A_30, %add3A_403 : i32
      %dma_start3A = arith.constant 64 : i32
      %dma_start3A_405 = arith.constant 0 : i32
      %dma_start3A_406 = tpu.memref_slice %arg6[%dma_start3A, %dma_start3A_405] : memref<128x256xf32, #tpu.memory_space<vmem>> -> memref<16x256xf32, #tpu.memory_space<vmem>>
      %dma_start3A_407 = arith.constant 0 : i32
      %dma_start3A_408 = tpu.memref_slice %arg2[%add3A_404, %dma_start3A_407] : memref<32768x256xf32, #tpu.memory_space<hbm>> -> memref<16x256xf32, #tpu.memory_space<hbm>>
      %dma_start3A_409 = arith.constant 64 : i32
      %dma_start3A_410 = arith.constant 0 : i32
      %dma_start3A_411 = tpu.memref_slice %arg6[%dma_start3A_409, %dma_start3A_410] : memref<128x256xf32, #tpu.memory_space<vmem>> -> memref<16x256xf32, #tpu.memory_space<vmem>>
      %dma_start3A_412 = arith.constant 0 : i32
      %dma_start3A_413 = tpu.memref_slice %arg2[%add3A_404, %dma_start3A_412] : memref<32768x256xf32, #tpu.memory_space<hbm>> -> memref<16x256xf32, #tpu.memory_space<hbm>>
      tpu.enqueue_dma source(%dma_start3A_413 : memref<16x256xf32, #tpu.memory_space<hbm>>) target(%dma_start3A_411 : memref<16x256xf32, #tpu.memory_space<vmem>>) target_semaphore(%arg10 : memref<!tpu.dma_semaphore, #tpu.memory_space<semaphore_mem>>)
    } else {
    }
    %gt3A_53 = arith.constant 80 : i32
    %gt3A_54 = arith.cmpi sgt, %squeeze3A, %gt3A_53 : i32
    %convert_element_type3A_55 = arith.extui %gt3A_54 : i1 to i32
    %cond3A_56 = arith.constant 0 : i32
    %cond3A_57 = arith.cmpi ne, %convert_element_type3A_55, %cond3A_56 : i32
    scf.if %cond3A_57 {
      %add3A_403 = arith.constant 80 : i32
      %add3A_404 = arith.addi %mul3A_30, %add3A_403 : i32
      %dma_start3A = arith.constant 80 : i32
      %dma_start3A_405 = arith.constant 0 : i32
      %dma_start3A_406 = tpu.memref_slice %arg6[%dma_start3A, %dma_start3A_405] : memref<128x256xf32, #tpu.memory_space<vmem>> -> memref<16x256xf32, #tpu.memory_space<vmem>>
      %dma_start3A_407 = arith.constant 0 : i32
      %dma_start3A_408 = tpu.memref_slice %arg2[%add3A_404, %dma_start3A_407] : memref<32768x256xf32, #tpu.memory_space<hbm>> -> memref<16x256xf32, #tpu.memory_space<hbm>>
      %dma_start3A_409 = arith.constant 80 : i32
      %dma_start3A_410 = arith.constant 0 : i32
      %dma_start3A_411 = tpu.memref_slice %arg6[%dma_start3A_409, %dma_start3A_410] : memref<128x256xf32, #tpu.memory_space<vmem>> -> memref<16x256xf32, #tpu.memory_space<vmem>>
      %dma_start3A_412 = arith.constant 0 : i32
      %dma_start3A_413 = tpu.memref_slice %arg2[%add3A_404, %dma_start3A_412] : memref<32768x256xf32, #tpu.memory_space<hbm>> -> memref<16x256xf32, #tpu.memory_space<hbm>>
      tpu.enqueue_dma source(%dma_start3A_413 : memref<16x256xf32, #tpu.memory_space<hbm>>) target(%dma_start3A_411 : memref<16x256xf32, #tpu.memory_space<vmem>>) target_semaphore(%arg10 : memref<!tpu.dma_semaphore, #tpu.memory_space<semaphore_mem>>)
    } else {
    }
    %gt3A_58 = arith.constant 96 : i32
    %gt3A_59 = arith.cmpi sgt, %squeeze3A, %gt3A_58 : i32
    %convert_element_type3A_60 = arith.extui %gt3A_59 : i1 to i32
    %cond3A_61 = arith.constant 0 : i32
    %cond3A_62 = arith.cmpi ne, %convert_element_type3A_60, %cond3A_61 : i32
    scf.if %cond3A_62 {
      %add3A_403 = arith.constant 96 : i32
      %add3A_404 = arith.addi %mul3A_30, %add3A_403 : i32
      %dma_start3A = arith.constant 96 : i32
      %dma_start3A_405 = arith.constant 0 : i32
      %dma_start3A_406 = tpu.memref_slice %arg6[%dma_start3A, %dma_start3A_405] : memref<128x256xf32, #tpu.memory_space<vmem>> -> memref<16x256xf32, #tpu.memory_space<vmem>>
      %dma_start3A_407 = arith.constant 0 : i32
      %dma_start3A_408 = tpu.memref_slice %arg2[%add3A_404, %dma_start3A_407] : memref<32768x256xf32, #tpu.memory_space<hbm>> -> memref<16x256xf32, #tpu.memory_space<hbm>>
      %dma_start3A_409 = arith.constant 96 : i32
      %dma_start3A_410 = arith.constant 0 : i32
      %dma_start3A_411 = tpu.memref_slice %arg6[%dma_start3A_409, %dma_start3A_410] : memref<128x256xf32, #tpu.memory_space<vmem>> -> memref<16x256xf32, #tpu.memory_space<vmem>>
      %dma_start3A_412 = arith.constant 0 : i32
      %dma_start3A_413 = tpu.memref_slice %arg2[%add3A_404, %dma_start3A_412] : memref<32768x256xf32, #tpu.memory_space<hbm>> -> memref<16x256xf32, #tpu.memory_space<hbm>>
      tpu.enqueue_dma source(%dma_start3A_413 : memref<16x256xf32, #tpu.memory_space<hbm>>) target(%dma_start3A_411 : memref<16x256xf32, #tpu.memory_space<vmem>>) target_semaphore(%arg10 : memref<!tpu.dma_semaphore, #tpu.memory_space<semaphore_mem>>)
    } else {
    }
    %gt3A_63 = arith.constant 112 : i32
    %gt3A_64 = arith.cmpi sgt, %squeeze3A, %gt3A_63 : i32
    %convert_element_type3A_65 = arith.extui %gt3A_64 : i1 to i32
    %cond3A_66 = arith.constant 0 : i32
    %cond3A_67 = arith.cmpi ne, %convert_element_type3A_65, %cond3A_66 : i32
    scf.if %cond3A_67 {
      %add3A_403 = arith.constant 112 : i32
      %add3A_404 = arith.addi %mul3A_30, %add3A_403 : i32
      %dma_start3A = arith.constant 112 : i32
      %dma_start3A_405 = arith.constant 0 : i32
      %dma_start3A_406 = tpu.memref_slice %arg6[%dma_start3A, %dma_start3A_405] : memref<128x256xf32, #tpu.memory_space<vmem>> -> memref<16x256xf32, #tpu.memory_space<vmem>>
      %dma_start3A_407 = arith.constant 0 : i32
      %dma_start3A_408 = tpu.memref_slice %arg2[%add3A_404, %dma_start3A_407] : memref<32768x256xf32, #tpu.memory_space<hbm>> -> memref<16x256xf32, #tpu.memory_space<hbm>>
      %dma_start3A_409 = arith.constant 112 : i32
      %dma_start3A_410 = arith.constant 0 : i32
      %dma_start3A_411 = tpu.memref_slice %arg6[%dma_start3A_409, %dma_start3A_410] : memref<128x256xf32, #tpu.memory_space<vmem>> -> memref<16x256xf32, #tpu.memory_space<vmem>>
      %dma_start3A_412 = arith.constant 0 : i32
      %dma_start3A_413 = tpu.memref_slice %arg2[%add3A_404, %dma_start3A_412] : memref<32768x256xf32, #tpu.memory_space<hbm>> -> memref<16x256xf32, #tpu.memory_space<hbm>>
      tpu.enqueue_dma source(%dma_start3A_413 : memref<16x256xf32, #tpu.memory_space<hbm>>) target(%dma_start3A_411 : memref<16x256xf32, #tpu.memory_space<vmem>>) target_semaphore(%arg10 : memref<!tpu.dma_semaphore, #tpu.memory_space<semaphore_mem>>)
    } else {
    }
    %slice3A_68 = vector.extract_strided_slice %get3A_22 {offsets = [0], sizes = [1], strides = [1]} : vector<16xi32> to vector<1xi32>
    %squeeze3A_69 = vector.extract %slice3A_68[0] : i32 from vector<1xi32>
    %add3A_70 = arith.constant 0 : i32
    %add3A_71 = arith.addi %mul3A_2, %add3A_70 : i32
    %mul3A_72 = arith.constant 128 : i32
    %mul3A_73 = arith.muli %add3A_71, %mul3A_72 : i32
    %gt3A_74 = arith.constant 0 : i32
    %gt3A_75 = arith.cmpi sgt, %squeeze3A_69, %gt3A_74 : i32
    %convert_element_type3A_76 = arith.extui %gt3A_75 : i1 to i32
    %cond3A_77 = arith.constant 0 : i32
    %cond3A_78 = arith.cmpi ne, %convert_element_type3A_76, %cond3A_77 : i32
    scf.if %cond3A_78 {
      %add3A_403 = arith.constant 0 : i32
      %add3A_404 = arith.addi %mul3A_73, %add3A_403 : i32
      %dma_wait3A = arith.constant 0 : i32
      %dma_wait3A_405 = arith.constant 0 : i32
      %dma_wait3A_406 = tpu.memref_slice %arg6[%dma_wait3A, %dma_wait3A_405] : memref<128x256xf32, #tpu.memory_space<vmem>> -> memref<16x256xf32, #tpu.memory_space<vmem>>
      %dma_wait3A_407 = arith.constant 0 : i32
      %dma_wait3A_408 = tpu.memref_slice %arg2[%add3A_404, %dma_wait3A_407] : memref<32768x256xf32, #tpu.memory_space<hbm>> -> memref<16x256xf32, #tpu.memory_space<hbm>>
      %dma_wait3A_409 = arith.constant 0 : i32
      %dma_wait3A_410 = arith.constant 0 : i32
      %dma_wait3A_411 = tpu.memref_slice %arg6[%dma_wait3A_409, %dma_wait3A_410] : memref<128x256xf32, #tpu.memory_space<vmem>> -> memref<16x256xf32, #tpu.memory_space<vmem>>
      %dma_wait3A_412 = arith.constant 0 : i32
      %dma_wait3A_413 = tpu.memref_slice %arg2[%add3A_404, %dma_wait3A_412] : memref<32768x256xf32, #tpu.memory_space<hbm>> -> memref<16x256xf32, #tpu.memory_space<hbm>>
      tpu.wait_dma2 semaphore(%arg10 : memref<!tpu.dma_semaphore, #tpu.memory_space<semaphore_mem>>) src(%dma_wait3A_413 : memref<16x256xf32, #tpu.memory_space<hbm>>) dst(%dma_wait3A_411 : memref<16x256xf32, #tpu.memory_space<vmem>>)
    } else {
    }
    %gt3A_79 = arith.constant 16 : i32
    %gt3A_80 = arith.cmpi sgt, %squeeze3A_69, %gt3A_79 : i32
    %convert_element_type3A_81 = arith.extui %gt3A_80 : i1 to i32
    %cond3A_82 = arith.constant 0 : i32
    %cond3A_83 = arith.cmpi ne, %convert_element_type3A_81, %cond3A_82 : i32
    scf.if %cond3A_83 {
      %add3A_403 = arith.constant 16 : i32
      %add3A_404 = arith.addi %mul3A_73, %add3A_403 : i32
      %dma_wait3A = arith.constant 16 : i32
      %dma_wait3A_405 = arith.constant 0 : i32
      %dma_wait3A_406 = tpu.memref_slice %arg6[%dma_wait3A, %dma_wait3A_405] : memref<128x256xf32, #tpu.memory_space<vmem>> -> memref<16x256xf32, #tpu.memory_space<vmem>>
      %dma_wait3A_407 = arith.constant 0 : i32
      %dma_wait3A_408 = tpu.memref_slice %arg2[%add3A_404, %dma_wait3A_407] : memref<32768x256xf32, #tpu.memory_space<hbm>> -> memref<16x256xf32, #tpu.memory_space<hbm>>
      %dma_wait3A_409 = arith.constant 16 : i32
      %dma_wait3A_410 = arith.constant 0 : i32
      %dma_wait3A_411 = tpu.memref_slice %arg6[%dma_wait3A_409, %dma_wait3A_410] : memref<128x256xf32, #tpu.memory_space<vmem>> -> memref<16x256xf32, #tpu.memory_space<vmem>>
      %dma_wait3A_412 = arith.constant 0 : i32
      %dma_wait3A_413 = tpu.memref_slice %arg2[%add3A_404, %dma_wait3A_412] : memref<32768x256xf32, #tpu.memory_space<hbm>> -> memref<16x256xf32, #tpu.memory_space<hbm>>
      tpu.wait_dma2 semaphore(%arg10 : memref<!tpu.dma_semaphore, #tpu.memory_space<semaphore_mem>>) src(%dma_wait3A_413 : memref<16x256xf32, #tpu.memory_space<hbm>>) dst(%dma_wait3A_411 : memref<16x256xf32, #tpu.memory_space<vmem>>)
    } else {
    }
    %gt3A_84 = arith.constant 32 : i32
    %gt3A_85 = arith.cmpi sgt, %squeeze3A_69, %gt3A_84 : i32
    %convert_element_type3A_86 = arith.extui %gt3A_85 : i1 to i32
    %cond3A_87 = arith.constant 0 : i32
    %cond3A_88 = arith.cmpi ne, %convert_element_type3A_86, %cond3A_87 : i32
    scf.if %cond3A_88 {
      %add3A_403 = arith.constant 32 : i32
      %add3A_404 = arith.addi %mul3A_73, %add3A_403 : i32
      %dma_wait3A = arith.constant 32 : i32
      %dma_wait3A_405 = arith.constant 0 : i32
      %dma_wait3A_406 = tpu.memref_slice %arg6[%dma_wait3A, %dma_wait3A_405] : memref<128x256xf32, #tpu.memory_space<vmem>> -> memref<16x256xf32, #tpu.memory_space<vmem>>
      %dma_wait3A_407 = arith.constant 0 : i32
      %dma_wait3A_408 = tpu.memref_slice %arg2[%add3A_404, %dma_wait3A_407] : memref<32768x256xf32, #tpu.memory_space<hbm>> -> memref<16x256xf32, #tpu.memory_space<hbm>>
      %dma_wait3A_409 = arith.constant 32 : i32
      %dma_wait3A_410 = arith.constant 0 : i32
      %dma_wait3A_411 = tpu.memref_slice %arg6[%dma_wait3A_409, %dma_wait3A_410] : memref<128x256xf32, #tpu.memory_space<vmem>> -> memref<16x256xf32, #tpu.memory_space<vmem>>
      %dma_wait3A_412 = arith.constant 0 : i32
      %dma_wait3A_413 = tpu.memref_slice %arg2[%add3A_404, %dma_wait3A_412] : memref<32768x256xf32, #tpu.memory_space<hbm>> -> memref<16x256xf32, #tpu.memory_space<hbm>>
      tpu.wait_dma2 semaphore(%arg10 : memref<!tpu.dma_semaphore, #tpu.memory_space<semaphore_mem>>) src(%dma_wait3A_413 : memref<16x256xf32, #tpu.memory_space<hbm>>) dst(%dma_wait3A_411 : memref<16x256xf32, #tpu.memory_space<vmem>>)
    } else {
    }
    %gt3A_89 = arith.constant 48 : i32
    %gt3A_90 = arith.cmpi sgt, %squeeze3A_69, %gt3A_89 : i32
    %convert_element_type3A_91 = arith.extui %gt3A_90 : i1 to i32
    %cond3A_92 = arith.constant 0 : i32
    %cond3A_93 = arith.cmpi ne, %convert_element_type3A_91, %cond3A_92 : i32
    scf.if %cond3A_93 {
      %add3A_403 = arith.constant 48 : i32
      %add3A_404 = arith.addi %mul3A_73, %add3A_403 : i32
      %dma_wait3A = arith.constant 48 : i32
      %dma_wait3A_405 = arith.constant 0 : i32
      %dma_wait3A_406 = tpu.memref_slice %arg6[%dma_wait3A, %dma_wait3A_405] : memref<128x256xf32, #tpu.memory_space<vmem>> -> memref<16x256xf32, #tpu.memory_space<vmem>>
      %dma_wait3A_407 = arith.constant 0 : i32
      %dma_wait3A_408 = tpu.memref_slice %arg2[%add3A_404, %dma_wait3A_407] : memref<32768x256xf32, #tpu.memory_space<hbm>> -> memref<16x256xf32, #tpu.memory_space<hbm>>
      %dma_wait3A_409 = arith.constant 48 : i32
      %dma_wait3A_410 = arith.constant 0 : i32
      %dma_wait3A_411 = tpu.memref_slice %arg6[%dma_wait3A_409, %dma_wait3A_410] : memref<128x256xf32, #tpu.memory_space<vmem>> -> memref<16x256xf32, #tpu.memory_space<vmem>>
      %dma_wait3A_412 = arith.constant 0 : i32
      %dma_wait3A_413 = tpu.memref_slice %arg2[%add3A_404, %dma_wait3A_412] : memref<32768x256xf32, #tpu.memory_space<hbm>> -> memref<16x256xf32, #tpu.memory_space<hbm>>
      tpu.wait_dma2 semaphore(%arg10 : memref<!tpu.dma_semaphore, #tpu.memory_space<semaphore_mem>>) src(%dma_wait3A_413 : memref<16x256xf32, #tpu.memory_space<hbm>>) dst(%dma_wait3A_411 : memref<16x256xf32, #tpu.memory_space<vmem>>)
    } else {
    }
    %gt3A_94 = arith.constant 64 : i32
    %gt3A_95 = arith.cmpi sgt, %squeeze3A_69, %gt3A_94 : i32
    %convert_element_type3A_96 = arith.extui %gt3A_95 : i1 to i32
    %cond3A_97 = arith.constant 0 : i32
    %cond3A_98 = arith.cmpi ne, %convert_element_type3A_96, %cond3A_97 : i32
    scf.if %cond3A_98 {
      %add3A_403 = arith.constant 64 : i32
      %add3A_404 = arith.addi %mul3A_73, %add3A_403 : i32
      %dma_wait3A = arith.constant 64 : i32
      %dma_wait3A_405 = arith.constant 0 : i32
      %dma_wait3A_406 = tpu.memref_slice %arg6[%dma_wait3A, %dma_wait3A_405] : memref<128x256xf32, #tpu.memory_space<vmem>> -> memref<16x256xf32, #tpu.memory_space<vmem>>
      %dma_wait3A_407 = arith.constant 0 : i32
      %dma_wait3A_408 = tpu.memref_slice %arg2[%add3A_404, %dma_wait3A_407] : memref<32768x256xf32, #tpu.memory_space<hbm>> -> memref<16x256xf32, #tpu.memory_space<hbm>>
      %dma_wait3A_409 = arith.constant 64 : i32
      %dma_wait3A_410 = arith.constant 0 : i32
      %dma_wait3A_411 = tpu.memref_slice %arg6[%dma_wait3A_409, %dma_wait3A_410] : memref<128x256xf32, #tpu.memory_space<vmem>> -> memref<16x256xf32, #tpu.memory_space<vmem>>
      %dma_wait3A_412 = arith.constant 0 : i32
      %dma_wait3A_413 = tpu.memref_slice %arg2[%add3A_404, %dma_wait3A_412] : memref<32768x256xf32, #tpu.memory_space<hbm>> -> memref<16x256xf32, #tpu.memory_space<hbm>>
      tpu.wait_dma2 semaphore(%arg10 : memref<!tpu.dma_semaphore, #tpu.memory_space<semaphore_mem>>) src(%dma_wait3A_413 : memref<16x256xf32, #tpu.memory_space<hbm>>) dst(%dma_wait3A_411 : memref<16x256xf32, #tpu.memory_space<vmem>>)
    } else {
    }
    %gt3A_99 = arith.constant 80 : i32
    %gt3A_100 = arith.cmpi sgt, %squeeze3A_69, %gt3A_99 : i32
    %convert_element_type3A_101 = arith.extui %gt3A_100 : i1 to i32
    %cond3A_102 = arith.constant 0 : i32
    %cond3A_103 = arith.cmpi ne, %convert_element_type3A_101, %cond3A_102 : i32
    scf.if %cond3A_103 {
      %add3A_403 = arith.constant 80 : i32
      %add3A_404 = arith.addi %mul3A_73, %add3A_403 : i32
      %dma_wait3A = arith.constant 80 : i32
      %dma_wait3A_405 = arith.constant 0 : i32
      %dma_wait3A_406 = tpu.memref_slice %arg6[%dma_wait3A, %dma_wait3A_405] : memref<128x256xf32, #tpu.memory_space<vmem>> -> memref<16x256xf32, #tpu.memory_space<vmem>>
      %dma_wait3A_407 = arith.constant 0 : i32
      %dma_wait3A_408 = tpu.memref_slice %arg2[%add3A_404, %dma_wait3A_407] : memref<32768x256xf32, #tpu.memory_space<hbm>> -> memref<16x256xf32, #tpu.memory_space<hbm>>
      %dma_wait3A_409 = arith.constant 80 : i32
      %dma_wait3A_410 = arith.constant 0 : i32
      %dma_wait3A_411 = tpu.memref_slice %arg6[%dma_wait3A_409, %dma_wait3A_410] : memref<128x256xf32, #tpu.memory_space<vmem>> -> memref<16x256xf32, #tpu.memory_space<vmem>>
      %dma_wait3A_412 = arith.constant 0 : i32
      %dma_wait3A_413 = tpu.memref_slice %arg2[%add3A_404, %dma_wait3A_412] : memref<32768x256xf32, #tpu.memory_space<hbm>> -> memref<16x256xf32, #tpu.memory_space<hbm>>
      tpu.wait_dma2 semaphore(%arg10 : memref<!tpu.dma_semaphore, #tpu.memory_space<semaphore_mem>>) src(%dma_wait3A_413 : memref<16x256xf32, #tpu.memory_space<hbm>>) dst(%dma_wait3A_411 : memref<16x256xf32, #tpu.memory_space<vmem>>)
    } else {
    }
    %gt3A_104 = arith.constant 96 : i32
    %gt3A_105 = arith.cmpi sgt, %squeeze3A_69, %gt3A_104 : i32
    %convert_element_type3A_106 = arith.extui %gt3A_105 : i1 to i32
    %cond3A_107 = arith.constant 0 : i32
    %cond3A_108 = arith.cmpi ne, %convert_element_type3A_106, %cond3A_107 : i32
    scf.if %cond3A_108 {
      %add3A_403 = arith.constant 96 : i32
      %add3A_404 = arith.addi %mul3A_73, %add3A_403 : i32
      %dma_wait3A = arith.constant 96 : i32
      %dma_wait3A_405 = arith.constant 0 : i32
      %dma_wait3A_406 = tpu.memref_slice %arg6[%dma_wait3A, %dma_wait3A_405] : memref<128x256xf32, #tpu.memory_space<vmem>> -> memref<16x256xf32, #tpu.memory_space<vmem>>
      %dma_wait3A_407 = arith.constant 0 : i32
      %dma_wait3A_408 = tpu.memref_slice %arg2[%add3A_404, %dma_wait3A_407] : memref<32768x256xf32, #tpu.memory_space<hbm>> -> memref<16x256xf32, #tpu.memory_space<hbm>>
      %dma_wait3A_409 = arith.constant 96 : i32
      %dma_wait3A_410 = arith.constant 0 : i32
      %dma_wait3A_411 = tpu.memref_slice %arg6[%dma_wait3A_409, %dma_wait3A_410] : memref<128x256xf32, #tpu.memory_space<vmem>> -> memref<16x256xf32, #tpu.memory_space<vmem>>
      %dma_wait3A_412 = arith.constant 0 : i32
      %dma_wait3A_413 = tpu.memref_slice %arg2[%add3A_404, %dma_wait3A_412] : memref<32768x256xf32, #tpu.memory_space<hbm>> -> memref<16x256xf32, #tpu.memory_space<hbm>>
      tpu.wait_dma2 semaphore(%arg10 : memref<!tpu.dma_semaphore, #tpu.memory_space<semaphore_mem>>) src(%dma_wait3A_413 : memref<16x256xf32, #tpu.memory_space<hbm>>) dst(%dma_wait3A_411 : memref<16x256xf32, #tpu.memory_space<vmem>>)
    } else {
    }
    %gt3A_109 = arith.constant 112 : i32
    %gt3A_110 = arith.cmpi sgt, %squeeze3A_69, %gt3A_109 : i32
    %convert_element_type3A_111 = arith.extui %gt3A_110 : i1 to i32
    %cond3A_112 = arith.constant 0 : i32
    %cond3A_113 = arith.cmpi ne, %convert_element_type3A_111, %cond3A_112 : i32
    scf.if %cond3A_113 {
      %add3A_403 = arith.constant 112 : i32
      %add3A_404 = arith.addi %mul3A_73, %add3A_403 : i32
      %dma_wait3A = arith.constant 112 : i32
      %dma_wait3A_405 = arith.constant 0 : i32
      %dma_wait3A_406 = tpu.memref_slice %arg6[%dma_wait3A, %dma_wait3A_405] : memref<128x256xf32, #tpu.memory_space<vmem>> -> memref<16x256xf32, #tpu.memory_space<vmem>>
      %dma_wait3A_407 = arith.constant 0 : i32
      %dma_wait3A_408 = tpu.memref_slice %arg2[%add3A_404, %dma_wait3A_407] : memref<32768x256xf32, #tpu.memory_space<hbm>> -> memref<16x256xf32, #tpu.memory_space<hbm>>
      %dma_wait3A_409 = arith.constant 112 : i32
      %dma_wait3A_410 = arith.constant 0 : i32
      %dma_wait3A_411 = tpu.memref_slice %arg6[%dma_wait3A_409, %dma_wait3A_410] : memref<128x256xf32, #tpu.memory_space<vmem>> -> memref<16x256xf32, #tpu.memory_space<vmem>>
      %dma_wait3A_412 = arith.constant 0 : i32
      %dma_wait3A_413 = tpu.memref_slice %arg2[%add3A_404, %dma_wait3A_412] : memref<32768x256xf32, #tpu.memory_space<hbm>> -> memref<16x256xf32, #tpu.memory_space<hbm>>
      tpu.wait_dma2 semaphore(%arg10 : memref<!tpu.dma_semaphore, #tpu.memory_space<semaphore_mem>>) src(%dma_wait3A_413 : memref<16x256xf32, #tpu.memory_space<hbm>>) dst(%dma_wait3A_411 : memref<16x256xf32, #tpu.memory_space<vmem>>)
    } else {
    }
    %slice3A_114 = vector.extract_strided_slice %get3A_22 {offsets = [0], sizes = [1], strides = [1]} : vector<16xi32> to vector<1xi32>
    %squeeze3A_115 = vector.extract %slice3A_114[0] : i32 from vector<1xi32>
    %gt3A_116 = arith.constant 0 : i32
    %gt3A_117 = arith.cmpi sgt, %squeeze3A_115, %gt3A_116 : i32
    %convert_element_type3A_118 = arith.extui %gt3A_117 : i1 to i32
    %cond3A_119 = arith.constant 0 : i32
    %cond3A_120 = arith.cmpi ne, %convert_element_type3A_118, %cond3A_119 : i32
    scf.if %cond3A_120 {
      %parallel_loop3A = arith.constant 0 : i32
      %parallel_loop3A_403 = arith.constant 16 : i32
      %parallel_loop3A_404 = arith.constant 1 : i32
      scf.for %parallel_loop3A_405 = %parallel_loop3A to %parallel_loop3A_403 step %parallel_loop3A_404  : i32 {
        %parallel_loop3A_406 = arith.index_cast %parallel_loop3A_405 : i32 to index
        %parallel_loop3A_407 = arith.constant 0 : index
        %parallel_loop3A_408 = tpu.vector_load %arg6[%parallel_loop3A_406, %parallel_loop3A_407] {strides = array<i32>} : memref<128x256xf32, #tpu.memory_space<vmem>>, vector<1x16xf32>,
        %parallel_loop3A_409 = vector.shape_cast %parallel_loop3A_408 : vector<1x16xf32> to vector<16xf32>
        %parallel_loop3A_410 = arith.constant 1.100000e+00 : f32
        %parallel_loop3A_411 = vector.broadcast %parallel_loop3A_410 : f32 to vector<16xf32>
        %parallel_loop3A_412 = arith.mulf %parallel_loop3A_409, %parallel_loop3A_411 : vector<16xf32>
        %parallel_loop3A_413 = arith.index_cast %parallel_loop3A_405 : i32 to index
        %parallel_loop3A_414 = arith.constant 0 : index
        %parallel_loop3A_415 = tpu.vector_load %arg6[%parallel_loop3A_413, %parallel_loop3A_414] {strides = array<i32>} : memref<128x256xf32, #tpu.memory_space<vmem>>, vector<1x16xf32>,
        %parallel_loop3A_416 = vector.shape_cast %parallel_loop3A_415 : vector<1x16xf32> to vector<16xf32>
        %parallel_loop3A_417 = vector.shape_cast %parallel_loop3A_412 : vector<16xf32> to vector<1x16xf32>
        tpu.vector_store %arg6[%parallel_loop3A_413, %parallel_loop3A_414], %parallel_loop3A_417 {strides = array<i32>} : memref<128x256xf32, #tpu.memory_space<vmem>>, vector<1x16xf32>,
        %parallel_loop3A_418 = arith.index_cast %parallel_loop3A_405 : i32 to index
        %parallel_loop3A_419 = arith.constant 16 : index
        %parallel_loop3A_420 = tpu.vector_load %arg6[%parallel_loop3A_418, %parallel_loop3A_419] {strides = array<i32>} : memref<128x256xf32, #tpu.memory_space<vmem>>, vector<1x16xf32>,
        %parallel_loop3A_421 = vector.shape_cast %parallel_loop3A_420 : vector<1x16xf32> to vector<16xf32>
        %parallel_loop3A_422 = arith.constant 1.100000e+00 : f32
        %parallel_loop3A_423 = vector.broadcast %parallel_loop3A_422 : f32 to vector<16xf32>
        %parallel_loop3A_424 = arith.mulf %parallel_loop3A_421, %parallel_loop3A_423 : vector<16xf32>
        %parallel_loop3A_425 = arith.index_cast %parallel_loop3A_405 : i32 to index
        %parallel_loop3A_426 = arith.constant 16 : index
        %parallel_loop3A_427 = tpu.vector_load %arg6[%parallel_loop3A_425, %parallel_loop3A_426] {strides = array<i32>} : memref<128x256xf32, #tpu.memory_space<vmem>>, vector<1x16xf32>,
        %parallel_loop3A_428 = vector.shape_cast %parallel_loop3A_427 : vector<1x16xf32> to vector<16xf32>
        %parallel_loop3A_429 = vector.shape_cast %parallel_loop3A_424 : vector<16xf32> to vector<1x16xf32>
        tpu.vector_store %arg6[%parallel_loop3A_425, %parallel_loop3A_426], %parallel_loop3A_429 {strides = array<i32>} : memref<128x256xf32, #tpu.memory_space<vmem>>, vector<1x16xf32>,
        %parallel_loop3A_430 = arith.index_cast %parallel_loop3A_405 : i32 to index
        %parallel_loop3A_431 = arith.constant 32 : index
        %parallel_loop3A_432 = tpu.vector_load %arg6[%parallel_loop3A_430, %parallel_loop3A_431] {strides = array<i32>} : memref<128x256xf32, #tpu.memory_space<vmem>>, vector<1x16xf32>,
        %parallel_loop3A_433 = vector.shape_cast %parallel_loop3A_432 : vector<1x16xf32> to vector<16xf32>
        %parallel_loop3A_434 = arith.constant 1.100000e+00 : f32
        %parallel_loop3A_435 = vector.broadcast %parallel_loop3A_434 : f32 to vector<16xf32>
        %parallel_loop3A_436 = arith.mulf %parallel_loop3A_433, %parallel_loop3A_435 : vector<16xf32>
        %parallel_loop3A_437 = arith.index_cast %parallel_loop3A_405 : i32 to index
        %parallel_loop3A_438 = arith.constant 32 : index
        %parallel_loop3A_439 = tpu.vector_load %arg6[%parallel_loop3A_437, %parallel_loop3A_438] {strides = array<i32>} : memref<128x256xf32, #tpu.memory_space<vmem>>, vector<1x16xf32>,
        %parallel_loop3A_440 = vector.shape_cast %parallel_loop3A_439 : vector<1x16xf32> to vector<16xf32>
        %parallel_loop3A_441 = vector.shape_cast %parallel_loop3A_436 : vector<16xf32> to vector<1x16xf32>
        tpu.vector_store %arg6[%parallel_loop3A_437, %parallel_loop3A_438], %parallel_loop3A_441 {strides = array<i32>} : memref<128x256xf32, #tpu.memory_space<vmem>>, vector<1x16xf32>,
        %parallel_loop3A_442 = arith.index_cast %parallel_loop3A_405 : i32 to index
        %parallel_loop3A_443 = arith.constant 48 : index
        %parallel_loop3A_444 = tpu.vector_load %arg6[%parallel_loop3A_442, %parallel_loop3A_443] {strides = array<i32>} : memref<128x256xf32, #tpu.memory_space<vmem>>, vector<1x16xf32>,
        %parallel_loop3A_445 = vector.shape_cast %parallel_loop3A_444 : vector<1x16xf32> to vector<16xf32>
        %parallel_loop3A_446 = arith.constant 1.100000e+00 : f32
        %parallel_loop3A_447 = vector.broadcast %parallel_loop3A_446 : f32 to vector<16xf32>
        %parallel_loop3A_448 = arith.mulf %parallel_loop3A_445, %parallel_loop3A_447 : vector<16xf32>
        %parallel_loop3A_449 = arith.index_cast %parallel_loop3A_405 : i32 to index
        %parallel_loop3A_450 = arith.constant 48 : index
        %parallel_loop3A_451 = tpu.vector_load %arg6[%parallel_loop3A_449, %parallel_loop3A_450] {strides = array<i32>} : memref<128x256xf32, #tpu.memory_space<vmem>>, vector<1x16xf32>,
        %parallel_loop3A_452 = vector.shape_cast %parallel_loop3A_451 : vector<1x16xf32> to vector<16xf32>
        %parallel_loop3A_453 = vector.shape_cast %parallel_loop3A_448 : vector<16xf32> to vector<1x16xf32>
        tpu.vector_store %arg6[%parallel_loop3A_449, %parallel_loop3A_450], %parallel_loop3A_453 {strides = array<i32>} : memref<128x256xf32, #tpu.memory_space<vmem>>, vector<1x16xf32>,
        %parallel_loop3A_454 = arith.index_cast %parallel_loop3A_405 : i32 to index
        %parallel_loop3A_455 = arith.constant 64 : index
        %parallel_loop3A_456 = tpu.vector_load %arg6[%parallel_loop3A_454, %parallel_loop3A_455] {strides = array<i32>} : memref<128x256xf32, #tpu.memory_space<vmem>>, vector<1x16xf32>,
        %parallel_loop3A_457 = vector.shape_cast %parallel_loop3A_456 : vector<1x16xf32> to vector<16xf32>
        %parallel_loop3A_458 = arith.constant 1.100000e+00 : f32
        %parallel_loop3A_459 = vector.broadcast %parallel_loop3A_458 : f32 to vector<16xf32>
        %parallel_loop3A_460 = arith.mulf %parallel_loop3A_457, %parallel_loop3A_459 : vector<16xf32>
        %parallel_loop3A_461 = arith.index_cast %parallel_loop3A_405 : i32 to index
        %parallel_loop3A_462 = arith.constant 64 : index
        %parallel_loop3A_463 = tpu.vector_load %arg6[%parallel_loop3A_461, %parallel_loop3A_462] {strides = array<i32>} : memref<128x256xf32, #tpu.memory_space<vmem>>, vector<1x16xf32>,
        %parallel_loop3A_464 = vector.shape_cast %parallel_loop3A_463 : vector<1x16xf32> to vector<16xf32>
        %parallel_loop3A_465 = vector.shape_cast %parallel_loop3A_460 : vector<16xf32> to vector<1x16xf32>
        tpu.vector_store %arg6[%parallel_loop3A_461, %parallel_loop3A_462], %parallel_loop3A_465 {strides = array<i32>} : memref<128x256xf32, #tpu.memory_space<vmem>>, vector<1x16xf32>,
        %parallel_loop3A_466 = arith.index_cast %parallel_loop3A_405 : i32 to index
        %parallel_loop3A_467 = arith.constant 80 : index
        %parallel_loop3A_468 = tpu.vector_load %arg6[%parallel_loop3A_466, %parallel_loop3A_467] {strides = array<i32>} : memref<128x256xf32, #tpu.memory_space<vmem>>, vector<1x16xf32>,
        %parallel_loop3A_469 = vector.shape_cast %parallel_loop3A_468 : vector<1x16xf32> to vector<16xf32>
        %parallel_loop3A_470 = arith.constant 1.100000e+00 : f32
        %parallel_loop3A_471 = vector.broadcast %parallel_loop3A_470 : f32 to vector<16xf32>
        %parallel_loop3A_472 = arith.mulf %parallel_loop3A_469, %parallel_loop3A_471 : vector<16xf32>
        %parallel_loop3A_473 = arith.index_cast %parallel_loop3A_405 : i32 to index
        %parallel_loop3A_474 = arith.constant 80 : index
        %parallel_loop3A_475 = tpu.vector_load %arg6[%parallel_loop3A_473, %parallel_loop3A_474] {strides = array<i32>} : memref<128x256xf32, #tpu.memory_space<vmem>>, vector<1x16xf32>,
        %parallel_loop3A_476 = vector.shape_cast %parallel_loop3A_475 : vector<1x16xf32> to vector<16xf32>
        %parallel_loop3A_477 = vector.shape_cast %parallel_loop3A_472 : vector<16xf32> to vector<1x16xf32>
        tpu.vector_store %arg6[%parallel_loop3A_473, %parallel_loop3A_474], %parallel_loop3A_477 {strides = array<i32>} : memref<128x256xf32, #tpu.memory_space<vmem>>, vector<1x16xf32>,
        %parallel_loop3A_478 = arith.index_cast %parallel_loop3A_405 : i32 to index
        %parallel_loop3A_479 = arith.constant 96 : index
        %parallel_loop3A_480 = tpu.vector_load %arg6[%parallel_loop3A_478, %parallel_loop3A_479] {strides = array<i32>} : memref<128x256xf32, #tpu.memory_space<vmem>>, vector<1x16xf32>,
        %parallel_loop3A_481 = vector.shape_cast %parallel_loop3A_480 : vector<1x16xf32> to vector<16xf32>
        %parallel_loop3A_482 = arith.constant 1.100000e+00 : f32
        %parallel_loop3A_483 = vector.broadcast %parallel_loop3A_482 : f32 to vector<16xf32>
        %parallel_loop3A_484 = arith.mulf %parallel_loop3A_481, %parallel_loop3A_483 : vector<16xf32>
        %parallel_loop3A_485 = arith.index_cast %parallel_loop3A_405 : i32 to index
        %parallel_loop3A_486 = arith.constant 96 : index
        %parallel_loop3A_487 = tpu.vector_load %arg6[%parallel_loop3A_485, %parallel_loop3A_486] {strides = array<i32>} : memref<128x256xf32, #tpu.memory_space<vmem>>, vector<1x16xf32>,
        %parallel_loop3A_488 = vector.shape_cast %parallel_loop3A_487 : vector<1x16xf32> to vector<16xf32>
        %parallel_loop3A_489 = vector.shape_cast %parallel_loop3A_484 : vector<16xf32> to vector<1x16xf32>
        tpu.vector_store %arg6[%parallel_loop3A_485, %parallel_loop3A_486], %parallel_loop3A_489 {strides = array<i32>} : memref<128x256xf32, #tpu.memory_space<vmem>>, vector<1x16xf32>,
        %parallel_loop3A_490 = arith.index_cast %parallel_loop3A_405 : i32 to index
        %parallel_loop3A_491 = arith.constant 112 : index
        %parallel_loop3A_492 = tpu.vector_load %arg6[%parallel_loop3A_490, %parallel_loop3A_491] {strides = array<i32>} : memref<128x256xf32, #tpu.memory_space<vmem>>, vector<1x16xf32>,
        %parallel_loop3A_493 = vector.shape_cast %parallel_loop3A_492 : vector<1x16xf32> to vector<16xf32>
        %parallel_loop3A_494 = arith.constant 1.100000e+00 : f32
        %parallel_loop3A_495 = vector.broadcast %parallel_loop3A_494 : f32 to vector<16xf32>
        %parallel_loop3A_496 = arith.mulf %parallel_loop3A_493, %parallel_loop3A_495 : vector<16xf32>
        %parallel_loop3A_497 = arith.index_cast %parallel_loop3A_405 : i32 to index
        %parallel_loop3A_498 = arith.constant 112 : index
        %parallel_loop3A_499 = tpu.vector_load %arg6[%parallel_loop3A_497, %parallel_loop3A_498] {strides = array<i32>} : memref<128x256xf32, #tpu.memory_space<vmem>>, vector<1x16xf32>,
        %parallel_loop3A_500 = vector.shape_cast %parallel_loop3A_499 : vector<1x16xf32> to vector<16xf32>
        %parallel_loop3A_501 = vector.shape_cast %parallel_loop3A_496 : vector<16xf32> to vector<1x16xf32>
        tpu.vector_store %arg6[%parallel_loop3A_497, %parallel_loop3A_498], %parallel_loop3A_501 {strides = array<i32>} : memref<128x256xf32, #tpu.memory_space<vmem>>, vector<1x16xf32>,
        %parallel_loop3A_502 = arith.index_cast %parallel_loop3A_405 : i32 to index
        %parallel_loop3A_503 = arith.constant 128 : index
        %parallel_loop3A_504 = tpu.vector_load %arg6[%parallel_loop3A_502, %parallel_loop3A_503] {strides = array<i32>} : memref<128x256xf32, #tpu.memory_space<vmem>>, vector<1x16xf32>,
        %parallel_loop3A_505 = vector.shape_cast %parallel_loop3A_504 : vector<1x16xf32> to vector<16xf32>
        %parallel_loop3A_506 = arith.constant 1.100000e+00 : f32
        %parallel_loop3A_507 = vector.broadcast %parallel_loop3A_506 : f32 to vector<16xf32>
        %parallel_loop3A_508 = arith.mulf %parallel_loop3A_505, %parallel_loop3A_507 : vector<16xf32>
        %parallel_loop3A_509 = arith.index_cast %parallel_loop3A_405 : i32 to index
        %parallel_loop3A_510 = arith.constant 128 : index
        %parallel_loop3A_511 = tpu.vector_load %arg6[%parallel_loop3A_509, %parallel_loop3A_510] {strides = array<i32>} : memref<128x256xf32, #tpu.memory_space<vmem>>, vector<1x16xf32>,
        %parallel_loop3A_512 = vector.shape_cast %parallel_loop3A_511 : vector<1x16xf32> to vector<16xf32>
        %parallel_loop3A_513 = vector.shape_cast %parallel_loop3A_508 : vector<16xf32> to vector<1x16xf32>
        tpu.vector_store %arg6[%parallel_loop3A_509, %parallel_loop3A_510], %parallel_loop3A_513 {strides = array<i32>} : memref<128x256xf32, #tpu.memory_space<vmem>>, vector<1x16xf32>,
        %parallel_loop3A_514 = arith.index_cast %parallel_loop3A_405 : i32 to index
        %parallel_loop3A_515 = arith.constant 144 : index
        %parallel_loop3A_516 = tpu.vector_load %arg6[%parallel_loop3A_514, %parallel_loop3A_515] {strides = array<i32>} : memref<128x256xf32, #tpu.memory_space<vmem>>, vector<1x16xf32>,
        %parallel_loop3A_517 = vector.shape_cast %parallel_loop3A_516 : vector<1x16xf32> to vector<16xf32>
        %parallel_loop3A_518 = arith.constant 1.100000e+00 : f32
        %parallel_loop3A_519 = vector.broadcast %parallel_loop3A_518 : f32 to vector<16xf32>
        %parallel_loop3A_520 = arith.mulf %parallel_loop3A_517, %parallel_loop3A_519 : vector<16xf32>
        %parallel_loop3A_521 = arith.index_cast %parallel_loop3A_405 : i32 to index
        %parallel_loop3A_522 = arith.constant 144 : index
        %parallel_loop3A_523 = tpu.vector_load %arg6[%parallel_loop3A_521, %parallel_loop3A_522] {strides = array<i32>} : memref<128x256xf32, #tpu.memory_space<vmem>>, vector<1x16xf32>,
        %parallel_loop3A_524 = vector.shape_cast %parallel_loop3A_523 : vector<1x16xf32> to vector<16xf32>
        %parallel_loop3A_525 = vector.shape_cast %parallel_loop3A_520 : vector<16xf32> to vector<1x16xf32>
        tpu.vector_store %arg6[%parallel_loop3A_521, %parallel_loop3A_522], %parallel_loop3A_525 {strides = array<i32>} : memref<128x256xf32, #tpu.memory_space<vmem>>, vector<1x16xf32>,
        %parallel_loop3A_526 = arith.index_cast %parallel_loop3A_405 : i32 to index
        %parallel_loop3A_527 = arith.constant 160 : index
        %parallel_loop3A_528 = tpu.vector_load %arg6[%parallel_loop3A_526, %parallel_loop3A_527] {strides = array<i32>} : memref<128x256xf32, #tpu.memory_space<vmem>>, vector<1x16xf32>,
        %parallel_loop3A_529 = vector.shape_cast %parallel_loop3A_528 : vector<1x16xf32> to vector<16xf32>
        %parallel_loop3A_530 = arith.constant 1.100000e+00 : f32
        %parallel_loop3A_531 = vector.broadcast %parallel_loop3A_530 : f32 to vector<16xf32>
        %parallel_loop3A_532 = arith.mulf %parallel_loop3A_529, %parallel_loop3A_531 : vector<16xf32>
        %parallel_loop3A_533 = arith.index_cast %parallel_loop3A_405 : i32 to index
        %parallel_loop3A_534 = arith.constant 160 : index
        %parallel_loop3A_535 = tpu.vector_load %arg6[%parallel_loop3A_533, %parallel_loop3A_534] {strides = array<i32>} : memref<128x256xf32, #tpu.memory_space<vmem>>, vector<1x16xf32>,
        %parallel_loop3A_536 = vector.shape_cast %parallel_loop3A_535 : vector<1x16xf32> to vector<16xf32>
        %parallel_loop3A_537 = vector.shape_cast %parallel_loop3A_532 : vector<16xf32> to vector<1x16xf32>
        tpu.vector_store %arg6[%parallel_loop3A_533, %parallel_loop3A_534], %parallel_loop3A_537 {strides = array<i32>} : memref<128x256xf32, #tpu.memory_space<vmem>>, vector<1x16xf32>,
        %parallel_loop3A_538 = arith.index_cast %parallel_loop3A_405 : i32 to index
        %parallel_loop3A_539 = arith.constant 176 : index
        %parallel_loop3A_540 = tpu.vector_load %arg6[%parallel_loop3A_538, %parallel_loop3A_539] {strides = array<i32>} : memref<128x256xf32, #tpu.memory_space<vmem>>, vector<1x16xf32>,
        %parallel_loop3A_541 = vector.shape_cast %parallel_loop3A_540 : vector<1x16xf32> to vector<16xf32>
        %parallel_loop3A_542 = arith.constant 1.100000e+00 : f32
        %parallel_loop3A_543 = vector.broadcast %parallel_loop3A_542 : f32 to vector<16xf32>
        %parallel_loop3A_544 = arith.mulf %parallel_loop3A_541, %parallel_loop3A_543 : vector<16xf32>
        %parallel_loop3A_545 = arith.index_cast %parallel_loop3A_405 : i32 to index
        %parallel_loop3A_546 = arith.constant 176 : index
        %parallel_loop3A_547 = tpu.vector_load %arg6[%parallel_loop3A_545, %parallel_loop3A_546] {strides = array<i32>} : memref<128x256xf32, #tpu.memory_space<vmem>>, vector<1x16xf32>,
        %parallel_loop3A_548 = vector.shape_cast %parallel_loop3A_547 : vector<1x16xf32> to vector<16xf32>
        %parallel_loop3A_549 = vector.shape_cast %parallel_loop3A_544 : vector<16xf32> to vector<1x16xf32>
        tpu.vector_store %arg6[%parallel_loop3A_545, %parallel_loop3A_546], %parallel_loop3A_549 {strides = array<i32>} : memref<128x256xf32, #tpu.memory_space<vmem>>, vector<1x16xf32>,
        %parallel_loop3A_550 = arith.index_cast %parallel_loop3A_405 : i32 to index
        %parallel_loop3A_551 = arith.constant 192 : index
        %parallel_loop3A_552 = tpu.vector_load %arg6[%parallel_loop3A_550, %parallel_loop3A_551] {strides = array<i32>} : memref<128x256xf32, #tpu.memory_space<vmem>>, vector<1x16xf32>,
        %parallel_loop3A_553 = vector.shape_cast %parallel_loop3A_552 : vector<1x16xf32> to vector<16xf32>
        %parallel_loop3A_554 = arith.constant 1.100000e+00 : f32
        %parallel_loop3A_555 = vector.broadcast %parallel_loop3A_554 : f32 to vector<16xf32>
        %parallel_loop3A_556 = arith.mulf %parallel_loop3A_553, %parallel_loop3A_555 : vector<16xf32>
        %parallel_loop3A_557 = arith.index_cast %parallel_loop3A_405 : i32 to index
        %parallel_loop3A_558 = arith.constant 192 : index
        %parallel_loop3A_559 = tpu.vector_load %arg6[%parallel_loop3A_557, %parallel_loop3A_558] {strides = array<i32>} : memref<128x256xf32, #tpu.memory_space<vmem>>, vector<1x16xf32>,
        %parallel_loop3A_560 = vector.shape_cast %parallel_loop3A_559 : vector<1x16xf32> to vector<16xf32>
        %parallel_loop3A_561 = vector.shape_cast %parallel_loop3A_556 : vector<16xf32> to vector<1x16xf32>
        tpu.vector_store %arg6[%parallel_loop3A_557, %parallel_loop3A_558], %parallel_loop3A_561 {strides = array<i32>} : memref<128x256xf32, #tpu.memory_space<vmem>>, vector<1x16xf32>,
        %parallel_loop3A_562 = arith.index_cast %parallel_loop3A_405 : i32 to index
        %parallel_loop3A_563 = arith.constant 208 : index
        %parallel_loop3A_564 = tpu.vector_load %arg6[%parallel_loop3A_562, %parallel_loop3A_563] {strides = array<i32>} : memref<128x256xf32, #tpu.memory_space<vmem>>, vector<1x16xf32>,
        %parallel_loop3A_565 = vector.shape_cast %parallel_loop3A_564 : vector<1x16xf32> to vector<16xf32>
        %parallel_loop3A_566 = arith.constant 1.100000e+00 : f32
        %parallel_loop3A_567 = vector.broadcast %parallel_loop3A_566 : f32 to vector<16xf32>
        %parallel_loop3A_568 = arith.mulf %parallel_loop3A_565, %parallel_loop3A_567 : vector<16xf32>
        %parallel_loop3A_569 = arith.index_cast %parallel_loop3A_405 : i32 to index
        %parallel_loop3A_570 = arith.constant 208 : index
        %parallel_loop3A_571 = tpu.vector_load %arg6[%parallel_loop3A_569, %parallel_loop3A_570] {strides = array<i32>} : memref<128x256xf32, #tpu.memory_space<vmem>>, vector<1x16xf32>,
        %parallel_loop3A_572 = vector.shape_cast %parallel_loop3A_571 : vector<1x16xf32> to vector<16xf32>
        %parallel_loop3A_573 = vector.shape_cast %parallel_loop3A_568 : vector<16xf32> to vector<1x16xf32>
        tpu.vector_store %arg6[%parallel_loop3A_569, %parallel_loop3A_570], %parallel_loop3A_573 {strides = array<i32>} : memref<128x256xf32, #tpu.memory_space<vmem>>, vector<1x16xf32>,
        %parallel_loop3A_574 = arith.index_cast %parallel_loop3A_405 : i32 to index
        %parallel_loop3A_575 = arith.constant 224 : index
        %parallel_loop3A_576 = tpu.vector_load %arg6[%parallel_loop3A_574, %parallel_loop3A_575] {strides = array<i32>} : memref<128x256xf32, #tpu.memory_space<vmem>>, vector<1x16xf32>,
        %parallel_loop3A_577 = vector.shape_cast %parallel_loop3A_576 : vector<1x16xf32> to vector<16xf32>
        %parallel_loop3A_578 = arith.constant 1.100000e+00 : f32
        %parallel_loop3A_579 = vector.broadcast %parallel_loop3A_578 : f32 to vector<16xf32>
        %parallel_loop3A_580 = arith.mulf %parallel_loop3A_577, %parallel_loop3A_579 : vector<16xf32>
        %parallel_loop3A_581 = arith.index_cast %parallel_loop3A_405 : i32 to index
        %parallel_loop3A_582 = arith.constant 224 : index
        %parallel_loop3A_583 = tpu.vector_load %arg6[%parallel_loop3A_581, %parallel_loop3A_582] {strides = array<i32>} : memref<128x256xf32, #tpu.memory_space<vmem>>, vector<1x16xf32>,
        %parallel_loop3A_584 = vector.shape_cast %parallel_loop3A_583 : vector<1x16xf32> to vector<16xf32>
        %parallel_loop3A_585 = vector.shape_cast %parallel_loop3A_580 : vector<16xf32> to vector<1x16xf32>
        tpu.vector_store %arg6[%parallel_loop3A_581, %parallel_loop3A_582], %parallel_loop3A_585 {strides = array<i32>} : memref<128x256xf32, #tpu.memory_space<vmem>>, vector<1x16xf32>,
        %parallel_loop3A_586 = arith.index_cast %parallel_loop3A_405 : i32 to index
        %parallel_loop3A_587 = arith.constant 240 : index
        %parallel_loop3A_588 = tpu.vector_load %arg6[%parallel_loop3A_586, %parallel_loop3A_587] {strides = array<i32>} : memref<128x256xf32, #tpu.memory_space<vmem>>, vector<1x16xf32>,
        %parallel_loop3A_589 = vector.shape_cast %parallel_loop3A_588 : vector<1x16xf32> to vector<16xf32>
        %parallel_loop3A_590 = arith.constant 1.100000e+00 : f32
        %parallel_loop3A_591 = vector.broadcast %parallel_loop3A_590 : f32 to vector<16xf32>
        %parallel_loop3A_592 = arith.mulf %parallel_loop3A_589, %parallel_loop3A_591 : vector<16xf32>
        %parallel_loop3A_593 = arith.index_cast %parallel_loop3A_405 : i32 to index
        %parallel_loop3A_594 = arith.constant 240 : index
        %parallel_loop3A_595 = tpu.vector_load %arg6[%parallel_loop3A_593, %parallel_loop3A_594] {strides = array<i32>} : memref<128x256xf32, #tpu.memory_space<vmem>>, vector<1x16xf32>,
        %parallel_loop3A_596 = vector.shape_cast %parallel_loop3A_595 : vector<1x16xf32> to vector<16xf32>
        %parallel_loop3A_597 = vector.shape_cast %parallel_loop3A_592 : vector<16xf32> to vector<1x16xf32>
        tpu.vector_store %arg6[%parallel_loop3A_593, %parallel_loop3A_594], %parallel_loop3A_597 {strides = array<i32>} : memref<128x256xf32, #tpu.memory_space<vmem>>, vector<1x16xf32>,
      } {sc.loop_unroll_factor = 2 : i64, sc.parallel_access}
    } else {
    }
    %gt3A_121 = arith.constant 16 : i32
    %gt3A_122 = arith.cmpi sgt, %squeeze3A_115, %gt3A_121 : i32
    %convert_element_type3A_123 = arith.extui %gt3A_122 : i1 to i32
    %cond3A_124 = arith.constant 0 : i32
    %cond3A_125 = arith.cmpi ne, %convert_element_type3A_123, %cond3A_124 : i32
    scf.if %cond3A_125 {
      %parallel_loop3A = arith.constant 16 : i32
      %parallel_loop3A_403 = arith.constant 32 : i32
      %parallel_loop3A_404 = arith.constant 1 : i32
      scf.for %parallel_loop3A_405 = %parallel_loop3A to %parallel_loop3A_403 step %parallel_loop3A_404  : i32 {
        %parallel_loop3A_406 = arith.index_cast %parallel_loop3A_405 : i32 to index
        %parallel_loop3A_407 = arith.constant 0 : index
        %parallel_loop3A_408 = tpu.vector_load %arg6[%parallel_loop3A_406, %parallel_loop3A_407] {strides = array<i32>} : memref<128x256xf32, #tpu.memory_space<vmem>>, vector<1x16xf32>,
        %parallel_loop3A_409 = vector.shape_cast %parallel_loop3A_408 : vector<1x16xf32> to vector<16xf32>
        %parallel_loop3A_410 = arith.constant 1.100000e+00 : f32
        %parallel_loop3A_411 = vector.broadcast %parallel_loop3A_410 : f32 to vector<16xf32>
        %parallel_loop3A_412 = arith.mulf %parallel_loop3A_409, %parallel_loop3A_411 : vector<16xf32>
        %parallel_loop3A_413 = arith.index_cast %parallel_loop3A_405 : i32 to index
        %parallel_loop3A_414 = arith.constant 0 : index
        %parallel_loop3A_415 = tpu.vector_load %arg6[%parallel_loop3A_413, %parallel_loop3A_414] {strides = array<i32>} : memref<128x256xf32, #tpu.memory_space<vmem>>, vector<1x16xf32>,
        %parallel_loop3A_416 = vector.shape_cast %parallel_loop3A_415 : vector<1x16xf32> to vector<16xf32>
        %parallel_loop3A_417 = vector.shape_cast %parallel_loop3A_412 : vector<16xf32> to vector<1x16xf32>
        tpu.vector_store %arg6[%parallel_loop3A_413, %parallel_loop3A_414], %parallel_loop3A_417 {strides = array<i32>} : memref<128x256xf32, #tpu.memory_space<vmem>>, vector<1x16xf32>,
        %parallel_loop3A_418 = arith.index_cast %parallel_loop3A_405 : i32 to index
        %parallel_loop3A_419 = arith.constant 16 : index
        %parallel_loop3A_420 = tpu.vector_load %arg6[%parallel_loop3A_418, %parallel_loop3A_419] {strides = array<i32>} : memref<128x256xf32, #tpu.memory_space<vmem>>, vector<1x16xf32>,
        %parallel_loop3A_421 = vector.shape_cast %parallel_loop3A_420 : vector<1x16xf32> to vector<16xf32>
        %parallel_loop3A_422 = arith.constant 1.100000e+00 : f32
        %parallel_loop3A_423 = vector.broadcast %parallel_loop3A_422 : f32 to vector<16xf32>
        %parallel_loop3A_424 = arith.mulf %parallel_loop3A_421, %parallel_loop3A_423 : vector<16xf32>
        %parallel_loop3A_425 = arith.index_cast %parallel_loop3A_405 : i32 to index
        %parallel_loop3A_426 = arith.constant 16 : index
        %parallel_loop3A_427 = tpu.vector_load %arg6[%parallel_loop3A_425, %parallel_loop3A_426] {strides = array<i32>} : memref<128x256xf32, #tpu.memory_space<vmem>>, vector<1x16xf32>,
        %parallel_loop3A_428 = vector.shape_cast %parallel_loop3A_427 : vector<1x16xf32> to vector<16xf32>
        %parallel_loop3A_429 = vector.shape_cast %parallel_loop3A_424 : vector<16xf32> to vector<1x16xf32>
        tpu.vector_store %arg6[%parallel_loop3A_425, %parallel_loop3A_426], %parallel_loop3A_429 {strides = array<i32>} : memref<128x256xf32, #tpu.memory_space<vmem>>, vector<1x16xf32>,
        %parallel_loop3A_430 = arith.index_cast %parallel_loop3A_405 : i32 to index
        %parallel_loop3A_431 = arith.constant 32 : index
        %parallel_loop3A_432 = tpu.vector_load %arg6[%parallel_loop3A_430, %parallel_loop3A_431] {strides = array<i32>} : memref<128x256xf32, #tpu.memory_space<vmem>>, vector<1x16xf32>,
        %parallel_loop3A_433 = vector.shape_cast %parallel_loop3A_432 : vector<1x16xf32> to vector<16xf32>
        %parallel_loop3A_434 = arith.constant 1.100000e+00 : f32
        %parallel_loop3A_435 = vector.broadcast %parallel_loop3A_434 : f32 to vector<16xf32>
        %parallel_loop3A_436 = arith.mulf %parallel_loop3A_433, %parallel_loop3A_435 : vector<16xf32>
        %parallel_loop3A_437 = arith.index_cast %parallel_loop3A_405 : i32 to index
        %parallel_loop3A_438 = arith.constant 32 : index
        %parallel_loop3A_439 = tpu.vector_load %arg6[%parallel_loop3A_437, %parallel_loop3A_438] {strides = array<i32>} : memref<128x256xf32, #tpu.memory_space<vmem>>, vector<1x16xf32>,
        %parallel_loop3A_440 = vector.shape_cast %parallel_loop3A_439 : vector<1x16xf32> to vector<16xf32>
        %parallel_loop3A_441 = vector.shape_cast %parallel_loop3A_436 : vector<16xf32> to vector<1x16xf32>
        tpu.vector_store %arg6[%parallel_loop3A_437, %parallel_loop3A_438], %parallel_loop3A_441 {strides = array<i32>} : memref<128x256xf32, #tpu.memory_space<vmem>>, vector<1x16xf32>,
        %parallel_loop3A_442 = arith.index_cast %parallel_loop3A_405 : i32 to index
        %parallel_loop3A_443 = arith.constant 48 : index
        %parallel_loop3A_444 = tpu.vector_load %arg6[%parallel_loop3A_442, %parallel_loop3A_443] {strides = array<i32>} : memref<128x256xf32, #tpu.memory_space<vmem>>, vector<1x16xf32>,
        %parallel_loop3A_445 = vector.shape_cast %parallel_loop3A_444 : vector<1x16xf32> to vector<16xf32>
        %parallel_loop3A_446 = arith.constant 1.100000e+00 : f32
        %parallel_loop3A_447 = vector.broadcast %parallel_loop3A_446 : f32 to vector<16xf32>
        %parallel_loop3A_448 = arith.mulf %parallel_loop3A_445, %parallel_loop3A_447 : vector<16xf32>
        %parallel_loop3A_449 = arith.index_cast %parallel_loop3A_405 : i32 to index
        %parallel_loop3A_450 = arith.constant 48 : index
        %parallel_loop3A_451 = tpu.vector_load %arg6[%parallel_loop3A_449, %parallel_loop3A_450] {strides = array<i32>} : memref<128x256xf32, #tpu.memory_space<vmem>>, vector<1x16xf32>,
        %parallel_loop3A_452 = vector.shape_cast %parallel_loop3A_451 : vector<1x16xf32> to vector<16xf32>
        %parallel_loop3A_453 = vector.shape_cast %parallel_loop3A_448 : vector<16xf32> to vector<1x16xf32>
        tpu.vector_store %arg6[%parallel_loop3A_449, %parallel_loop3A_450], %parallel_loop3A_453 {strides = array<i32>} : memref<128x256xf32, #tpu.memory_space<vmem>>, vector<1x16xf32>,
        %parallel_loop3A_454 = arith.index_cast %parallel_loop3A_405 : i32 to index
        %parallel_loop3A_455 = arith.constant 64 : index
        %parallel_loop3A_456 = tpu.vector_load %arg6[%parallel_loop3A_454, %parallel_loop3A_455] {strides = array<i32>} : memref<128x256xf32, #tpu.memory_space<vmem>>, vector<1x16xf32>,
        %parallel_loop3A_457 = vector.shape_cast %parallel_loop3A_456 : vector<1x16xf32> to vector<16xf32>
        %parallel_loop3A_458 = arith.constant 1.100000e+00 : f32
        %parallel_loop3A_459 = vector.broadcast %parallel_loop3A_458 : f32 to vector<16xf32>
        %parallel_loop3A_460 = arith.mulf %parallel_loop3A_457, %parallel_loop3A_459 : vector<16xf32>
        %parallel_loop3A_461 = arith.index_cast %parallel_loop3A_405 : i32 to index
        %parallel_loop3A_462 = arith.constant 64 : index
        %parallel_loop3A_463 = tpu.vector_load %arg6[%parallel_loop3A_461, %parallel_loop3A_462] {strides = array<i32>} : memref<128x256xf32, #tpu.memory_space<vmem>>, vector<1x16xf32>,
        %parallel_loop3A_464 = vector.shape_cast %parallel_loop3A_463 : vector<1x16xf32> to vector<16xf32>
        %parallel_loop3A_465 = vector.shape_cast %parallel_loop3A_460 : vector<16xf32> to vector<1x16xf32>
        tpu.vector_store %arg6[%parallel_loop3A_461, %parallel_loop3A_462], %parallel_loop3A_465 {strides = array<i32>} : memref<128x256xf32, #tpu.memory_space<vmem>>, vector<1x16xf32>,
        %parallel_loop3A_466 = arith.index_cast %parallel_loop3A_405 : i32 to index
        %parallel_loop3A_467 = arith.constant 80 : index
        %parallel_loop3A_468 = tpu.vector_load %arg6[%parallel_loop3A_466, %parallel_loop3A_467] {strides = array<i32>} : memref<128x256xf32, #tpu.memory_space<vmem>>, vector<1x16xf32>,
        %parallel_loop3A_469 = vector.shape_cast %parallel_loop3A_468 : vector<1x16xf32> to vector<16xf32>
        %parallel_loop3A_470 = arith.constant 1.100000e+00 : f32
        %parallel_loop3A_471 = vector.broadcast %parallel_loop3A_470 : f32 to vector<16xf32>
        %parallel_loop3A_472 = arith.mulf %parallel_loop3A_469, %parallel_loop3A_471 : vector<16xf32>
        %parallel_loop3A_473 = arith.index_cast %parallel_loop3A_405 : i32 to index
        %parallel_loop3A_474 = arith.constant 80 : index
        %parallel_loop3A_475 = tpu.vector_load %arg6[%parallel_loop3A_473, %parallel_loop3A_474] {strides = array<i32>} : memref<128x256xf32, #tpu.memory_space<vmem>>, vector<1x16xf32>,
        %parallel_loop3A_476 = vector.shape_cast %parallel_loop3A_475 : vector<1x16xf32> to vector<16xf32>
        %parallel_loop3A_477 = vector.shape_cast %parallel_loop3A_472 : vector<16xf32> to vector<1x16xf32>
        tpu.vector_store %arg6[%parallel_loop3A_473, %parallel_loop3A_474], %parallel_loop3A_477 {strides = array<i32>} : memref<128x256xf32, #tpu.memory_space<vmem>>, vector<1x16xf32>,
        %parallel_loop3A_478 = arith.index_cast %parallel_loop3A_405 : i32 to index
        %parallel_loop3A_479 = arith.constant 96 : index
        %parallel_loop3A_480 = tpu.vector_load %arg6[%parallel_loop3A_478, %parallel_loop3A_479] {strides = array<i32>} : memref<128x256xf32, #tpu.memory_space<vmem>>, vector<1x16xf32>,
        %parallel_loop3A_481 = vector.shape_cast %parallel_loop3A_480 : vector<1x16xf32> to vector<16xf32>
        %parallel_loop3A_482 = arith.constant 1.100000e+00 : f32
        %parallel_loop3A_483 = vector.broadcast %parallel_loop3A_482 : f32 to vector<16xf32>
        %parallel_loop3A_484 = arith.mulf %parallel_loop3A_481, %parallel_loop3A_483 : vector<16xf32>
        %parallel_loop3A_485 = arith.index_cast %parallel_loop3A_405 : i32 to index
        %parallel_loop3A_486 = arith.constant 96 : index
        %parallel_loop3A_487 = tpu.vector_load %arg6[%parallel_loop3A_485, %parallel_loop3A_486] {strides = array<i32>} : memref<128x256xf32, #tpu.memory_space<vmem>>, vector<1x16xf32>,
        %parallel_loop3A_488 = vector.shape_cast %parallel_loop3A_487 : vector<1x16xf32> to vector<16xf32>
        %parallel_loop3A_489 = vector.shape_cast %parallel_loop3A_484 : vector<16xf32> to vector<1x16xf32>
        tpu.vector_store %arg6[%parallel_loop3A_485, %parallel_loop3A_486], %parallel_loop3A_489 {strides = array<i32>} : memref<128x256xf32, #tpu.memory_space<vmem>>, vector<1x16xf32>,
        %parallel_loop3A_490 = arith.index_cast %parallel_loop3A_405 : i32 to index
        %parallel_loop3A_491 = arith.constant 112 : index
        %parallel_loop3A_492 = tpu.vector_load %arg6[%parallel_loop3A_490, %parallel_loop3A_491] {strides = array<i32>} : memref<128x256xf32, #tpu.memory_space<vmem>>, vector<1x16xf32>,
        %parallel_loop3A_493 = vector.shape_cast %parallel_loop3A_492 : vector<1x16xf32> to vector<16xf32>
        %parallel_loop3A_494 = arith.constant 1.100000e+00 : f32
        %parallel_loop3A_495 = vector.broadcast %parallel_loop3A_494 : f32 to vector<16xf32>
        %parallel_loop3A_496 = arith.mulf %parallel_loop3A_493, %parallel_loop3A_495 : vector<16xf32>
        %parallel_loop3A_497 = arith.index_cast %parallel_loop3A_405 : i32 to index
        %parallel_loop3A_498 = arith.constant 112 : index
        %parallel_loop3A_499 = tpu.vector_load %arg6[%parallel_loop3A_497, %parallel_loop3A_498] {strides = array<i32>} : memref<128x256xf32, #tpu.memory_space<vmem>>, vector<1x16xf32>,
        %parallel_loop3A_500 = vector.shape_cast %parallel_loop3A_499 : vector<1x16xf32> to vector<16xf32>
        %parallel_loop3A_501 = vector.shape_cast %parallel_loop3A_496 : vector<16xf32> to vector<1x16xf32>
        tpu.vector_store %arg6[%parallel_loop3A_497, %parallel_loop3A_498], %parallel_loop3A_501 {strides = array<i32>} : memref<128x256xf32, #tpu.memory_space<vmem>>, vector<1x16xf32>,
        %parallel_loop3A_502 = arith.index_cast %parallel_loop3A_405 : i32 to index
        %parallel_loop3A_503 = arith.constant 128 : index
        %parallel_loop3A_504 = tpu.vector_load %arg6[%parallel_loop3A_502, %parallel_loop3A_503] {strides = array<i32>} : memref<128x256xf32, #tpu.memory_space<vmem>>, vector<1x16xf32>,
        %parallel_loop3A_505 = vector.shape_cast %parallel_loop3A_504 : vector<1x16xf32> to vector<16xf32>
        %parallel_loop3A_506 = arith.constant 1.100000e+00 : f32
        %parallel_loop3A_507 = vector.broadcast %parallel_loop3A_506 : f32 to vector<16xf32>
        %parallel_loop3A_508 = arith.mulf %parallel_loop3A_505, %parallel_loop3A_507 : vector<16xf32>
        %parallel_loop3A_509 = arith.index_cast %parallel_loop3A_405 : i32 to index
        %parallel_loop3A_510 = arith.constant 128 : index
        %parallel_loop3A_511 = tpu.vector_load %arg6[%parallel_loop3A_509, %parallel_loop3A_510] {strides = array<i32>} : memref<128x256xf32, #tpu.memory_space<vmem>>, vector<1x16xf32>,
        %parallel_loop3A_512 = vector.shape_cast %parallel_loop3A_511 : vector<1x16xf32> to vector<16xf32>
        %parallel_loop3A_513 = vector.shape_cast %parallel_loop3A_508 : vector<16xf32> to vector<1x16xf32>
        tpu.vector_store %arg6[%parallel_loop3A_509, %parallel_loop3A_510], %parallel_loop3A_513 {strides = array<i32>} : memref<128x256xf32, #tpu.memory_space<vmem>>, vector<1x16xf32>,
        %parallel_loop3A_514 = arith.index_cast %parallel_loop3A_405 : i32 to index
        %parallel_loop3A_515 = arith.constant 144 : index
        %parallel_loop3A_516 = tpu.vector_load %arg6[%parallel_loop3A_514, %parallel_loop3A_515] {strides = array<i32>} : memref<128x256xf32, #tpu.memory_space<vmem>>, vector<1x16xf32>,
        %parallel_loop3A_517 = vector.shape_cast %parallel_loop3A_516 : vector<1x16xf32> to vector<16xf32>
        %parallel_loop3A_518 = arith.constant 1.100000e+00 : f32
        %parallel_loop3A_519 = vector.broadcast %parallel_loop3A_518 : f32 to vector<16xf32>
        %parallel_loop3A_520 = arith.mulf %parallel_loop3A_517, %parallel_loop3A_519 : vector<16xf32>
        %parallel_loop3A_521 = arith.index_cast %parallel_loop3A_405 : i32 to index
        %parallel_loop3A_522 = arith.constant 144 : index
        %parallel_loop3A_523 = tpu.vector_load %arg6[%parallel_loop3A_521, %parallel_loop3A_522] {strides = array<i32>} : memref<128x256xf32, #tpu.memory_space<vmem>>, vector<1x16xf32>,
        %parallel_loop3A_524 = vector.shape_cast %parallel_loop3A_523 : vector<1x16xf32> to vector<16xf32>
        %parallel_loop3A_525 = vector.shape_cast %parallel_loop3A_520 : vector<16xf32> to vector<1x16xf32>
        tpu.vector_store %arg6[%parallel_loop3A_521, %parallel_loop3A_522], %parallel_loop3A_525 {strides = array<i32>} : memref<128x256xf32, #tpu.memory_space<vmem>>, vector<1x16xf32>,
        %parallel_loop3A_526 = arith.index_cast %parallel_loop3A_405 : i32 to index
        %parallel_loop3A_527 = arith.constant 160 : index
        %parallel_loop3A_528 = tpu.vector_load %arg6[%parallel_loop3A_526, %parallel_loop3A_527] {strides = array<i32>} : memref<128x256xf32, #tpu.memory_space<vmem>>, vector<1x16xf32>,
        %parallel_loop3A_529 = vector.shape_cast %parallel_loop3A_528 : vector<1x16xf32> to vector<16xf32>
        %parallel_loop3A_530 = arith.constant 1.100000e+00 : f32
        %parallel_loop3A_531 = vector.broadcast %parallel_loop3A_530 : f32 to vector<16xf32>
        %parallel_loop3A_532 = arith.mulf %parallel_loop3A_529, %parallel_loop3A_531 : vector<16xf32>
        %parallel_loop3A_533 = arith.index_cast %parallel_loop3A_405 : i32 to index
        %parallel_loop3A_534 = arith.constant 160 : index
        %parallel_loop3A_535 = tpu.vector_load %arg6[%parallel_loop3A_533, %parallel_loop3A_534] {strides = array<i32>} : memref<128x256xf32, #tpu.memory_space<vmem>>, vector<1x16xf32>,
        %parallel_loop3A_536 = vector.shape_cast %parallel_loop3A_535 : vector<1x16xf32> to vector<16xf32>
        %parallel_loop3A_537 = vector.shape_cast %parallel_loop3A_532 : vector<16xf32> to vector<1x16xf32>
        tpu.vector_store %arg6[%parallel_loop3A_533, %parallel_loop3A_534], %parallel_loop3A_537 {strides = array<i32>} : memref<128x256xf32, #tpu.memory_space<vmem>>, vector<1x16xf32>,
        %parallel_loop3A_538 = arith.index_cast %parallel_loop3A_405 : i32 to index
        %parallel_loop3A_539 = arith.constant 176 : index
        %parallel_loop3A_540 = tpu.vector_load %arg6[%parallel_loop3A_538, %parallel_loop3A_539] {strides = array<i32>} : memref<128x256xf32, #tpu.memory_space<vmem>>, vector<1x16xf32>,
        %parallel_loop3A_541 = vector.shape_cast %parallel_loop3A_540 : vector<1x16xf32> to vector<16xf32>
        %parallel_loop3A_542 = arith.constant 1.100000e+00 : f32
        %parallel_loop3A_543 = vector.broadcast %parallel_loop3A_542 : f32 to vector<16xf32>
        %parallel_loop3A_544 = arith.mulf %parallel_loop3A_541, %parallel_loop3A_543 : vector<16xf32>
        %parallel_loop3A_545 = arith.index_cast %parallel_loop3A_405 : i32 to index
        %parallel_loop3A_546 = arith.constant 176 : index
        %parallel_loop3A_547 = tpu.vector_load %arg6[%parallel_loop3A_545, %parallel_loop3A_546] {strides = array<i32>} : memref<128x256xf32, #tpu.memory_space<vmem>>, vector<1x16xf32>,
        %parallel_loop3A_548 = vector.shape_cast %parallel_loop3A_547 : vector<1x16xf32> to vector<16xf32>
        %parallel_loop3A_549 = vector.shape_cast %parallel_loop3A_544 : vector<16xf32> to vector<1x16xf32>
        tpu.vector_store %arg6[%parallel_loop3A_545, %parallel_loop3A_546], %parallel_loop3A_549 {strides = array<i32>} : memref<128x256xf32, #tpu.memory_space<vmem>>, vector<1x16xf32>,
        %parallel_loop3A_550 = arith.index_cast %parallel_loop3A_405 : i32 to index
        %parallel_loop3A_551 = arith.constant 192 : index
        %parallel_loop3A_552 = tpu.vector_load %arg6[%parallel_loop3A_550, %parallel_loop3A_551] {strides = array<i32>} : memref<128x256xf32, #tpu.memory_space<vmem>>, vector<1x16xf32>,
        %parallel_loop3A_553 = vector.shape_cast %parallel_loop3A_552 : vector<1x16xf32> to vector<16xf32>
        %parallel_loop3A_554 = arith.constant 1.100000e+00 : f32
        %parallel_loop3A_555 = vector.broadcast %parallel_loop3A_554 : f32 to vector<16xf32>
        %parallel_loop3A_556 = arith.mulf %parallel_loop3A_553, %parallel_loop3A_555 : vector<16xf32>
        %parallel_loop3A_557 = arith.index_cast %parallel_loop3A_405 : i32 to index
        %parallel_loop3A_558 = arith.constant 192 : index
        %parallel_loop3A_559 = tpu.vector_load %arg6[%parallel_loop3A_557, %parallel_loop3A_558] {strides = array<i32>} : memref<128x256xf32, #tpu.memory_space<vmem>>, vector<1x16xf32>,
        %parallel_loop3A_560 = vector.shape_cast %parallel_loop3A_559 : vector<1x16xf32> to vector<16xf32>
        %parallel_loop3A_561 = vector.shape_cast %parallel_loop3A_556 : vector<16xf32> to vector<1x16xf32>
        tpu.vector_store %arg6[%parallel_loop3A_557, %parallel_loop3A_558], %parallel_loop3A_561 {strides = array<i32>} : memref<128x256xf32, #tpu.memory_space<vmem>>, vector<1x16xf32>,
        %parallel_loop3A_562 = arith.index_cast %parallel_loop3A_405 : i32 to index
        %parallel_loop3A_563 = arith.constant 208 : index
        %parallel_loop3A_564 = tpu.vector_load %arg6[%parallel_loop3A_562, %parallel_loop3A_563] {strides = array<i32>} : memref<128x256xf32, #tpu.memory_space<vmem>>, vector<1x16xf32>,
        %parallel_loop3A_565 = vector.shape_cast %parallel_loop3A_564 : vector<1x16xf32> to vector<16xf32>
        %parallel_loop3A_566 = arith.constant 1.100000e+00 : f32
        %parallel_loop3A_567 = vector.broadcast %parallel_loop3A_566 : f32 to vector<16xf32>
        %parallel_loop3A_568 = arith.mulf %parallel_loop3A_565, %parallel_loop3A_567 : vector<16xf32>
        %parallel_loop3A_569 = arith.index_cast %parallel_loop3A_405 : i32 to index
        %parallel_loop3A_570 = arith.constant 208 : index
        %parallel_loop3A_571 = tpu.vector_load %arg6[%parallel_loop3A_569, %parallel_loop3A_570] {strides = array<i32>} : memref<128x256xf32, #tpu.memory_space<vmem>>, vector<1x16xf32>,
        %parallel_loop3A_572 = vector.shape_cast %parallel_loop3A_571 : vector<1x16xf32> to vector<16xf32>
        %parallel_loop3A_573 = vector.shape_cast %parallel_loop3A_568 : vector<16xf32> to vector<1x16xf32>
        tpu.vector_store %arg6[%parallel_loop3A_569, %parallel_loop3A_570], %parallel_loop3A_573 {strides = array<i32>} : memref<128x256xf32, #tpu.memory_space<vmem>>, vector<1x16xf32>,
        %parallel_loop3A_574 = arith.index_cast %parallel_loop3A_405 : i32 to index
        %parallel_loop3A_575 = arith.constant 224 : index
        %parallel_loop3A_576 = tpu.vector_load %arg6[%parallel_loop3A_574, %parallel_loop3A_575] {strides = array<i32>} : memref<128x256xf32, #tpu.memory_space<vmem>>, vector<1x16xf32>,
        %parallel_loop3A_577 = vector.shape_cast %parallel_loop3A_576 : vector<1x16xf32> to vector<16xf32>
        %parallel_loop3A_578 = arith.constant 1.100000e+00 : f32
        %parallel_loop3A_579 = vector.broadcast %parallel_loop3A_578 : f32 to vector<16xf32>
        %parallel_loop3A_580 = arith.mulf %parallel_loop3A_577, %parallel_loop3A_579 : vector<16xf32>
        %parallel_loop3A_581 = arith.index_cast %parallel_loop3A_405 : i32 to index
        %parallel_loop3A_582 = arith.constant 224 : index
        %parallel_loop3A_583 = tpu.vector_load %arg6[%parallel_loop3A_581, %parallel_loop3A_582] {strides = array<i32>} : memref<128x256xf32, #tpu.memory_space<vmem>>, vector<1x16xf32>,
        %parallel_loop3A_584 = vector.shape_cast %parallel_loop3A_583 : vector<1x16xf32> to vector<16xf32>
        %parallel_loop3A_585 = vector.shape_cast %parallel_loop3A_580 : vector<16xf32> to vector<1x16xf32>
        tpu.vector_store %arg6[%parallel_loop3A_581, %parallel_loop3A_582], %parallel_loop3A_585 {strides = array<i32>} : memref<128x256xf32, #tpu.memory_space<vmem>>, vector<1x16xf32>,
        %parallel_loop3A_586 = arith.index_cast %parallel_loop3A_405 : i32 to index
        %parallel_loop3A_587 = arith.constant 240 : index
        %parallel_loop3A_588 = tpu.vector_load %arg6[%parallel_loop3A_586, %parallel_loop3A_587] {strides = array<i32>} : memref<128x256xf32, #tpu.memory_space<vmem>>, vector<1x16xf32>,
        %parallel_loop3A_589 = vector.shape_cast %parallel_loop3A_588 : vector<1x16xf32> to vector<16xf32>
        %parallel_loop3A_590 = arith.constant 1.100000e+00 : f32
        %parallel_loop3A_591 = vector.broadcast %parallel_loop3A_590 : f32 to vector<16xf32>
        %parallel_loop3A_592 = arith.mulf %parallel_loop3A_589, %parallel_loop3A_591 : vector<16xf32>
        %parallel_loop3A_593 = arith.index_cast %parallel_loop3A_405 : i32 to index
        %parallel_loop3A_594 = arith.constant 240 : index
        %parallel_loop3A_595 = tpu.vector_load %arg6[%parallel_loop3A_593, %parallel_loop3A_594] {strides = array<i32>} : memref<128x256xf32, #tpu.memory_space<vmem>>, vector<1x16xf32>,
        %parallel_loop3A_596 = vector.shape_cast %parallel_loop3A_595 : vector<1x16xf32> to vector<16xf32>
        %parallel_loop3A_597 = vector.shape_cast %parallel_loop3A_592 : vector<16xf32> to vector<1x16xf32>
        tpu.vector_store %arg6[%parallel_loop3A_593, %parallel_loop3A_594], %parallel_loop3A_597 {strides = array<i32>} : memref<128x256xf32, #tpu.memory_space<vmem>>, vector<1x16xf32>,
      } {sc.loop_unroll_factor = 2 : i64, sc.parallel_access}
    } else {
    }
    %gt3A_126 = arith.constant 32 : i32
    %gt3A_127 = arith.cmpi sgt, %squeeze3A_115, %gt3A_126 : i32
    %convert_element_type3A_128 = arith.extui %gt3A_127 : i1 to i32
    %cond3A_129 = arith.constant 0 : i32
    %cond3A_130 = arith.cmpi ne, %convert_element_type3A_128, %cond3A_129 : i32
    scf.if %cond3A_130 {
      %parallel_loop3A = arith.constant 32 : i32
      %parallel_loop3A_403 = arith.constant 48 : i32
      %parallel_loop3A_404 = arith.constant 1 : i32
      scf.for %parallel_loop3A_405 = %parallel_loop3A to %parallel_loop3A_403 step %parallel_loop3A_404  : i32 {
        %parallel_loop3A_406 = arith.index_cast %parallel_loop3A_405 : i32 to index
        %parallel_loop3A_407 = arith.constant 0 : index
        %parallel_loop3A_408 = tpu.vector_load %arg6[%parallel_loop3A_406, %parallel_loop3A_407] {strides = array<i32>} : memref<128x256xf32, #tpu.memory_space<vmem>>, vector<1x16xf32>,
        %parallel_loop3A_409 = vector.shape_cast %parallel_loop3A_408 : vector<1x16xf32> to vector<16xf32>
        %parallel_loop3A_410 = arith.constant 1.100000e+00 : f32
        %parallel_loop3A_411 = vector.broadcast %parallel_loop3A_410 : f32 to vector<16xf32>
        %parallel_loop3A_412 = arith.mulf %parallel_loop3A_409, %parallel_loop3A_411 : vector<16xf32>
        %parallel_loop3A_413 = arith.index_cast %parallel_loop3A_405 : i32 to index
        %parallel_loop3A_414 = arith.constant 0 : index
        %parallel_loop3A_415 = tpu.vector_load %arg6[%parallel_loop3A_413, %parallel_loop3A_414] {strides = array<i32>} : memref<128x256xf32, #tpu.memory_space<vmem>>, vector<1x16xf32>,
        %parallel_loop3A_416 = vector.shape_cast %parallel_loop3A_415 : vector<1x16xf32> to vector<16xf32>
        %parallel_loop3A_417 = vector.shape_cast %parallel_loop3A_412 : vector<16xf32> to vector<1x16xf32>
        tpu.vector_store %arg6[%parallel_loop3A_413, %parallel_loop3A_414], %parallel_loop3A_417 {strides = array<i32>} : memref<128x256xf32, #tpu.memory_space<vmem>>, vector<1x16xf32>,
        %parallel_loop3A_418 = arith.index_cast %parallel_loop3A_405 : i32 to index
        %parallel_loop3A_419 = arith.constant 16 : index
        %parallel_loop3A_420 = tpu.vector_load %arg6[%parallel_loop3A_418, %parallel_loop3A_419] {strides = array<i32>} : memref<128x256xf32, #tpu.memory_space<vmem>>, vector<1x16xf32>,
        %parallel_loop3A_421 = vector.shape_cast %parallel_loop3A_420 : vector<1x16xf32> to vector<16xf32>
        %parallel_loop3A_422 = arith.constant 1.100000e+00 : f32
        %parallel_loop3A_423 = vector.broadcast %parallel_loop3A_422 : f32 to vector<16xf32>
        %parallel_loop3A_424 = arith.mulf %parallel_loop3A_421, %parallel_loop3A_423 : vector<16xf32>
        %parallel_loop3A_425 = arith.index_cast %parallel_loop3A_405 : i32 to index
        %parallel_loop3A_426 = arith.constant 16 : index
        %parallel_loop3A_427 = tpu.vector_load %arg6[%parallel_loop3A_425, %parallel_loop3A_426] {strides = array<i32>} : memref<128x256xf32, #tpu.memory_space<vmem>>, vector<1x16xf32>,
        %parallel_loop3A_428 = vector.shape_cast %parallel_loop3A_427 : vector<1x16xf32> to vector<16xf32>
        %parallel_loop3A_429 = vector.shape_cast %parallel_loop3A_424 : vector<16xf32> to vector<1x16xf32>
        tpu.vector_store %arg6[%parallel_loop3A_425, %parallel_loop3A_426], %parallel_loop3A_429 {strides = array<i32>} : memref<128x256xf32, #tpu.memory_space<vmem>>, vector<1x16xf32>,
        %parallel_loop3A_430 = arith.index_cast %parallel_loop3A_405 : i32 to index
        %parallel_loop3A_431 = arith.constant 32 : index
        %parallel_loop3A_432 = tpu.vector_load %arg6[%parallel_loop3A_430, %parallel_loop3A_431] {strides = array<i32>} : memref<128x256xf32, #tpu.memory_space<vmem>>, vector<1x16xf32>,
        %parallel_loop3A_433 = vector.shape_cast %parallel_loop3A_432 : vector<1x16xf32> to vector<16xf32>
        %parallel_loop3A_434 = arith.constant 1.100000e+00 : f32
        %parallel_loop3A_435 = vector.broadcast %parallel_loop3A_434 : f32 to vector<16xf32>
        %parallel_loop3A_436 = arith.mulf %parallel_loop3A_433, %parallel_loop3A_435 : vector<16xf32>
        %parallel_loop3A_437 = arith.index_cast %parallel_loop3A_405 : i32 to index
        %parallel_loop3A_438 = arith.constant 32 : index
        %parallel_loop3A_439 = tpu.vector_load %arg6[%parallel_loop3A_437, %parallel_loop3A_438] {strides = array<i32>} : memref<128x256xf32, #tpu.memory_space<vmem>>, vector<1x16xf32>,
        %parallel_loop3A_440 = vector.shape_cast %parallel_loop3A_439 : vector<1x16xf32> to vector<16xf32>
        %parallel_loop3A_441 = vector.shape_cast %parallel_loop3A_436 : vector<16xf32> to vector<1x16xf32>
        tpu.vector_store %arg6[%parallel_loop3A_437, %parallel_loop3A_438], %parallel_loop3A_441 {strides = array<i32>} : memref<128x256xf32, #tpu.memory_space<vmem>>, vector<1x16xf32>,
        %parallel_loop3A_442 = arith.index_cast %parallel_loop3A_405 : i32 to index
        %parallel_loop3A_443 = arith.constant 48 : index
        %parallel_loop3A_444 = tpu.vector_load %arg6[%parallel_loop3A_442, %parallel_loop3A_443] {strides = array<i32>} : memref<128x256xf32, #tpu.memory_space<vmem>>, vector<1x16xf32>,
        %parallel_loop3A_445 = vector.shape_cast %parallel_loop3A_444 : vector<1x16xf32> to vector<16xf32>
        %parallel_loop3A_446 = arith.constant 1.100000e+00 : f32
        %parallel_loop3A_447 = vector.broadcast %parallel_loop3A_446 : f32 to vector<16xf32>
        %parallel_loop3A_448 = arith.mulf %parallel_loop3A_445, %parallel_loop3A_447 : vector<16xf32>
        %parallel_loop3A_449 = arith.index_cast %parallel_loop3A_405 : i32 to index
        %parallel_loop3A_450 = arith.constant 48 : index
        %parallel_loop3A_451 = tpu.vector_load %arg6[%parallel_loop3A_449, %parallel_loop3A_450] {strides = array<i32>} : memref<128x256xf32, #tpu.memory_space<vmem>>, vector<1x16xf32>,
        %parallel_loop3A_452 = vector.shape_cast %parallel_loop3A_451 : vector<1x16xf32> to vector<16xf32>
        %parallel_loop3A_453 = vector.shape_cast %parallel_loop3A_448 : vector<16xf32> to vector<1x16xf32>
        tpu.vector_store %arg6[%parallel_loop3A_449, %parallel_loop3A_450], %parallel_loop3A_453 {strides = array<i32>} : memref<128x256xf32, #tpu.memory_space<vmem>>, vector<1x16xf32>,
        %parallel_loop3A_454 = arith.index_cast %parallel_loop3A_405 : i32 to index
        %parallel_loop3A_455 = arith.constant 64 : index
        %parallel_loop3A_456 = tpu.vector_load %arg6[%parallel_loop3A_454, %parallel_loop3A_455] {strides = array<i32>} : memref<128x256xf32, #tpu.memory_space<vmem>>, vector<1x16xf32>,
        %parallel_loop3A_457 = vector.shape_cast %parallel_loop3A_456 : vector<1x16xf32> to vector<16xf32>
        %parallel_loop3A_458 = arith.constant 1.100000e+00 : f32
        %parallel_loop3A_459 = vector.broadcast %parallel_loop3A_458 : f32 to vector<16xf32>
        %parallel_loop3A_460 = arith.mulf %parallel_loop3A_457, %parallel_loop3A_459 : vector<16xf32>
        %parallel_loop3A_461 = arith.index_cast %parallel_loop3A_405 : i32 to index
        %parallel_loop3A_462 = arith.constant 64 : index
        %parallel_loop3A_463 = tpu.vector_load %arg6[%parallel_loop3A_461, %parallel_loop3A_462] {strides = array<i32>} : memref<128x256xf32, #tpu.memory_space<vmem>>, vector<1x16xf32>,
        %parallel_loop3A_464 = vector.shape_cast %parallel_loop3A_463 : vector<1x16xf32> to vector<16xf32>
        %parallel_loop3A_465 = vector.shape_cast %parallel_loop3A_460 : vector<16xf32> to vector<1x16xf32>
        tpu.vector_store %arg6[%parallel_loop3A_461, %parallel_loop3A_462], %parallel_loop3A_465 {strides = array<i32>} : memref<128x256xf32, #tpu.memory_space<vmem>>, vector<1x16xf32>,
        %parallel_loop3A_466 = arith.index_cast %parallel_loop3A_405 : i32 to index
        %parallel_loop3A_467 = arith.constant 80 : index
        %parallel_loop3A_468 = tpu.vector_load %arg6[%parallel_loop3A_466, %parallel_loop3A_467] {strides = array<i32>} : memref<128x256xf32, #tpu.memory_space<vmem>>, vector<1x16xf32>,
        %parallel_loop3A_469 = vector.shape_cast %parallel_loop3A_468 : vector<1x16xf32> to vector<16xf32>
        %parallel_loop3A_470 = arith.constant 1.100000e+00 : f32
        %parallel_loop3A_471 = vector.broadcast %parallel_loop3A_470 : f32 to vector<16xf32>
        %parallel_loop3A_472 = arith.mulf %parallel_loop3A_469, %parallel_loop3A_471 : vector<16xf32>
        %parallel_loop3A_473 = arith.index_cast %parallel_loop3A_405 : i32 to index
        %parallel_loop3A_474 = arith.constant 80 : index
        %parallel_loop3A_475 = tpu.vector_load %arg6[%parallel_loop3A_473, %parallel_loop3A_474] {strides = array<i32>} : memref<128x256xf32, #tpu.memory_space<vmem>>, vector<1x16xf32>,
        %parallel_loop3A_476 = vector.shape_cast %parallel_loop3A_475 : vector<1x16xf32> to vector<16xf32>
        %parallel_loop3A_477 = vector.shape_cast %parallel_loop3A_472 : vector<16xf32> to vector<1x16xf32>
        tpu.vector_store %arg6[%parallel_loop3A_473, %parallel_loop3A_474], %parallel_loop3A_477 {strides = array<i32>} : memref<128x256xf32, #tpu.memory_space<vmem>>, vector<1x16xf32>,
        %parallel_loop3A_478 = arith.index_cast %parallel_loop3A_405 : i32 to index
        %parallel_loop3A_479 = arith.constant 96 : index
        %parallel_loop3A_480 = tpu.vector_load %arg6[%parallel_loop3A_478, %parallel_loop3A_479] {strides = array<i32>} : memref<128x256xf32, #tpu.memory_space<vmem>>, vector<1x16xf32>,
        %parallel_loop3A_481 = vector.shape_cast %parallel_loop3A_480 : vector<1x16xf32> to vector<16xf32>
        %parallel_loop3A_482 = arith.constant 1.100000e+00 : f32
        %parallel_loop3A_483 = vector.broadcast %parallel_loop3A_482 : f32 to vector<16xf32>
        %parallel_loop3A_484 = arith.mulf %parallel_loop3A_481, %parallel_loop3A_483 : vector<16xf32>
        %parallel_loop3A_485 = arith.index_cast %parallel_loop3A_405 : i32 to index
        %parallel_loop3A_486 = arith.constant 96 : index
        %parallel_loop3A_487 = tpu.vector_load %arg6[%parallel_loop3A_485, %parallel_loop3A_486] {strides = array<i32>} : memref<128x256xf32, #tpu.memory_space<vmem>>, vector<1x16xf32>,
        %parallel_loop3A_488 = vector.shape_cast %parallel_loop3A_487 : vector<1x16xf32> to vector<16xf32>
        %parallel_loop3A_489 = vector.shape_cast %parallel_loop3A_484 : vector<16xf32> to vector<1x16xf32>
        tpu.vector_store %arg6[%parallel_loop3A_485, %parallel_loop3A_486], %parallel_loop3A_489 {strides = array<i32>} : memref<128x256xf32, #tpu.memory_space<vmem>>, vector<1x16xf32>,
        %parallel_loop3A_490 = arith.index_cast %parallel_loop3A_405 : i32 to index
        %parallel_loop3A_491 = arith.constant 112 : index
        %parallel_loop3A_492 = tpu.vector_load %arg6[%parallel_loop3A_490, %parallel_loop3A_491] {strides = array<i32>} : memref<128x256xf32, #tpu.memory_space<vmem>>, vector<1x16xf32>,
        %parallel_loop3A_493 = vector.shape_cast %parallel_loop3A_492 : vector<1x16xf32> to vector<16xf32>
        %parallel_loop3A_494 = arith.constant 1.100000e+00 : f32
        %parallel_loop3A_495 = vector.broadcast %parallel_loop3A_494 : f32 to vector<16xf32>
        %parallel_loop3A_496 = arith.mulf %parallel_loop3A_493, %parallel_loop3A_495 : vector<16xf32>
        %parallel_loop3A_497 = arith.index_cast %parallel_loop3A_405 : i32 to index
        %parallel_loop3A_498 = arith.constant 112 : index
        %parallel_loop3A_499 = tpu.vector_load %arg6[%parallel_loop3A_497, %parallel_loop3A_498] {strides = array<i32>} : memref<128x256xf32, #tpu.memory_space<vmem>>, vector<1x16xf32>,
        %parallel_loop3A_500 = vector.shape_cast %parallel_loop3A_499 : vector<1x16xf32> to vector<16xf32>
        %parallel_loop3A_501 = vector.shape_cast %parallel_loop3A_496 : vector<16xf32> to vector<1x16xf32>
        tpu.vector_store %arg6[%parallel_loop3A_497, %parallel_loop3A_498], %parallel_loop3A_501 {strides = array<i32>} : memref<128x256xf32, #tpu.memory_space<vmem>>, vector<1x16xf32>,
        %parallel_loop3A_502 = arith.index_cast %parallel_loop3A_405 : i32 to index
        %parallel_loop3A_503 = arith.constant 128 : index
        %parallel_loop3A_504 = tpu.vector_load %arg6[%parallel_loop3A_502, %parallel_loop3A_503] {strides = array<i32>} : memref<128x256xf32, #tpu.memory_space<vmem>>, vector<1x16xf32>,
        %parallel_loop3A_505 = vector.shape_cast %parallel_loop3A_504 : vector<1x16xf32> to vector<16xf32>
        %parallel_loop3A_506 = arith.constant 1.100000e+00 : f32
        %parallel_loop3A_507 = vector.broadcast %parallel_loop3A_506 : f32 to vector<16xf32>
        %parallel_loop3A_508 = arith.mulf %parallel_loop3A_505, %parallel_loop3A_507 : vector<16xf32>
        %parallel_loop3A_509 = arith.index_cast %parallel_loop3A_405 : i32 to index
        %parallel_loop3A_510 = arith.constant 128 : index
        %parallel_loop3A_511 = tpu.vector_load %arg6[%parallel_loop3A_509, %parallel_loop3A_510] {strides = array<i32>} : memref<128x256xf32, #tpu.memory_space<vmem>>, vector<1x16xf32>,
        %parallel_loop3A_512 = vector.shape_cast %parallel_loop3A_511 : vector<1x16xf32> to vector<16xf32>
        %parallel_loop3A_513 = vector.shape_cast %parallel_loop3A_508 : vector<16xf32> to vector<1x16xf32>
        tpu.vector_store %arg6[%parallel_loop3A_509, %parallel_loop3A_510], %parallel_loop3A_513 {strides = array<i32>} : memref<128x256xf32, #tpu.memory_space<vmem>>, vector<1x16xf32>,
        %parallel_loop3A_514 = arith.index_cast %parallel_loop3A_405 : i32 to index
        %parallel_loop3A_515 = arith.constant 144 : index
        %parallel_loop3A_516 = tpu.vector_load %arg6[%parallel_loop3A_514, %parallel_loop3A_515] {strides = array<i32>} : memref<128x256xf32, #tpu.memory_space<vmem>>, vector<1x16xf32>,
        %parallel_loop3A_517 = vector.shape_cast %parallel_loop3A_516 : vector<1x16xf32> to vector<16xf32>
        %parallel_loop3A_518 = arith.constant 1.100000e+00 : f32
        %parallel_loop3A_519 = vector.broadcast %parallel_loop3A_518 : f32 to vector<16xf32>
        %parallel_loop3A_520 = arith.mulf %parallel_loop3A_517, %parallel_loop3A_519 : vector<16xf32>
        %parallel_loop3A_521 = arith.index_cast %parallel_loop3A_405 : i32 to index
        %parallel_loop3A_522 = arith.constant 144 : index
        %parallel_loop3A_523 = tpu.vector_load %arg6[%parallel_loop3A_521, %parallel_loop3A_522] {strides = array<i32>} : memref<128x256xf32, #tpu.memory_space<vmem>>, vector<1x16xf32>,
        %parallel_loop3A_524 = vector.shape_cast %parallel_loop3A_523 : vector<1x16xf32> to vector<16xf32>
        %parallel_loop3A_525 = vector.shape_cast %parallel_loop3A_520 : vector<16xf32> to vector<1x16xf32>
        tpu.vector_store %arg6[%parallel_loop3A_521, %parallel_loop3A_522], %parallel_loop3A_525 {strides = array<i32>} : memref<128x256xf32, #tpu.memory_space<vmem>>, vector<1x16xf32>,
        %parallel_loop3A_526 = arith.index_cast %parallel_loop3A_405 : i32 to index
        %parallel_loop3A_527 = arith.constant 160 : index
        %parallel_loop3A_528 = tpu.vector_load %arg6[%parallel_loop3A_526, %parallel_loop3A_527] {strides = array<i32>} : memref<128x256xf32, #tpu.memory_space<vmem>>, vector<1x16xf32>,
        %parallel_loop3A_529 = vector.shape_cast %parallel_loop3A_528 : vector<1x16xf32> to vector<16xf32>
        %parallel_loop3A_530 = arith.constant 1.100000e+00 : f32
        %parallel_loop3A_531 = vector.broadcast %parallel_loop3A_530 : f32 to vector<16xf32>
        %parallel_loop3A_532 = arith.mulf %parallel_loop3A_529, %parallel_loop3A_531 : vector<16xf32>
        %parallel_loop3A_533 = arith.index_cast %parallel_loop3A_405 : i32 to index
        %parallel_loop3A_534 = arith.constant 160 : index
        %parallel_loop3A_535 = tpu.vector_load %arg6[%parallel_loop3A_533, %parallel_loop3A_534] {strides = array<i32>} : memref<128x256xf32, #tpu.memory_space<vmem>>, vector<1x16xf32>,
        %parallel_loop3A_536 = vector.shape_cast %parallel_loop3A_535 : vector<1x16xf32> to vector<16xf32>
        %parallel_loop3A_537 = vector.shape_cast %parallel_loop3A_532 : vector<16xf32> to vector<1x16xf32>
        tpu.vector_store %arg6[%parallel_loop3A_533, %parallel_loop3A_534], %parallel_loop3A_537 {strides = array<i32>} : memref<128x256xf32, #tpu.memory_space<vmem>>, vector<1x16xf32>,
        %parallel_loop3A_538 = arith.index_cast %parallel_loop3A_405 : i32 to index
        %parallel_loop3A_539 = arith.constant 176 : index
        %parallel_loop3A_540 = tpu.vector_load %arg6[%parallel_loop3A_538, %parallel_loop3A_539] {strides = array<i32>} : memref<128x256xf32, #tpu.memory_space<vmem>>, vector<1x16xf32>,
        %parallel_loop3A_541 = vector.shape_cast %parallel_loop3A_540 : vector<1x16xf32> to vector<16xf32>
        %parallel_loop3A_542 = arith.constant 1.100000e+00 : f32
        %parallel_loop3A_543 = vector.broadcast %parallel_loop3A_542 : f32 to vector<16xf32>
        %parallel_loop3A_544 = arith.mulf %parallel_loop3A_541, %parallel_loop3A_543 : vector<16xf32>
        %parallel_loop3A_545 = arith.index_cast %parallel_loop3A_405 : i32 to index
        %parallel_loop3A_546 = arith.constant 176 : index
        %parallel_loop3A_547 = tpu.vector_load %arg6[%parallel_loop3A_545, %parallel_loop3A_546] {strides = array<i32>} : memref<128x256xf32, #tpu.memory_space<vmem>>, vector<1x16xf32>,
        %parallel_loop3A_548 = vector.shape_cast %parallel_loop3A_547 : vector<1x16xf32> to vector<16xf32>
        %parallel_loop3A_549 = vector.shape_cast %parallel_loop3A_544 : vector<16xf32> to vector<1x16xf32>
        tpu.vector_store %arg6[%parallel_loop3A_545, %parallel_loop3A_546], %parallel_loop3A_549 {strides = array<i32>} : memref<128x256xf32, #tpu.memory_space<vmem>>, vector<1x16xf32>,
        %parallel_loop3A_550 = arith.index_cast %parallel_loop3A_405 : i32 to index
        %parallel_loop3A_551 = arith.constant 192 : index
        %parallel_loop3A_552 = tpu.vector_load %arg6[%parallel_loop3A_550, %parallel_loop3A_551] {strides = array<i32>} : memref<128x256xf32, #tpu.memory_space<vmem>>, vector<1x16xf32>,
        %parallel_loop3A_553 = vector.shape_cast %parallel_loop3A_552 : vector<1x16xf32> to vector<16xf32>
        %parallel_loop3A_554 = arith.constant 1.100000e+00 : f32
        %parallel_loop3A_555 = vector.broadcast %parallel_loop3A_554 : f32 to vector<16xf32>
        %parallel_loop3A_556 = arith.mulf %parallel_loop3A_553, %parallel_loop3A_555 : vector<16xf32>
        %parallel_loop3A_557 = arith.index_cast %parallel_loop3A_405 : i32 to index
        %parallel_loop3A_558 = arith.constant 192 : index
        %parallel_loop3A_559 = tpu.vector_load %arg6[%parallel_loop3A_557, %parallel_loop3A_558] {strides = array<i32>} : memref<128x256xf32, #tpu.memory_space<vmem>>, vector<1x16xf32>,
        %parallel_loop3A_560 = vector.shape_cast %parallel_loop3A_559 : vector<1x16xf32> to vector<16xf32>
        %parallel_loop3A_561 = vector.shape_cast %parallel_loop3A_556 : vector<16xf32> to vector<1x16xf32>
        tpu.vector_store %arg6[%parallel_loop3A_557, %parallel_loop3A_558], %parallel_loop3A_561 {strides = array<i32>} : memref<128x256xf32, #tpu.memory_space<vmem>>, vector<1x16xf32>,
        %parallel_loop3A_562 = arith.index_cast %parallel_loop3A_405 : i32 to index
        %parallel_loop3A_563 = arith.constant 208 : index
        %parallel_loop3A_564 = tpu.vector_load %arg6[%parallel_loop3A_562, %parallel_loop3A_563] {strides = array<i32>} : memref<128x256xf32, #tpu.memory_space<vmem>>, vector<1x16xf32>,
        %parallel_loop3A_565 = vector.shape_cast %parallel_loop3A_564 : vector<1x16xf32> to vector<16xf32>
        %parallel_loop3A_566 = arith.constant 1.100000e+00 : f32
        %parallel_loop3A_567 = vector.broadcast %parallel_loop3A_566 : f32 to vector<16xf32>
        %parallel_loop3A_568 = arith.mulf %parallel_loop3A_565, %parallel_loop3A_567 : vector<16xf32>
        %parallel_loop3A_569 = arith.index_cast %parallel_loop3A_405 : i32 to index
        %parallel_loop3A_570 = arith.constant 208 : index
        %parallel_loop3A_571 = tpu.vector_load %arg6[%parallel_loop3A_569, %parallel_loop3A_570] {strides = array<i32>} : memref<128x256xf32, #tpu.memory_space<vmem>>, vector<1x16xf32>,
        %parallel_loop3A_572 = vector.shape_cast %parallel_loop3A_571 : vector<1x16xf32> to vector<16xf32>
        %parallel_loop3A_573 = vector.shape_cast %parallel_loop3A_568 : vector<16xf32> to vector<1x16xf32>
        tpu.vector_store %arg6[%parallel_loop3A_569, %parallel_loop3A_570], %parallel_loop3A_573 {strides = array<i32>} : memref<128x256xf32, #tpu.memory_space<vmem>>, vector<1x16xf32>,
        %parallel_loop3A_574 = arith.index_cast %parallel_loop3A_405 : i32 to index
        %parallel_loop3A_575 = arith.constant 224 : index
        %parallel_loop3A_576 = tpu.vector_load %arg6[%parallel_loop3A_574, %parallel_loop3A_575] {strides = array<i32>} : memref<128x256xf32, #tpu.memory_space<vmem>>, vector<1x16xf32>,
        %parallel_loop3A_577 = vector.shape_cast %parallel_loop3A_576 : vector<1x16xf32> to vector<16xf32>
        %parallel_loop3A_578 = arith.constant 1.100000e+00 : f32
        %parallel_loop3A_579 = vector.broadcast %parallel_loop3A_578 : f32 to vector<16xf32>
        %parallel_loop3A_580 = arith.mulf %parallel_loop3A_577, %parallel_loop3A_579 : vector<16xf32>
        %parallel_loop3A_581 = arith.index_cast %parallel_loop3A_405 : i32 to index
        %parallel_loop3A_582 = arith.constant 224 : index
        %parallel_loop3A_583 = tpu.vector_load %arg6[%parallel_loop3A_581, %parallel_loop3A_582] {strides = array<i32>} : memref<128x256xf32, #tpu.memory_space<vmem>>, vector<1x16xf32>,
        %parallel_loop3A_584 = vector.shape_cast %parallel_loop3A_583 : vector<1x16xf32> to vector<16xf32>
        %parallel_loop3A_585 = vector.shape_cast %parallel_loop3A_580 : vector<16xf32> to vector<1x16xf32>
        tpu.vector_store %arg6[%parallel_loop3A_581, %parallel_loop3A_582], %parallel_loop3A_585 {strides = array<i32>} : memref<128x256xf32, #tpu.memory_space<vmem>>, vector<1x16xf32>,
        %parallel_loop3A_586 = arith.index_cast %parallel_loop3A_405 : i32 to index
        %parallel_loop3A_587 = arith.constant 240 : index
        %parallel_loop3A_588 = tpu.vector_load %arg6[%parallel_loop3A_586, %parallel_loop3A_587] {strides = array<i32>} : memref<128x256xf32, #tpu.memory_space<vmem>>, vector<1x16xf32>,
        %parallel_loop3A_589 = vector.shape_cast %parallel_loop3A_588 : vector<1x16xf32> to vector<16xf32>
        %parallel_loop3A_590 = arith.constant 1.100000e+00 : f32
        %parallel_loop3A_591 = vector.broadcast %parallel_loop3A_590 : f32 to vector<16xf32>
        %parallel_loop3A_592 = arith.mulf %parallel_loop3A_589, %parallel_loop3A_591 : vector<16xf32>
        %parallel_loop3A_593 = arith.index_cast %parallel_loop3A_405 : i32 to index
        %parallel_loop3A_594 = arith.constant 240 : index
        %parallel_loop3A_595 = tpu.vector_load %arg6[%parallel_loop3A_593, %parallel_loop3A_594] {strides = array<i32>} : memref<128x256xf32, #tpu.memory_space<vmem>>, vector<1x16xf32>,
        %parallel_loop3A_596 = vector.shape_cast %parallel_loop3A_595 : vector<1x16xf32> to vector<16xf32>
        %parallel_loop3A_597 = vector.shape_cast %parallel_loop3A_592 : vector<16xf32> to vector<1x16xf32>
        tpu.vector_store %arg6[%parallel_loop3A_593, %parallel_loop3A_594], %parallel_loop3A_597 {strides = array<i32>} : memref<128x256xf32, #tpu.memory_space<vmem>>, vector<1x16xf32>,
      } {sc.loop_unroll_factor = 2 : i64, sc.parallel_access}
    } else {
    }
    %gt3A_131 = arith.constant 48 : i32
    %gt3A_132 = arith.cmpi sgt, %squeeze3A_115, %gt3A_131 : i32
    %convert_element_type3A_133 = arith.extui %gt3A_132 : i1 to i32
    %cond3A_134 = arith.constant 0 : i32
    %cond3A_135 = arith.cmpi ne, %convert_element_type3A_133, %cond3A_134 : i32
    scf.if %cond3A_135 {
      %parallel_loop3A = arith.constant 48 : i32
      %parallel_loop3A_403 = arith.constant 64 : i32
      %parallel_loop3A_404 = arith.constant 1 : i32
      scf.for %parallel_loop3A_405 = %parallel_loop3A to %parallel_loop3A_403 step %parallel_loop3A_404  : i32 {
        %parallel_loop3A_406 = arith.index_cast %parallel_loop3A_405 : i32 to index
        %parallel_loop3A_407 = arith.constant 0 : index
        %parallel_loop3A_408 = tpu.vector_load %arg6[%parallel_loop3A_406, %parallel_loop3A_407] {strides = array<i32>} : memref<128x256xf32, #tpu.memory_space<vmem>>, vector<1x16xf32>,
        %parallel_loop3A_409 = vector.shape_cast %parallel_loop3A_408 : vector<1x16xf32> to vector<16xf32>
        %parallel_loop3A_410 = arith.constant 1.100000e+00 : f32
        %parallel_loop3A_411 = vector.broadcast %parallel_loop3A_410 : f32 to vector<16xf32>
        %parallel_loop3A_412 = arith.mulf %parallel_loop3A_409, %parallel_loop3A_411 : vector<16xf32>
        %parallel_loop3A_413 = arith.index_cast %parallel_loop3A_405 : i32 to index
        %parallel_loop3A_414 = arith.constant 0 : index
        %parallel_loop3A_415 = tpu.vector_load %arg6[%parallel_loop3A_413, %parallel_loop3A_414] {strides = array<i32>} : memref<128x256xf32, #tpu.memory_space<vmem>>, vector<1x16xf32>,
        %parallel_loop3A_416 = vector.shape_cast %parallel_loop3A_415 : vector<1x16xf32> to vector<16xf32>
        %parallel_loop3A_417 = vector.shape_cast %parallel_loop3A_412 : vector<16xf32> to vector<1x16xf32>
        tpu.vector_store %arg6[%parallel_loop3A_413, %parallel_loop3A_414], %parallel_loop3A_417 {strides = array<i32>} : memref<128x256xf32, #tpu.memory_space<vmem>>, vector<1x16xf32>,
        %parallel_loop3A_418 = arith.index_cast %parallel_loop3A_405 : i32 to index
        %parallel_loop3A_419 = arith.constant 16 : index
        %parallel_loop3A_420 = tpu.vector_load %arg6[%parallel_loop3A_418, %parallel_loop3A_419] {strides = array<i32>} : memref<128x256xf32, #tpu.memory_space<vmem>>, vector<1x16xf32>,
        %parallel_loop3A_421 = vector.shape_cast %parallel_loop3A_420 : vector<1x16xf32> to vector<16xf32>
        %parallel_loop3A_422 = arith.constant 1.100000e+00 : f32
        %parallel_loop3A_423 = vector.broadcast %parallel_loop3A_422 : f32 to vector<16xf32>
        %parallel_loop3A_424 = arith.mulf %parallel_loop3A_421, %parallel_loop3A_423 : vector<16xf32>
        %parallel_loop3A_425 = arith.index_cast %parallel_loop3A_405 : i32 to index
        %parallel_loop3A_426 = arith.constant 16 : index
        %parallel_loop3A_427 = tpu.vector_load %arg6[%parallel_loop3A_425, %parallel_loop3A_426] {strides = array<i32>} : memref<128x256xf32, #tpu.memory_space<vmem>>, vector<1x16xf32>,
        %parallel_loop3A_428 = vector.shape_cast %parallel_loop3A_427 : vector<1x16xf32> to vector<16xf32>
        %parallel_loop3A_429 = vector.shape_cast %parallel_loop3A_424 : vector<16xf32> to vector<1x16xf32>
        tpu.vector_store %arg6[%parallel_loop3A_425, %parallel_loop3A_426], %parallel_loop3A_429 {strides = array<i32>} : memref<128x256xf32, #tpu.memory_space<vmem>>, vector<1x16xf32>,
        %parallel_loop3A_430 = arith.index_cast %parallel_loop3A_405 : i32 to index
        %parallel_loop3A_431 = arith.constant 32 : index
        %parallel_loop3A_432 = tpu.vector_load %arg6[%parallel_loop3A_430, %parallel_loop3A_431] {strides = array<i32>} : memref<128x256xf32, #tpu.memory_space<vmem>>, vector<1x16xf32>,
        %parallel_loop3A_433 = vector.shape_cast %parallel_loop3A_432 : vector<1x16xf32> to vector<16xf32>
        %parallel_loop3A_434 = arith.constant 1.100000e+00 : f32
        %parallel_loop3A_435 = vector.broadcast %parallel_loop3A_434 : f32 to vector<16xf32>
        %parallel_loop3A_436 = arith.mulf %parallel_loop3A_433, %parallel_loop3A_435 : vector<16xf32>
        %parallel_loop3A_437 = arith.index_cast %parallel_loop3A_405 : i32 to index
        %parallel_loop3A_438 = arith.constant 32 : index
        %parallel_loop3A_439 = tpu.vector_load %arg6[%parallel_loop3A_437, %parallel_loop3A_438] {strides = array<i32>} : memref<128x256xf32, #tpu.memory_space<vmem>>, vector<1x16xf32>,
        %parallel_loop3A_440 = vector.shape_cast %parallel_loop3A_439 : vector<1x16xf32> to vector<16xf32>
        %parallel_loop3A_441 = vector.shape_cast %parallel_loop3A_436 : vector<16xf32> to vector<1x16xf32>
        tpu.vector_store %arg6[%parallel_loop3A_437, %parallel_loop3A_438], %parallel_loop3A_441 {strides = array<i32>} : memref<128x256xf32, #tpu.memory_space<vmem>>, vector<1x16xf32>,
        %parallel_loop3A_442 = arith.index_cast %parallel_loop3A_405 : i32 to index
        %parallel_loop3A_443 = arith.constant 48 : index
        %parallel_loop3A_444 = tpu.vector_load %arg6[%parallel_loop3A_442, %parallel_loop3A_443] {strides = array<i32>} : memref<128x256xf32, #tpu.memory_space<vmem>>, vector<1x16xf32>,
        %parallel_loop3A_445 = vector.shape_cast %parallel_loop3A_444 : vector<1x16xf32> to vector<16xf32>
        %parallel_loop3A_446 = arith.constant 1.100000e+00 : f32
        %parallel_loop3A_447 = vector.broadcast %parallel_loop3A_446 : f32 to vector<16xf32>
        %parallel_loop3A_448 = arith.mulf %parallel_loop3A_445, %parallel_loop3A_447 : vector<16xf32>
        %parallel_loop3A_449 = arith.index_cast %parallel_loop3A_405 : i32 to index
        %parallel_loop3A_450 = arith.constant 48 : index
        %parallel_loop3A_451 = tpu.vector_load %arg6[%parallel_loop3A_449, %parallel_loop3A_450] {strides = array<i32>} : memref<128x256xf32, #tpu.memory_space<vmem>>, vector<1x16xf32>,
        %parallel_loop3A_452 = vector.shape_cast %parallel_loop3A_451 : vector<1x16xf32> to vector<16xf32>
        %parallel_loop3A_453 = vector.shape_cast %parallel_loop3A_448 : vector<16xf32> to vector<1x16xf32>
        tpu.vector_store %arg6[%parallel_loop3A_449, %parallel_loop3A_450], %parallel_loop3A_453 {strides = array<i32>} : memref<128x256xf32, #tpu.memory_space<vmem>>, vector<1x16xf32>,
        %parallel_loop3A_454 = arith.index_cast %parallel_loop3A_405 : i32 to index
        %parallel_loop3A_455 = arith.constant 64 : index
        %parallel_loop3A_456 = tpu.vector_load %arg6[%parallel_loop3A_454, %parallel_loop3A_455] {strides = array<i32>} : memref<128x256xf32, #tpu.memory_space<vmem>>, vector<1x16xf32>,
        %parallel_loop3A_457 = vector.shape_cast %parallel_loop3A_456 : vector<1x16xf32> to vector<16xf32>
        %parallel_loop3A_458 = arith.constant 1.100000e+00 : f32
        %parallel_loop3A_459 = vector.broadcast %parallel_loop3A_458 : f32 to vector<16xf32>
        %parallel_loop3A_460 = arith.mulf %parallel_loop3A_457, %parallel_loop3A_459 : vector<16xf32>
        %parallel_loop3A_461 = arith.index_cast %parallel_loop3A_405 : i32 to index
        %parallel_loop3A_462 = arith.constant 64 : index
        %parallel_loop3A_463 = tpu.vector_load %arg6[%parallel_loop3A_461, %parallel_loop3A_462] {strides = array<i32>} : memref<128x256xf32, #tpu.memory_space<vmem>>, vector<1x16xf32>,
        %parallel_loop3A_464 = vector.shape_cast %parallel_loop3A_463 : vector<1x16xf32> to vector<16xf32>
        %parallel_loop3A_465 = vector.shape_cast %parallel_loop3A_460 : vector<16xf32> to vector<1x16xf32>
        tpu.vector_store %arg6[%parallel_loop3A_461, %parallel_loop3A_462], %parallel_loop3A_465 {strides = array<i32>} : memref<128x256xf32, #tpu.memory_space<vmem>>, vector<1x16xf32>,
        %parallel_loop3A_466 = arith.index_cast %parallel_loop3A_405 : i32 to index
        %parallel_loop3A_467 = arith.constant 80 : index
        %parallel_loop3A_468 = tpu.vector_load %arg6[%parallel_loop3A_466, %parallel_loop3A_467] {strides = array<i32>} : memref<128x256xf32, #tpu.memory_space<vmem>>, vector<1x16xf32>,
        %parallel_loop3A_469 = vector.shape_cast %parallel_loop3A_468 : vector<1x16xf32> to vector<16xf32>
        %parallel_loop3A_470 = arith.constant 1.100000e+00 : f32
        %parallel_loop3A_471 = vector.broadcast %parallel_loop3A_470 : f32 to vector<16xf32>
        %parallel_loop3A_472 = arith.mulf %parallel_loop3A_469, %parallel_loop3A_471 : vector<16xf32>
        %parallel_loop3A_473 = arith.index_cast %parallel_loop3A_405 : i32 to index
        %parallel_loop3A_474 = arith.constant 80 : index
        %parallel_loop3A_475 = tpu.vector_load %arg6[%parallel_loop3A_473, %parallel_loop3A_474] {strides = array<i32>} : memref<128x256xf32, #tpu.memory_space<vmem>>, vector<1x16xf32>,
        %parallel_loop3A_476 = vector.shape_cast %parallel_loop3A_475 : vector<1x16xf32> to vector<16xf32>
        %parallel_loop3A_477 = vector.shape_cast %parallel_loop3A_472 : vector<16xf32> to vector<1x16xf32>
        tpu.vector_store %arg6[%parallel_loop3A_473, %parallel_loop3A_474], %parallel_loop3A_477 {strides = array<i32>} : memref<128x256xf32, #tpu.memory_space<vmem>>, vector<1x16xf32>,
        %parallel_loop3A_478 = arith.index_cast %parallel_loop3A_405 : i32 to index
        %parallel_loop3A_479 = arith.constant 96 : index
        %parallel_loop3A_480 = tpu.vector_load %arg6[%parallel_loop3A_478, %parallel_loop3A_479] {strides = array<i32>} : memref<128x256xf32, #tpu.memory_space<vmem>>, vector<1x16xf32>,
        %parallel_loop3A_481 = vector.shape_cast %parallel_loop3A_480 : vector<1x16xf32> to vector<16xf32>
        %parallel_loop3A_482 = arith.constant 1.100000e+00 : f32
        %parallel_loop3A_483 = vector.broadcast %parallel_loop3A_482 : f32 to vector<16xf32>
        %parallel_loop3A_484 = arith.mulf %parallel_loop3A_481, %parallel_loop3A_483 : vector<16xf32>
        %parallel_loop3A_485 = arith.index_cast %parallel_loop3A_405 : i32 to index
        %parallel_loop3A_486 = arith.constant 96 : index
        %parallel_loop3A_487 = tpu.vector_load %arg6[%parallel_loop3A_485, %parallel_loop3A_486] {strides = array<i32>} : memref<128x256xf32, #tpu.memory_space<vmem>>, vector<1x16xf32>,
        %parallel_loop3A_488 = vector.shape_cast %parallel_loop3A_487 : vector<1x16xf32> to vector<16xf32>
        %parallel_loop3A_489 = vector.shape_cast %parallel_loop3A_484 : vector<16xf32> to vector<1x16xf32>
        tpu.vector_store %arg6[%parallel_loop3A_485, %parallel_loop3A_486], %parallel_loop3A_489 {strides = array<i32>} : memref<128x256xf32, #tpu.memory_space<vmem>>, vector<1x16xf32>,
        %parallel_loop3A_490 = arith.index_cast %parallel_loop3A_405 : i32 to index
        %parallel_loop3A_491 = arith.constant 112 : index
        %parallel_loop3A_492 = tpu.vector_load %arg6[%parallel_loop3A_490, %parallel_loop3A_491] {strides = array<i32>} : memref<128x256xf32, #tpu.memory_space<vmem>>, vector<1x16xf32>,
        %parallel_loop3A_493 = vector.shape_cast %parallel_loop3A_492 : vector<1x16xf32> to vector<16xf32>
        %parallel_loop3A_494 = arith.constant 1.100000e+00 : f32
        %parallel_loop3A_495 = vector.broadcast %parallel_loop3A_494 : f32 to vector<16xf32>
        %parallel_loop3A_496 = arith.mulf %parallel_loop3A_493, %parallel_loop3A_495 : vector<16xf32>
        %parallel_loop3A_497 = arith.index_cast %parallel_loop3A_405 : i32 to index
        %parallel_loop3A_498 = arith.constant 112 : index
        %parallel_loop3A_499 = tpu.vector_load %arg6[%parallel_loop3A_497, %parallel_loop3A_498] {strides = array<i32>} : memref<128x256xf32, #tpu.memory_space<vmem>>, vector<1x16xf32>,
        %parallel_loop3A_500 = vector.shape_cast %parallel_loop3A_499 : vector<1x16xf32> to vector<16xf32>
        %parallel_loop3A_501 = vector.shape_cast %parallel_loop3A_496 : vector<16xf32> to vector<1x16xf32>
        tpu.vector_store %arg6[%parallel_loop3A_497, %parallel_loop3A_498], %parallel_loop3A_501 {strides = array<i32>} : memref<128x256xf32, #tpu.memory_space<vmem>>, vector<1x16xf32>,
        %parallel_loop3A_502 = arith.index_cast %parallel_loop3A_405 : i32 to index
        %parallel_loop3A_503 = arith.constant 128 : index
        %parallel_loop3A_504 = tpu.vector_load %arg6[%parallel_loop3A_502, %parallel_loop3A_503] {strides = array<i32>} : memref<128x256xf32, #tpu.memory_space<vmem>>, vector<1x16xf32>,
        %parallel_loop3A_505 = vector.shape_cast %parallel_loop3A_504 : vector<1x16xf32> to vector<16xf32>
        %parallel_loop3A_506 = arith.constant 1.100000e+00 : f32
        %parallel_loop3A_507 = vector.broadcast %parallel_loop3A_506 : f32 to vector<16xf32>
        %parallel_loop3A_508 = arith.mulf %parallel_loop3A_505, %parallel_loop3A_507 : vector<16xf32>
        %parallel_loop3A_509 = arith.index_cast %parallel_loop3A_405 : i32 to index
        %parallel_loop3A_510 = arith.constant 128 : index
        %parallel_loop3A_511 = tpu.vector_load %arg6[%parallel_loop3A_509, %parallel_loop3A_510] {strides = array<i32>} : memref<128x256xf32, #tpu.memory_space<vmem>>, vector<1x16xf32>,
        %parallel_loop3A_512 = vector.shape_cast %parallel_loop3A_511 : vector<1x16xf32> to vector<16xf32>
        %parallel_loop3A_513 = vector.shape_cast %parallel_loop3A_508 : vector<16xf32> to vector<1x16xf32>
        tpu.vector_store %arg6[%parallel_loop3A_509, %parallel_loop3A_510], %parallel_loop3A_513 {strides = array<i32>} : memref<128x256xf32, #tpu.memory_space<vmem>>, vector<1x16xf32>,
        %parallel_loop3A_514 = arith.index_cast %parallel_loop3A_405 : i32 to index
        %parallel_loop3A_515 = arith.constant 144 : index
        %parallel_loop3A_516 = tpu.vector_load %arg6[%parallel_loop3A_514, %parallel_loop3A_515] {strides = array<i32>} : memref<128x256xf32, #tpu.memory_space<vmem>>, vector<1x16xf32>,
        %parallel_loop3A_517 = vector.shape_cast %parallel_loop3A_516 : vector<1x16xf32> to vector<16xf32>
        %parallel_loop3A_518 = arith.constant 1.100000e+00 : f32
        %parallel_loop3A_519 = vector.broadcast %parallel_loop3A_518 : f32 to vector<16xf32>
        %parallel_loop3A_520 = arith.mulf %parallel_loop3A_517, %parallel_loop3A_519 : vector<16xf32>
        %parallel_loop3A_521 = arith.index_cast %parallel_loop3A_405 : i32 to index
        %parallel_loop3A_522 = arith.constant 144 : index
        %parallel_loop3A_523 = tpu.vector_load %arg6[%parallel_loop3A_521, %parallel_loop3A_522] {strides = array<i32>} : memref<128x256xf32, #tpu.memory_space<vmem>>, vector<1x16xf32>,
        %parallel_loop3A_524 = vector.shape_cast %parallel_loop3A_523 : vector<1x16xf32> to vector<16xf32>
        %parallel_loop3A_525 = vector.shape_cast %parallel_loop3A_520 : vector<16xf32> to vector<1x16xf32>
        tpu.vector_store %arg6[%parallel_loop3A_521, %parallel_loop3A_522], %parallel_loop3A_525 {strides = array<i32>} : memref<128x256xf32, #tpu.memory_space<vmem>>, vector<1x16xf32>,
        %parallel_loop3A_526 = arith.index_cast %parallel_loop3A_405 : i32 to index
        %parallel_loop3A_527 = arith.constant 160 : index
        %parallel_loop3A_528 = tpu.vector_load %arg6[%parallel_loop3A_526, %parallel_loop3A_527] {strides = array<i32>} : memref<128x256xf32, #tpu.memory_space<vmem>>, vector<1x16xf32>,
        %parallel_loop3A_529 = vector.shape_cast %parallel_loop3A_528 : vector<1x16xf32> to vector<16xf32>
        %parallel_loop3A_530 = arith.constant 1.100000e+00 : f32
        %parallel_loop3A_531 = vector.broadcast %parallel_loop3A_530 : f32 to vector<16xf32>
        %parallel_loop3A_532 = arith.mulf %parallel_loop3A_529, %parallel_loop3A_531 : vector<16xf32>
        %parallel_loop3A_533 = arith.index_cast %parallel_loop3A_405 : i32 to index
        %parallel_loop3A_534 = arith.constant 160 : index
        %parallel_loop3A_535 = tpu.vector_load %arg6[%parallel_loop3A_533, %parallel_loop3A_534] {strides = array<i32>} : memref<128x256xf32, #tpu.memory_space<vmem>>, vector<1x16xf32>,
        %parallel_loop3A_536 = vector.shape_cast %parallel_loop3A_535 : vector<1x16xf32> to vector<16xf32>
        %parallel_loop3A_537 = vector.shape_cast %parallel_loop3A_532 : vector<16xf32> to vector<1x16xf32>
        tpu.vector_store %arg6[%parallel_loop3A_533, %parallel_loop3A_534], %parallel_loop3A_537 {strides = array<i32>} : memref<128x256xf32, #tpu.memory_space<vmem>>, vector<1x16xf32>,
        %parallel_loop3A_538 = arith.index_cast %parallel_loop3A_405 : i32 to index
        %parallel_loop3A_539 = arith.constant 176 : index
        %parallel_loop3A_540 = tpu.vector_load %arg6[%parallel_loop3A_538, %parallel_loop3A_539] {strides = array<i32>} : memref<128x256xf32, #tpu.memory_space<vmem>>, vector<1x16xf32>,
        %parallel_loop3A_541 = vector.shape_cast %parallel_loop3A_540 : vector<1x16xf32> to vector<16xf32>
        %parallel_loop3A_542 = arith.constant 1.100000e+00 : f32
        %parallel_loop3A_543 = vector.broadcast %parallel_loop3A_542 : f32 to vector<16xf32>
        %parallel_loop3A_544 = arith.mulf %parallel_loop3A_541, %parallel_loop3A_543 : vector<16xf32>
        %parallel_loop3A_545 = arith.index_cast %parallel_loop3A_405 : i32 to index
        %parallel_loop3A_546 = arith.constant 176 : index
        %parallel_loop3A_547 = tpu.vector_load %arg6[%parallel_loop3A_545, %parallel_loop3A_546] {strides = array<i32>} : memref<128x256xf32, #tpu.memory_space<vmem>>, vector<1x16xf32>,
        %parallel_loop3A_548 = vector.shape_cast %parallel_loop3A_547 : vector<1x16xf32> to vector<16xf32>
        %parallel_loop3A_549 = vector.shape_cast %parallel_loop3A_544 : vector<16xf32> to vector<1x16xf32>
        tpu.vector_store %arg6[%parallel_loop3A_545, %parallel_loop3A_546], %parallel_loop3A_549 {strides = array<i32>} : memref<128x256xf32, #tpu.memory_space<vmem>>, vector<1x16xf32>,
        %parallel_loop3A_550 = arith.index_cast %parallel_loop3A_405 : i32 to index
        %parallel_loop3A_551 = arith.constant 192 : index
        %parallel_loop3A_552 = tpu.vector_load %arg6[%parallel_loop3A_550, %parallel_loop3A_551] {strides = array<i32>} : memref<128x256xf32, #tpu.memory_space<vmem>>, vector<1x16xf32>,
        %parallel_loop3A_553 = vector.shape_cast %parallel_loop3A_552 : vector<1x16xf32> to vector<16xf32>
        %parallel_loop3A_554 = arith.constant 1.100000e+00 : f32
        %parallel_loop3A_555 = vector.broadcast %parallel_loop3A_554 : f32 to vector<16xf32>
        %parallel_loop3A_556 = arith.mulf %parallel_loop3A_553, %parallel_loop3A_555 : vector<16xf32>
        %parallel_loop3A_557 = arith.index_cast %parallel_loop3A_405 : i32 to index
        %parallel_loop3A_558 = arith.constant 192 : index
        %parallel_loop3A_559 = tpu.vector_load %arg6[%parallel_loop3A_557, %parallel_loop3A_558] {strides = array<i32>} : memref<128x256xf32, #tpu.memory_space<vmem>>, vector<1x16xf32>,
        %parallel_loop3A_560 = vector.shape_cast %parallel_loop3A_559 : vector<1x16xf32> to vector<16xf32>
        %parallel_loop3A_561 = vector.shape_cast %parallel_loop3A_556 : vector<16xf32> to vector<1x16xf32>
        tpu.vector_store %arg6[%parallel_loop3A_557, %parallel_loop3A_558], %parallel_loop3A_561 {strides = array<i32>} : memref<128x256xf32, #tpu.memory_space<vmem>>, vector<1x16xf32>,
        %parallel_loop3A_562 = arith.index_cast %parallel_loop3A_405 : i32 to index
        %parallel_loop3A_563 = arith.constant 208 : index
        %parallel_loop3A_564 = tpu.vector_load %arg6[%parallel_loop3A_562, %parallel_loop3A_563] {strides = array<i32>} : memref<128x256xf32, #tpu.memory_space<vmem>>, vector<1x16xf32>,
        %parallel_loop3A_565 = vector.shape_cast %parallel_loop3A_564 : vector<1x16xf32> to vector<16xf32>
        %parallel_loop3A_566 = arith.constant 1.100000e+00 : f32
        %parallel_loop3A_567 = vector.broadcast %parallel_loop3A_566 : f32 to vector<16xf32>
        %parallel_loop3A_568 = arith.mulf %parallel_loop3A_565, %parallel_loop3A_567 : vector<16xf32>
        %parallel_loop3A_569 = arith.index_cast %parallel_loop3A_405 : i32 to index
        %parallel_loop3A_570 = arith.constant 208 : index
        %parallel_loop3A_571 = tpu.vector_load %arg6[%parallel_loop3A_569, %parallel_loop3A_570] {strides = array<i32>} : memref<128x256xf32, #tpu.memory_space<vmem>>, vector<1x16xf32>,
        %parallel_loop3A_572 = vector.shape_cast %parallel_loop3A_571 : vector<1x16xf32> to vector<16xf32>
        %parallel_loop3A_573 = vector.shape_cast %parallel_loop3A_568 : vector<16xf32> to vector<1x16xf32>
        tpu.vector_store %arg6[%parallel_loop3A_569, %parallel_loop3A_570], %parallel_loop3A_573 {strides = array<i32>} : memref<128x256xf32, #tpu.memory_space<vmem>>, vector<1x16xf32>,
        %parallel_loop3A_574 = arith.index_cast %parallel_loop3A_405 : i32 to index
        %parallel_loop3A_575 = arith.constant 224 : index
        %parallel_loop3A_576 = tpu.vector_load %arg6[%parallel_loop3A_574, %parallel_loop3A_575] {strides = array<i32>} : memref<128x256xf32, #tpu.memory_space<vmem>>, vector<1x16xf32>,
        %parallel_loop3A_577 = vector.shape_cast %parallel_loop3A_576 : vector<1x16xf32> to vector<16xf32>
        %parallel_loop3A_578 = arith.constant 1.100000e+00 : f32
        %parallel_loop3A_579 = vector.broadcast %parallel_loop3A_578 : f32 to vector<16xf32>
        %parallel_loop3A_580 = arith.mulf %parallel_loop3A_577, %parallel_loop3A_579 : vector<16xf32>
        %parallel_loop3A_581 = arith.index_cast %parallel_loop3A_405 : i32 to index
        %parallel_loop3A_582 = arith.constant 224 : index
        %parallel_loop3A_583 = tpu.vector_load %arg6[%parallel_loop3A_581, %parallel_loop3A_582] {strides = array<i32>} : memref<128x256xf32, #tpu.memory_space<vmem>>, vector<1x16xf32>,
        %parallel_loop3A_584 = vector.shape_cast %parallel_loop3A_583 : vector<1x16xf32> to vector<16xf32>
        %parallel_loop3A_585 = vector.shape_cast %parallel_loop3A_580 : vector<16xf32> to vector<1x16xf32>
        tpu.vector_store %arg6[%parallel_loop3A_581, %parallel_loop3A_582], %parallel_loop3A_585 {strides = array<i32>} : memref<128x256xf32, #tpu.memory_space<vmem>>, vector<1x16xf32>,
        %parallel_loop3A_586 = arith.index_cast %parallel_loop3A_405 : i32 to index
        %parallel_loop3A_587 = arith.constant 240 : index
        %parallel_loop3A_588 = tpu.vector_load %arg6[%parallel_loop3A_586, %parallel_loop3A_587] {strides = array<i32>} : memref<128x256xf32, #tpu.memory_space<vmem>>, vector<1x16xf32>,
        %parallel_loop3A_589 = vector.shape_cast %parallel_loop3A_588 : vector<1x16xf32> to vector<16xf32>
        %parallel_loop3A_590 = arith.constant 1.100000e+00 : f32
        %parallel_loop3A_591 = vector.broadcast %parallel_loop3A_590 : f32 to vector<16xf32>
        %parallel_loop3A_592 = arith.mulf %parallel_loop3A_589, %parallel_loop3A_591 : vector<16xf32>
        %parallel_loop3A_593 = arith.index_cast %parallel_loop3A_405 : i32 to index
        %parallel_loop3A_594 = arith.constant 240 : index
        %parallel_loop3A_595 = tpu.vector_load %arg6[%parallel_loop3A_593, %parallel_loop3A_594] {strides = array<i32>} : memref<128x256xf32, #tpu.memory_space<vmem>>, vector<1x16xf32>,
        %parallel_loop3A_596 = vector.shape_cast %parallel_loop3A_595 : vector<1x16xf32> to vector<16xf32>
        %parallel_loop3A_597 = vector.shape_cast %parallel_loop3A_592 : vector<16xf32> to vector<1x16xf32>
        tpu.vector_store %arg6[%parallel_loop3A_593, %parallel_loop3A_594], %parallel_loop3A_597 {strides = array<i32>} : memref<128x256xf32, #tpu.memory_space<vmem>>, vector<1x16xf32>,
      } {sc.loop_unroll_factor = 2 : i64, sc.parallel_access}
    } else {
    }
    %gt3A_136 = arith.constant 64 : i32
    %gt3A_137 = arith.cmpi sgt, %squeeze3A_115, %gt3A_136 : i32
    %convert_element_type3A_138 = arith.extui %gt3A_137 : i1 to i32
    %cond3A_139 = arith.constant 0 : i32
    %cond3A_140 = arith.cmpi ne, %convert_element_type3A_138, %cond3A_139 : i32
    scf.if %cond3A_140 {
      %parallel_loop3A = arith.constant 64 : i32
      %parallel_loop3A_403 = arith.constant 80 : i32
      %parallel_loop3A_404 = arith.constant 1 : i32
      scf.for %parallel_loop3A_405 = %parallel_loop3A to %parallel_loop3A_403 step %parallel_loop3A_404  : i32 {
        %parallel_loop3A_406 = arith.index_cast %parallel_loop3A_405 : i32 to index
        %parallel_loop3A_407 = arith.constant 0 : index
        %parallel_loop3A_408 = tpu.vector_load %arg6[%parallel_loop3A_406, %parallel_loop3A_407] {strides = array<i32>} : memref<128x256xf32, #tpu.memory_space<vmem>>, vector<1x16xf32>,
        %parallel_loop3A_409 = vector.shape_cast %parallel_loop3A_408 : vector<1x16xf32> to vector<16xf32>
        %parallel_loop3A_410 = arith.constant 1.100000e+00 : f32
        %parallel_loop3A_411 = vector.broadcast %parallel_loop3A_410 : f32 to vector<16xf32>
        %parallel_loop3A_412 = arith.mulf %parallel_loop3A_409, %parallel_loop3A_411 : vector<16xf32>
        %parallel_loop3A_413 = arith.index_cast %parallel_loop3A_405 : i32 to index
        %parallel_loop3A_414 = arith.constant 0 : index
        %parallel_loop3A_415 = tpu.vector_load %arg6[%parallel_loop3A_413, %parallel_loop3A_414] {strides = array<i32>} : memref<128x256xf32, #tpu.memory_space<vmem>>, vector<1x16xf32>,
        %parallel_loop3A_416 = vector.shape_cast %parallel_loop3A_415 : vector<1x16xf32> to vector<16xf32>
        %parallel_loop3A_417 = vector.shape_cast %parallel_loop3A_412 : vector<16xf32> to vector<1x16xf32>
        tpu.vector_store %arg6[%parallel_loop3A_413, %parallel_loop3A_414], %parallel_loop3A_417 {strides = array<i32>} : memref<128x256xf32, #tpu.memory_space<vmem>>, vector<1x16xf32>,
        %parallel_loop3A_418 = arith.index_cast %parallel_loop3A_405 : i32 to index
        %parallel_loop3A_419 = arith.constant 16 : index
        %parallel_loop3A_420 = tpu.vector_load %arg6[%parallel_loop3A_418, %parallel_loop3A_419] {strides = array<i32>} : memref<128x256xf32, #tpu.memory_space<vmem>>, vector<1x16xf32>,
        %parallel_loop3A_421 = vector.shape_cast %parallel_loop3A_420 : vector<1x16xf32> to vector<16xf32>
        %parallel_loop3A_422 = arith.constant 1.100000e+00 : f32
        %parallel_loop3A_423 = vector.broadcast %parallel_loop3A_422 : f32 to vector<16xf32>
        %parallel_loop3A_424 = arith.mulf %parallel_loop3A_421, %parallel_loop3A_423 : vector<16xf32>
        %parallel_loop3A_425 = arith.index_cast %parallel_loop3A_405 : i32 to index
        %parallel_loop3A_426 = arith.constant 16 : index
        %parallel_loop3A_427 = tpu.vector_load %arg6[%parallel_loop3A_425, %parallel_loop3A_426] {strides = array<i32>} : memref<128x256xf32, #tpu.memory_space<vmem>>, vector<1x16xf32>,
        %parallel_loop3A_428 = vector.shape_cast %parallel_loop3A_427 : vector<1x16xf32> to vector<16xf32>
        %parallel_loop3A_429 = vector.shape_cast %parallel_loop3A_424 : vector<16xf32> to vector<1x16xf32>
        tpu.vector_store %arg6[%parallel_loop3A_425, %parallel_loop3A_426], %parallel_loop3A_429 {strides = array<i32>} : memref<128x256xf32, #tpu.memory_space<vmem>>, vector<1x16xf32>,
        %parallel_loop3A_430 = arith.index_cast %parallel_loop3A_405 : i32 to index
        %parallel_loop3A_431 = arith.constant 32 : index
        %parallel_loop3A_432 = tpu.vector_load %arg6[%parallel_loop3A_430, %parallel_loop3A_431] {strides = array<i32>} : memref<128x256xf32, #tpu.memory_space<vmem>>, vector<1x16xf32>,
        %parallel_loop3A_433 = vector.shape_cast %parallel_loop3A_432 : vector<1x16xf32> to vector<16xf32>
        %parallel_loop3A_434 = arith.constant 1.100000e+00 : f32
        %parallel_loop3A_435 = vector.broadcast %parallel_loop3A_434 : f32 to vector<16xf32>
        %parallel_loop3A_436 = arith.mulf %parallel_loop3A_433, %parallel_loop3A_435 : vector<16xf32>
        %parallel_loop3A_437 = arith.index_cast %parallel_loop3A_405 : i32 to index
        %parallel_loop3A_438 = arith.constant 32 : index
        %parallel_loop3A_439 = tpu.vector_load %arg6[%parallel_loop3A_437, %parallel_loop3A_438] {strides = array<i32>} : memref<128x256xf32, #tpu.memory_space<vmem>>, vector<1x16xf32>,
        %parallel_loop3A_440 = vector.shape_cast %parallel_loop3A_439 : vector<1x16xf32> to vector<16xf32>
        %parallel_loop3A_441 = vector.shape_cast %parallel_loop3A_436 : vector<16xf32> to vector<1x16xf32>
        tpu.vector_store %arg6[%parallel_loop3A_437, %parallel_loop3A_438], %parallel_loop3A_441 {strides = array<i32>} : memref<128x256xf32, #tpu.memory_space<vmem>>, vector<1x16xf32>,
        %parallel_loop3A_442 = arith.index_cast %parallel_loop3A_405 : i32 to index
        %parallel_loop3A_443 = arith.constant 48 : index
        %parallel_loop3A_444 = tpu.vector_load %arg6[%parallel_loop3A_442, %parallel_loop3A_443] {strides = array<i32>} : memref<128x256xf32, #tpu.memory_space<vmem>>, vector<1x16xf32>,
        %parallel_loop3A_445 = vector.shape_cast %parallel_loop3A_444 : vector<1x16xf32> to vector<16xf32>
        %parallel_loop3A_446 = arith.constant 1.100000e+00 : f32
        %parallel_loop3A_447 = vector.broadcast %parallel_loop3A_446 : f32 to vector<16xf32>
        %parallel_loop3A_448 = arith.mulf %parallel_loop3A_445, %parallel_loop3A_447 : vector<16xf32>
        %parallel_loop3A_449 = arith.index_cast %parallel_loop3A_405 : i32 to index
        %parallel_loop3A_450 = arith.constant 48 : index
        %parallel_loop3A_451 = tpu.vector_load %arg6[%parallel_loop3A_449, %parallel_loop3A_450] {strides = array<i32>} : memref<128x256xf32, #tpu.memory_space<vmem>>, vector<1x16xf32>,
        %parallel_loop3A_452 = vector.shape_cast %parallel_loop3A_451 : vector<1x16xf32> to vector<16xf32>
        %parallel_loop3A_453 = vector.shape_cast %parallel_loop3A_448 : vector<16xf32> to vector<1x16xf32>
        tpu.vector_store %arg6[%parallel_loop3A_449, %parallel_loop3A_450], %parallel_loop3A_453 {strides = array<i32>} : memref<128x256xf32, #tpu.memory_space<vmem>>, vector<1x16xf32>,
        %parallel_loop3A_454 = arith.index_cast %parallel_loop3A_405 : i32 to index
        %parallel_loop3A_455 = arith.constant 64 : index
        %parallel_loop3A_456 = tpu.vector_load %arg6[%parallel_loop3A_454, %parallel_loop3A_455] {strides = array<i32>} : memref<128x256xf32, #tpu.memory_space<vmem>>, vector<1x16xf32>,
        %parallel_loop3A_457 = vector.shape_cast %parallel_loop3A_456 : vector<1x16xf32> to vector<16xf32>
        %parallel_loop3A_458 = arith.constant 1.100000e+00 : f32
        %parallel_loop3A_459 = vector.broadcast %parallel_loop3A_458 : f32 to vector<16xf32>
        %parallel_loop3A_460 = arith.mulf %parallel_loop3A_457, %parallel_loop3A_459 : vector<16xf32>
        %parallel_loop3A_461 = arith.index_cast %parallel_loop3A_405 : i32 to index
        %parallel_loop3A_462 = arith.constant 64 : index
        %parallel_loop3A_463 = tpu.vector_load %arg6[%parallel_loop3A_461, %parallel_loop3A_462] {strides = array<i32>} : memref<128x256xf32, #tpu.memory_space<vmem>>, vector<1x16xf32>,
        %parallel_loop3A_464 = vector.shape_cast %parallel_loop3A_463 : vector<1x16xf32> to vector<16xf32>
        %parallel_loop3A_465 = vector.shape_cast %parallel_loop3A_460 : vector<16xf32> to vector<1x16xf32>
        tpu.vector_store %arg6[%parallel_loop3A_461, %parallel_loop3A_462], %parallel_loop3A_465 {strides = array<i32>} : memref<128x256xf32, #tpu.memory_space<vmem>>, vector<1x16xf32>,
        %parallel_loop3A_466 = arith.index_cast %parallel_loop3A_405 : i32 to index
        %parallel_loop3A_467 = arith.constant 80 : index
        %parallel_loop3A_468 = tpu.vector_load %arg6[%parallel_loop3A_466, %parallel_loop3A_467] {strides = array<i32>} : memref<128x256xf32, #tpu.memory_space<vmem>>, vector<1x16xf32>,
        %parallel_loop3A_469 = vector.shape_cast %parallel_loop3A_468 : vector<1x16xf32> to vector<16xf32>
        %parallel_loop3A_470 = arith.constant 1.100000e+00 : f32
        %parallel_loop3A_471 = vector.broadcast %parallel_loop3A_470 : f32 to vector<16xf32>
        %parallel_loop3A_472 = arith.mulf %parallel_loop3A_469, %parallel_loop3A_471 : vector<16xf32>
        %parallel_loop3A_473 = arith.index_cast %parallel_loop3A_405 : i32 to index
        %parallel_loop3A_474 = arith.constant 80 : index
        %parallel_loop3A_475 = tpu.vector_load %arg6[%parallel_loop3A_473, %parallel_loop3A_474] {strides = array<i32>} : memref<128x256xf32, #tpu.memory_space<vmem>>, vector<1x16xf32>,
        %parallel_loop3A_476 = vector.shape_cast %parallel_loop3A_475 : vector<1x16xf32> to vector<16xf32>
        %parallel_loop3A_477 = vector.shape_cast %parallel_loop3A_472 : vector<16xf32> to vector<1x16xf32>
        tpu.vector_store %arg6[%parallel_loop3A_473, %parallel_loop3A_474], %parallel_loop3A_477 {strides = array<i32>} : memref<128x256xf32, #tpu.memory_space<vmem>>, vector<1x16xf32>,
        %parallel_loop3A_478 = arith.index_cast %parallel_loop3A_405 : i32 to index
        %parallel_loop3A_479 = arith.constant 96 : index
        %parallel_loop3A_480 = tpu.vector_load %arg6[%parallel_loop3A_478, %parallel_loop3A_479] {strides = array<i32>} : memref<128x256xf32, #tpu.memory_space<vmem>>, vector<1x16xf32>,
        %parallel_loop3A_481 = vector.shape_cast %parallel_loop3A_480 : vector<1x16xf32> to vector<16xf32>
        %parallel_loop3A_482 = arith.constant 1.100000e+00 : f32
        %parallel_loop3A_483 = vector.broadcast %parallel_loop3A_482 : f32 to vector<16xf32>
        %parallel_loop3A_484 = arith.mulf %parallel_loop3A_481, %parallel_loop3A_483 : vector<16xf32>
        %parallel_loop3A_485 = arith.index_cast %parallel_loop3A_405 : i32 to index
        %parallel_loop3A_486 = arith.constant 96 : index
        %parallel_loop3A_487 = tpu.vector_load %arg6[%parallel_loop3A_485, %parallel_loop3A_486] {strides = array<i32>} : memref<128x256xf32, #tpu.memory_space<vmem>>, vector<1x16xf32>,
        %parallel_loop3A_488 = vector.shape_cast %parallel_loop3A_487 : vector<1x16xf32> to vector<16xf32>
        %parallel_loop3A_489 = vector.shape_cast %parallel_loop3A_484 : vector<16xf32> to vector<1x16xf32>
        tpu.vector_store %arg6[%parallel_loop3A_485, %parallel_loop3A_486], %parallel_loop3A_489 {strides = array<i32>} : memref<128x256xf32, #tpu.memory_space<vmem>>, vector<1x16xf32>,
        %parallel_loop3A_490 = arith.index_cast %parallel_loop3A_405 : i32 to index
        %parallel_loop3A_491 = arith.constant 112 : index
        %parallel_loop3A_492 = tpu.vector_load %arg6[%parallel_loop3A_490, %parallel_loop3A_491] {strides = array<i32>} : memref<128x256xf32, #tpu.memory_space<vmem>>, vector<1x16xf32>,
        %parallel_loop3A_493 = vector.shape_cast %parallel_loop3A_492 : vector<1x16xf32> to vector<16xf32>
        %parallel_loop3A_494 = arith.constant 1.100000e+00 : f32
        %parallel_loop3A_495 = vector.broadcast %parallel_loop3A_494 : f32 to vector<16xf32>
        %parallel_loop3A_496 = arith.mulf %parallel_loop3A_493, %parallel_loop3A_495 : vector<16xf32>
        %parallel_loop3A_497 = arith.index_cast %parallel_loop3A_405 : i32 to index
        %parallel_loop3A_498 = arith.constant 112 : index
        %parallel_loop3A_499 = tpu.vector_load %arg6[%parallel_loop3A_497, %parallel_loop3A_498] {strides = array<i32>} : memref<128x256xf32, #tpu.memory_space<vmem>>, vector<1x16xf32>,
        %parallel_loop3A_500 = vector.shape_cast %parallel_loop3A_499 : vector<1x16xf32> to vector<16xf32>
        %parallel_loop3A_501 = vector.shape_cast %parallel_loop3A_496 : vector<16xf32> to vector<1x16xf32>
        tpu.vector_store %arg6[%parallel_loop3A_497, %parallel_loop3A_498], %parallel_loop3A_501 {strides = array<i32>} : memref<128x256xf32, #tpu.memory_space<vmem>>, vector<1x16xf32>,
        %parallel_loop3A_502 = arith.index_cast %parallel_loop3A_405 : i32 to index
        %parallel_loop3A_503 = arith.constant 128 : index
        %parallel_loop3A_504 = tpu.vector_load %arg6[%parallel_loop3A_502, %parallel_loop3A_503] {strides = array<i32>} : memref<128x256xf32, #tpu.memory_space<vmem>>, vector<1x16xf32>,
        %parallel_loop3A_505 = vector.shape_cast %parallel_loop3A_504 : vector<1x16xf32> to vector<16xf32>
        %parallel_loop3A_506 = arith.constant 1.100000e+00 : f32
        %parallel_loop3A_507 = vector.broadcast %parallel_loop3A_506 : f32 to vector<16xf32>
        %parallel_loop3A_508 = arith.mulf %parallel_loop3A_505, %parallel_loop3A_507 : vector<16xf32>
        %parallel_loop3A_509 = arith.index_cast %parallel_loop3A_405 : i32 to index
        %parallel_loop3A_510 = arith.constant 128 : index
        %parallel_loop3A_511 = tpu.vector_load %arg6[%parallel_loop3A_509, %parallel_loop3A_510] {strides = array<i32>} : memref<128x256xf32, #tpu.memory_space<vmem>>, vector<1x16xf32>,
        %parallel_loop3A_512 = vector.shape_cast %parallel_loop3A_511 : vector<1x16xf32> to vector<16xf32>
        %parallel_loop3A_513 = vector.shape_cast %parallel_loop3A_508 : vector<16xf32> to vector<1x16xf32>
        tpu.vector_store %arg6[%parallel_loop3A_509, %parallel_loop3A_510], %parallel_loop3A_513 {strides = array<i32>} : memref<128x256xf32, #tpu.memory_space<vmem>>, vector<1x16xf32>,
        %parallel_loop3A_514 = arith.index_cast %parallel_loop3A_405 : i32 to index
        %parallel_loop3A_515 = arith.constant 144 : index
        %parallel_loop3A_516 = tpu.vector_load %arg6[%parallel_loop3A_514, %parallel_loop3A_515] {strides = array<i32>} : memref<128x256xf32, #tpu.memory_space<vmem>>, vector<1x16xf32>,
        %parallel_loop3A_517 = vector.shape_cast %parallel_loop3A_516 : vector<1x16xf32> to vector<16xf32>
        %parallel_loop3A_518 = arith.constant 1.100000e+00 : f32
        %parallel_loop3A_519 = vector.broadcast %parallel_loop3A_518 : f32 to vector<16xf32>
        %parallel_loop3A_520 = arith.mulf %parallel_loop3A_517, %parallel_loop3A_519 : vector<16xf32>
        %parallel_loop3A_521 = arith.index_cast %parallel_loop3A_405 : i32 to index
        %parallel_loop3A_522 = arith.constant 144 : index
        %parallel_loop3A_523 = tpu.vector_load %arg6[%parallel_loop3A_521, %parallel_loop3A_522] {strides = array<i32>} : memref<128x256xf32, #tpu.memory_space<vmem>>, vector<1x16xf32>,
        %parallel_loop3A_524 = vector.shape_cast %parallel_loop3A_523 : vector<1x16xf32> to vector<16xf32>
        %parallel_loop3A_525 = vector.shape_cast %parallel_loop3A_520 : vector<16xf32> to vector<1x16xf32>
        tpu.vector_store %arg6[%parallel_loop3A_521, %parallel_loop3A_522], %parallel_loop3A_525 {strides = array<i32>} : memref<128x256xf32, #tpu.memory_space<vmem>>, vector<1x16xf32>,
        %parallel_loop3A_526 = arith.index_cast %parallel_loop3A_405 : i32 to index
        %parallel_loop3A_527 = arith.constant 160 : index
        %parallel_loop3A_528 = tpu.vector_load %arg6[%parallel_loop3A_526, %parallel_loop3A_527] {strides = array<i32>} : memref<128x256xf32, #tpu.memory_space<vmem>>, vector<1x16xf32>,
        %parallel_loop3A_529 = vector.shape_cast %parallel_loop3A_528 : vector<1x16xf32> to vector<16xf32>
        %parallel_loop3A_530 = arith.constant 1.100000e+00 : f32
        %parallel_loop3A_531 = vector.broadcast %parallel_loop3A_530 : f32 to vector<16xf32>
        %parallel_loop3A_532 = arith.mulf %parallel_loop3A_529, %parallel_loop3A_531 : vector<16xf32>
        %parallel_loop3A_533 = arith.index_cast %parallel_loop3A_405 : i32 to index
        %parallel_loop3A_534 = arith.constant 160 : index
        %parallel_loop3A_535 = tpu.vector_load %arg6[%parallel_loop3A_533, %parallel_loop3A_534] {strides = array<i32>} : memref<128x256xf32, #tpu.memory_space<vmem>>, vector<1x16xf32>,
        %parallel_loop3A_536 = vector.shape_cast %parallel_loop3A_535 : vector<1x16xf32> to vector<16xf32>
        %parallel_loop3A_537 = vector.shape_cast %parallel_loop3A_532 : vector<16xf32> to vector<1x16xf32>
        tpu.vector_store %arg6[%parallel_loop3A_533, %parallel_loop3A_534], %parallel_loop3A_537 {strides = array<i32>} : memref<128x256xf32, #tpu.memory_space<vmem>>, vector<1x16xf32>,
        %parallel_loop3A_538 = arith.index_cast %parallel_loop3A_405 : i32 to index
        %parallel_loop3A_539 = arith.constant 176 : index
        %parallel_loop3A_540 = tpu.vector_load %arg6[%parallel_loop3A_538, %parallel_loop3A_539] {strides = array<i32>} : memref<128x256xf32, #tpu.memory_space<vmem>>, vector<1x16xf32>,
        %parallel_loop3A_541 = vector.shape_cast %parallel_loop3A_540 : vector<1x16xf32> to vector<16xf32>
        %parallel_loop3A_542 = arith.constant 1.100000e+00 : f32
        %parallel_loop3A_543 = vector.broadcast %parallel_loop3A_542 : f32 to vector<16xf32>
        %parallel_loop3A_544 = arith.mulf %parallel_loop3A_541, %parallel_loop3A_543 : vector<16xf32>
        %parallel_loop3A_545 = arith.index_cast %parallel_loop3A_405 : i32 to index
        %parallel_loop3A_546 = arith.constant 176 : index
        %parallel_loop3A_547 = tpu.vector_load %arg6[%parallel_loop3A_545, %parallel_loop3A_546] {strides = array<i32>} : memref<128x256xf32, #tpu.memory_space<vmem>>, vector<1x16xf32>,
        %parallel_loop3A_548 = vector.shape_cast %parallel_loop3A_547 : vector<1x16xf32> to vector<16xf32>
        %parallel_loop3A_549 = vector.shape_cast %parallel_loop3A_544 : vector<16xf32> to vector<1x16xf32>
        tpu.vector_store %arg6[%parallel_loop3A_545, %parallel_loop3A_546], %parallel_loop3A_549 {strides = array<i32>} : memref<128x256xf32, #tpu.memory_space<vmem>>, vector<1x16xf32>,
        %parallel_loop3A_550 = arith.index_cast %parallel_loop3A_405 : i32 to index
        %parallel_loop3A_551 = arith.constant 192 : index
        %parallel_loop3A_552 = tpu.vector_load %arg6[%parallel_loop3A_550, %parallel_loop3A_551] {strides = array<i32>} : memref<128x256xf32, #tpu.memory_space<vmem>>, vector<1x16xf32>,
        %parallel_loop3A_553 = vector.shape_cast %parallel_loop3A_552 : vector<1x16xf32> to vector<16xf32>
        %parallel_loop3A_554 = arith.constant 1.100000e+00 : f32
        %parallel_loop3A_555 = vector.broadcast %parallel_loop3A_554 : f32 to vector<16xf32>
        %parallel_loop3A_556 = arith.mulf %parallel_loop3A_553, %parallel_loop3A_555 : vector<16xf32>
        %parallel_loop3A_557 = arith.index_cast %parallel_loop3A_405 : i32 to index
        %parallel_loop3A_558 = arith.constant 192 : index
        %parallel_loop3A_559 = tpu.vector_load %arg6[%parallel_loop3A_557, %parallel_loop3A_558] {strides = array<i32>} : memref<128x256xf32, #tpu.memory_space<vmem>>, vector<1x16xf32>,
        %parallel_loop3A_560 = vector.shape_cast %parallel_loop3A_559 : vector<1x16xf32> to vector<16xf32>
        %parallel_loop3A_561 = vector.shape_cast %parallel_loop3A_556 : vector<16xf32> to vector<1x16xf32>
        tpu.vector_store %arg6[%parallel_loop3A_557, %parallel_loop3A_558], %parallel_loop3A_561 {strides = array<i32>} : memref<128x256xf32, #tpu.memory_space<vmem>>, vector<1x16xf32>,
        %parallel_loop3A_562 = arith.index_cast %parallel_loop3A_405 : i32 to index
        %parallel_loop3A_563 = arith.constant 208 : index
        %parallel_loop3A_564 = tpu.vector_load %arg6[%parallel_loop3A_562, %parallel_loop3A_563] {strides = array<i32>} : memref<128x256xf32, #tpu.memory_space<vmem>>, vector<1x16xf32>,
        %parallel_loop3A_565 = vector.shape_cast %parallel_loop3A_564 : vector<1x16xf32> to vector<16xf32>
        %parallel_loop3A_566 = arith.constant 1.100000e+00 : f32
        %parallel_loop3A_567 = vector.broadcast %parallel_loop3A_566 : f32 to vector<16xf32>
        %parallel_loop3A_568 = arith.mulf %parallel_loop3A_565, %parallel_loop3A_567 : vector<16xf32>
        %parallel_loop3A_569 = arith.index_cast %parallel_loop3A_405 : i32 to index
        %parallel_loop3A_570 = arith.constant 208 : index
        %parallel_loop3A_571 = tpu.vector_load %arg6[%parallel_loop3A_569, %parallel_loop3A_570] {strides = array<i32>} : memref<128x256xf32, #tpu.memory_space<vmem>>, vector<1x16xf32>,
        %parallel_loop3A_572 = vector.shape_cast %parallel_loop3A_571 : vector<1x16xf32> to vector<16xf32>
        %parallel_loop3A_573 = vector.shape_cast %parallel_loop3A_568 : vector<16xf32> to vector<1x16xf32>
        tpu.vector_store %arg6[%parallel_loop3A_569, %parallel_loop3A_570], %parallel_loop3A_573 {strides = array<i32>} : memref<128x256xf32, #tpu.memory_space<vmem>>, vector<1x16xf32>,
        %parallel_loop3A_574 = arith.index_cast %parallel_loop3A_405 : i32 to index
        %parallel_loop3A_575 = arith.constant 224 : index
        %parallel_loop3A_576 = tpu.vector_load %arg6[%parallel_loop3A_574, %parallel_loop3A_575] {strides = array<i32>} : memref<128x256xf32, #tpu.memory_space<vmem>>, vector<1x16xf32>,
        %parallel_loop3A_577 = vector.shape_cast %parallel_loop3A_576 : vector<1x16xf32> to vector<16xf32>
        %parallel_loop3A_578 = arith.constant 1.100000e+00 : f32
        %parallel_loop3A_579 = vector.broadcast %parallel_loop3A_578 : f32 to vector<16xf32>
        %parallel_loop3A_580 = arith.mulf %parallel_loop3A_577, %parallel_loop3A_579 : vector<16xf32>
        %parallel_loop3A_581 = arith.index_cast %parallel_loop3A_405 : i32 to index
        %parallel_loop3A_582 = arith.constant 224 : index
        %parallel_loop3A_583 = tpu.vector_load %arg6[%parallel_loop3A_581, %parallel_loop3A_582] {strides = array<i32>} : memref<128x256xf32, #tpu.memory_space<vmem>>, vector<1x16xf32>,
        %parallel_loop3A_584 = vector.shape_cast %parallel_loop3A_583 : vector<1x16xf32> to vector<16xf32>
        %parallel_loop3A_585 = vector.shape_cast %parallel_loop3A_580 : vector<16xf32> to vector<1x16xf32>
        tpu.vector_store %arg6[%parallel_loop3A_581, %parallel_loop3A_582], %parallel_loop3A_585 {strides = array<i32>} : memref<128x256xf32, #tpu.memory_space<vmem>>, vector<1x16xf32>,
        %parallel_loop3A_586 = arith.index_cast %parallel_loop3A_405 : i32 to index
        %parallel_loop3A_587 = arith.constant 240 : index
        %parallel_loop3A_588 = tpu.vector_load %arg6[%parallel_loop3A_586, %parallel_loop3A_587] {strides = array<i32>} : memref<128x256xf32, #tpu.memory_space<vmem>>, vector<1x16xf32>,
        %parallel_loop3A_589 = vector.shape_cast %parallel_loop3A_588 : vector<1x16xf32> to vector<16xf32>
        %parallel_loop3A_590 = arith.constant 1.100000e+00 : f32
        %parallel_loop3A_591 = vector.broadcast %parallel_loop3A_590 : f32 to vector<16xf32>
        %parallel_loop3A_592 = arith.mulf %parallel_loop3A_589, %parallel_loop3A_591 : vector<16xf32>
        %parallel_loop3A_593 = arith.index_cast %parallel_loop3A_405 : i32 to index
        %parallel_loop3A_594 = arith.constant 240 : index
        %parallel_loop3A_595 = tpu.vector_load %arg6[%parallel_loop3A_593, %parallel_loop3A_594] {strides = array<i32>} : memref<128x256xf32, #tpu.memory_space<vmem>>, vector<1x16xf32>,
        %parallel_loop3A_596 = vector.shape_cast %parallel_loop3A_595 : vector<1x16xf32> to vector<16xf32>
        %parallel_loop3A_597 = vector.shape_cast %parallel_loop3A_592 : vector<16xf32> to vector<1x16xf32>
        tpu.vector_store %arg6[%parallel_loop3A_593, %parallel_loop3A_594], %parallel_loop3A_597 {strides = array<i32>} : memref<128x256xf32, #tpu.memory_space<vmem>>, vector<1x16xf32>,
      } {sc.loop_unroll_factor = 2 : i64, sc.parallel_access}
    } else {
    }
    %gt3A_141 = arith.constant 80 : i32
    %gt3A_142 = arith.cmpi sgt, %squeeze3A_115, %gt3A_141 : i32
    %convert_element_type3A_143 = arith.extui %gt3A_142 : i1 to i32
    %cond3A_144 = arith.constant 0 : i32
    %cond3A_145 = arith.cmpi ne, %convert_element_type3A_143, %cond3A_144 : i32
    scf.if %cond3A_145 {
      %parallel_loop3A = arith.constant 80 : i32
      %parallel_loop3A_403 = arith.constant 96 : i32
      %parallel_loop3A_404 = arith.constant 1 : i32
      scf.for %parallel_loop3A_405 = %parallel_loop3A to %parallel_loop3A_403 step %parallel_loop3A_404  : i32 {
        %parallel_loop3A_406 = arith.index_cast %parallel_loop3A_405 : i32 to index
        %parallel_loop3A_407 = arith.constant 0 : index
        %parallel_loop3A_408 = tpu.vector_load %arg6[%parallel_loop3A_406, %parallel_loop3A_407] {strides = array<i32>} : memref<128x256xf32, #tpu.memory_space<vmem>>, vector<1x16xf32>,
        %parallel_loop3A_409 = vector.shape_cast %parallel_loop3A_408 : vector<1x16xf32> to vector<16xf32>
        %parallel_loop3A_410 = arith.constant 1.100000e+00 : f32
        %parallel_loop3A_411 = vector.broadcast %parallel_loop3A_410 : f32 to vector<16xf32>
        %parallel_loop3A_412 = arith.mulf %parallel_loop3A_409, %parallel_loop3A_411 : vector<16xf32>
        %parallel_loop3A_413 = arith.index_cast %parallel_loop3A_405 : i32 to index
        %parallel_loop3A_414 = arith.constant 0 : index
        %parallel_loop3A_415 = tpu.vector_load %arg6[%parallel_loop3A_413, %parallel_loop3A_414] {strides = array<i32>} : memref<128x256xf32, #tpu.memory_space<vmem>>, vector<1x16xf32>,
        %parallel_loop3A_416 = vector.shape_cast %parallel_loop3A_415 : vector<1x16xf32> to vector<16xf32>
        %parallel_loop3A_417 = vector.shape_cast %parallel_loop3A_412 : vector<16xf32> to vector<1x16xf32>
        tpu.vector_store %arg6[%parallel_loop3A_413, %parallel_loop3A_414], %parallel_loop3A_417 {strides = array<i32>} : memref<128x256xf32, #tpu.memory_space<vmem>>, vector<1x16xf32>,
        %parallel_loop3A_418 = arith.index_cast %parallel_loop3A_405 : i32 to index
        %parallel_loop3A_419 = arith.constant 16 : index
        %parallel_loop3A_420 = tpu.vector_load %arg6[%parallel_loop3A_418, %parallel_loop3A_419] {strides = array<i32>} : memref<128x256xf32, #tpu.memory_space<vmem>>, vector<1x16xf32>,
        %parallel_loop3A_421 = vector.shape_cast %parallel_loop3A_420 : vector<1x16xf32> to vector<16xf32>
        %parallel_loop3A_422 = arith.constant 1.100000e+00 : f32
        %parallel_loop3A_423 = vector.broadcast %parallel_loop3A_422 : f32 to vector<16xf32>
        %parallel_loop3A_424 = arith.mulf %parallel_loop3A_421, %parallel_loop3A_423 : vector<16xf32>
        %parallel_loop3A_425 = arith.index_cast %parallel_loop3A_405 : i32 to index
        %parallel_loop3A_426 = arith.constant 16 : index
        %parallel_loop3A_427 = tpu.vector_load %arg6[%parallel_loop3A_425, %parallel_loop3A_426] {strides = array<i32>} : memref<128x256xf32, #tpu.memory_space<vmem>>, vector<1x16xf32>,
        %parallel_loop3A_428 = vector.shape_cast %parallel_loop3A_427 : vector<1x16xf32> to vector<16xf32>
        %parallel_loop3A_429 = vector.shape_cast %parallel_loop3A_424 : vector<16xf32> to vector<1x16xf32>
        tpu.vector_store %arg6[%parallel_loop3A_425, %parallel_loop3A_426], %parallel_loop3A_429 {strides = array<i32>} : memref<128x256xf32, #tpu.memory_space<vmem>>, vector<1x16xf32>,
        %parallel_loop3A_430 = arith.index_cast %parallel_loop3A_405 : i32 to index
        %parallel_loop3A_431 = arith.constant 32 : index
        %parallel_loop3A_432 = tpu.vector_load %arg6[%parallel_loop3A_430, %parallel_loop3A_431] {strides = array<i32>} : memref<128x256xf32, #tpu.memory_space<vmem>>, vector<1x16xf32>,
        %parallel_loop3A_433 = vector.shape_cast %parallel_loop3A_432 : vector<1x16xf32> to vector<16xf32>
        %parallel_loop3A_434 = arith.constant 1.100000e+00 : f32
        %parallel_loop3A_435 = vector.broadcast %parallel_loop3A_434 : f32 to vector<16xf32>
        %parallel_loop3A_436 = arith.mulf %parallel_loop3A_433, %parallel_loop3A_435 : vector<16xf32>
        %parallel_loop3A_437 = arith.index_cast %parallel_loop3A_405 : i32 to index
        %parallel_loop3A_438 = arith.constant 32 : index
        %parallel_loop3A_439 = tpu.vector_load %arg6[%parallel_loop3A_437, %parallel_loop3A_438] {strides = array<i32>} : memref<128x256xf32, #tpu.memory_space<vmem>>, vector<1x16xf32>,
        %parallel_loop3A_440 = vector.shape_cast %parallel_loop3A_439 : vector<1x16xf32> to vector<16xf32>
        %parallel_loop3A_441 = vector.shape_cast %parallel_loop3A_436 : vector<16xf32> to vector<1x16xf32>
        tpu.vector_store %arg6[%parallel_loop3A_437, %parallel_loop3A_438], %parallel_loop3A_441 {strides = array<i32>} : memref<128x256xf32, #tpu.memory_space<vmem>>, vector<1x16xf32>,
        %parallel_loop3A_442 = arith.index_cast %parallel_loop3A_405 : i32 to index
        %parallel_loop3A_443 = arith.constant 48 : index
        %parallel_loop3A_444 = tpu.vector_load %arg6[%parallel_loop3A_442, %parallel_loop3A_443] {strides = array<i32>} : memref<128x256xf32, #tpu.memory_space<vmem>>, vector<1x16xf32>,
        %parallel_loop3A_445 = vector.shape_cast %parallel_loop3A_444 : vector<1x16xf32> to vector<16xf32>
        %parallel_loop3A_446 = arith.constant 1.100000e+00 : f32
        %parallel_loop3A_447 = vector.broadcast %parallel_loop3A_446 : f32 to vector<16xf32>
        %parallel_loop3A_448 = arith.mulf %parallel_loop3A_445, %parallel_loop3A_447 : vector<16xf32>
        %parallel_loop3A_449 = arith.index_cast %parallel_loop3A_405 : i32 to index
        %parallel_loop3A_450 = arith.constant 48 : index
        %parallel_loop3A_451 = tpu.vector_load %arg6[%parallel_loop3A_449, %parallel_loop3A_450] {strides = array<i32>} : memref<128x256xf32, #tpu.memory_space<vmem>>, vector<1x16xf32>,
        %parallel_loop3A_452 = vector.shape_cast %parallel_loop3A_451 : vector<1x16xf32> to vector<16xf32>
        %parallel_loop3A_453 = vector.shape_cast %parallel_loop3A_448 : vector<16xf32> to vector<1x16xf32>
        tpu.vector_store %arg6[%parallel_loop3A_449, %parallel_loop3A_450], %parallel_loop3A_453 {strides = array<i32>} : memref<128x256xf32, #tpu.memory_space<vmem>>, vector<1x16xf32>,
        %parallel_loop3A_454 = arith.index_cast %parallel_loop3A_405 : i32 to index
        %parallel_loop3A_455 = arith.constant 64 : index
        %parallel_loop3A_456 = tpu.vector_load %arg6[%parallel_loop3A_454, %parallel_loop3A_455] {strides = array<i32>} : memref<128x256xf32, #tpu.memory_space<vmem>>, vector<1x16xf32>,
        %parallel_loop3A_457 = vector.shape_cast %parallel_loop3A_456 : vector<1x16xf32> to vector<16xf32>
        %parallel_loop3A_458 = arith.constant 1.100000e+00 : f32
        %parallel_loop3A_459 = vector.broadcast %parallel_loop3A_458 : f32 to vector<16xf32>
        %parallel_loop3A_460 = arith.mulf %parallel_loop3A_457, %parallel_loop3A_459 : vector<16xf32>
        %parallel_loop3A_461 = arith.index_cast %parallel_loop3A_405 : i32 to index
        %parallel_loop3A_462 = arith.constant 64 : index
        %parallel_loop3A_463 = tpu.vector_load %arg6[%parallel_loop3A_461, %parallel_loop3A_462] {strides = array<i32>} : memref<128x256xf32, #tpu.memory_space<vmem>>, vector<1x16xf32>,
        %parallel_loop3A_464 = vector.shape_cast %parallel_loop3A_463 : vector<1x16xf32> to vector<16xf32>
        %parallel_loop3A_465 = vector.shape_cast %parallel_loop3A_460 : vector<16xf32> to vector<1x16xf32>
        tpu.vector_store %arg6[%parallel_loop3A_461, %parallel_loop3A_462], %parallel_loop3A_465 {strides = array<i32>} : memref<128x256xf32, #tpu.memory_space<vmem>>, vector<1x16xf32>,
        %parallel_loop3A_466 = arith.index_cast %parallel_loop3A_405 : i32 to index
        %parallel_loop3A_467 = arith.constant 80 : index
        %parallel_loop3A_468 = tpu.vector_load %arg6[%parallel_loop3A_466, %parallel_loop3A_467] {strides = array<i32>} : memref<128x256xf32, #tpu.memory_space<vmem>>, vector<1x16xf32>,
        %parallel_loop3A_469 = vector.shape_cast %parallel_loop3A_468 : vector<1x16xf32> to vector<16xf32>
        %parallel_loop3A_470 = arith.constant 1.100000e+00 : f32
        %parallel_loop3A_471 = vector.broadcast %parallel_loop3A_470 : f32 to vector<16xf32>
        %parallel_loop3A_472 = arith.mulf %parallel_loop3A_469, %parallel_loop3A_471 : vector<16xf32>
        %parallel_loop3A_473 = arith.index_cast %parallel_loop3A_405 : i32 to index
        %parallel_loop3A_474 = arith.constant 80 : index
        %parallel_loop3A_475 = tpu.vector_load %arg6[%parallel_loop3A_473, %parallel_loop3A_474] {strides = array<i32>} : memref<128x256xf32, #tpu.memory_space<vmem>>, vector<1x16xf32>,
        %parallel_loop3A_476 = vector.shape_cast %parallel_loop3A_475 : vector<1x16xf32> to vector<16xf32>
        %parallel_loop3A_477 = vector.shape_cast %parallel_loop3A_472 : vector<16xf32> to vector<1x16xf32>
        tpu.vector_store %arg6[%parallel_loop3A_473, %parallel_loop3A_474], %parallel_loop3A_477 {strides = array<i32>} : memref<128x256xf32, #tpu.memory_space<vmem>>, vector<1x16xf32>,
        %parallel_loop3A_478 = arith.index_cast %parallel_loop3A_405 : i32 to index
        %parallel_loop3A_479 = arith.constant 96 : index
        %parallel_loop3A_480 = tpu.vector_load %arg6[%parallel_loop3A_478, %parallel_loop3A_479] {strides = array<i32>} : memref<128x256xf32, #tpu.memory_space<vmem>>, vector<1x16xf32>,
        %parallel_loop3A_481 = vector.shape_cast %parallel_loop3A_480 : vector<1x16xf32> to vector<16xf32>
        %parallel_loop3A_482 = arith.constant 1.100000e+00 : f32
        %parallel_loop3A_483 = vector.broadcast %parallel_loop3A_482 : f32 to vector<16xf32>
        %parallel_loop3A_484 = arith.mulf %parallel_loop3A_481, %parallel_loop3A_483 : vector<16xf32>
        %parallel_loop3A_485 = arith.index_cast %parallel_loop3A_405 : i32 to index
        %parallel_loop3A_486 = arith.constant 96 : index
        %parallel_loop3A_487 = tpu.vector_load %arg6[%parallel_loop3A_485, %parallel_loop3A_486] {strides = array<i32>} : memref<128x256xf32, #tpu.memory_space<vmem>>, vector<1x16xf32>,
        %parallel_loop3A_488 = vector.shape_cast %parallel_loop3A_487 : vector<1x16xf32> to vector<16xf32>
        %parallel_loop3A_489 = vector.shape_cast %parallel_loop3A_484 : vector<16xf32> to vector<1x16xf32>
        tpu.vector_store %arg6[%parallel_loop3A_485, %parallel_loop3A_486], %parallel_loop3A_489 {strides = array<i32>} : memref<128x256xf32, #tpu.memory_space<vmem>>, vector<1x16xf32>,
        %parallel_loop3A_490 = arith.index_cast %parallel_loop3A_405 : i32 to index
        %parallel_loop3A_491 = arith.constant 112 : index
        %parallel_loop3A_492 = tpu.vector_load %arg6[%parallel_loop3A_490, %parallel_loop3A_491] {strides = array<i32>} : memref<128x256xf32, #tpu.memory_space<vmem>>, vector<1x16xf32>,
        %parallel_loop3A_493 = vector.shape_cast %parallel_loop3A_492 : vector<1x16xf32> to vector<16xf32>
        %parallel_loop3A_494 = arith.constant 1.100000e+00 : f32
        %parallel_loop3A_495 = vector.broadcast %parallel_loop3A_494 : f32 to vector<16xf32>
        %parallel_loop3A_496 = arith.mulf %parallel_loop3A_493, %parallel_loop3A_495 : vector<16xf32>
        %parallel_loop3A_497 = arith.index_cast %parallel_loop3A_405 : i32 to index
        %parallel_loop3A_498 = arith.constant 112 : index
        %parallel_loop3A_499 = tpu.vector_load %arg6[%parallel_loop3A_497, %parallel_loop3A_498] {strides = array<i32>} : memref<128x256xf32, #tpu.memory_space<vmem>>, vector<1x16xf32>,
        %parallel_loop3A_500 = vector.shape_cast %parallel_loop3A_499 : vector<1x16xf32> to vector<16xf32>
        %parallel_loop3A_501 = vector.shape_cast %parallel_loop3A_496 : vector<16xf32> to vector<1x16xf32>
        tpu.vector_store %arg6[%parallel_loop3A_497, %parallel_loop3A_498], %parallel_loop3A_501 {strides = array<i32>} : memref<128x256xf32, #tpu.memory_space<vmem>>, vector<1x16xf32>,
        %parallel_loop3A_502 = arith.index_cast %parallel_loop3A_405 : i32 to index
        %parallel_loop3A_503 = arith.constant 128 : index
        %parallel_loop3A_504 = tpu.vector_load %arg6[%parallel_loop3A_502, %parallel_loop3A_503] {strides = array<i32>} : memref<128x256xf32, #tpu.memory_space<vmem>>, vector<1x16xf32>,
        %parallel_loop3A_505 = vector.shape_cast %parallel_loop3A_504 : vector<1x16xf32> to vector<16xf32>
        %parallel_loop3A_506 = arith.constant 1.100000e+00 : f32
        %parallel_loop3A_507 = vector.broadcast %parallel_loop3A_506 : f32 to vector<16xf32>
        %parallel_loop3A_508 = arith.mulf %parallel_loop3A_505, %parallel_loop3A_507 : vector<16xf32>
        %parallel_loop3A_509 = arith.index_cast %parallel_loop3A_405 : i32 to index
        %parallel_loop3A_510 = arith.constant 128 : index
        %parallel_loop3A_511 = tpu.vector_load %arg6[%parallel_loop3A_509, %parallel_loop3A_510] {strides = array<i32>} : memref<128x256xf32, #tpu.memory_space<vmem>>, vector<1x16xf32>,
        %parallel_loop3A_512 = vector.shape_cast %parallel_loop3A_511 : vector<1x16xf32> to vector<16xf32>
        %parallel_loop3A_513 = vector.shape_cast %parallel_loop3A_508 : vector<16xf32> to vector<1x16xf32>
        tpu.vector_store %arg6[%parallel_loop3A_509, %parallel_loop3A_510], %parallel_loop3A_513 {strides = array<i32>} : memref<128x256xf32, #tpu.memory_space<vmem>>, vector<1x16xf32>,
        %parallel_loop3A_514 = arith.index_cast %parallel_loop3A_405 : i32 to index
        %parallel_loop3A_515 = arith.constant 144 : index
        %parallel_loop3A_516 = tpu.vector_load %arg6[%parallel_loop3A_514, %parallel_loop3A_515] {strides = array<i32>} : memref<128x256xf32, #tpu.memory_space<vmem>>, vector<1x16xf32>,
        %parallel_loop3A_517 = vector.shape_cast %parallel_loop3A_516 : vector<1x16xf32> to vector<16xf32>
        %parallel_loop3A_518 = arith.constant 1.100000e+00 : f32
        %parallel_loop3A_519 = vector.broadcast %parallel_loop3A_518 : f32 to vector<16xf32>
        %parallel_loop3A_520 = arith.mulf %parallel_loop3A_517, %parallel_loop3A_519 : vector<16xf32>
        %parallel_loop3A_521 = arith.index_cast %parallel_loop3A_405 : i32 to index
        %parallel_loop3A_522 = arith.constant 144 : index
        %parallel_loop3A_523 = tpu.vector_load %arg6[%parallel_loop3A_521, %parallel_loop3A_522] {strides = array<i32>} : memref<128x256xf32, #tpu.memory_space<vmem>>, vector<1x16xf32>,
        %parallel_loop3A_524 = vector.shape_cast %parallel_loop3A_523 : vector<1x16xf32> to vector<16xf32>
        %parallel_loop3A_525 = vector.shape_cast %parallel_loop3A_520 : vector<16xf32> to vector<1x16xf32>
        tpu.vector_store %arg6[%parallel_loop3A_521, %parallel_loop3A_522], %parallel_loop3A_525 {strides = array<i32>} : memref<128x256xf32, #tpu.memory_space<vmem>>, vector<1x16xf32>,
        %parallel_loop3A_526 = arith.index_cast %parallel_loop3A_405 : i32 to index
        %parallel_loop3A_527 = arith.constant 160 : index
        %parallel_loop3A_528 = tpu.vector_load %arg6[%parallel_loop3A_526, %parallel_loop3A_527] {strides = array<i32>} : memref<128x256xf32, #tpu.memory_space<vmem>>, vector<1x16xf32>,
        %parallel_loop3A_529 = vector.shape_cast %parallel_loop3A_528 : vector<1x16xf32> to vector<16xf32>
        %parallel_loop3A_530 = arith.constant 1.100000e+00 : f32
        %parallel_loop3A_531 = vector.broadcast %parallel_loop3A_530 : f32 to vector<16xf32>
        %parallel_loop3A_532 = arith.mulf %parallel_loop3A_529, %parallel_loop3A_531 : vector<16xf32>
        %parallel_loop3A_533 = arith.index_cast %parallel_loop3A_405 : i32 to index
        %parallel_loop3A_534 = arith.constant 160 : index
        %parallel_loop3A_535 = tpu.vector_load %arg6[%parallel_loop3A_533, %parallel_loop3A_534] {strides = array<i32>} : memref<128x256xf32, #tpu.memory_space<vmem>>, vector<1x16xf32>,
        %parallel_loop3A_536 = vector.shape_cast %parallel_loop3A_535 : vector<1x16xf32> to vector<16xf32>
        %parallel_loop3A_537 = vector.shape_cast %parallel_loop3A_532 : vector<16xf32> to vector<1x16xf32>
        tpu.vector_store %arg6[%parallel_loop3A_533, %parallel_loop3A_534], %parallel_loop3A_537 {strides = array<i32>} : memref<128x256xf32, #tpu.memory_space<vmem>>, vector<1x16xf32>,
        %parallel_loop3A_538 = arith.index_cast %parallel_loop3A_405 : i32 to index
        %parallel_loop3A_539 = arith.constant 176 : index
        %parallel_loop3A_540 = tpu.vector_load %arg6[%parallel_loop3A_538, %parallel_loop3A_539] {strides = array<i32>} : memref<128x256xf32, #tpu.memory_space<vmem>>, vector<1x16xf32>,
        %parallel_loop3A_541 = vector.shape_cast %parallel_loop3A_540 : vector<1x16xf32> to vector<16xf32>
        %parallel_loop3A_542 = arith.constant 1.100000e+00 : f32
        %parallel_loop3A_543 = vector.broadcast %parallel_loop3A_542 : f32 to vector<16xf32>
        %parallel_loop3A_544 = arith.mulf %parallel_loop3A_541, %parallel_loop3A_543 : vector<16xf32>
        %parallel_loop3A_545 = arith.index_cast %parallel_loop3A_405 : i32 to index
        %parallel_loop3A_546 = arith.constant 176 : index
        %parallel_loop3A_547 = tpu.vector_load %arg6[%parallel_loop3A_545, %parallel_loop3A_546] {strides = array<i32>} : memref<128x256xf32, #tpu.memory_space<vmem>>, vector<1x16xf32>,
        %parallel_loop3A_548 = vector.shape_cast %parallel_loop3A_547 : vector<1x16xf32> to vector<16xf32>
        %parallel_loop3A_549 = vector.shape_cast %parallel_loop3A_544 : vector<16xf32> to vector<1x16xf32>
        tpu.vector_store %arg6[%parallel_loop3A_545, %parallel_loop3A_546], %parallel_loop3A_549 {strides = array<i32>} : memref<128x256xf32, #tpu.memory_space<vmem>>, vector<1x16xf32>,
        %parallel_loop3A_550 = arith.index_cast %parallel_loop3A_405 : i32 to index
        %parallel_loop3A_551 = arith.constant 192 : index
        %parallel_loop3A_552 = tpu.vector_load %arg6[%parallel_loop3A_550, %parallel_loop3A_551] {strides = array<i32>} : memref<128x256xf32, #tpu.memory_space<vmem>>, vector<1x16xf32>,
        %parallel_loop3A_553 = vector.shape_cast %parallel_loop3A_552 : vector<1x16xf32> to vector<16xf32>
        %parallel_loop3A_554 = arith.constant 1.100000e+00 : f32
        %parallel_loop3A_555 = vector.broadcast %parallel_loop3A_554 : f32 to vector<16xf32>
        %parallel_loop3A_556 = arith.mulf %parallel_loop3A_553, %parallel_loop3A_555 : vector<16xf32>
        %parallel_loop3A_557 = arith.index_cast %parallel_loop3A_405 : i32 to index
        %parallel_loop3A_558 = arith.constant 192 : index
        %parallel_loop3A_559 = tpu.vector_load %arg6[%parallel_loop3A_557, %parallel_loop3A_558] {strides = array<i32>} : memref<128x256xf32, #tpu.memory_space<vmem>>, vector<1x16xf32>,
        %parallel_loop3A_560 = vector.shape_cast %parallel_loop3A_559 : vector<1x16xf32> to vector<16xf32>
        %parallel_loop3A_561 = vector.shape_cast %parallel_loop3A_556 : vector<16xf32> to vector<1x16xf32>
        tpu.vector_store %arg6[%parallel_loop3A_557, %parallel_loop3A_558], %parallel_loop3A_561 {strides = array<i32>} : memref<128x256xf32, #tpu.memory_space<vmem>>, vector<1x16xf32>,
        %parallel_loop3A_562 = arith.index_cast %parallel_loop3A_405 : i32 to index
        %parallel_loop3A_563 = arith.constant 208 : index
        %parallel_loop3A_564 = tpu.vector_load %arg6[%parallel_loop3A_562, %parallel_loop3A_563] {strides = array<i32>} : memref<128x256xf32, #tpu.memory_space<vmem>>, vector<1x16xf32>,
        %parallel_loop3A_565 = vector.shape_cast %parallel_loop3A_564 : vector<1x16xf32> to vector<16xf32>
        %parallel_loop3A_566 = arith.constant 1.100000e+00 : f32
        %parallel_loop3A_567 = vector.broadcast %parallel_loop3A_566 : f32 to vector<16xf32>
        %parallel_loop3A_568 = arith.mulf %parallel_loop3A_565, %parallel_loop3A_567 : vector<16xf32>
        %parallel_loop3A_569 = arith.index_cast %parallel_loop3A_405 : i32 to index
        %parallel_loop3A_570 = arith.constant 208 : index
        %parallel_loop3A_571 = tpu.vector_load %arg6[%parallel_loop3A_569, %parallel_loop3A_570] {strides = array<i32>} : memref<128x256xf32, #tpu.memory_space<vmem>>, vector<1x16xf32>,
        %parallel_loop3A_572 = vector.shape_cast %parallel_loop3A_571 : vector<1x16xf32> to vector<16xf32>
        %parallel_loop3A_573 = vector.shape_cast %parallel_loop3A_568 : vector<16xf32> to vector<1x16xf32>
        tpu.vector_store %arg6[%parallel_loop3A_569, %parallel_loop3A_570], %parallel_loop3A_573 {strides = array<i32>} : memref<128x256xf32, #tpu.memory_space<vmem>>, vector<1x16xf32>,
        %parallel_loop3A_574 = arith.index_cast %parallel_loop3A_405 : i32 to index
        %parallel_loop3A_575 = arith.constant 224 : index
        %parallel_loop3A_576 = tpu.vector_load %arg6[%parallel_loop3A_574, %parallel_loop3A_575] {strides = array<i32>} : memref<128x256xf32, #tpu.memory_space<vmem>>, vector<1x16xf32>,
        %parallel_loop3A_577 = vector.shape_cast %parallel_loop3A_576 : vector<1x16xf32> to vector<16xf32>
        %parallel_loop3A_578 = arith.constant 1.100000e+00 : f32
        %parallel_loop3A_579 = vector.broadcast %parallel_loop3A_578 : f32 to vector<16xf32>
        %parallel_loop3A_580 = arith.mulf %parallel_loop3A_577, %parallel_loop3A_579 : vector<16xf32>
        %parallel_loop3A_581 = arith.index_cast %parallel_loop3A_405 : i32 to index
        %parallel_loop3A_582 = arith.constant 224 : index
        %parallel_loop3A_583 = tpu.vector_load %arg6[%parallel_loop3A_581, %parallel_loop3A_582] {strides = array<i32>} : memref<128x256xf32, #tpu.memory_space<vmem>>, vector<1x16xf32>,
        %parallel_loop3A_584 = vector.shape_cast %parallel_loop3A_583 : vector<1x16xf32> to vector<16xf32>
        %parallel_loop3A_585 = vector.shape_cast %parallel_loop3A_580 : vector<16xf32> to vector<1x16xf32>
        tpu.vector_store %arg6[%parallel_loop3A_581, %parallel_loop3A_582], %parallel_loop3A_585 {strides = array<i32>} : memref<128x256xf32, #tpu.memory_space<vmem>>, vector<1x16xf32>,
        %parallel_loop3A_586 = arith.index_cast %parallel_loop3A_405 : i32 to index
        %parallel_loop3A_587 = arith.constant 240 : index
        %parallel_loop3A_588 = tpu.vector_load %arg6[%parallel_loop3A_586, %parallel_loop3A_587] {strides = array<i32>} : memref<128x256xf32, #tpu.memory_space<vmem>>, vector<1x16xf32>,
        %parallel_loop3A_589 = vector.shape_cast %parallel_loop3A_588 : vector<1x16xf32> to vector<16xf32>
        %parallel_loop3A_590 = arith.constant 1.100000e+00 : f32
        %parallel_loop3A_591 = vector.broadcast %parallel_loop3A_590 : f32 to vector<16xf32>
        %parallel_loop3A_592 = arith.mulf %parallel_loop3A_589, %parallel_loop3A_591 : vector<16xf32>
        %parallel_loop3A_593 = arith.index_cast %parallel_loop3A_405 : i32 to index
        %parallel_loop3A_594 = arith.constant 240 : index
        %parallel_loop3A_595 = tpu.vector_load %arg6[%parallel_loop3A_593, %parallel_loop3A_594] {strides = array<i32>} : memref<128x256xf32, #tpu.memory_space<vmem>>, vector<1x16xf32>,
        %parallel_loop3A_596 = vector.shape_cast %parallel_loop3A_595 : vector<1x16xf32> to vector<16xf32>
        %parallel_loop3A_597 = vector.shape_cast %parallel_loop3A_592 : vector<16xf32> to vector<1x16xf32>
        tpu.vector_store %arg6[%parallel_loop3A_593, %parallel_loop3A_594], %parallel_loop3A_597 {strides = array<i32>} : memref<128x256xf32, #tpu.memory_space<vmem>>, vector<1x16xf32>,
      } {sc.loop_unroll_factor = 2 : i64, sc.parallel_access}
    } else {
    }
    %gt3A_146 = arith.constant 96 : i32
    %gt3A_147 = arith.cmpi sgt, %squeeze3A_115, %gt3A_146 : i32
    %convert_element_type3A_148 = arith.extui %gt3A_147 : i1 to i32
    %cond3A_149 = arith.constant 0 : i32
    %cond3A_150 = arith.cmpi ne, %convert_element_type3A_148, %cond3A_149 : i32
    scf.if %cond3A_150 {
      %parallel_loop3A = arith.constant 96 : i32
      %parallel_loop3A_403 = arith.constant 112 : i32
      %parallel_loop3A_404 = arith.constant 1 : i32
      scf.for %parallel_loop3A_405 = %parallel_loop3A to %parallel_loop3A_403 step %parallel_loop3A_404  : i32 {
        %parallel_loop3A_406 = arith.index_cast %parallel_loop3A_405 : i32 to index
        %parallel_loop3A_407 = arith.constant 0 : index
        %parallel_loop3A_408 = tpu.vector_load %arg6[%parallel_loop3A_406, %parallel_loop3A_407] {strides = array<i32>} : memref<128x256xf32, #tpu.memory_space<vmem>>, vector<1x16xf32>,
        %parallel_loop3A_409 = vector.shape_cast %parallel_loop3A_408 : vector<1x16xf32> to vector<16xf32>
        %parallel_loop3A_410 = arith.constant 1.100000e+00 : f32
        %parallel_loop3A_411 = vector.broadcast %parallel_loop3A_410 : f32 to vector<16xf32>
        %parallel_loop3A_412 = arith.mulf %parallel_loop3A_409, %parallel_loop3A_411 : vector<16xf32>
        %parallel_loop3A_413 = arith.index_cast %parallel_loop3A_405 : i32 to index
        %parallel_loop3A_414 = arith.constant 0 : index
        %parallel_loop3A_415 = tpu.vector_load %arg6[%parallel_loop3A_413, %parallel_loop3A_414] {strides = array<i32>} : memref<128x256xf32, #tpu.memory_space<vmem>>, vector<1x16xf32>,
        %parallel_loop3A_416 = vector.shape_cast %parallel_loop3A_415 : vector<1x16xf32> to vector<16xf32>
        %parallel_loop3A_417 = vector.shape_cast %parallel_loop3A_412 : vector<16xf32> to vector<1x16xf32>
        tpu.vector_store %arg6[%parallel_loop3A_413, %parallel_loop3A_414], %parallel_loop3A_417 {strides = array<i32>} : memref<128x256xf32, #tpu.memory_space<vmem>>, vector<1x16xf32>,
        %parallel_loop3A_418 = arith.index_cast %parallel_loop3A_405 : i32 to index
        %parallel_loop3A_419 = arith.constant 16 : index
        %parallel_loop3A_420 = tpu.vector_load %arg6[%parallel_loop3A_418, %parallel_loop3A_419] {strides = array<i32>} : memref<128x256xf32, #tpu.memory_space<vmem>>, vector<1x16xf32>,
        %parallel_loop3A_421 = vector.shape_cast %parallel_loop3A_420 : vector<1x16xf32> to vector<16xf32>
        %parallel_loop3A_422 = arith.constant 1.100000e+00 : f32
        %parallel_loop3A_423 = vector.broadcast %parallel_loop3A_422 : f32 to vector<16xf32>
        %parallel_loop3A_424 = arith.mulf %parallel_loop3A_421, %parallel_loop3A_423 : vector<16xf32>
        %parallel_loop3A_425 = arith.index_cast %parallel_loop3A_405 : i32 to index
        %parallel_loop3A_426 = arith.constant 16 : index
        %parallel_loop3A_427 = tpu.vector_load %arg6[%parallel_loop3A_425, %parallel_loop3A_426] {strides = array<i32>} : memref<128x256xf32, #tpu.memory_space<vmem>>, vector<1x16xf32>,
        %parallel_loop3A_428 = vector.shape_cast %parallel_loop3A_427 : vector<1x16xf32> to vector<16xf32>
        %parallel_loop3A_429 = vector.shape_cast %parallel_loop3A_424 : vector<16xf32> to vector<1x16xf32>
        tpu.vector_store %arg6[%parallel_loop3A_425, %parallel_loop3A_426], %parallel_loop3A_429 {strides = array<i32>} : memref<128x256xf32, #tpu.memory_space<vmem>>, vector<1x16xf32>,
        %parallel_loop3A_430 = arith.index_cast %parallel_loop3A_405 : i32 to index
        %parallel_loop3A_431 = arith.constant 32 : index
        %parallel_loop3A_432 = tpu.vector_load %arg6[%parallel_loop3A_430, %parallel_loop3A_431] {strides = array<i32>} : memref<128x256xf32, #tpu.memory_space<vmem>>, vector<1x16xf32>,
        %parallel_loop3A_433 = vector.shape_cast %parallel_loop3A_432 : vector<1x16xf32> to vector<16xf32>
        %parallel_loop3A_434 = arith.constant 1.100000e+00 : f32
        %parallel_loop3A_435 = vector.broadcast %parallel_loop3A_434 : f32 to vector<16xf32>
        %parallel_loop3A_436 = arith.mulf %parallel_loop3A_433, %parallel_loop3A_435 : vector<16xf32>
        %parallel_loop3A_437 = arith.index_cast %parallel_loop3A_405 : i32 to index
        %parallel_loop3A_438 = arith.constant 32 : index
        %parallel_loop3A_439 = tpu.vector_load %arg6[%parallel_loop3A_437, %parallel_loop3A_438] {strides = array<i32>} : memref<128x256xf32, #tpu.memory_space<vmem>>, vector<1x16xf32>,
        %parallel_loop3A_440 = vector.shape_cast %parallel_loop3A_439 : vector<1x16xf32> to vector<16xf32>
        %parallel_loop3A_441 = vector.shape_cast %parallel_loop3A_436 : vector<16xf32> to vector<1x16xf32>
        tpu.vector_store %arg6[%parallel_loop3A_437, %parallel_loop3A_438], %parallel_loop3A_441 {strides = array<i32>} : memref<128x256xf32, #tpu.memory_space<vmem>>, vector<1x16xf32>,
        %parallel_loop3A_442 = arith.index_cast %parallel_loop3A_405 : i32 to index
        %parallel_loop3A_443 = arith.constant 48 : index
        %parallel_loop3A_444 = tpu.vector_load %arg6[%parallel_loop3A_442, %parallel_loop3A_443] {strides = array<i32>} : memref<128x256xf32, #tpu.memory_space<vmem>>, vector<1x16xf32>,
        %parallel_loop3A_445 = vector.shape_cast %parallel_loop3A_444 : vector<1x16xf32> to vector<16xf32>
        %parallel_loop3A_446 = arith.constant 1.100000e+00 : f32
        %parallel_loop3A_447 = vector.broadcast %parallel_loop3A_446 : f32 to vector<16xf32>
        %parallel_loop3A_448 = arith.mulf %parallel_loop3A_445, %parallel_loop3A_447 : vector<16xf32>
        %parallel_loop3A_449 = arith.index_cast %parallel_loop3A_405 : i32 to index
        %parallel_loop3A_450 = arith.constant 48 : index
        %parallel_loop3A_451 = tpu.vector_load %arg6[%parallel_loop3A_449, %parallel_loop3A_450] {strides = array<i32>} : memref<128x256xf32, #tpu.memory_space<vmem>>, vector<1x16xf32>,
        %parallel_loop3A_452 = vector.shape_cast %parallel_loop3A_451 : vector<1x16xf32> to vector<16xf32>
        %parallel_loop3A_453 = vector.shape_cast %parallel_loop3A_448 : vector<16xf32> to vector<1x16xf32>
        tpu.vector_store %arg6[%parallel_loop3A_449, %parallel_loop3A_450], %parallel_loop3A_453 {strides = array<i32>} : memref<128x256xf32, #tpu.memory_space<vmem>>, vector<1x16xf32>,
        %parallel_loop3A_454 = arith.index_cast %parallel_loop3A_405 : i32 to index
        %parallel_loop3A_455 = arith.constant 64 : index
        %parallel_loop3A_456 = tpu.vector_load %arg6[%parallel_loop3A_454, %parallel_loop3A_455] {strides = array<i32>} : memref<128x256xf32, #tpu.memory_space<vmem>>, vector<1x16xf32>,
        %parallel_loop3A_457 = vector.shape_cast %parallel_loop3A_456 : vector<1x16xf32> to vector<16xf32>
        %parallel_loop3A_458 = arith.constant 1.100000e+00 : f32
        %parallel_loop3A_459 = vector.broadcast %parallel_loop3A_458 : f32 to vector<16xf32>
        %parallel_loop3A_460 = arith.mulf %parallel_loop3A_457, %parallel_loop3A_459 : vector<16xf32>
        %parallel_loop3A_461 = arith.index_cast %parallel_loop3A_405 : i32 to index
        %parallel_loop3A_462 = arith.constant 64 : index
        %parallel_loop3A_463 = tpu.vector_load %arg6[%parallel_loop3A_461, %parallel_loop3A_462] {strides = array<i32>} : memref<128x256xf32, #tpu.memory_space<vmem>>, vector<1x16xf32>,
        %parallel_loop3A_464 = vector.shape_cast %parallel_loop3A_463 : vector<1x16xf32> to vector<16xf32>
        %parallel_loop3A_465 = vector.shape_cast %parallel_loop3A_460 : vector<16xf32> to vector<1x16xf32>
        tpu.vector_store %arg6[%parallel_loop3A_461, %parallel_loop3A_462], %parallel_loop3A_465 {strides = array<i32>} : memref<128x256xf32, #tpu.memory_space<vmem>>, vector<1x16xf32>,
        %parallel_loop3A_466 = arith.index_cast %parallel_loop3A_405 : i32 to index
        %parallel_loop3A_467 = arith.constant 80 : index
        %parallel_loop3A_468 = tpu.vector_load %arg6[%parallel_loop3A_466, %parallel_loop3A_467] {strides = array<i32>} : memref<128x256xf32, #tpu.memory_space<vmem>>, vector<1x16xf32>,
        %parallel_loop3A_469 = vector.shape_cast %parallel_loop3A_468 : vector<1x16xf32> to vector<16xf32>
        %parallel_loop3A_470 = arith.constant 1.100000e+00 : f32
        %parallel_loop3A_471 = vector.broadcast %parallel_loop3A_470 : f32 to vector<16xf32>
        %parallel_loop3A_472 = arith.mulf %parallel_loop3A_469, %parallel_loop3A_471 : vector<16xf32>
        %parallel_loop3A_473 = arith.index_cast %parallel_loop3A_405 : i32 to index
        %parallel_loop3A_474 = arith.constant 80 : index
        %parallel_loop3A_475 = tpu.vector_load %arg6[%parallel_loop3A_473, %parallel_loop3A_474] {strides = array<i32>} : memref<128x256xf32, #tpu.memory_space<vmem>>, vector<1x16xf32>,
        %parallel_loop3A_476 = vector.shape_cast %parallel_loop3A_475 : vector<1x16xf32> to vector<16xf32>
        %parallel_loop3A_477 = vector.shape_cast %parallel_loop3A_472 : vector<16xf32> to vector<1x16xf32>
        tpu.vector_store %arg6[%parallel_loop3A_473, %parallel_loop3A_474], %parallel_loop3A_477 {strides = array<i32>} : memref<128x256xf32, #tpu.memory_space<vmem>>, vector<1x16xf32>,
        %parallel_loop3A_478 = arith.index_cast %parallel_loop3A_405 : i32 to index
        %parallel_loop3A_479 = arith.constant 96 : index
        %parallel_loop3A_480 = tpu.vector_load %arg6[%parallel_loop3A_478, %parallel_loop3A_479] {strides = array<i32>} : memref<128x256xf32, #tpu.memory_space<vmem>>, vector<1x16xf32>,
        %parallel_loop3A_481 = vector.shape_cast %parallel_loop3A_480 : vector<1x16xf32> to vector<16xf32>
        %parallel_loop3A_482 = arith.constant 1.100000e+00 : f32
        %parallel_loop3A_483 = vector.broadcast %parallel_loop3A_482 : f32 to vector<16xf32>
        %parallel_loop3A_484 = arith.mulf %parallel_loop3A_481, %parallel_loop3A_483 : vector<16xf32>
        %parallel_loop3A_485 = arith.index_cast %parallel_loop3A_405 : i32 to index
        %parallel_loop3A_486 = arith.constant 96 : index
        %parallel_loop3A_487 = tpu.vector_load %arg6[%parallel_loop3A_485, %parallel_loop3A_486] {strides = array<i32>} : memref<128x256xf32, #tpu.memory_space<vmem>>, vector<1x16xf32>,
        %parallel_loop3A_488 = vector.shape_cast %parallel_loop3A_487 : vector<1x16xf32> to vector<16xf32>
        %parallel_loop3A_489 = vector.shape_cast %parallel_loop3A_484 : vector<16xf32> to vector<1x16xf32>
        tpu.vector_store %arg6[%parallel_loop3A_485, %parallel_loop3A_486], %parallel_loop3A_489 {strides = array<i32>} : memref<128x256xf32, #tpu.memory_space<vmem>>, vector<1x16xf32>,
        %parallel_loop3A_490 = arith.index_cast %parallel_loop3A_405 : i32 to index
        %parallel_loop3A_491 = arith.constant 112 : index
        %parallel_loop3A_492 = tpu.vector_load %arg6[%parallel_loop3A_490, %parallel_loop3A_491] {strides = array<i32>} : memref<128x256xf32, #tpu.memory_space<vmem>>, vector<1x16xf32>,
        %parallel_loop3A_493 = vector.shape_cast %parallel_loop3A_492 : vector<1x16xf32> to vector<16xf32>
        %parallel_loop3A_494 = arith.constant 1.100000e+00 : f32
        %parallel_loop3A_495 = vector.broadcast %parallel_loop3A_494 : f32 to vector<16xf32>
        %parallel_loop3A_496 = arith.mulf %parallel_loop3A_493, %parallel_loop3A_495 : vector<16xf32>
        %parallel_loop3A_497 = arith.index_cast %parallel_loop3A_405 : i32 to index
        %parallel_loop3A_498 = arith.constant 112 : index
        %parallel_loop3A_499 = tpu.vector_load %arg6[%parallel_loop3A_497, %parallel_loop3A_498] {strides = array<i32>} : memref<128x256xf32, #tpu.memory_space<vmem>>, vector<1x16xf32>,
        %parallel_loop3A_500 = vector.shape_cast %parallel_loop3A_499 : vector<1x16xf32> to vector<16xf32>
        %parallel_loop3A_501 = vector.shape_cast %parallel_loop3A_496 : vector<16xf32> to vector<1x16xf32>
        tpu.vector_store %arg6[%parallel_loop3A_497, %parallel_loop3A_498], %parallel_loop3A_501 {strides = array<i32>} : memref<128x256xf32, #tpu.memory_space<vmem>>, vector<1x16xf32>,
        %parallel_loop3A_502 = arith.index_cast %parallel_loop3A_405 : i32 to index
        %parallel_loop3A_503 = arith.constant 128 : index
        %parallel_loop3A_504 = tpu.vector_load %arg6[%parallel_loop3A_502, %parallel_loop3A_503] {strides = array<i32>} : memref<128x256xf32, #tpu.memory_space<vmem>>, vector<1x16xf32>,
        %parallel_loop3A_505 = vector.shape_cast %parallel_loop3A_504 : vector<1x16xf32> to vector<16xf32>
        %parallel_loop3A_506 = arith.constant 1.100000e+00 : f32
        %parallel_loop3A_507 = vector.broadcast %parallel_loop3A_506 : f32 to vector<16xf32>
        %parallel_loop3A_508 = arith.mulf %parallel_loop3A_505, %parallel_loop3A_507 : vector<16xf32>
        %parallel_loop3A_509 = arith.index_cast %parallel_loop3A_405 : i32 to index
        %parallel_loop3A_510 = arith.constant 128 : index
        %parallel_loop3A_511 = tpu.vector_load %arg6[%parallel_loop3A_509, %parallel_loop3A_510] {strides = array<i32>} : memref<128x256xf32, #tpu.memory_space<vmem>>, vector<1x16xf32>,
        %parallel_loop3A_512 = vector.shape_cast %parallel_loop3A_511 : vector<1x16xf32> to vector<16xf32>
        %parallel_loop3A_513 = vector.shape_cast %parallel_loop3A_508 : vector<16xf32> to vector<1x16xf32>
        tpu.vector_store %arg6[%parallel_loop3A_509, %parallel_loop3A_510], %parallel_loop3A_513 {strides = array<i32>} : memref<128x256xf32, #tpu.memory_space<vmem>>, vector<1x16xf32>,
        %parallel_loop3A_514 = arith.index_cast %parallel_loop3A_405 : i32 to index
        %parallel_loop3A_515 = arith.constant 144 : index
        %parallel_loop3A_516 = tpu.vector_load %arg6[%parallel_loop3A_514, %parallel_loop3A_515] {strides = array<i32>} : memref<128x256xf32, #tpu.memory_space<vmem>>, vector<1x16xf32>,
        %parallel_loop3A_517 = vector.shape_cast %parallel_loop3A_516 : vector<1x16xf32> to vector<16xf32>
        %parallel_loop3A_518 = arith.constant 1.100000e+00 : f32
        %parallel_loop3A_519 = vector.broadcast %parallel_loop3A_518 : f32 to vector<16xf32>
        %parallel_loop3A_520 = arith.mulf %parallel_loop3A_517, %parallel_loop3A_519 : vector<16xf32>
        %parallel_loop3A_521 = arith.index_cast %parallel_loop3A_405 : i32 to index
        %parallel_loop3A_522 = arith.constant 144 : index
        %parallel_loop3A_523 = tpu.vector_load %arg6[%parallel_loop3A_521, %parallel_loop3A_522] {strides = array<i32>} : memref<128x256xf32, #tpu.memory_space<vmem>>, vector<1x16xf32>,
        %parallel_loop3A_524 = vector.shape_cast %parallel_loop3A_523 : vector<1x16xf32> to vector<16xf32>
        %parallel_loop3A_525 = vector.shape_cast %parallel_loop3A_520 : vector<16xf32> to vector<1x16xf32>
        tpu.vector_store %arg6[%parallel_loop3A_521, %parallel_loop3A_522], %parallel_loop3A_525 {strides = array<i32>} : memref<128x256xf32, #tpu.memory_space<vmem>>, vector<1x16xf32>,
        %parallel_loop3A_526 = arith.index_cast %parallel_loop3A_405 : i32 to index
        %parallel_loop3A_527 = arith.constant 160 : index
        %parallel_loop3A_528 = tpu.vector_load %arg6[%parallel_loop3A_526, %parallel_loop3A_527] {strides = array<i32>} : memref<128x256xf32, #tpu.memory_space<vmem>>, vector<1x16xf32>,
        %parallel_loop3A_529 = vector.shape_cast %parallel_loop3A_528 : vector<1x16xf32> to vector<16xf32>
        %parallel_loop3A_530 = arith.constant 1.100000e+00 : f32
        %parallel_loop3A_531 = vector.broadcast %parallel_loop3A_530 : f32 to vector<16xf32>
        %parallel_loop3A_532 = arith.mulf %parallel_loop3A_529, %parallel_loop3A_531 : vector<16xf32>
        %parallel_loop3A_533 = arith.index_cast %parallel_loop3A_405 : i32 to index
        %parallel_loop3A_534 = arith.constant 160 : index
        %parallel_loop3A_535 = tpu.vector_load %arg6[%parallel_loop3A_533, %parallel_loop3A_534] {strides = array<i32>} : memref<128x256xf32, #tpu.memory_space<vmem>>, vector<1x16xf32>,
        %parallel_loop3A_536 = vector.shape_cast %parallel_loop3A_535 : vector<1x16xf32> to vector<16xf32>
        %parallel_loop3A_537 = vector.shape_cast %parallel_loop3A_532 : vector<16xf32> to vector<1x16xf32>
        tpu.vector_store %arg6[%parallel_loop3A_533, %parallel_loop3A_534], %parallel_loop3A_537 {strides = array<i32>} : memref<128x256xf32, #tpu.memory_space<vmem>>, vector<1x16xf32>,
        %parallel_loop3A_538 = arith.index_cast %parallel_loop3A_405 : i32 to index
        %parallel_loop3A_539 = arith.constant 176 : index
        %parallel_loop3A_540 = tpu.vector_load %arg6[%parallel_loop3A_538, %parallel_loop3A_539] {strides = array<i32>} : memref<128x256xf32, #tpu.memory_space<vmem>>, vector<1x16xf32>,
        %parallel_loop3A_541 = vector.shape_cast %parallel_loop3A_540 : vector<1x16xf32> to vector<16xf32>
        %parallel_loop3A_542 = arith.constant 1.100000e+00 : f32
        %parallel_loop3A_543 = vector.broadcast %parallel_loop3A_542 : f32 to vector<16xf32>
        %parallel_loop3A_544 = arith.mulf %parallel_loop3A_541, %parallel_loop3A_543 : vector<16xf32>
        %parallel_loop3A_545 = arith.index_cast %parallel_loop3A_405 : i32 to index
        %parallel_loop3A_546 = arith.constant 176 : index
        %parallel_loop3A_547 = tpu.vector_load %arg6[%parallel_loop3A_545, %parallel_loop3A_546] {strides = array<i32>} : memref<128x256xf32, #tpu.memory_space<vmem>>, vector<1x16xf32>,
        %parallel_loop3A_548 = vector.shape_cast %parallel_loop3A_547 : vector<1x16xf32> to vector<16xf32>
        %parallel_loop3A_549 = vector.shape_cast %parallel_loop3A_544 : vector<16xf32> to vector<1x16xf32>
        tpu.vector_store %arg6[%parallel_loop3A_545, %parallel_loop3A_546], %parallel_loop3A_549 {strides = array<i32>} : memref<128x256xf32, #tpu.memory_space<vmem>>, vector<1x16xf32>,
        %parallel_loop3A_550 = arith.index_cast %parallel_loop3A_405 : i32 to index
        %parallel_loop3A_551 = arith.constant 192 : index
        %parallel_loop3A_552 = tpu.vector_load %arg6[%parallel_loop3A_550, %parallel_loop3A_551] {strides = array<i32>} : memref<128x256xf32, #tpu.memory_space<vmem>>, vector<1x16xf32>,
        %parallel_loop3A_553 = vector.shape_cast %parallel_loop3A_552 : vector<1x16xf32> to vector<16xf32>
        %parallel_loop3A_554 = arith.constant 1.100000e+00 : f32
        %parallel_loop3A_555 = vector.broadcast %parallel_loop3A_554 : f32 to vector<16xf32>
        %parallel_loop3A_556 = arith.mulf %parallel_loop3A_553, %parallel_loop3A_555 : vector<16xf32>
        %parallel_loop3A_557 = arith.index_cast %parallel_loop3A_405 : i32 to index
        %parallel_loop3A_558 = arith.constant 192 : index
        %parallel_loop3A_559 = tpu.vector_load %arg6[%parallel_loop3A_557, %parallel_loop3A_558] {strides = array<i32>} : memref<128x256xf32, #tpu.memory_space<vmem>>, vector<1x16xf32>,
        %parallel_loop3A_560 = vector.shape_cast %parallel_loop3A_559 : vector<1x16xf32> to vector<16xf32>
        %parallel_loop3A_561 = vector.shape_cast %parallel_loop3A_556 : vector<16xf32> to vector<1x16xf32>
        tpu.vector_store %arg6[%parallel_loop3A_557, %parallel_loop3A_558], %parallel_loop3A_561 {strides = array<i32>} : memref<128x256xf32, #tpu.memory_space<vmem>>, vector<1x16xf32>,
        %parallel_loop3A_562 = arith.index_cast %parallel_loop3A_405 : i32 to index
        %parallel_loop3A_563 = arith.constant 208 : index
        %parallel_loop3A_564 = tpu.vector_load %arg6[%parallel_loop3A_562, %parallel_loop3A_563] {strides = array<i32>} : memref<128x256xf32, #tpu.memory_space<vmem>>, vector<1x16xf32>,
        %parallel_loop3A_565 = vector.shape_cast %parallel_loop3A_564 : vector<1x16xf32> to vector<16xf32>
        %parallel_loop3A_566 = arith.constant 1.100000e+00 : f32
        %parallel_loop3A_567 = vector.broadcast %parallel_loop3A_566 : f32 to vector<16xf32>
        %parallel_loop3A_568 = arith.mulf %parallel_loop3A_565, %parallel_loop3A_567 : vector<16xf32>
        %parallel_loop3A_569 = arith.index_cast %parallel_loop3A_405 : i32 to index
        %parallel_loop3A_570 = arith.constant 208 : index
        %parallel_loop3A_571 = tpu.vector_load %arg6[%parallel_loop3A_569, %parallel_loop3A_570] {strides = array<i32>} : memref<128x256xf32, #tpu.memory_space<vmem>>, vector<1x16xf32>,
        %parallel_loop3A_572 = vector.shape_cast %parallel_loop3A_571 : vector<1x16xf32> to vector<16xf32>
        %parallel_loop3A_573 = vector.shape_cast %parallel_loop3A_568 : vector<16xf32> to vector<1x16xf32>
        tpu.vector_store %arg6[%parallel_loop3A_569, %parallel_loop3A_570], %parallel_loop3A_573 {strides = array<i32>} : memref<128x256xf32, #tpu.memory_space<vmem>>, vector<1x16xf32>,
        %parallel_loop3A_574 = arith.index_cast %parallel_loop3A_405 : i32 to index
        %parallel_loop3A_575 = arith.constant 224 : index
        %parallel_loop3A_576 = tpu.vector_load %arg6[%parallel_loop3A_574, %parallel_loop3A_575] {strides = array<i32>} : memref<128x256xf32, #tpu.memory_space<vmem>>, vector<1x16xf32>,
        %parallel_loop3A_577 = vector.shape_cast %parallel_loop3A_576 : vector<1x16xf32> to vector<16xf32>
        %parallel_loop3A_578 = arith.constant 1.100000e+00 : f32
        %parallel_loop3A_579 = vector.broadcast %parallel_loop3A_578 : f32 to vector<16xf32>
        %parallel_loop3A_580 = arith.mulf %parallel_loop3A_577, %parallel_loop3A_579 : vector<16xf32>
        %parallel_loop3A_581 = arith.index_cast %parallel_loop3A_405 : i32 to index
        %parallel_loop3A_582 = arith.constant 224 : index
        %parallel_loop3A_583 = tpu.vector_load %arg6[%parallel_loop3A_581, %parallel_loop3A_582] {strides = array<i32>} : memref<128x256xf32, #tpu.memory_space<vmem>>, vector<1x16xf32>,
        %parallel_loop3A_584 = vector.shape_cast %parallel_loop3A_583 : vector<1x16xf32> to vector<16xf32>
        %parallel_loop3A_585 = vector.shape_cast %parallel_loop3A_580 : vector<16xf32> to vector<1x16xf32>
        tpu.vector_store %arg6[%parallel_loop3A_581, %parallel_loop3A_582], %parallel_loop3A_585 {strides = array<i32>} : memref<128x256xf32, #tpu.memory_space<vmem>>, vector<1x16xf32>,
        %parallel_loop3A_586 = arith.index_cast %parallel_loop3A_405 : i32 to index
        %parallel_loop3A_587 = arith.constant 240 : index
        %parallel_loop3A_588 = tpu.vector_load %arg6[%parallel_loop3A_586, %parallel_loop3A_587] {strides = array<i32>} : memref<128x256xf32, #tpu.memory_space<vmem>>, vector<1x16xf32>,
        %parallel_loop3A_589 = vector.shape_cast %parallel_loop3A_588 : vector<1x16xf32> to vector<16xf32>
        %parallel_loop3A_590 = arith.constant 1.100000e+00 : f32
        %parallel_loop3A_591 = vector.broadcast %parallel_loop3A_590 : f32 to vector<16xf32>
        %parallel_loop3A_592 = arith.mulf %parallel_loop3A_589, %parallel_loop3A_591 : vector<16xf32>
        %parallel_loop3A_593 = arith.index_cast %parallel_loop3A_405 : i32 to index
        %parallel_loop3A_594 = arith.constant 240 : index
        %parallel_loop3A_595 = tpu.vector_load %arg6[%parallel_loop3A_593, %parallel_loop3A_594] {strides = array<i32>} : memref<128x256xf32, #tpu.memory_space<vmem>>, vector<1x16xf32>,
        %parallel_loop3A_596 = vector.shape_cast %parallel_loop3A_595 : vector<1x16xf32> to vector<16xf32>
        %parallel_loop3A_597 = vector.shape_cast %parallel_loop3A_592 : vector<16xf32> to vector<1x16xf32>
        tpu.vector_store %arg6[%parallel_loop3A_593, %parallel_loop3A_594], %parallel_loop3A_597 {strides = array<i32>} : memref<128x256xf32, #tpu.memory_space<vmem>>, vector<1x16xf32>,
      } {sc.loop_unroll_factor = 2 : i64, sc.parallel_access}
    } else {
    }
    %gt3A_151 = arith.constant 112 : i32
    %gt3A_152 = arith.cmpi sgt, %squeeze3A_115, %gt3A_151 : i32
    %convert_element_type3A_153 = arith.extui %gt3A_152 : i1 to i32
    %cond3A_154 = arith.constant 0 : i32
    %cond3A_155 = arith.cmpi ne, %convert_element_type3A_153, %cond3A_154 : i32
    scf.if %cond3A_155 {
      %parallel_loop3A = arith.constant 112 : i32
      %parallel_loop3A_403 = arith.constant 128 : i32
      %parallel_loop3A_404 = arith.constant 1 : i32
      scf.for %parallel_loop3A_405 = %parallel_loop3A to %parallel_loop3A_403 step %parallel_loop3A_404  : i32 {
        %parallel_loop3A_406 = arith.index_cast %parallel_loop3A_405 : i32 to index
        %parallel_loop3A_407 = arith.constant 0 : index
        %parallel_loop3A_408 = tpu.vector_load %arg6[%parallel_loop3A_406, %parallel_loop3A_407] {strides = array<i32>} : memref<128x256xf32, #tpu.memory_space<vmem>>, vector<1x16xf32>,
        %parallel_loop3A_409 = vector.shape_cast %parallel_loop3A_408 : vector<1x16xf32> to vector<16xf32>
        %parallel_loop3A_410 = arith.constant 1.100000e+00 : f32
        %parallel_loop3A_411 = vector.broadcast %parallel_loop3A_410 : f32 to vector<16xf32>
        %parallel_loop3A_412 = arith.mulf %parallel_loop3A_409, %parallel_loop3A_411 : vector<16xf32>
        %parallel_loop3A_413 = arith.index_cast %parallel_loop3A_405 : i32 to index
        %parallel_loop3A_414 = arith.constant 0 : index
        %parallel_loop3A_415 = tpu.vector_load %arg6[%parallel_loop3A_413, %parallel_loop3A_414] {strides = array<i32>} : memref<128x256xf32, #tpu.memory_space<vmem>>, vector<1x16xf32>,
        %parallel_loop3A_416 = vector.shape_cast %parallel_loop3A_415 : vector<1x16xf32> to vector<16xf32>
        %parallel_loop3A_417 = vector.shape_cast %parallel_loop3A_412 : vector<16xf32> to vector<1x16xf32>
        tpu.vector_store %arg6[%parallel_loop3A_413, %parallel_loop3A_414], %parallel_loop3A_417 {strides = array<i32>} : memref<128x256xf32, #tpu.memory_space<vmem>>, vector<1x16xf32>,
        %parallel_loop3A_418 = arith.index_cast %parallel_loop3A_405 : i32 to index
        %parallel_loop3A_419 = arith.constant 16 : index
        %parallel_loop3A_420 = tpu.vector_load %arg6[%parallel_loop3A_418, %parallel_loop3A_419] {strides = array<i32>} : memref<128x256xf32, #tpu.memory_space<vmem>>, vector<1x16xf32>,
        %parallel_loop3A_421 = vector.shape_cast %parallel_loop3A_420 : vector<1x16xf32> to vector<16xf32>
        %parallel_loop3A_422 = arith.constant 1.100000e+00 : f32
        %parallel_loop3A_423 = vector.broadcast %parallel_loop3A_422 : f32 to vector<16xf32>
        %parallel_loop3A_424 = arith.mulf %parallel_loop3A_421, %parallel_loop3A_423 : vector<16xf32>
        %parallel_loop3A_425 = arith.index_cast %parallel_loop3A_405 : i32 to index
        %parallel_loop3A_426 = arith.constant 16 : index
        %parallel_loop3A_427 = tpu.vector_load %arg6[%parallel_loop3A_425, %parallel_loop3A_426] {strides = array<i32>} : memref<128x256xf32, #tpu.memory_space<vmem>>, vector<1x16xf32>,
        %parallel_loop3A_428 = vector.shape_cast %parallel_loop3A_427 : vector<1x16xf32> to vector<16xf32>
        %parallel_loop3A_429 = vector.shape_cast %parallel_loop3A_424 : vector<16xf32> to vector<1x16xf32>
        tpu.vector_store %arg6[%parallel_loop3A_425, %parallel_loop3A_426], %parallel_loop3A_429 {strides = array<i32>} : memref<128x256xf32, #tpu.memory_space<vmem>>, vector<1x16xf32>,
        %parallel_loop3A_430 = arith.index_cast %parallel_loop3A_405 : i32 to index
        %parallel_loop3A_431 = arith.constant 32 : index
        %parallel_loop3A_432 = tpu.vector_load %arg6[%parallel_loop3A_430, %parallel_loop3A_431] {strides = array<i32>} : memref<128x256xf32, #tpu.memory_space<vmem>>, vector<1x16xf32>,
        %parallel_loop3A_433 = vector.shape_cast %parallel_loop3A_432 : vector<1x16xf32> to vector<16xf32>
        %parallel_loop3A_434 = arith.constant 1.100000e+00 : f32
        %parallel_loop3A_435 = vector.broadcast %parallel_loop3A_434 : f32 to vector<16xf32>
        %parallel_loop3A_436 = arith.mulf %parallel_loop3A_433, %parallel_loop3A_435 : vector<16xf32>
        %parallel_loop3A_437 = arith.index_cast %parallel_loop3A_405 : i32 to index
        %parallel_loop3A_438 = arith.constant 32 : index
        %parallel_loop3A_439 = tpu.vector_load %arg6[%parallel_loop3A_437, %parallel_loop3A_438] {strides = array<i32>} : memref<128x256xf32, #tpu.memory_space<vmem>>, vector<1x16xf32>,
        %parallel_loop3A_440 = vector.shape_cast %parallel_loop3A_439 : vector<1x16xf32> to vector<16xf32>
        %parallel_loop3A_441 = vector.shape_cast %parallel_loop3A_436 : vector<16xf32> to vector<1x16xf32>
        tpu.vector_store %arg6[%parallel_loop3A_437, %parallel_loop3A_438], %parallel_loop3A_441 {strides = array<i32>} : memref<128x256xf32, #tpu.memory_space<vmem>>, vector<1x16xf32>,
        %parallel_loop3A_442 = arith.index_cast %parallel_loop3A_405 : i32 to index
        %parallel_loop3A_443 = arith.constant 48 : index
        %parallel_loop3A_444 = tpu.vector_load %arg6[%parallel_loop3A_442, %parallel_loop3A_443] {strides = array<i32>} : memref<128x256xf32, #tpu.memory_space<vmem>>, vector<1x16xf32>,
        %parallel_loop3A_445 = vector.shape_cast %parallel_loop3A_444 : vector<1x16xf32> to vector<16xf32>
        %parallel_loop3A_446 = arith.constant 1.100000e+00 : f32
        %parallel_loop3A_447 = vector.broadcast %parallel_loop3A_446 : f32 to vector<16xf32>
        %parallel_loop3A_448 = arith.mulf %parallel_loop3A_445, %parallel_loop3A_447 : vector<16xf32>
        %parallel_loop3A_449 = arith.index_cast %parallel_loop3A_405 : i32 to index
        %parallel_loop3A_450 = arith.constant 48 : index
        %parallel_loop3A_451 = tpu.vector_load %arg6[%parallel_loop3A_449, %parallel_loop3A_450] {strides = array<i32>} : memref<128x256xf32, #tpu.memory_space<vmem>>, vector<1x16xf32>,
        %parallel_loop3A_452 = vector.shape_cast %parallel_loop3A_451 : vector<1x16xf32> to vector<16xf32>
        %parallel_loop3A_453 = vector.shape_cast %parallel_loop3A_448 : vector<16xf32> to vector<1x16xf32>
        tpu.vector_store %arg6[%parallel_loop3A_449, %parallel_loop3A_450], %parallel_loop3A_453 {strides = array<i32>} : memref<128x256xf32, #tpu.memory_space<vmem>>, vector<1x16xf32>,
        %parallel_loop3A_454 = arith.index_cast %parallel_loop3A_405 : i32 to index
        %parallel_loop3A_455 = arith.constant 64 : index
        %parallel_loop3A_456 = tpu.vector_load %arg6[%parallel_loop3A_454, %parallel_loop3A_455] {strides = array<i32>} : memref<128x256xf32, #tpu.memory_space<vmem>>, vector<1x16xf32>,
        %parallel_loop3A_457 = vector.shape_cast %parallel_loop3A_456 : vector<1x16xf32> to vector<16xf32>
        %parallel_loop3A_458 = arith.constant 1.100000e+00 : f32
        %parallel_loop3A_459 = vector.broadcast %parallel_loop3A_458 : f32 to vector<16xf32>
        %parallel_loop3A_460 = arith.mulf %parallel_loop3A_457, %parallel_loop3A_459 : vector<16xf32>
        %parallel_loop3A_461 = arith.index_cast %parallel_loop3A_405 : i32 to index
        %parallel_loop3A_462 = arith.constant 64 : index
        %parallel_loop3A_463 = tpu.vector_load %arg6[%parallel_loop3A_461, %parallel_loop3A_462] {strides = array<i32>} : memref<128x256xf32, #tpu.memory_space<vmem>>, vector<1x16xf32>,
        %parallel_loop3A_464 = vector.shape_cast %parallel_loop3A_463 : vector<1x16xf32> to vector<16xf32>
        %parallel_loop3A_465 = vector.shape_cast %parallel_loop3A_460 : vector<16xf32> to vector<1x16xf32>
        tpu.vector_store %arg6[%parallel_loop3A_461, %parallel_loop3A_462], %parallel_loop3A_465 {strides = array<i32>} : memref<128x256xf32, #tpu.memory_space<vmem>>, vector<1x16xf32>,
        %parallel_loop3A_466 = arith.index_cast %parallel_loop3A_405 : i32 to index
        %parallel_loop3A_467 = arith.constant 80 : index
        %parallel_loop3A_468 = tpu.vector_load %arg6[%parallel_loop3A_466, %parallel_loop3A_467] {strides = array<i32>} : memref<128x256xf32, #tpu.memory_space<vmem>>, vector<1x16xf32>,
        %parallel_loop3A_469 = vector.shape_cast %parallel_loop3A_468 : vector<1x16xf32> to vector<16xf32>
        %parallel_loop3A_470 = arith.constant 1.100000e+00 : f32
        %parallel_loop3A_471 = vector.broadcast %parallel_loop3A_470 : f32 to vector<16xf32>
        %parallel_loop3A_472 = arith.mulf %parallel_loop3A_469, %parallel_loop3A_471 : vector<16xf32>
        %parallel_loop3A_473 = arith.index_cast %parallel_loop3A_405 : i32 to index
        %parallel_loop3A_474 = arith.constant 80 : index
        %parallel_loop3A_475 = tpu.vector_load %arg6[%parallel_loop3A_473, %parallel_loop3A_474] {strides = array<i32>} : memref<128x256xf32, #tpu.memory_space<vmem>>, vector<1x16xf32>,
        %parallel_loop3A_476 = vector.shape_cast %parallel_loop3A_475 : vector<1x16xf32> to vector<16xf32>
        %parallel_loop3A_477 = vector.shape_cast %parallel_loop3A_472 : vector<16xf32> to vector<1x16xf32>
        tpu.vector_store %arg6[%parallel_loop3A_473, %parallel_loop3A_474], %parallel_loop3A_477 {strides = array<i32>} : memref<128x256xf32, #tpu.memory_space<vmem>>, vector<1x16xf32>,
        %parallel_loop3A_478 = arith.index_cast %parallel_loop3A_405 : i32 to index
        %parallel_loop3A_479 = arith.constant 96 : index
        %parallel_loop3A_480 = tpu.vector_load %arg6[%parallel_loop3A_478, %parallel_loop3A_479] {strides = array<i32>} : memref<128x256xf32, #tpu.memory_space<vmem>>, vector<1x16xf32>,
        %parallel_loop3A_481 = vector.shape_cast %parallel_loop3A_480 : vector<1x16xf32> to vector<16xf32>
        %parallel_loop3A_482 = arith.constant 1.100000e+00 : f32
        %parallel_loop3A_483 = vector.broadcast %parallel_loop3A_482 : f32 to vector<16xf32>
        %parallel_loop3A_484 = arith.mulf %parallel_loop3A_481, %parallel_loop3A_483 : vector<16xf32>
        %parallel_loop3A_485 = arith.index_cast %parallel_loop3A_405 : i32 to index
        %parallel_loop3A_486 = arith.constant 96 : index
        %parallel_loop3A_487 = tpu.vector_load %arg6[%parallel_loop3A_485, %parallel_loop3A_486] {strides = array<i32>} : memref<128x256xf32, #tpu.memory_space<vmem>>, vector<1x16xf32>,
        %parallel_loop3A_488 = vector.shape_cast %parallel_loop3A_487 : vector<1x16xf32> to vector<16xf32>
        %parallel_loop3A_489 = vector.shape_cast %parallel_loop3A_484 : vector<16xf32> to vector<1x16xf32>
        tpu.vector_store %arg6[%parallel_loop3A_485, %parallel_loop3A_486], %parallel_loop3A_489 {strides = array<i32>} : memref<128x256xf32, #tpu.memory_space<vmem>>, vector<1x16xf32>,
        %parallel_loop3A_490 = arith.index_cast %parallel_loop3A_405 : i32 to index
        %parallel_loop3A_491 = arith.constant 112 : index
        %parallel_loop3A_492 = tpu.vector_load %arg6[%parallel_loop3A_490, %parallel_loop3A_491] {strides = array<i32>} : memref<128x256xf32, #tpu.memory_space<vmem>>, vector<1x16xf32>,
        %parallel_loop3A_493 = vector.shape_cast %parallel_loop3A_492 : vector<1x16xf32> to vector<16xf32>
        %parallel_loop3A_494 = arith.constant 1.100000e+00 : f32
        %parallel_loop3A_495 = vector.broadcast %parallel_loop3A_494 : f32 to vector<16xf32>
        %parallel_loop3A_496 = arith.mulf %parallel_loop3A_493, %parallel_loop3A_495 : vector<16xf32>
        %parallel_loop3A_497 = arith.index_cast %parallel_loop3A_405 : i32 to index
        %parallel_loop3A_498 = arith.constant 112 : index
        %parallel_loop3A_499 = tpu.vector_load %arg6[%parallel_loop3A_497, %parallel_loop3A_498] {strides = array<i32>} : memref<128x256xf32, #tpu.memory_space<vmem>>, vector<1x16xf32>,
        %parallel_loop3A_500 = vector.shape_cast %parallel_loop3A_499 : vector<1x16xf32> to vector<16xf32>
        %parallel_loop3A_501 = vector.shape_cast %parallel_loop3A_496 : vector<16xf32> to vector<1x16xf32>
        tpu.vector_store %arg6[%parallel_loop3A_497, %parallel_loop3A_498], %parallel_loop3A_501 {strides = array<i32>} : memref<128x256xf32, #tpu.memory_space<vmem>>, vector<1x16xf32>,
        %parallel_loop3A_502 = arith.index_cast %parallel_loop3A_405 : i32 to index
        %parallel_loop3A_503 = arith.constant 128 : index
        %parallel_loop3A_504 = tpu.vector_load %arg6[%parallel_loop3A_502, %parallel_loop3A_503] {strides = array<i32>} : memref<128x256xf32, #tpu.memory_space<vmem>>, vector<1x16xf32>,
        %parallel_loop3A_505 = vector.shape_cast %parallel_loop3A_504 : vector<1x16xf32> to vector<16xf32>
        %parallel_loop3A_506 = arith.constant 1.100000e+00 : f32
        %parallel_loop3A_507 = vector.broadcast %parallel_loop3A_506 : f32 to vector<16xf32>
        %parallel_loop3A_508 = arith.mulf %parallel_loop3A_505, %parallel_loop3A_507 : vector<16xf32>
        %parallel_loop3A_509 = arith.index_cast %parallel_loop3A_405 : i32 to index
        %parallel_loop3A_510 = arith.constant 128 : index
        %parallel_loop3A_511 = tpu.vector_load %arg6[%parallel_loop3A_509, %parallel_loop3A_510] {strides = array<i32>} : memref<128x256xf32, #tpu.memory_space<vmem>>, vector<1x16xf32>,
        %parallel_loop3A_512 = vector.shape_cast %parallel_loop3A_511 : vector<1x16xf32> to vector<16xf32>
        %parallel_loop3A_513 = vector.shape_cast %parallel_loop3A_508 : vector<16xf32> to vector<1x16xf32>
        tpu.vector_store %arg6[%parallel_loop3A_509, %parallel_loop3A_510], %parallel_loop3A_513 {strides = array<i32>} : memref<128x256xf32, #tpu.memory_space<vmem>>, vector<1x16xf32>,
        %parallel_loop3A_514 = arith.index_cast %parallel_loop3A_405 : i32 to index
        %parallel_loop3A_515 = arith.constant 144 : index
        %parallel_loop3A_516 = tpu.vector_load %arg6[%parallel_loop3A_514, %parallel_loop3A_515] {strides = array<i32>} : memref<128x256xf32, #tpu.memory_space<vmem>>, vector<1x16xf32>,
        %parallel_loop3A_517 = vector.shape_cast %parallel_loop3A_516 : vector<1x16xf32> to vector<16xf32>
        %parallel_loop3A_518 = arith.constant 1.100000e+00 : f32
        %parallel_loop3A_519 = vector.broadcast %parallel_loop3A_518 : f32 to vector<16xf32>
        %parallel_loop3A_520 = arith.mulf %parallel_loop3A_517, %parallel_loop3A_519 : vector<16xf32>
        %parallel_loop3A_521 = arith.index_cast %parallel_loop3A_405 : i32 to index
        %parallel_loop3A_522 = arith.constant 144 : index
        %parallel_loop3A_523 = tpu.vector_load %arg6[%parallel_loop3A_521, %parallel_loop3A_522] {strides = array<i32>} : memref<128x256xf32, #tpu.memory_space<vmem>>, vector<1x16xf32>,
        %parallel_loop3A_524 = vector.shape_cast %parallel_loop3A_523 : vector<1x16xf32> to vector<16xf32>
        %parallel_loop3A_525 = vector.shape_cast %parallel_loop3A_520 : vector<16xf32> to vector<1x16xf32>
        tpu.vector_store %arg6[%parallel_loop3A_521, %parallel_loop3A_522], %parallel_loop3A_525 {strides = array<i32>} : memref<128x256xf32, #tpu.memory_space<vmem>>, vector<1x16xf32>,
        %parallel_loop3A_526 = arith.index_cast %parallel_loop3A_405 : i32 to index
        %parallel_loop3A_527 = arith.constant 160 : index
        %parallel_loop3A_528 = tpu.vector_load %arg6[%parallel_loop3A_526, %parallel_loop3A_527] {strides = array<i32>} : memref<128x256xf32, #tpu.memory_space<vmem>>, vector<1x16xf32>,
        %parallel_loop3A_529 = vector.shape_cast %parallel_loop3A_528 : vector<1x16xf32> to vector<16xf32>
        %parallel_loop3A_530 = arith.constant 1.100000e+00 : f32
        %parallel_loop3A_531 = vector.broadcast %parallel_loop3A_530 : f32 to vector<16xf32>
        %parallel_loop3A_532 = arith.mulf %parallel_loop3A_529, %parallel_loop3A_531 : vector<16xf32>
        %parallel_loop3A_533 = arith.index_cast %parallel_loop3A_405 : i32 to index
        %parallel_loop3A_534 = arith.constant 160 : index
        %parallel_loop3A_535 = tpu.vector_load %arg6[%parallel_loop3A_533, %parallel_loop3A_534] {strides = array<i32>} : memref<128x256xf32, #tpu.memory_space<vmem>>, vector<1x16xf32>,
        %parallel_loop3A_536 = vector.shape_cast %parallel_loop3A_535 : vector<1x16xf32> to vector<16xf32>
        %parallel_loop3A_537 = vector.shape_cast %parallel_loop3A_532 : vector<16xf32> to vector<1x16xf32>
        tpu.vector_store %arg6[%parallel_loop3A_533, %parallel_loop3A_534], %parallel_loop3A_537 {strides = array<i32>} : memref<128x256xf32, #tpu.memory_space<vmem>>, vector<1x16xf32>,
        %parallel_loop3A_538 = arith.index_cast %parallel_loop3A_405 : i32 to index
        %parallel_loop3A_539 = arith.constant 176 : index
        %parallel_loop3A_540 = tpu.vector_load %arg6[%parallel_loop3A_538, %parallel_loop3A_539] {strides = array<i32>} : memref<128x256xf32, #tpu.memory_space<vmem>>, vector<1x16xf32>,
        %parallel_loop3A_541 = vector.shape_cast %parallel_loop3A_540 : vector<1x16xf32> to vector<16xf32>
        %parallel_loop3A_542 = arith.constant 1.100000e+00 : f32
        %parallel_loop3A_543 = vector.broadcast %parallel_loop3A_542 : f32 to vector<16xf32>
        %parallel_loop3A_544 = arith.mulf %parallel_loop3A_541, %parallel_loop3A_543 : vector<16xf32>
        %parallel_loop3A_545 = arith.index_cast %parallel_loop3A_405 : i32 to index
        %parallel_loop3A_546 = arith.constant 176 : index
        %parallel_loop3A_547 = tpu.vector_load %arg6[%parallel_loop3A_545, %parallel_loop3A_546] {strides = array<i32>} : memref<128x256xf32, #tpu.memory_space<vmem>>, vector<1x16xf32>,
        %parallel_loop3A_548 = vector.shape_cast %parallel_loop3A_547 : vector<1x16xf32> to vector<16xf32>
        %parallel_loop3A_549 = vector.shape_cast %parallel_loop3A_544 : vector<16xf32> to vector<1x16xf32>
        tpu.vector_store %arg6[%parallel_loop3A_545, %parallel_loop3A_546], %parallel_loop3A_549 {strides = array<i32>} : memref<128x256xf32, #tpu.memory_space<vmem>>, vector<1x16xf32>,
        %parallel_loop3A_550 = arith.index_cast %parallel_loop3A_405 : i32 to index
        %parallel_loop3A_551 = arith.constant 192 : index
        %parallel_loop3A_552 = tpu.vector_load %arg6[%parallel_loop3A_550, %parallel_loop3A_551] {strides = array<i32>} : memref<128x256xf32, #tpu.memory_space<vmem>>, vector<1x16xf32>,
        %parallel_loop3A_553 = vector.shape_cast %parallel_loop3A_552 : vector<1x16xf32> to vector<16xf32>
        %parallel_loop3A_554 = arith.constant 1.100000e+00 : f32
        %parallel_loop3A_555 = vector.broadcast %parallel_loop3A_554 : f32 to vector<16xf32>
        %parallel_loop3A_556 = arith.mulf %parallel_loop3A_553, %parallel_loop3A_555 : vector<16xf32>
        %parallel_loop3A_557 = arith.index_cast %parallel_loop3A_405 : i32 to index
        %parallel_loop3A_558 = arith.constant 192 : index
        %parallel_loop3A_559 = tpu.vector_load %arg6[%parallel_loop3A_557, %parallel_loop3A_558] {strides = array<i32>} : memref<128x256xf32, #tpu.memory_space<vmem>>, vector<1x16xf32>,
        %parallel_loop3A_560 = vector.shape_cast %parallel_loop3A_559 : vector<1x16xf32> to vector<16xf32>
        %parallel_loop3A_561 = vector.shape_cast %parallel_loop3A_556 : vector<16xf32> to vector<1x16xf32>
        tpu.vector_store %arg6[%parallel_loop3A_557, %parallel_loop3A_558], %parallel_loop3A_561 {strides = array<i32>} : memref<128x256xf32, #tpu.memory_space<vmem>>, vector<1x16xf32>,
        %parallel_loop3A_562 = arith.index_cast %parallel_loop3A_405 : i32 to index
        %parallel_loop3A_563 = arith.constant 208 : index
        %parallel_loop3A_564 = tpu.vector_load %arg6[%parallel_loop3A_562, %parallel_loop3A_563] {strides = array<i32>} : memref<128x256xf32, #tpu.memory_space<vmem>>, vector<1x16xf32>,
        %parallel_loop3A_565 = vector.shape_cast %parallel_loop3A_564 : vector<1x16xf32> to vector<16xf32>
        %parallel_loop3A_566 = arith.constant 1.100000e+00 : f32
        %parallel_loop3A_567 = vector.broadcast %parallel_loop3A_566 : f32 to vector<16xf32>
        %parallel_loop3A_568 = arith.mulf %parallel_loop3A_565, %parallel_loop3A_567 : vector<16xf32>
        %parallel_loop3A_569 = arith.index_cast %parallel_loop3A_405 : i32 to index
        %parallel_loop3A_570 = arith.constant 208 : index
        %parallel_loop3A_571 = tpu.vector_load %arg6[%parallel_loop3A_569, %parallel_loop3A_570] {strides = array<i32>} : memref<128x256xf32, #tpu.memory_space<vmem>>, vector<1x16xf32>,
        %parallel_loop3A_572 = vector.shape_cast %parallel_loop3A_571 : vector<1x16xf32> to vector<16xf32>
        %parallel_loop3A_573 = vector.shape_cast %parallel_loop3A_568 : vector<16xf32> to vector<1x16xf32>
        tpu.vector_store %arg6[%parallel_loop3A_569, %parallel_loop3A_570], %parallel_loop3A_573 {strides = array<i32>} : memref<128x256xf32, #tpu.memory_space<vmem>>, vector<1x16xf32>,
        %parallel_loop3A_574 = arith.index_cast %parallel_loop3A_405 : i32 to index
        %parallel_loop3A_575 = arith.constant 224 : index
        %parallel_loop3A_576 = tpu.vector_load %arg6[%parallel_loop3A_574, %parallel_loop3A_575] {strides = array<i32>} : memref<128x256xf32, #tpu.memory_space<vmem>>, vector<1x16xf32>,
        %parallel_loop3A_577 = vector.shape_cast %parallel_loop3A_576 : vector<1x16xf32> to vector<16xf32>
        %parallel_loop3A_578 = arith.constant 1.100000e+00 : f32
        %parallel_loop3A_579 = vector.broadcast %parallel_loop3A_578 : f32 to vector<16xf32>
        %parallel_loop3A_580 = arith.mulf %parallel_loop3A_577, %parallel_loop3A_579 : vector<16xf32>
        %parallel_loop3A_581 = arith.index_cast %parallel_loop3A_405 : i32 to index
        %parallel_loop3A_582 = arith.constant 224 : index
        %parallel_loop3A_583 = tpu.vector_load %arg6[%parallel_loop3A_581, %parallel_loop3A_582] {strides = array<i32>} : memref<128x256xf32, #tpu.memory_space<vmem>>, vector<1x16xf32>,
        %parallel_loop3A_584 = vector.shape_cast %parallel_loop3A_583 : vector<1x16xf32> to vector<16xf32>
        %parallel_loop3A_585 = vector.shape_cast %parallel_loop3A_580 : vector<16xf32> to vector<1x16xf32>
        tpu.vector_store %arg6[%parallel_loop3A_581, %parallel_loop3A_582], %parallel_loop3A_585 {strides = array<i32>} : memref<128x256xf32, #tpu.memory_space<vmem>>, vector<1x16xf32>,
        %parallel_loop3A_586 = arith.index_cast %parallel_loop3A_405 : i32 to index
        %parallel_loop3A_587 = arith.constant 240 : index
        %parallel_loop3A_588 = tpu.vector_load %arg6[%parallel_loop3A_586, %parallel_loop3A_587] {strides = array<i32>} : memref<128x256xf32, #tpu.memory_space<vmem>>, vector<1x16xf32>,
        %parallel_loop3A_589 = vector.shape_cast %parallel_loop3A_588 : vector<1x16xf32> to vector<16xf32>
        %parallel_loop3A_590 = arith.constant 1.100000e+00 : f32
        %parallel_loop3A_591 = vector.broadcast %parallel_loop3A_590 : f32 to vector<16xf32>
        %parallel_loop3A_592 = arith.mulf %parallel_loop3A_589, %parallel_loop3A_591 : vector<16xf32>
        %parallel_loop3A_593 = arith.index_cast %parallel_loop3A_405 : i32 to index
        %parallel_loop3A_594 = arith.constant 240 : index
        %parallel_loop3A_595 = tpu.vector_load %arg6[%parallel_loop3A_593, %parallel_loop3A_594] {strides = array<i32>} : memref<128x256xf32, #tpu.memory_space<vmem>>, vector<1x16xf32>,
        %parallel_loop3A_596 = vector.shape_cast %parallel_loop3A_595 : vector<1x16xf32> to vector<16xf32>
        %parallel_loop3A_597 = vector.shape_cast %parallel_loop3A_592 : vector<16xf32> to vector<1x16xf32>
        tpu.vector_store %arg6[%parallel_loop3A_593, %parallel_loop3A_594], %parallel_loop3A_597 {strides = array<i32>} : memref<128x256xf32, #tpu.memory_space<vmem>>, vector<1x16xf32>,
      } {sc.loop_unroll_factor = 2 : i64, sc.parallel_access}
    } else {
    }
    %add3A_156 = arith.constant 15 : i32
    %add3A_157 = arith.addi %squeeze3A_115, %add3A_156 : i32
    %jit3A_158 = arith.constant 16 : i32
    %div3A_159 = arith.divsi %add3A_157, %jit3A_158 : i32
    %sign3A_160 = arith.constant 0 : i32
    %sign3A_161 = arith.cmpi sgt, %add3A_157, %sign3A_160 : i32
    %sign3A_162 = arith.extui %sign3A_161 : i1 to i32
    %sign3A_163 = arith.constant 0 : i32
    %sign3A_164 = arith.cmpi slt, %add3A_157, %sign3A_163 : i32
    %sign3A_165 = arith.extui %sign3A_164 : i1 to i32
    %sign3A_166 = arith.subi %sign3A_162, %sign3A_165 : i32
    %sign3A_167 = arith.constant 0 : i32
    %sign3A_168 = arith.cmpi sgt, %jit3A_158, %sign3A_167 : i32
    %sign3A_169 = arith.extui %sign3A_168 : i1 to i32
    %sign3A_170 = arith.constant 0 : i32
    %sign3A_171 = arith.cmpi slt, %jit3A_158, %sign3A_170 : i32
    %sign3A_172 = arith.extui %sign3A_171 : i1 to i32
    %sign3A_173 = arith.subi %sign3A_169, %sign3A_172 : i32
    %ne3A_174 = arith.cmpi ne, %sign3A_166, %sign3A_173 : i32
    %rem3A_175 = arith.remsi %add3A_157, %jit3A_158 : i32
    %ne3A_176 = arith.constant 0 : i32
    %ne3A_177 = arith.cmpi ne, %rem3A_175, %ne3A_176 : i32
    %and3A_178 = arith.andi %ne3A_174, %ne3A_177 : i1
    %sub3A_179 = arith.constant 1 : i32
    %sub3A_180 = arith.subi %div3A_159, %sub3A_179 : i32
    %select_n3A_181 = arith.select %and3A_178, %sub3A_180, %div3A_159 : i32
    %mul3A_182 = arith.constant 16 : i32
    %mul3A_183 = arith.muli %select_n3A_181, %mul3A_182 : i32
    %sub3A_184 = arith.subi %mul3A_183, %squeeze3A_115 : i32
    %sub3A_185 = arith.constant 1 : i32
    %sub3A_186 = arith.constant 1 : i32
    %sub3A_187 = arith.subi %sub3A_185, %sub3A_186 : i32
    %add3A_188 = arith.addi %sub3A_184, %sub3A_187 : i32
    %div3A_189 = arith.constant 1 : i32
    %div3A_190 = arith.divsi %add3A_188, %div3A_189 : i32
    %while3A = arith.constant 1 : i32
    %while3A_191 = arith.constant 0 : i32
    %while3A_192 = arith.subi %div3A_190, %while3A_191 : i32
    %while3A_193 = arith.addi %while3A_191, %while3A_192 : i32
    %while3A_194 = arith.constant 1 : i32
    %while3A_195 = arith.divsi %while3A_192, %while3A_194 : i32
    %while3A_196 = arith.muli %while3A_195, %while3A_194 : i32
    %while3A_197 = arith.addi %while3A_191, %while3A_196 : i32
    %while3A_198 = arith.constant 1 : i32
    scf.for %while3A_403 = %while3A_191 to %while3A_197 step %while3A_198  : i32 {
      %mul3A_404 = arith.muli %while3A_403, %while3A : i32
      %add3A_405 = arith.addi %squeeze3A_115, %mul3A_404 : i32
      %broadcast_in_dim3A = arith.constant 0.000000e+00 : f32
      %broadcast_in_dim3A_406 = vector.broadcast %broadcast_in_dim3A : f32 to vector<16xf32>
      %swap3A = arith.index_cast %add3A_405 : i32 to index
      %swap3A_407 = arith.constant 0 : index
      %swap3A_408 = tpu.vector_load %arg6[%swap3A, %swap3A_407] {strides = array<i32>} : memref<128x256xf32, #tpu.memory_space<vmem>>, vector<1x16xf32>,
      %swap3A_409 = vector.shape_cast %swap3A_408 : vector<1x16xf32> to vector<16xf32>
      %swap3A_410 = vector.shape_cast %broadcast_in_dim3A_406 : vector<16xf32> to vector<1x16xf32>
      tpu.vector_store %arg6[%swap3A, %swap3A_407], %swap3A_410 {strides = array<i32>} : memref<128x256xf32, #tpu.memory_space<vmem>>, vector<1x16xf32>,
      %broadcast_in_dim3A_411 = arith.constant 0.000000e+00 : f32
      %broadcast_in_dim3A_412 = vector.broadcast %broadcast_in_dim3A_411 : f32 to vector<16xf32>
      %swap3A_413 = arith.index_cast %add3A_405 : i32 to index
      %swap3A_414 = arith.constant 16 : index
      %swap3A_415 = tpu.vector_load %arg6[%swap3A_413, %swap3A_414] {strides = array<i32>} : memref<128x256xf32, #tpu.memory_space<vmem>>, vector<1x16xf32>,
      %swap3A_416 = vector.shape_cast %swap3A_415 : vector<1x16xf32> to vector<16xf32>
      %swap3A_417 = vector.shape_cast %broadcast_in_dim3A_412 : vector<16xf32> to vector<1x16xf32>
      tpu.vector_store %arg6[%swap3A_413, %swap3A_414], %swap3A_417 {strides = array<i32>} : memref<128x256xf32, #tpu.memory_space<vmem>>, vector<1x16xf32>,
      %broadcast_in_dim3A_418 = arith.constant 0.000000e+00 : f32
      %broadcast_in_dim3A_419 = vector.broadcast %broadcast_in_dim3A_418 : f32 to vector<16xf32>
      %swap3A_420 = arith.index_cast %add3A_405 : i32 to index
      %swap3A_421 = arith.constant 32 : index
      %swap3A_422 = tpu.vector_load %arg6[%swap3A_420, %swap3A_421] {strides = array<i32>} : memref<128x256xf32, #tpu.memory_space<vmem>>, vector<1x16xf32>,
      %swap3A_423 = vector.shape_cast %swap3A_422 : vector<1x16xf32> to vector<16xf32>
      %swap3A_424 = vector.shape_cast %broadcast_in_dim3A_419 : vector<16xf32> to vector<1x16xf32>
      tpu.vector_store %arg6[%swap3A_420, %swap3A_421], %swap3A_424 {strides = array<i32>} : memref<128x256xf32, #tpu.memory_space<vmem>>, vector<1x16xf32>,
      %broadcast_in_dim3A_425 = arith.constant 0.000000e+00 : f32
      %broadcast_in_dim3A_426 = vector.broadcast %broadcast_in_dim3A_425 : f32 to vector<16xf32>
      %swap3A_427 = arith.index_cast %add3A_405 : i32 to index
      %swap3A_428 = arith.constant 48 : index
      %swap3A_429 = tpu.vector_load %arg6[%swap3A_427, %swap3A_428] {strides = array<i32>} : memref<128x256xf32, #tpu.memory_space<vmem>>, vector<1x16xf32>,
      %swap3A_430 = vector.shape_cast %swap3A_429 : vector<1x16xf32> to vector<16xf32>
      %swap3A_431 = vector.shape_cast %broadcast_in_dim3A_426 : vector<16xf32> to vector<1x16xf32>
      tpu.vector_store %arg6[%swap3A_427, %swap3A_428], %swap3A_431 {strides = array<i32>} : memref<128x256xf32, #tpu.memory_space<vmem>>, vector<1x16xf32>,
      %broadcast_in_dim3A_432 = arith.constant 0.000000e+00 : f32
      %broadcast_in_dim3A_433 = vector.broadcast %broadcast_in_dim3A_432 : f32 to vector<16xf32>
      %swap3A_434 = arith.index_cast %add3A_405 : i32 to index
      %swap3A_435 = arith.constant 64 : index
      %swap3A_436 = tpu.vector_load %arg6[%swap3A_434, %swap3A_435] {strides = array<i32>} : memref<128x256xf32, #tpu.memory_space<vmem>>, vector<1x16xf32>,
      %swap3A_437 = vector.shape_cast %swap3A_436 : vector<1x16xf32> to vector<16xf32>
      %swap3A_438 = vector.shape_cast %broadcast_in_dim3A_433 : vector<16xf32> to vector<1x16xf32>
      tpu.vector_store %arg6[%swap3A_434, %swap3A_435], %swap3A_438 {strides = array<i32>} : memref<128x256xf32, #tpu.memory_space<vmem>>, vector<1x16xf32>,
      %broadcast_in_dim3A_439 = arith.constant 0.000000e+00 : f32
      %broadcast_in_dim3A_440 = vector.broadcast %broadcast_in_dim3A_439 : f32 to vector<16xf32>
      %swap3A_441 = arith.index_cast %add3A_405 : i32 to index
      %swap3A_442 = arith.constant 80 : index
      %swap3A_443 = tpu.vector_load %arg6[%swap3A_441, %swap3A_442] {strides = array<i32>} : memref<128x256xf32, #tpu.memory_space<vmem>>, vector<1x16xf32>,
      %swap3A_444 = vector.shape_cast %swap3A_443 : vector<1x16xf32> to vector<16xf32>
      %swap3A_445 = vector.shape_cast %broadcast_in_dim3A_440 : vector<16xf32> to vector<1x16xf32>
      tpu.vector_store %arg6[%swap3A_441, %swap3A_442], %swap3A_445 {strides = array<i32>} : memref<128x256xf32, #tpu.memory_space<vmem>>, vector<1x16xf32>,
      %broadcast_in_dim3A_446 = arith.constant 0.000000e+00 : f32
      %broadcast_in_dim3A_447 = vector.broadcast %broadcast_in_dim3A_446 : f32 to vector<16xf32>
      %swap3A_448 = arith.index_cast %add3A_405 : i32 to index
      %swap3A_449 = arith.constant 96 : index
      %swap3A_450 = tpu.vector_load %arg6[%swap3A_448, %swap3A_449] {strides = array<i32>} : memref<128x256xf32, #tpu.memory_space<vmem>>, vector<1x16xf32>,
      %swap3A_451 = vector.shape_cast %swap3A_450 : vector<1x16xf32> to vector<16xf32>
      %swap3A_452 = vector.shape_cast %broadcast_in_dim3A_447 : vector<16xf32> to vector<1x16xf32>
      tpu.vector_store %arg6[%swap3A_448, %swap3A_449], %swap3A_452 {strides = array<i32>} : memref<128x256xf32, #tpu.memory_space<vmem>>, vector<1x16xf32>,
      %broadcast_in_dim3A_453 = arith.constant 0.000000e+00 : f32
      %broadcast_in_dim3A_454 = vector.broadcast %broadcast_in_dim3A_453 : f32 to vector<16xf32>
      %swap3A_455 = arith.index_cast %add3A_405 : i32 to index
      %swap3A_456 = arith.constant 112 : index
      %swap3A_457 = tpu.vector_load %arg6[%swap3A_455, %swap3A_456] {strides = array<i32>} : memref<128x256xf32, #tpu.memory_space<vmem>>, vector<1x16xf32>,
      %swap3A_458 = vector.shape_cast %swap3A_457 : vector<1x16xf32> to vector<16xf32>
      %swap3A_459 = vector.shape_cast %broadcast_in_dim3A_454 : vector<16xf32> to vector<1x16xf32>
      tpu.vector_store %arg6[%swap3A_455, %swap3A_456], %swap3A_459 {strides = array<i32>} : memref<128x256xf32, #tpu.memory_space<vmem>>, vector<1x16xf32>,
      %broadcast_in_dim3A_460 = arith.constant 0.000000e+00 : f32
      %broadcast_in_dim3A_461 = vector.broadcast %broadcast_in_dim3A_460 : f32 to vector<16xf32>
      %swap3A_462 = arith.index_cast %add3A_405 : i32 to index
      %swap3A_463 = arith.constant 128 : index
      %swap3A_464 = tpu.vector_load %arg6[%swap3A_462, %swap3A_463] {strides = array<i32>} : memref<128x256xf32, #tpu.memory_space<vmem>>, vector<1x16xf32>,
      %swap3A_465 = vector.shape_cast %swap3A_464 : vector<1x16xf32> to vector<16xf32>
      %swap3A_466 = vector.shape_cast %broadcast_in_dim3A_461 : vector<16xf32> to vector<1x16xf32>
      tpu.vector_store %arg6[%swap3A_462, %swap3A_463], %swap3A_466 {strides = array<i32>} : memref<128x256xf32, #tpu.memory_space<vmem>>, vector<1x16xf32>,
      %broadcast_in_dim3A_467 = arith.constant 0.000000e+00 : f32
      %broadcast_in_dim3A_468 = vector.broadcast %broadcast_in_dim3A_467 : f32 to vector<16xf32>
      %swap3A_469 = arith.index_cast %add3A_405 : i32 to index
      %swap3A_470 = arith.constant 144 : index
      %swap3A_471 = tpu.vector_load %arg6[%swap3A_469, %swap3A_470] {strides = array<i32>} : memref<128x256xf32, #tpu.memory_space<vmem>>, vector<1x16xf32>,
      %swap3A_472 = vector.shape_cast %swap3A_471 : vector<1x16xf32> to vector<16xf32>
      %swap3A_473 = vector.shape_cast %broadcast_in_dim3A_468 : vector<16xf32> to vector<1x16xf32>
      tpu.vector_store %arg6[%swap3A_469, %swap3A_470], %swap3A_473 {strides = array<i32>} : memref<128x256xf32, #tpu.memory_space<vmem>>, vector<1x16xf32>,
      %broadcast_in_dim3A_474 = arith.constant 0.000000e+00 : f32
      %broadcast_in_dim3A_475 = vector.broadcast %broadcast_in_dim3A_474 : f32 to vector<16xf32>
      %swap3A_476 = arith.index_cast %add3A_405 : i32 to index
      %swap3A_477 = arith.constant 160 : index
      %swap3A_478 = tpu.vector_load %arg6[%swap3A_476, %swap3A_477] {strides = array<i32>} : memref<128x256xf32, #tpu.memory_space<vmem>>, vector<1x16xf32>,
      %swap3A_479 = vector.shape_cast %swap3A_478 : vector<1x16xf32> to vector<16xf32>
      %swap3A_480 = vector.shape_cast %broadcast_in_dim3A_475 : vector<16xf32> to vector<1x16xf32>
      tpu.vector_store %arg6[%swap3A_476, %swap3A_477], %swap3A_480 {strides = array<i32>} : memref<128x256xf32, #tpu.memory_space<vmem>>, vector<1x16xf32>,
      %broadcast_in_dim3A_481 = arith.constant 0.000000e+00 : f32
      %broadcast_in_dim3A_482 = vector.broadcast %broadcast_in_dim3A_481 : f32 to vector<16xf32>
      %swap3A_483 = arith.index_cast %add3A_405 : i32 to index
      %swap3A_484 = arith.constant 176 : index
      %swap3A_485 = tpu.vector_load %arg6[%swap3A_483, %swap3A_484] {strides = array<i32>} : memref<128x256xf32, #tpu.memory_space<vmem>>, vector<1x16xf32>,
      %swap3A_486 = vector.shape_cast %swap3A_485 : vector<1x16xf32> to vector<16xf32>
      %swap3A_487 = vector.shape_cast %broadcast_in_dim3A_482 : vector<16xf32> to vector<1x16xf32>
      tpu.vector_store %arg6[%swap3A_483, %swap3A_484], %swap3A_487 {strides = array<i32>} : memref<128x256xf32, #tpu.memory_space<vmem>>, vector<1x16xf32>,
      %broadcast_in_dim3A_488 = arith.constant 0.000000e+00 : f32
      %broadcast_in_dim3A_489 = vector.broadcast %broadcast_in_dim3A_488 : f32 to vector<16xf32>
      %swap3A_490 = arith.index_cast %add3A_405 : i32 to index
      %swap3A_491 = arith.constant 192 : index
      %swap3A_492 = tpu.vector_load %arg6[%swap3A_490, %swap3A_491] {strides = array<i32>} : memref<128x256xf32, #tpu.memory_space<vmem>>, vector<1x16xf32>,
      %swap3A_493 = vector.shape_cast %swap3A_492 : vector<1x16xf32> to vector<16xf32>
      %swap3A_494 = vector.shape_cast %broadcast_in_dim3A_489 : vector<16xf32> to vector<1x16xf32>
      tpu.vector_store %arg6[%swap3A_490, %swap3A_491], %swap3A_494 {strides = array<i32>} : memref<128x256xf32, #tpu.memory_space<vmem>>, vector<1x16xf32>,
      %broadcast_in_dim3A_495 = arith.constant 0.000000e+00 : f32
      %broadcast_in_dim3A_496 = vector.broadcast %broadcast_in_dim3A_495 : f32 to vector<16xf32>
      %swap3A_497 = arith.index_cast %add3A_405 : i32 to index
      %swap3A_498 = arith.constant 208 : index
      %swap3A_499 = tpu.vector_load %arg6[%swap3A_497, %swap3A_498] {strides = array<i32>} : memref<128x256xf32, #tpu.memory_space<vmem>>, vector<1x16xf32>,
      %swap3A_500 = vector.shape_cast %swap3A_499 : vector<1x16xf32> to vector<16xf32>
      %swap3A_501 = vector.shape_cast %broadcast_in_dim3A_496 : vector<16xf32> to vector<1x16xf32>
      tpu.vector_store %arg6[%swap3A_497, %swap3A_498], %swap3A_501 {strides = array<i32>} : memref<128x256xf32, #tpu.memory_space<vmem>>, vector<1x16xf32>,
      %broadcast_in_dim3A_502 = arith.constant 0.000000e+00 : f32
      %broadcast_in_dim3A_503 = vector.broadcast %broadcast_in_dim3A_502 : f32 to vector<16xf32>
      %swap3A_504 = arith.index_cast %add3A_405 : i32 to index
      %swap3A_505 = arith.constant 224 : index
      %swap3A_506 = tpu.vector_load %arg6[%swap3A_504, %swap3A_505] {strides = array<i32>} : memref<128x256xf32, #tpu.memory_space<vmem>>, vector<1x16xf32>,
      %swap3A_507 = vector.shape_cast %swap3A_506 : vector<1x16xf32> to vector<16xf32>
      %swap3A_508 = vector.shape_cast %broadcast_in_dim3A_503 : vector<16xf32> to vector<1x16xf32>
      tpu.vector_store %arg6[%swap3A_504, %swap3A_505], %swap3A_508 {strides = array<i32>} : memref<128x256xf32, #tpu.memory_space<vmem>>, vector<1x16xf32>,
      %broadcast_in_dim3A_509 = arith.constant 0.000000e+00 : f32
      %broadcast_in_dim3A_510 = vector.broadcast %broadcast_in_dim3A_509 : f32 to vector<16xf32>
      %swap3A_511 = arith.index_cast %add3A_405 : i32 to index
      %swap3A_512 = arith.constant 240 : index
      %swap3A_513 = tpu.vector_load %arg6[%swap3A_511, %swap3A_512] {strides = array<i32>} : memref<128x256xf32, #tpu.memory_space<vmem>>, vector<1x16xf32>,
      %swap3A_514 = vector.shape_cast %swap3A_513 : vector<1x16xf32> to vector<16xf32>
      %swap3A_515 = vector.shape_cast %broadcast_in_dim3A_510 : vector<16xf32> to vector<1x16xf32>
      tpu.vector_store %arg6[%swap3A_511, %swap3A_512], %swap3A_515 {strides = array<i32>} : memref<128x256xf32, #tpu.memory_space<vmem>>, vector<1x16xf32>,
    }
    %while3A_199 = arith.constant 1 : i32
    scf.for %while3A_403 = %while3A_197 to %while3A_193 step %while3A_199  : i32 {
      %mul3A_404 = arith.muli %while3A_403, %while3A : i32
      %add3A_405 = arith.addi %squeeze3A_115, %mul3A_404 : i32
      %broadcast_in_dim3A = arith.constant 0.000000e+00 : f32
      %broadcast_in_dim3A_406 = vector.broadcast %broadcast_in_dim3A : f32 to vector<16xf32>
      %swap3A = arith.index_cast %add3A_405 : i32 to index
      %swap3A_407 = arith.constant 0 : index
      %swap3A_408 = tpu.vector_load %arg6[%swap3A, %swap3A_407] {strides = array<i32>} : memref<128x256xf32, #tpu.memory_space<vmem>>, vector<1x16xf32>,
      %swap3A_409 = vector.shape_cast %swap3A_408 : vector<1x16xf32> to vector<16xf32>
      %swap3A_410 = vector.shape_cast %broadcast_in_dim3A_406 : vector<16xf32> to vector<1x16xf32>
      tpu.vector_store %arg6[%swap3A, %swap3A_407], %swap3A_410 {strides = array<i32>} : memref<128x256xf32, #tpu.memory_space<vmem>>, vector<1x16xf32>,
      %broadcast_in_dim3A_411 = arith.constant 0.000000e+00 : f32
      %broadcast_in_dim3A_412 = vector.broadcast %broadcast_in_dim3A_411 : f32 to vector<16xf32>
      %swap3A_413 = arith.index_cast %add3A_405 : i32 to index
      %swap3A_414 = arith.constant 16 : index
      %swap3A_415 = tpu.vector_load %arg6[%swap3A_413, %swap3A_414] {strides = array<i32>} : memref<128x256xf32, #tpu.memory_space<vmem>>, vector<1x16xf32>,
      %swap3A_416 = vector.shape_cast %swap3A_415 : vector<1x16xf32> to vector<16xf32>
      %swap3A_417 = vector.shape_cast %broadcast_in_dim3A_412 : vector<16xf32> to vector<1x16xf32>
      tpu.vector_store %arg6[%swap3A_413, %swap3A_414], %swap3A_417 {strides = array<i32>} : memref<128x256xf32, #tpu.memory_space<vmem>>, vector<1x16xf32>,
      %broadcast_in_dim3A_418 = arith.constant 0.000000e+00 : f32
      %broadcast_in_dim3A_419 = vector.broadcast %broadcast_in_dim3A_418 : f32 to vector<16xf32>
      %swap3A_420 = arith.index_cast %add3A_405 : i32 to index
      %swap3A_421 = arith.constant 32 : index
      %swap3A_422 = tpu.vector_load %arg6[%swap3A_420, %swap3A_421] {strides = array<i32>} : memref<128x256xf32, #tpu.memory_space<vmem>>, vector<1x16xf32>,
      %swap3A_423 = vector.shape_cast %swap3A_422 : vector<1x16xf32> to vector<16xf32>
      %swap3A_424 = vector.shape_cast %broadcast_in_dim3A_419 : vector<16xf32> to vector<1x16xf32>
      tpu.vector_store %arg6[%swap3A_420, %swap3A_421], %swap3A_424 {strides = array<i32>} : memref<128x256xf32, #tpu.memory_space<vmem>>, vector<1x16xf32>,
      %broadcast_in_dim3A_425 = arith.constant 0.000000e+00 : f32
      %broadcast_in_dim3A_426 = vector.broadcast %broadcast_in_dim3A_425 : f32 to vector<16xf32>
      %swap3A_427 = arith.index_cast %add3A_405 : i32 to index
      %swap3A_428 = arith.constant 48 : index
      %swap3A_429 = tpu.vector_load %arg6[%swap3A_427, %swap3A_428] {strides = array<i32>} : memref<128x256xf32, #tpu.memory_space<vmem>>, vector<1x16xf32>,
      %swap3A_430 = vector.shape_cast %swap3A_429 : vector<1x16xf32> to vector<16xf32>
      %swap3A_431 = vector.shape_cast %broadcast_in_dim3A_426 : vector<16xf32> to vector<1x16xf32>
      tpu.vector_store %arg6[%swap3A_427, %swap3A_428], %swap3A_431 {strides = array<i32>} : memref<128x256xf32, #tpu.memory_space<vmem>>, vector<1x16xf32>,
      %broadcast_in_dim3A_432 = arith.constant 0.000000e+00 : f32
      %broadcast_in_dim3A_433 = vector.broadcast %broadcast_in_dim3A_432 : f32 to vector<16xf32>
      %swap3A_434 = arith.index_cast %add3A_405 : i32 to index
      %swap3A_435 = arith.constant 64 : index
      %swap3A_436 = tpu.vector_load %arg6[%swap3A_434, %swap3A_435] {strides = array<i32>} : memref<128x256xf32, #tpu.memory_space<vmem>>, vector<1x16xf32>,
      %swap3A_437 = vector.shape_cast %swap3A_436 : vector<1x16xf32> to vector<16xf32>
      %swap3A_438 = vector.shape_cast %broadcast_in_dim3A_433 : vector<16xf32> to vector<1x16xf32>
      tpu.vector_store %arg6[%swap3A_434, %swap3A_435], %swap3A_438 {strides = array<i32>} : memref<128x256xf32, #tpu.memory_space<vmem>>, vector<1x16xf32>,
      %broadcast_in_dim3A_439 = arith.constant 0.000000e+00 : f32
      %broadcast_in_dim3A_440 = vector.broadcast %broadcast_in_dim3A_439 : f32 to vector<16xf32>
      %swap3A_441 = arith.index_cast %add3A_405 : i32 to index
      %swap3A_442 = arith.constant 80 : index
      %swap3A_443 = tpu.vector_load %arg6[%swap3A_441, %swap3A_442] {strides = array<i32>} : memref<128x256xf32, #tpu.memory_space<vmem>>, vector<1x16xf32>,
      %swap3A_444 = vector.shape_cast %swap3A_443 : vector<1x16xf32> to vector<16xf32>
      %swap3A_445 = vector.shape_cast %broadcast_in_dim3A_440 : vector<16xf32> to vector<1x16xf32>
      tpu.vector_store %arg6[%swap3A_441, %swap3A_442], %swap3A_445 {strides = array<i32>} : memref<128x256xf32, #tpu.memory_space<vmem>>, vector<1x16xf32>,
      %broadcast_in_dim3A_446 = arith.constant 0.000000e+00 : f32
      %broadcast_in_dim3A_447 = vector.broadcast %broadcast_in_dim3A_446 : f32 to vector<16xf32>
      %swap3A_448 = arith.index_cast %add3A_405 : i32 to index
      %swap3A_449 = arith.constant 96 : index
      %swap3A_450 = tpu.vector_load %arg6[%swap3A_448, %swap3A_449] {strides = array<i32>} : memref<128x256xf32, #tpu.memory_space<vmem>>, vector<1x16xf32>,
      %swap3A_451 = vector.shape_cast %swap3A_450 : vector<1x16xf32> to vector<16xf32>
      %swap3A_452 = vector.shape_cast %broadcast_in_dim3A_447 : vector<16xf32> to vector<1x16xf32>
      tpu.vector_store %arg6[%swap3A_448, %swap3A_449], %swap3A_452 {strides = array<i32>} : memref<128x256xf32, #tpu.memory_space<vmem>>, vector<1x16xf32>,
      %broadcast_in_dim3A_453 = arith.constant 0.000000e+00 : f32
      %broadcast_in_dim3A_454 = vector.broadcast %broadcast_in_dim3A_453 : f32 to vector<16xf32>
      %swap3A_455 = arith.index_cast %add3A_405 : i32 to index
      %swap3A_456 = arith.constant 112 : index
      %swap3A_457 = tpu.vector_load %arg6[%swap3A_455, %swap3A_456] {strides = array<i32>} : memref<128x256xf32, #tpu.memory_space<vmem>>, vector<1x16xf32>,
      %swap3A_458 = vector.shape_cast %swap3A_457 : vector<1x16xf32> to vector<16xf32>
      %swap3A_459 = vector.shape_cast %broadcast_in_dim3A_454 : vector<16xf32> to vector<1x16xf32>
      tpu.vector_store %arg6[%swap3A_455, %swap3A_456], %swap3A_459 {strides = array<i32>} : memref<128x256xf32, #tpu.memory_space<vmem>>, vector<1x16xf32>,
      %broadcast_in_dim3A_460 = arith.constant 0.000000e+00 : f32
      %broadcast_in_dim3A_461 = vector.broadcast %broadcast_in_dim3A_460 : f32 to vector<16xf32>
      %swap3A_462 = arith.index_cast %add3A_405 : i32 to index
      %swap3A_463 = arith.constant 128 : index
      %swap3A_464 = tpu.vector_load %arg6[%swap3A_462, %swap3A_463] {strides = array<i32>} : memref<128x256xf32, #tpu.memory_space<vmem>>, vector<1x16xf32>,
      %swap3A_465 = vector.shape_cast %swap3A_464 : vector<1x16xf32> to vector<16xf32>
      %swap3A_466 = vector.shape_cast %broadcast_in_dim3A_461 : vector<16xf32> to vector<1x16xf32>
      tpu.vector_store %arg6[%swap3A_462, %swap3A_463], %swap3A_466 {strides = array<i32>} : memref<128x256xf32, #tpu.memory_space<vmem>>, vector<1x16xf32>,
      %broadcast_in_dim3A_467 = arith.constant 0.000000e+00 : f32
      %broadcast_in_dim3A_468 = vector.broadcast %broadcast_in_dim3A_467 : f32 to vector<16xf32>
      %swap3A_469 = arith.index_cast %add3A_405 : i32 to index
      %swap3A_470 = arith.constant 144 : index
      %swap3A_471 = tpu.vector_load %arg6[%swap3A_469, %swap3A_470] {strides = array<i32>} : memref<128x256xf32, #tpu.memory_space<vmem>>, vector<1x16xf32>,
      %swap3A_472 = vector.shape_cast %swap3A_471 : vector<1x16xf32> to vector<16xf32>
      %swap3A_473 = vector.shape_cast %broadcast_in_dim3A_468 : vector<16xf32> to vector<1x16xf32>
      tpu.vector_store %arg6[%swap3A_469, %swap3A_470], %swap3A_473 {strides = array<i32>} : memref<128x256xf32, #tpu.memory_space<vmem>>, vector<1x16xf32>,
      %broadcast_in_dim3A_474 = arith.constant 0.000000e+00 : f32
      %broadcast_in_dim3A_475 = vector.broadcast %broadcast_in_dim3A_474 : f32 to vector<16xf32>
      %swap3A_476 = arith.index_cast %add3A_405 : i32 to index
      %swap3A_477 = arith.constant 160 : index
      %swap3A_478 = tpu.vector_load %arg6[%swap3A_476, %swap3A_477] {strides = array<i32>} : memref<128x256xf32, #tpu.memory_space<vmem>>, vector<1x16xf32>,
      %swap3A_479 = vector.shape_cast %swap3A_478 : vector<1x16xf32> to vector<16xf32>
      %swap3A_480 = vector.shape_cast %broadcast_in_dim3A_475 : vector<16xf32> to vector<1x16xf32>
      tpu.vector_store %arg6[%swap3A_476, %swap3A_477], %swap3A_480 {strides = array<i32>} : memref<128x256xf32, #tpu.memory_space<vmem>>, vector<1x16xf32>,
      %broadcast_in_dim3A_481 = arith.constant 0.000000e+00 : f32
      %broadcast_in_dim3A_482 = vector.broadcast %broadcast_in_dim3A_481 : f32 to vector<16xf32>
      %swap3A_483 = arith.index_cast %add3A_405 : i32 to index
      %swap3A_484 = arith.constant 176 : index
      %swap3A_485 = tpu.vector_load %arg6[%swap3A_483, %swap3A_484] {strides = array<i32>} : memref<128x256xf32, #tpu.memory_space<vmem>>, vector<1x16xf32>,
      %swap3A_486 = vector.shape_cast %swap3A_485 : vector<1x16xf32> to vector<16xf32>
      %swap3A_487 = vector.shape_cast %broadcast_in_dim3A_482 : vector<16xf32> to vector<1x16xf32>
      tpu.vector_store %arg6[%swap3A_483, %swap3A_484], %swap3A_487 {strides = array<i32>} : memref<128x256xf32, #tpu.memory_space<vmem>>, vector<1x16xf32>,
      %broadcast_in_dim3A_488 = arith.constant 0.000000e+00 : f32
      %broadcast_in_dim3A_489 = vector.broadcast %broadcast_in_dim3A_488 : f32 to vector<16xf32>
      %swap3A_490 = arith.index_cast %add3A_405 : i32 to index
      %swap3A_491 = arith.constant 192 : index
      %swap3A_492 = tpu.vector_load %arg6[%swap3A_490, %swap3A_491] {strides = array<i32>} : memref<128x256xf32, #tpu.memory_space<vmem>>, vector<1x16xf32>,
      %swap3A_493 = vector.shape_cast %swap3A_492 : vector<1x16xf32> to vector<16xf32>
      %swap3A_494 = vector.shape_cast %broadcast_in_dim3A_489 : vector<16xf32> to vector<1x16xf32>
      tpu.vector_store %arg6[%swap3A_490, %swap3A_491], %swap3A_494 {strides = array<i32>} : memref<128x256xf32, #tpu.memory_space<vmem>>, vector<1x16xf32>,
      %broadcast_in_dim3A_495 = arith.constant 0.000000e+00 : f32
      %broadcast_in_dim3A_496 = vector.broadcast %broadcast_in_dim3A_495 : f32 to vector<16xf32>
      %swap3A_497 = arith.index_cast %add3A_405 : i32 to index
      %swap3A_498 = arith.constant 208 : index
      %swap3A_499 = tpu.vector_load %arg6[%swap3A_497, %swap3A_498] {strides = array<i32>} : memref<128x256xf32, #tpu.memory_space<vmem>>, vector<1x16xf32>,
      %swap3A_500 = vector.shape_cast %swap3A_499 : vector<1x16xf32> to vector<16xf32>
      %swap3A_501 = vector.shape_cast %broadcast_in_dim3A_496 : vector<16xf32> to vector<1x16xf32>
      tpu.vector_store %arg6[%swap3A_497, %swap3A_498], %swap3A_501 {strides = array<i32>} : memref<128x256xf32, #tpu.memory_space<vmem>>, vector<1x16xf32>,
      %broadcast_in_dim3A_502 = arith.constant 0.000000e+00 : f32
      %broadcast_in_dim3A_503 = vector.broadcast %broadcast_in_dim3A_502 : f32 to vector<16xf32>
      %swap3A_504 = arith.index_cast %add3A_405 : i32 to index
      %swap3A_505 = arith.constant 224 : index
      %swap3A_506 = tpu.vector_load %arg6[%swap3A_504, %swap3A_505] {strides = array<i32>} : memref<128x256xf32, #tpu.memory_space<vmem>>, vector<1x16xf32>,
      %swap3A_507 = vector.shape_cast %swap3A_506 : vector<1x16xf32> to vector<16xf32>
      %swap3A_508 = vector.shape_cast %broadcast_in_dim3A_503 : vector<16xf32> to vector<1x16xf32>
      tpu.vector_store %arg6[%swap3A_504, %swap3A_505], %swap3A_508 {strides = array<i32>} : memref<128x256xf32, #tpu.memory_space<vmem>>, vector<1x16xf32>,
      %broadcast_in_dim3A_509 = arith.constant 0.000000e+00 : f32
      %broadcast_in_dim3A_510 = vector.broadcast %broadcast_in_dim3A_509 : f32 to vector<16xf32>
      %swap3A_511 = arith.index_cast %add3A_405 : i32 to index
      %swap3A_512 = arith.constant 240 : index
      %swap3A_513 = tpu.vector_load %arg6[%swap3A_511, %swap3A_512] {strides = array<i32>} : memref<128x256xf32, #tpu.memory_space<vmem>>, vector<1x16xf32>,
      %swap3A_514 = vector.shape_cast %swap3A_513 : vector<1x16xf32> to vector<16xf32>
      %swap3A_515 = vector.shape_cast %broadcast_in_dim3A_510 : vector<16xf32> to vector<1x16xf32>
      tpu.vector_store %arg6[%swap3A_511, %swap3A_512], %swap3A_515 {strides = array<i32>} : memref<128x256xf32, #tpu.memory_space<vmem>>, vector<1x16xf32>,
    }
    %slice3A_200 = vector.extract_strided_slice %get3A_22 {offsets = [0], sizes = [1], strides = [1]} : vector<16xi32> to vector<1xi32>
    %squeeze3A_201 = vector.extract %slice3A_200[0] : i32 from vector<1xi32>
    %add3A_202 = arith.constant 0 : i32
    %add3A_203 = arith.addi %mul3A_2, %add3A_202 : i32
    %mul3A_204 = arith.constant 128 : i32
    %mul3A_205 = arith.muli %add3A_203, %mul3A_204 : i32
    %add3A_206 = arith.constant 0 : i32
    %add3A_207 = arith.addi %mul3A_205, %add3A_206 : i32
    %gt3A_208 = arith.constant 0 : i32
    %gt3A_209 = arith.cmpi sgt, %squeeze3A_201, %gt3A_208 : i32
    %convert_element_type3A_210 = arith.extui %gt3A_209 : i1 to i32
    %cond3A_211 = arith.constant 0 : i32
    %cond3A_212 = arith.cmpi ne, %convert_element_type3A_210, %cond3A_211 : i32
    scf.if %cond3A_212 {
      %dma_start3A = arith.constant 0 : i32
      %dma_start3A_403 = arith.constant 0 : i32
      %dma_start3A_404 = tpu.memref_slice %arg6[%dma_start3A, %dma_start3A_403] : memref<128x256xf32, #tpu.memory_space<vmem>> -> memref<16x256xf32, #tpu.memory_space<vmem>>
      %dma_start3A_405 = arith.constant 0 : i32
      %dma_start3A_406 = tpu.memref_slice %arg4[%add3A_207, %dma_start3A_405] : memref<32768x256xf32, #tpu.memory_space<hbm>> -> memref<16x256xf32, #tpu.memory_space<hbm>>
      %dma_start3A_407 = arith.constant 0 : i32
      %dma_start3A_408 = tpu.memref_slice %arg4[%add3A_207, %dma_start3A_407] : memref<32768x256xf32, #tpu.memory_space<hbm>> -> memref<16x256xf32, #tpu.memory_space<hbm>>
      %dma_start3A_409 = arith.constant 0 : i32
      %dma_start3A_410 = arith.constant 0 : i32
      %dma_start3A_411 = tpu.memref_slice %arg6[%dma_start3A_409, %dma_start3A_410] : memref<128x256xf32, #tpu.memory_space<vmem>> -> memref<16x256xf32, #tpu.memory_space<vmem>>
      tpu.enqueue_dma source(%dma_start3A_411 : memref<16x256xf32, #tpu.memory_space<vmem>>) target(%dma_start3A_408 : memref<16x256xf32, #tpu.memory_space<hbm>>) target_semaphore(%arg13 : memref<!tpu.dma_semaphore, #tpu.memory_space<semaphore_mem>>)
    } else {
    }
    %le3A = arith.constant 0 : i32
    %le3A_213 = arith.cmpi sle, %squeeze3A_201, %le3A : i32
    %convert_element_type3A_214 = arith.extui %le3A_213 : i1 to i32
    %cond3A_215 = arith.constant 0 : i32
    %cond3A_216 = arith.cmpi ne, %convert_element_type3A_214, %cond3A_215 : i32
    scf.if %cond3A_216 {
      %dma_start3A = arith.constant 0 : i32
      %dma_start3A_403 = tpu.memref_slice %arg4[%add3A_207, %dma_start3A] : memref<32768x256xf32, #tpu.memory_space<hbm>> -> memref<16x256xf32, #tpu.memory_space<hbm>>
      %dma_start3A_404 = arith.constant 0 : i32
      %dma_start3A_405 = tpu.memref_slice %arg4[%add3A_207, %dma_start3A_404] : memref<32768x256xf32, #tpu.memory_space<hbm>> -> memref<16x256xf32, #tpu.memory_space<hbm>>
      tpu.enqueue_dma source(%arg9 : memref<16x256xf32, #tpu.memory_space<vmem>>) target(%dma_start3A_405 : memref<16x256xf32, #tpu.memory_space<hbm>>) target_semaphore(%arg13 : memref<!tpu.dma_semaphore, #tpu.memory_space<semaphore_mem>>)
    } else {
    }
    %add3A_217 = arith.constant 16 : i32
    %add3A_218 = arith.addi %mul3A_205, %add3A_217 : i32
    %gt3A_219 = arith.constant 16 : i32
    %gt3A_220 = arith.cmpi sgt, %squeeze3A_201, %gt3A_219 : i32
    %convert_element_type3A_221 = arith.extui %gt3A_220 : i1 to i32
    %cond3A_222 = arith.constant 0 : i32
    %cond3A_223 = arith.cmpi ne, %convert_element_type3A_221, %cond3A_222 : i32
    scf.if %cond3A_223 {
      %dma_start3A = arith.constant 16 : i32
      %dma_start3A_403 = arith.constant 0 : i32
      %dma_start3A_404 = tpu.memref_slice %arg6[%dma_start3A, %dma_start3A_403] : memref<128x256xf32, #tpu.memory_space<vmem>> -> memref<16x256xf32, #tpu.memory_space<vmem>>
      %dma_start3A_405 = arith.constant 0 : i32
      %dma_start3A_406 = tpu.memref_slice %arg4[%add3A_218, %dma_start3A_405] : memref<32768x256xf32, #tpu.memory_space<hbm>> -> memref<16x256xf32, #tpu.memory_space<hbm>>
      %dma_start3A_407 = arith.constant 0 : i32
      %dma_start3A_408 = tpu.memref_slice %arg4[%add3A_218, %dma_start3A_407] : memref<32768x256xf32, #tpu.memory_space<hbm>> -> memref<16x256xf32, #tpu.memory_space<hbm>>
      %dma_start3A_409 = arith.constant 16 : i32
      %dma_start3A_410 = arith.constant 0 : i32
      %dma_start3A_411 = tpu.memref_slice %arg6[%dma_start3A_409, %dma_start3A_410] : memref<128x256xf32, #tpu.memory_space<vmem>> -> memref<16x256xf32, #tpu.memory_space<vmem>>
      tpu.enqueue_dma source(%dma_start3A_411 : memref<16x256xf32, #tpu.memory_space<vmem>>) target(%dma_start3A_408 : memref<16x256xf32, #tpu.memory_space<hbm>>) target_semaphore(%arg13 : memref<!tpu.dma_semaphore, #tpu.memory_space<semaphore_mem>>)
    } else {
    }
    %le3A_224 = arith.constant 16 : i32
    %le3A_225 = arith.cmpi sle, %squeeze3A_201, %le3A_224 : i32
    %convert_element_type3A_226 = arith.extui %le3A_225 : i1 to i32
    %cond3A_227 = arith.constant 0 : i32
    %cond3A_228 = arith.cmpi ne, %convert_element_type3A_226, %cond3A_227 : i32
    scf.if %cond3A_228 {
      %dma_start3A = arith.constant 0 : i32
      %dma_start3A_403 = tpu.memref_slice %arg4[%add3A_218, %dma_start3A] : memref<32768x256xf32, #tpu.memory_space<hbm>> -> memref<16x256xf32, #tpu.memory_space<hbm>>
      %dma_start3A_404 = arith.constant 0 : i32
      %dma_start3A_405 = tpu.memref_slice %arg4[%add3A_218, %dma_start3A_404] : memref<32768x256xf32, #tpu.memory_space<hbm>> -> memref<16x256xf32, #tpu.memory_space<hbm>>
      tpu.enqueue_dma source(%arg9 : memref<16x256xf32, #tpu.memory_space<vmem>>) target(%dma_start3A_405 : memref<16x256xf32, #tpu.memory_space<hbm>>) target_semaphore(%arg13 : memref<!tpu.dma_semaphore, #tpu.memory_space<semaphore_mem>>)
    } else {
    }
    %add3A_229 = arith.constant 32 : i32
    %add3A_230 = arith.addi %mul3A_205, %add3A_229 : i32
    %gt3A_231 = arith.constant 32 : i32
    %gt3A_232 = arith.cmpi sgt, %squeeze3A_201, %gt3A_231 : i32
    %convert_element_type3A_233 = arith.extui %gt3A_232 : i1 to i32
    %cond3A_234 = arith.constant 0 : i32
    %cond3A_235 = arith.cmpi ne, %convert_element_type3A_233, %cond3A_234 : i32
    scf.if %cond3A_235 {
      %dma_start3A = arith.constant 32 : i32
      %dma_start3A_403 = arith.constant 0 : i32
      %dma_start3A_404 = tpu.memref_slice %arg6[%dma_start3A, %dma_start3A_403] : memref<128x256xf32, #tpu.memory_space<vmem>> -> memref<16x256xf32, #tpu.memory_space<vmem>>
      %dma_start3A_405 = arith.constant 0 : i32
      %dma_start3A_406 = tpu.memref_slice %arg4[%add3A_230, %dma_start3A_405] : memref<32768x256xf32, #tpu.memory_space<hbm>> -> memref<16x256xf32, #tpu.memory_space<hbm>>
      %dma_start3A_407 = arith.constant 0 : i32
      %dma_start3A_408 = tpu.memref_slice %arg4[%add3A_230, %dma_start3A_407] : memref<32768x256xf32, #tpu.memory_space<hbm>> -> memref<16x256xf32, #tpu.memory_space<hbm>>
      %dma_start3A_409 = arith.constant 32 : i32
      %dma_start3A_410 = arith.constant 0 : i32
      %dma_start3A_411 = tpu.memref_slice %arg6[%dma_start3A_409, %dma_start3A_410] : memref<128x256xf32, #tpu.memory_space<vmem>> -> memref<16x256xf32, #tpu.memory_space<vmem>>
      tpu.enqueue_dma source(%dma_start3A_411 : memref<16x256xf32, #tpu.memory_space<vmem>>) target(%dma_start3A_408 : memref<16x256xf32, #tpu.memory_space<hbm>>) target_semaphore(%arg13 : memref<!tpu.dma_semaphore, #tpu.memory_space<semaphore_mem>>)
    } else {
    }
    %le3A_236 = arith.constant 32 : i32
    %le3A_237 = arith.cmpi sle, %squeeze3A_201, %le3A_236 : i32
    %convert_element_type3A_238 = arith.extui %le3A_237 : i1 to i32
    %cond3A_239 = arith.constant 0 : i32
    %cond3A_240 = arith.cmpi ne, %convert_element_type3A_238, %cond3A_239 : i32
    scf.if %cond3A_240 {
      %dma_start3A = arith.constant 0 : i32
      %dma_start3A_403 = tpu.memref_slice %arg4[%add3A_230, %dma_start3A] : memref<32768x256xf32, #tpu.memory_space<hbm>> -> memref<16x256xf32, #tpu.memory_space<hbm>>
      %dma_start3A_404 = arith.constant 0 : i32
      %dma_start3A_405 = tpu.memref_slice %arg4[%add3A_230, %dma_start3A_404] : memref<32768x256xf32, #tpu.memory_space<hbm>> -> memref<16x256xf32, #tpu.memory_space<hbm>>
      tpu.enqueue_dma source(%arg9 : memref<16x256xf32, #tpu.memory_space<vmem>>) target(%dma_start3A_405 : memref<16x256xf32, #tpu.memory_space<hbm>>) target_semaphore(%arg13 : memref<!tpu.dma_semaphore, #tpu.memory_space<semaphore_mem>>)
    } else {
    }
    %add3A_241 = arith.constant 48 : i32
    %add3A_242 = arith.addi %mul3A_205, %add3A_241 : i32
    %gt3A_243 = arith.constant 48 : i32
    %gt3A_244 = arith.cmpi sgt, %squeeze3A_201, %gt3A_243 : i32
    %convert_element_type3A_245 = arith.extui %gt3A_244 : i1 to i32
    %cond3A_246 = arith.constant 0 : i32
    %cond3A_247 = arith.cmpi ne, %convert_element_type3A_245, %cond3A_246 : i32
    scf.if %cond3A_247 {
      %dma_start3A = arith.constant 48 : i32
      %dma_start3A_403 = arith.constant 0 : i32
      %dma_start3A_404 = tpu.memref_slice %arg6[%dma_start3A, %dma_start3A_403] : memref<128x256xf32, #tpu.memory_space<vmem>> -> memref<16x256xf32, #tpu.memory_space<vmem>>
      %dma_start3A_405 = arith.constant 0 : i32
      %dma_start3A_406 = tpu.memref_slice %arg4[%add3A_242, %dma_start3A_405] : memref<32768x256xf32, #tpu.memory_space<hbm>> -> memref<16x256xf32, #tpu.memory_space<hbm>>
      %dma_start3A_407 = arith.constant 0 : i32
      %dma_start3A_408 = tpu.memref_slice %arg4[%add3A_242, %dma_start3A_407] : memref<32768x256xf32, #tpu.memory_space<hbm>> -> memref<16x256xf32, #tpu.memory_space<hbm>>
      %dma_start3A_409 = arith.constant 48 : i32
      %dma_start3A_410 = arith.constant 0 : i32
      %dma_start3A_411 = tpu.memref_slice %arg6[%dma_start3A_409, %dma_start3A_410] : memref<128x256xf32, #tpu.memory_space<vmem>> -> memref<16x256xf32, #tpu.memory_space<vmem>>
      tpu.enqueue_dma source(%dma_start3A_411 : memref<16x256xf32, #tpu.memory_space<vmem>>) target(%dma_start3A_408 : memref<16x256xf32, #tpu.memory_space<hbm>>) target_semaphore(%arg13 : memref<!tpu.dma_semaphore, #tpu.memory_space<semaphore_mem>>)
    } else {
    }
    %le3A_248 = arith.constant 48 : i32
    %le3A_249 = arith.cmpi sle, %squeeze3A_201, %le3A_248 : i32
    %convert_element_type3A_250 = arith.extui %le3A_249 : i1 to i32
    %cond3A_251 = arith.constant 0 : i32
    %cond3A_252 = arith.cmpi ne, %convert_element_type3A_250, %cond3A_251 : i32
    scf.if %cond3A_252 {
      %dma_start3A = arith.constant 0 : i32
      %dma_start3A_403 = tpu.memref_slice %arg4[%add3A_242, %dma_start3A] : memref<32768x256xf32, #tpu.memory_space<hbm>> -> memref<16x256xf32, #tpu.memory_space<hbm>>
      %dma_start3A_404 = arith.constant 0 : i32
      %dma_start3A_405 = tpu.memref_slice %arg4[%add3A_242, %dma_start3A_404] : memref<32768x256xf32, #tpu.memory_space<hbm>> -> memref<16x256xf32, #tpu.memory_space<hbm>>
      tpu.enqueue_dma source(%arg9 : memref<16x256xf32, #tpu.memory_space<vmem>>) target(%dma_start3A_405 : memref<16x256xf32, #tpu.memory_space<hbm>>) target_semaphore(%arg13 : memref<!tpu.dma_semaphore, #tpu.memory_space<semaphore_mem>>)
    } else {
    }
    %add3A_253 = arith.constant 64 : i32
    %add3A_254 = arith.addi %mul3A_205, %add3A_253 : i32
    %gt3A_255 = arith.constant 64 : i32
    %gt3A_256 = arith.cmpi sgt, %squeeze3A_201, %gt3A_255 : i32
    %convert_element_type3A_257 = arith.extui %gt3A_256 : i1 to i32
    %cond3A_258 = arith.constant 0 : i32
    %cond3A_259 = arith.cmpi ne, %convert_element_type3A_257, %cond3A_258 : i32
    scf.if %cond3A_259 {
      %dma_start3A = arith.constant 64 : i32
      %dma_start3A_403 = arith.constant 0 : i32
      %dma_start3A_404 = tpu.memref_slice %arg6[%dma_start3A, %dma_start3A_403] : memref<128x256xf32, #tpu.memory_space<vmem>> -> memref<16x256xf32, #tpu.memory_space<vmem>>
      %dma_start3A_405 = arith.constant 0 : i32
      %dma_start3A_406 = tpu.memref_slice %arg4[%add3A_254, %dma_start3A_405] : memref<32768x256xf32, #tpu.memory_space<hbm>> -> memref<16x256xf32, #tpu.memory_space<hbm>>
      %dma_start3A_407 = arith.constant 0 : i32
      %dma_start3A_408 = tpu.memref_slice %arg4[%add3A_254, %dma_start3A_407] : memref<32768x256xf32, #tpu.memory_space<hbm>> -> memref<16x256xf32, #tpu.memory_space<hbm>>
      %dma_start3A_409 = arith.constant 64 : i32
      %dma_start3A_410 = arith.constant 0 : i32
      %dma_start3A_411 = tpu.memref_slice %arg6[%dma_start3A_409, %dma_start3A_410] : memref<128x256xf32, #tpu.memory_space<vmem>> -> memref<16x256xf32, #tpu.memory_space<vmem>>
      tpu.enqueue_dma source(%dma_start3A_411 : memref<16x256xf32, #tpu.memory_space<vmem>>) target(%dma_start3A_408 : memref<16x256xf32, #tpu.memory_space<hbm>>) target_semaphore(%arg13 : memref<!tpu.dma_semaphore, #tpu.memory_space<semaphore_mem>>)
    } else {
    }
    %le3A_260 = arith.constant 64 : i32
    %le3A_261 = arith.cmpi sle, %squeeze3A_201, %le3A_260 : i32
    %convert_element_type3A_262 = arith.extui %le3A_261 : i1 to i32
    %cond3A_263 = arith.constant 0 : i32
    %cond3A_264 = arith.cmpi ne, %convert_element_type3A_262, %cond3A_263 : i32
    scf.if %cond3A_264 {
      %dma_start3A = arith.constant 0 : i32
      %dma_start3A_403 = tpu.memref_slice %arg4[%add3A_254, %dma_start3A] : memref<32768x256xf32, #tpu.memory_space<hbm>> -> memref<16x256xf32, #tpu.memory_space<hbm>>
      %dma_start3A_404 = arith.constant 0 : i32
      %dma_start3A_405 = tpu.memref_slice %arg4[%add3A_254, %dma_start3A_404] : memref<32768x256xf32, #tpu.memory_space<hbm>> -> memref<16x256xf32, #tpu.memory_space<hbm>>
      tpu.enqueue_dma source(%arg9 : memref<16x256xf32, #tpu.memory_space<vmem>>) target(%dma_start3A_405 : memref<16x256xf32, #tpu.memory_space<hbm>>) target_semaphore(%arg13 : memref<!tpu.dma_semaphore, #tpu.memory_space<semaphore_mem>>)
    } else {
    }
    %add3A_265 = arith.constant 80 : i32
    %add3A_266 = arith.addi %mul3A_205, %add3A_265 : i32
    %gt3A_267 = arith.constant 80 : i32
    %gt3A_268 = arith.cmpi sgt, %squeeze3A_201, %gt3A_267 : i32
    %convert_element_type3A_269 = arith.extui %gt3A_268 : i1 to i32
    %cond3A_270 = arith.constant 0 : i32
    %cond3A_271 = arith.cmpi ne, %convert_element_type3A_269, %cond3A_270 : i32
    scf.if %cond3A_271 {
      %dma_start3A = arith.constant 80 : i32
      %dma_start3A_403 = arith.constant 0 : i32
      %dma_start3A_404 = tpu.memref_slice %arg6[%dma_start3A, %dma_start3A_403] : memref<128x256xf32, #tpu.memory_space<vmem>> -> memref<16x256xf32, #tpu.memory_space<vmem>>
      %dma_start3A_405 = arith.constant 0 : i32
      %dma_start3A_406 = tpu.memref_slice %arg4[%add3A_266, %dma_start3A_405] : memref<32768x256xf32, #tpu.memory_space<hbm>> -> memref<16x256xf32, #tpu.memory_space<hbm>>
      %dma_start3A_407 = arith.constant 0 : i32
      %dma_start3A_408 = tpu.memref_slice %arg4[%add3A_266, %dma_start3A_407] : memref<32768x256xf32, #tpu.memory_space<hbm>> -> memref<16x256xf32, #tpu.memory_space<hbm>>
      %dma_start3A_409 = arith.constant 80 : i32
      %dma_start3A_410 = arith.constant 0 : i32
      %dma_start3A_411 = tpu.memref_slice %arg6[%dma_start3A_409, %dma_start3A_410] : memref<128x256xf32, #tpu.memory_space<vmem>> -> memref<16x256xf32, #tpu.memory_space<vmem>>
      tpu.enqueue_dma source(%dma_start3A_411 : memref<16x256xf32, #tpu.memory_space<vmem>>) target(%dma_start3A_408 : memref<16x256xf32, #tpu.memory_space<hbm>>) target_semaphore(%arg13 : memref<!tpu.dma_semaphore, #tpu.memory_space<semaphore_mem>>)
    } else {
    }
    %le3A_272 = arith.constant 80 : i32
    %le3A_273 = arith.cmpi sle, %squeeze3A_201, %le3A_272 : i32
    %convert_element_type3A_274 = arith.extui %le3A_273 : i1 to i32
    %cond3A_275 = arith.constant 0 : i32
    %cond3A_276 = arith.cmpi ne, %convert_element_type3A_274, %cond3A_275 : i32
    scf.if %cond3A_276 {
      %dma_start3A = arith.constant 0 : i32
      %dma_start3A_403 = tpu.memref_slice %arg4[%add3A_266, %dma_start3A] : memref<32768x256xf32, #tpu.memory_space<hbm>> -> memref<16x256xf32, #tpu.memory_space<hbm>>
      %dma_start3A_404 = arith.constant 0 : i32
      %dma_start3A_405 = tpu.memref_slice %arg4[%add3A_266, %dma_start3A_404] : memref<32768x256xf32, #tpu.memory_space<hbm>> -> memref<16x256xf32, #tpu.memory_space<hbm>>
      tpu.enqueue_dma source(%arg9 : memref<16x256xf32, #tpu.memory_space<vmem>>) target(%dma_start3A_405 : memref<16x256xf32, #tpu.memory_space<hbm>>) target_semaphore(%arg13 : memref<!tpu.dma_semaphore, #tpu.memory_space<semaphore_mem>>)
    } else {
    }
    %add3A_277 = arith.constant 96 : i32
    %add3A_278 = arith.addi %mul3A_205, %add3A_277 : i32
    %gt3A_279 = arith.constant 96 : i32
    %gt3A_280 = arith.cmpi sgt, %squeeze3A_201, %gt3A_279 : i32
    %convert_element_type3A_281 = arith.extui %gt3A_280 : i1 to i32
    %cond3A_282 = arith.constant 0 : i32
    %cond3A_283 = arith.cmpi ne, %convert_element_type3A_281, %cond3A_282 : i32
    scf.if %cond3A_283 {
      %dma_start3A = arith.constant 96 : i32
      %dma_start3A_403 = arith.constant 0 : i32
      %dma_start3A_404 = tpu.memref_slice %arg6[%dma_start3A, %dma_start3A_403] : memref<128x256xf32, #tpu.memory_space<vmem>> -> memref<16x256xf32, #tpu.memory_space<vmem>>
      %dma_start3A_405 = arith.constant 0 : i32
      %dma_start3A_406 = tpu.memref_slice %arg4[%add3A_278, %dma_start3A_405] : memref<32768x256xf32, #tpu.memory_space<hbm>> -> memref<16x256xf32, #tpu.memory_space<hbm>>
      %dma_start3A_407 = arith.constant 0 : i32
      %dma_start3A_408 = tpu.memref_slice %arg4[%add3A_278, %dma_start3A_407] : memref<32768x256xf32, #tpu.memory_space<hbm>> -> memref<16x256xf32, #tpu.memory_space<hbm>>
      %dma_start3A_409 = arith.constant 96 : i32
      %dma_start3A_410 = arith.constant 0 : i32
      %dma_start3A_411 = tpu.memref_slice %arg6[%dma_start3A_409, %dma_start3A_410] : memref<128x256xf32, #tpu.memory_space<vmem>> -> memref<16x256xf32, #tpu.memory_space<vmem>>
      tpu.enqueue_dma source(%dma_start3A_411 : memref<16x256xf32, #tpu.memory_space<vmem>>) target(%dma_start3A_408 : memref<16x256xf32, #tpu.memory_space<hbm>>) target_semaphore(%arg13 : memref<!tpu.dma_semaphore, #tpu.memory_space<semaphore_mem>>)
    } else {
    }
    %le3A_284 = arith.constant 96 : i32
    %le3A_285 = arith.cmpi sle, %squeeze3A_201, %le3A_284 : i32
    %convert_element_type3A_286 = arith.extui %le3A_285 : i1 to i32
    %cond3A_287 = arith.constant 0 : i32
    %cond3A_288 = arith.cmpi ne, %convert_element_type3A_286, %cond3A_287 : i32
    scf.if %cond3A_288 {
      %dma_start3A = arith.constant 0 : i32
      %dma_start3A_403 = tpu.memref_slice %arg4[%add3A_278, %dma_start3A] : memref<32768x256xf32, #tpu.memory_space<hbm>> -> memref<16x256xf32, #tpu.memory_space<hbm>>
      %dma_start3A_404 = arith.constant 0 : i32
      %dma_start3A_405 = tpu.memref_slice %arg4[%add3A_278, %dma_start3A_404] : memref<32768x256xf32, #tpu.memory_space<hbm>> -> memref<16x256xf32, #tpu.memory_space<hbm>>
      tpu.enqueue_dma source(%arg9 : memref<16x256xf32, #tpu.memory_space<vmem>>) target(%dma_start3A_405 : memref<16x256xf32, #tpu.memory_space<hbm>>) target_semaphore(%arg13 : memref<!tpu.dma_semaphore, #tpu.memory_space<semaphore_mem>>)
    } else {
    }
    %add3A_289 = arith.constant 112 : i32
    %add3A_290 = arith.addi %mul3A_205, %add3A_289 : i32
    %gt3A_291 = arith.constant 112 : i32
    %gt3A_292 = arith.cmpi sgt, %squeeze3A_201, %gt3A_291 : i32
    %convert_element_type3A_293 = arith.extui %gt3A_292 : i1 to i32
    %cond3A_294 = arith.constant 0 : i32
    %cond3A_295 = arith.cmpi ne, %convert_element_type3A_293, %cond3A_294 : i32
    scf.if %cond3A_295 {
      %dma_start3A = arith.constant 112 : i32
      %dma_start3A_403 = arith.constant 0 : i32
      %dma_start3A_404 = tpu.memref_slice %arg6[%dma_start3A, %dma_start3A_403] : memref<128x256xf32, #tpu.memory_space<vmem>> -> memref<16x256xf32, #tpu.memory_space<vmem>>
      %dma_start3A_405 = arith.constant 0 : i32
      %dma_start3A_406 = tpu.memref_slice %arg4[%add3A_290, %dma_start3A_405] : memref<32768x256xf32, #tpu.memory_space<hbm>> -> memref<16x256xf32, #tpu.memory_space<hbm>>
      %dma_start3A_407 = arith.constant 0 : i32
      %dma_start3A_408 = tpu.memref_slice %arg4[%add3A_290, %dma_start3A_407] : memref<32768x256xf32, #tpu.memory_space<hbm>> -> memref<16x256xf32, #tpu.memory_space<hbm>>
      %dma_start3A_409 = arith.constant 112 : i32
      %dma_start3A_410 = arith.constant 0 : i32
      %dma_start3A_411 = tpu.memref_slice %arg6[%dma_start3A_409, %dma_start3A_410] : memref<128x256xf32, #tpu.memory_space<vmem>> -> memref<16x256xf32, #tpu.memory_space<vmem>>
      tpu.enqueue_dma source(%dma_start3A_411 : memref<16x256xf32, #tpu.memory_space<vmem>>) target(%dma_start3A_408 : memref<16x256xf32, #tpu.memory_space<hbm>>) target_semaphore(%arg13 : memref<!tpu.dma_semaphore, #tpu.memory_space<semaphore_mem>>)
    } else {
    }
    %le3A_296 = arith.constant 112 : i32
    %le3A_297 = arith.cmpi sle, %squeeze3A_201, %le3A_296 : i32
    %convert_element_type3A_298 = arith.extui %le3A_297 : i1 to i32
    %cond3A_299 = arith.constant 0 : i32
    %cond3A_300 = arith.cmpi ne, %convert_element_type3A_298, %cond3A_299 : i32
    scf.if %cond3A_300 {
      %dma_start3A = arith.constant 0 : i32
      %dma_start3A_403 = tpu.memref_slice %arg4[%add3A_290, %dma_start3A] : memref<32768x256xf32, #tpu.memory_space<hbm>> -> memref<16x256xf32, #tpu.memory_space<hbm>>
      %dma_start3A_404 = arith.constant 0 : i32
      %dma_start3A_405 = tpu.memref_slice %arg4[%add3A_290, %dma_start3A_404] : memref<32768x256xf32, #tpu.memory_space<hbm>> -> memref<16x256xf32, #tpu.memory_space<hbm>>
      tpu.enqueue_dma source(%arg9 : memref<16x256xf32, #tpu.memory_space<vmem>>) target(%dma_start3A_405 : memref<16x256xf32, #tpu.memory_space<hbm>>) target_semaphore(%arg13 : memref<!tpu.dma_semaphore, #tpu.memory_space<semaphore_mem>>)
    } else {
    }
    %slice3A_301 = vector.extract_strided_slice %get3A_22 {offsets = [0], sizes = [1], strides = [1]} : vector<16xi32> to vector<1xi32>
    %squeeze3A_302 = vector.extract %slice3A_301[0] : i32 from vector<1xi32>
    %add3A_303 = arith.constant 0 : i32
    %add3A_304 = arith.addi %mul3A_2, %add3A_303 : i32
    %mul3A_305 = arith.constant 128 : i32
    %mul3A_306 = arith.muli %add3A_304, %mul3A_305 : i32
    %add3A_307 = arith.constant 0 : i32
    %add3A_308 = arith.addi %mul3A_306, %add3A_307 : i32
    %gt3A_309 = arith.constant 0 : i32
    %gt3A_310 = arith.cmpi sgt, %squeeze3A_302, %gt3A_309 : i32
    %convert_element_type3A_311 = arith.extui %gt3A_310 : i1 to i32
    %cond3A_312 = arith.constant 0 : i32
    %cond3A_313 = arith.cmpi ne, %convert_element_type3A_311, %cond3A_312 : i32
    scf.if %cond3A_313 {
      %dma_wait3A = arith.constant 0 : i32
      %dma_wait3A_403 = arith.constant 0 : i32
      %dma_wait3A_404 = tpu.memref_slice %arg6[%dma_wait3A, %dma_wait3A_403] : memref<128x256xf32, #tpu.memory_space<vmem>> -> memref<16x256xf32, #tpu.memory_space<vmem>>
      %dma_wait3A_405 = arith.constant 0 : i32
      %dma_wait3A_406 = tpu.memref_slice %arg4[%add3A_308, %dma_wait3A_405] : memref<32768x256xf32, #tpu.memory_space<hbm>> -> memref<16x256xf32, #tpu.memory_space<hbm>>
      %dma_wait3A_407 = arith.constant 0 : i32
      %dma_wait3A_408 = tpu.memref_slice %arg4[%add3A_308, %dma_wait3A_407] : memref<32768x256xf32, #tpu.memory_space<hbm>> -> memref<16x256xf32, #tpu.memory_space<hbm>>
      %dma_wait3A_409 = arith.constant 0 : i32
      %dma_wait3A_410 = arith.constant 0 : i32
      %dma_wait3A_411 = tpu.memref_slice %arg6[%dma_wait3A_409, %dma_wait3A_410] : memref<128x256xf32, #tpu.memory_space<vmem>> -> memref<16x256xf32, #tpu.memory_space<vmem>>
      tpu.wait_dma2 semaphore(%arg13 : memref<!tpu.dma_semaphore, #tpu.memory_space<semaphore_mem>>) src(%dma_wait3A_411 : memref<16x256xf32, #tpu.memory_space<vmem>>) dst(%dma_wait3A_408 : memref<16x256xf32, #tpu.memory_space<hbm>>)
    } else {
    }
    %le3A_314 = arith.constant 0 : i32
    %le3A_315 = arith.cmpi sle, %squeeze3A_302, %le3A_314 : i32
    %convert_element_type3A_316 = arith.extui %le3A_315 : i1 to i32
    %cond3A_317 = arith.constant 0 : i32
    %cond3A_318 = arith.cmpi ne, %convert_element_type3A_316, %cond3A_317 : i32
    scf.if %cond3A_318 {
      %dma_wait3A = arith.constant 0 : i32
      %dma_wait3A_403 = tpu.memref_slice %arg4[%add3A_308, %dma_wait3A] : memref<32768x256xf32, #tpu.memory_space<hbm>> -> memref<16x256xf32, #tpu.memory_space<hbm>>
      %dma_wait3A_404 = arith.constant 0 : i32
      %dma_wait3A_405 = tpu.memref_slice %arg4[%add3A_308, %dma_wait3A_404] : memref<32768x256xf32, #tpu.memory_space<hbm>> -> memref<16x256xf32, #tpu.memory_space<hbm>>
      tpu.wait_dma2 semaphore(%arg13 : memref<!tpu.dma_semaphore, #tpu.memory_space<semaphore_mem>>) src(%arg9 : memref<16x256xf32, #tpu.memory_space<vmem>>) dst(%dma_wait3A_405 : memref<16x256xf32, #tpu.memory_space<hbm>>)
    } else {
    }
    %add3A_319 = arith.constant 16 : i32
    %add3A_320 = arith.addi %mul3A_306, %add3A_319 : i32
    %gt3A_321 = arith.constant 16 : i32
    %gt3A_322 = arith.cmpi sgt, %squeeze3A_302, %gt3A_321 : i32
    %convert_element_type3A_323 = arith.extui %gt3A_322 : i1 to i32
    %cond3A_324 = arith.constant 0 : i32
    %cond3A_325 = arith.cmpi ne, %convert_element_type3A_323, %cond3A_324 : i32
    scf.if %cond3A_325 {
      %dma_wait3A = arith.constant 16 : i32
      %dma_wait3A_403 = arith.constant 0 : i32
      %dma_wait3A_404 = tpu.memref_slice %arg6[%dma_wait3A, %dma_wait3A_403] : memref<128x256xf32, #tpu.memory_space<vmem>> -> memref<16x256xf32, #tpu.memory_space<vmem>>
      %dma_wait3A_405 = arith.constant 0 : i32
      %dma_wait3A_406 = tpu.memref_slice %arg4[%add3A_320, %dma_wait3A_405] : memref<32768x256xf32, #tpu.memory_space<hbm>> -> memref<16x256xf32, #tpu.memory_space<hbm>>
      %dma_wait3A_407 = arith.constant 0 : i32
      %dma_wait3A_408 = tpu.memref_slice %arg4[%add3A_320, %dma_wait3A_407] : memref<32768x256xf32, #tpu.memory_space<hbm>> -> memref<16x256xf32, #tpu.memory_space<hbm>>
      %dma_wait3A_409 = arith.constant 16 : i32
      %dma_wait3A_410 = arith.constant 0 : i32
      %dma_wait3A_411 = tpu.memref_slice %arg6[%dma_wait3A_409, %dma_wait3A_410] : memref<128x256xf32, #tpu.memory_space<vmem>> -> memref<16x256xf32, #tpu.memory_space<vmem>>
      tpu.wait_dma2 semaphore(%arg13 : memref<!tpu.dma_semaphore, #tpu.memory_space<semaphore_mem>>) src(%dma_wait3A_411 : memref<16x256xf32, #tpu.memory_space<vmem>>) dst(%dma_wait3A_408 : memref<16x256xf32, #tpu.memory_space<hbm>>)
    } else {
    }
    %le3A_326 = arith.constant 16 : i32
    %le3A_327 = arith.cmpi sle, %squeeze3A_302, %le3A_326 : i32
    %convert_element_type3A_328 = arith.extui %le3A_327 : i1 to i32
    %cond3A_329 = arith.constant 0 : i32
    %cond3A_330 = arith.cmpi ne, %convert_element_type3A_328, %cond3A_329 : i32
    scf.if %cond3A_330 {
      %dma_wait3A = arith.constant 0 : i32
      %dma_wait3A_403 = tpu.memref_slice %arg4[%add3A_320, %dma_wait3A] : memref<32768x256xf32, #tpu.memory_space<hbm>> -> memref<16x256xf32, #tpu.memory_space<hbm>>
      %dma_wait3A_404 = arith.constant 0 : i32
      %dma_wait3A_405 = tpu.memref_slice %arg4[%add3A_320, %dma_wait3A_404] : memref<32768x256xf32, #tpu.memory_space<hbm>> -> memref<16x256xf32, #tpu.memory_space<hbm>>
      tpu.wait_dma2 semaphore(%arg13 : memref<!tpu.dma_semaphore, #tpu.memory_space<semaphore_mem>>) src(%arg9 : memref<16x256xf32, #tpu.memory_space<vmem>>) dst(%dma_wait3A_405 : memref<16x256xf32, #tpu.memory_space<hbm>>)
    } else {
    }
    %add3A_331 = arith.constant 32 : i32
    %add3A_332 = arith.addi %mul3A_306, %add3A_331 : i32
    %gt3A_333 = arith.constant 32 : i32
    %gt3A_334 = arith.cmpi sgt, %squeeze3A_302, %gt3A_333 : i32
    %convert_element_type3A_335 = arith.extui %gt3A_334 : i1 to i32
    %cond3A_336 = arith.constant 0 : i32
    %cond3A_337 = arith.cmpi ne, %convert_element_type3A_335, %cond3A_336 : i32
    scf.if %cond3A_337 {
      %dma_wait3A = arith.constant 32 : i32
      %dma_wait3A_403 = arith.constant 0 : i32
      %dma_wait3A_404 = tpu.memref_slice %arg6[%dma_wait3A, %dma_wait3A_403] : memref<128x256xf32, #tpu.memory_space<vmem>> -> memref<16x256xf32, #tpu.memory_space<vmem>>
      %dma_wait3A_405 = arith.constant 0 : i32
      %dma_wait3A_406 = tpu.memref_slice %arg4[%add3A_332, %dma_wait3A_405] : memref<32768x256xf32, #tpu.memory_space<hbm>> -> memref<16x256xf32, #tpu.memory_space<hbm>>
      %dma_wait3A_407 = arith.constant 0 : i32
      %dma_wait3A_408 = tpu.memref_slice %arg4[%add3A_332, %dma_wait3A_407] : memref<32768x256xf32, #tpu.memory_space<hbm>> -> memref<16x256xf32, #tpu.memory_space<hbm>>
      %dma_wait3A_409 = arith.constant 32 : i32
      %dma_wait3A_410 = arith.constant 0 : i32
      %dma_wait3A_411 = tpu.memref_slice %arg6[%dma_wait3A_409, %dma_wait3A_410] : memref<128x256xf32, #tpu.memory_space<vmem>> -> memref<16x256xf32, #tpu.memory_space<vmem>>
      tpu.wait_dma2 semaphore(%arg13 : memref<!tpu.dma_semaphore, #tpu.memory_space<semaphore_mem>>) src(%dma_wait3A_411 : memref<16x256xf32, #tpu.memory_space<vmem>>) dst(%dma_wait3A_408 : memref<16x256xf32, #tpu.memory_space<hbm>>)
    } else {
    }
    %le3A_338 = arith.constant 32 : i32
    %le3A_339 = arith.cmpi sle, %squeeze3A_302, %le3A_338 : i32
    %convert_element_type3A_340 = arith.extui %le3A_339 : i1 to i32
    %cond3A_341 = arith.constant 0 : i32
    %cond3A_342 = arith.cmpi ne, %convert_element_type3A_340, %cond3A_341 : i32
    scf.if %cond3A_342 {
      %dma_wait3A = arith.constant 0 : i32
      %dma_wait3A_403 = tpu.memref_slice %arg4[%add3A_332, %dma_wait3A] : memref<32768x256xf32, #tpu.memory_space<hbm>> -> memref<16x256xf32, #tpu.memory_space<hbm>>
      %dma_wait3A_404 = arith.constant 0 : i32
      %dma_wait3A_405 = tpu.memref_slice %arg4[%add3A_332, %dma_wait3A_404] : memref<32768x256xf32, #tpu.memory_space<hbm>> -> memref<16x256xf32, #tpu.memory_space<hbm>>
      tpu.wait_dma2 semaphore(%arg13 : memref<!tpu.dma_semaphore, #tpu.memory_space<semaphore_mem>>) src(%arg9 : memref<16x256xf32, #tpu.memory_space<vmem>>) dst(%dma_wait3A_405 : memref<16x256xf32, #tpu.memory_space<hbm>>)
    } else {
    }
    %add3A_343 = arith.constant 48 : i32
    %add3A_344 = arith.addi %mul3A_306, %add3A_343 : i32
    %gt3A_345 = arith.constant 48 : i32
    %gt3A_346 = arith.cmpi sgt, %squeeze3A_302, %gt3A_345 : i32
    %convert_element_type3A_347 = arith.extui %gt3A_346 : i1 to i32
    %cond3A_348 = arith.constant 0 : i32
    %cond3A_349 = arith.cmpi ne, %convert_element_type3A_347, %cond3A_348 : i32
    scf.if %cond3A_349 {
      %dma_wait3A = arith.constant 48 : i32
      %dma_wait3A_403 = arith.constant 0 : i32
      %dma_wait3A_404 = tpu.memref_slice %arg6[%dma_wait3A, %dma_wait3A_403] : memref<128x256xf32, #tpu.memory_space<vmem>> -> memref<16x256xf32, #tpu.memory_space<vmem>>
      %dma_wait3A_405 = arith.constant 0 : i32
      %dma_wait3A_406 = tpu.memref_slice %arg4[%add3A_344, %dma_wait3A_405] : memref<32768x256xf32, #tpu.memory_space<hbm>> -> memref<16x256xf32, #tpu.memory_space<hbm>>
      %dma_wait3A_407 = arith.constant 0 : i32
      %dma_wait3A_408 = tpu.memref_slice %arg4[%add3A_344, %dma_wait3A_407] : memref<32768x256xf32, #tpu.memory_space<hbm>> -> memref<16x256xf32, #tpu.memory_space<hbm>>
      %dma_wait3A_409 = arith.constant 48 : i32
      %dma_wait3A_410 = arith.constant 0 : i32
      %dma_wait3A_411 = tpu.memref_slice %arg6[%dma_wait3A_409, %dma_wait3A_410] : memref<128x256xf32, #tpu.memory_space<vmem>> -> memref<16x256xf32, #tpu.memory_space<vmem>>
      tpu.wait_dma2 semaphore(%arg13 : memref<!tpu.dma_semaphore, #tpu.memory_space<semaphore_mem>>) src(%dma_wait3A_411 : memref<16x256xf32, #tpu.memory_space<vmem>>) dst(%dma_wait3A_408 : memref<16x256xf32, #tpu.memory_space<hbm>>)
    } else {
    }
    %le3A_350 = arith.constant 48 : i32
    %le3A_351 = arith.cmpi sle, %squeeze3A_302, %le3A_350 : i32
    %convert_element_type3A_352 = arith.extui %le3A_351 : i1 to i32
    %cond3A_353 = arith.constant 0 : i32
    %cond3A_354 = arith.cmpi ne, %convert_element_type3A_352, %cond3A_353 : i32
    scf.if %cond3A_354 {
      %dma_wait3A = arith.constant 0 : i32
      %dma_wait3A_403 = tpu.memref_slice %arg4[%add3A_344, %dma_wait3A] : memref<32768x256xf32, #tpu.memory_space<hbm>> -> memref<16x256xf32, #tpu.memory_space<hbm>>
      %dma_wait3A_404 = arith.constant 0 : i32
      %dma_wait3A_405 = tpu.memref_slice %arg4[%add3A_344, %dma_wait3A_404] : memref<32768x256xf32, #tpu.memory_space<hbm>> -> memref<16x256xf32, #tpu.memory_space<hbm>>
      tpu.wait_dma2 semaphore(%arg13 : memref<!tpu.dma_semaphore, #tpu.memory_space<semaphore_mem>>) src(%arg9 : memref<16x256xf32, #tpu.memory_space<vmem>>) dst(%dma_wait3A_405 : memref<16x256xf32, #tpu.memory_space<hbm>>)
    } else {
    }
    %add3A_355 = arith.constant 64 : i32
    %add3A_356 = arith.addi %mul3A_306, %add3A_355 : i32
    %gt3A_357 = arith.constant 64 : i32
    %gt3A_358 = arith.cmpi sgt, %squeeze3A_302, %gt3A_357 : i32
    %convert_element_type3A_359 = arith.extui %gt3A_358 : i1 to i32
    %cond3A_360 = arith.constant 0 : i32
    %cond3A_361 = arith.cmpi ne, %convert_element_type3A_359, %cond3A_360 : i32
    scf.if %cond3A_361 {
      %dma_wait3A = arith.constant 64 : i32
      %dma_wait3A_403 = arith.constant 0 : i32
      %dma_wait3A_404 = tpu.memref_slice %arg6[%dma_wait3A, %dma_wait3A_403] : memref<128x256xf32, #tpu.memory_space<vmem>> -> memref<16x256xf32, #tpu.memory_space<vmem>>
      %dma_wait3A_405 = arith.constant 0 : i32
      %dma_wait3A_406 = tpu.memref_slice %arg4[%add3A_356, %dma_wait3A_405] : memref<32768x256xf32, #tpu.memory_space<hbm>> -> memref<16x256xf32, #tpu.memory_space<hbm>>
      %dma_wait3A_407 = arith.constant 0 : i32
      %dma_wait3A_408 = tpu.memref_slice %arg4[%add3A_356, %dma_wait3A_407] : memref<32768x256xf32, #tpu.memory_space<hbm>> -> memref<16x256xf32, #tpu.memory_space<hbm>>
      %dma_wait3A_409 = arith.constant 64 : i32
      %dma_wait3A_410 = arith.constant 0 : i32
      %dma_wait3A_411 = tpu.memref_slice %arg6[%dma_wait3A_409, %dma_wait3A_410] : memref<128x256xf32, #tpu.memory_space<vmem>> -> memref<16x256xf32, #tpu.memory_space<vmem>>
      tpu.wait_dma2 semaphore(%arg13 : memref<!tpu.dma_semaphore, #tpu.memory_space<semaphore_mem>>) src(%dma_wait3A_411 : memref<16x256xf32, #tpu.memory_space<vmem>>) dst(%dma_wait3A_408 : memref<16x256xf32, #tpu.memory_space<hbm>>)
    } else {
    }
    %le3A_362 = arith.constant 64 : i32
    %le3A_363 = arith.cmpi sle, %squeeze3A_302, %le3A_362 : i32
    %convert_element_type3A_364 = arith.extui %le3A_363 : i1 to i32
    %cond3A_365 = arith.constant 0 : i32
    %cond3A_366 = arith.cmpi ne, %convert_element_type3A_364, %cond3A_365 : i32
    scf.if %cond3A_366 {
      %dma_wait3A = arith.constant 0 : i32
      %dma_wait3A_403 = tpu.memref_slice %arg4[%add3A_356, %dma_wait3A] : memref<32768x256xf32, #tpu.memory_space<hbm>> -> memref<16x256xf32, #tpu.memory_space<hbm>>
      %dma_wait3A_404 = arith.constant 0 : i32
      %dma_wait3A_405 = tpu.memref_slice %arg4[%add3A_356, %dma_wait3A_404] : memref<32768x256xf32, #tpu.memory_space<hbm>> -> memref<16x256xf32, #tpu.memory_space<hbm>>
      tpu.wait_dma2 semaphore(%arg13 : memref<!tpu.dma_semaphore, #tpu.memory_space<semaphore_mem>>) src(%arg9 : memref<16x256xf32, #tpu.memory_space<vmem>>) dst(%dma_wait3A_405 : memref<16x256xf32, #tpu.memory_space<hbm>>)
    } else {
    }
    %add3A_367 = arith.constant 80 : i32
    %add3A_368 = arith.addi %mul3A_306, %add3A_367 : i32
    %gt3A_369 = arith.constant 80 : i32
    %gt3A_370 = arith.cmpi sgt, %squeeze3A_302, %gt3A_369 : i32
    %convert_element_type3A_371 = arith.extui %gt3A_370 : i1 to i32
    %cond3A_372 = arith.constant 0 : i32
    %cond3A_373 = arith.cmpi ne, %convert_element_type3A_371, %cond3A_372 : i32
    scf.if %cond3A_373 {
      %dma_wait3A = arith.constant 80 : i32
      %dma_wait3A_403 = arith.constant 0 : i32
      %dma_wait3A_404 = tpu.memref_slice %arg6[%dma_wait3A, %dma_wait3A_403] : memref<128x256xf32, #tpu.memory_space<vmem>> -> memref<16x256xf32, #tpu.memory_space<vmem>>
      %dma_wait3A_405 = arith.constant 0 : i32
      %dma_wait3A_406 = tpu.memref_slice %arg4[%add3A_368, %dma_wait3A_405] : memref<32768x256xf32, #tpu.memory_space<hbm>> -> memref<16x256xf32, #tpu.memory_space<hbm>>
      %dma_wait3A_407 = arith.constant 0 : i32
      %dma_wait3A_408 = tpu.memref_slice %arg4[%add3A_368, %dma_wait3A_407] : memref<32768x256xf32, #tpu.memory_space<hbm>> -> memref<16x256xf32, #tpu.memory_space<hbm>>
      %dma_wait3A_409 = arith.constant 80 : i32
      %dma_wait3A_410 = arith.constant 0 : i32
      %dma_wait3A_411 = tpu.memref_slice %arg6[%dma_wait3A_409, %dma_wait3A_410] : memref<128x256xf32, #tpu.memory_space<vmem>> -> memref<16x256xf32, #tpu.memory_space<vmem>>
      tpu.wait_dma2 semaphore(%arg13 : memref<!tpu.dma_semaphore, #tpu.memory_space<semaphore_mem>>) src(%dma_wait3A_411 : memref<16x256xf32, #tpu.memory_space<vmem>>) dst(%dma_wait3A_408 : memref<16x256xf32, #tpu.memory_space<hbm>>)
    } else {
    }
    %le3A_374 = arith.constant 80 : i32
    %le3A_375 = arith.cmpi sle, %squeeze3A_302, %le3A_374 : i32
    %convert_element_type3A_376 = arith.extui %le3A_375 : i1 to i32
    %cond3A_377 = arith.constant 0 : i32
    %cond3A_378 = arith.cmpi ne, %convert_element_type3A_376, %cond3A_377 : i32
    scf.if %cond3A_378 {
      %dma_wait3A = arith.constant 0 : i32
      %dma_wait3A_403 = tpu.memref_slice %arg4[%add3A_368, %dma_wait3A] : memref<32768x256xf32, #tpu.memory_space<hbm>> -> memref<16x256xf32, #tpu.memory_space<hbm>>
      %dma_wait3A_404 = arith.constant 0 : i32
      %dma_wait3A_405 = tpu.memref_slice %arg4[%add3A_368, %dma_wait3A_404] : memref<32768x256xf32, #tpu.memory_space<hbm>> -> memref<16x256xf32, #tpu.memory_space<hbm>>
      tpu.wait_dma2 semaphore(%arg13 : memref<!tpu.dma_semaphore, #tpu.memory_space<semaphore_mem>>) src(%arg9 : memref<16x256xf32, #tpu.memory_space<vmem>>) dst(%dma_wait3A_405 : memref<16x256xf32, #tpu.memory_space<hbm>>)
    } else {
    }
    %add3A_379 = arith.constant 96 : i32
    %add3A_380 = arith.addi %mul3A_306, %add3A_379 : i32
    %gt3A_381 = arith.constant 96 : i32
    %gt3A_382 = arith.cmpi sgt, %squeeze3A_302, %gt3A_381 : i32
    %convert_element_type3A_383 = arith.extui %gt3A_382 : i1 to i32
    %cond3A_384 = arith.constant 0 : i32
    %cond3A_385 = arith.cmpi ne, %convert_element_type3A_383, %cond3A_384 : i32
    scf.if %cond3A_385 {
      %dma_wait3A = arith.constant 96 : i32
      %dma_wait3A_403 = arith.constant 0 : i32
      %dma_wait3A_404 = tpu.memref_slice %arg6[%dma_wait3A, %dma_wait3A_403] : memref<128x256xf32, #tpu.memory_space<vmem>> -> memref<16x256xf32, #tpu.memory_space<vmem>>
      %dma_wait3A_405 = arith.constant 0 : i32
      %dma_wait3A_406 = tpu.memref_slice %arg4[%add3A_380, %dma_wait3A_405] : memref<32768x256xf32, #tpu.memory_space<hbm>> -> memref<16x256xf32, #tpu.memory_space<hbm>>
      %dma_wait3A_407 = arith.constant 0 : i32
      %dma_wait3A_408 = tpu.memref_slice %arg4[%add3A_380, %dma_wait3A_407] : memref<32768x256xf32, #tpu.memory_space<hbm>> -> memref<16x256xf32, #tpu.memory_space<hbm>>
      %dma_wait3A_409 = arith.constant 96 : i32
      %dma_wait3A_410 = arith.constant 0 : i32
      %dma_wait3A_411 = tpu.memref_slice %arg6[%dma_wait3A_409, %dma_wait3A_410] : memref<128x256xf32, #tpu.memory_space<vmem>> -> memref<16x256xf32, #tpu.memory_space<vmem>>
      tpu.wait_dma2 semaphore(%arg13 : memref<!tpu.dma_semaphore, #tpu.memory_space<semaphore_mem>>) src(%dma_wait3A_411 : memref<16x256xf32, #tpu.memory_space<vmem>>) dst(%dma_wait3A_408 : memref<16x256xf32, #tpu.memory_space<hbm>>)
    } else {
    }
    %le3A_386 = arith.constant 96 : i32
    %le3A_387 = arith.cmpi sle, %squeeze3A_302, %le3A_386 : i32
    %convert_element_type3A_388 = arith.extui %le3A_387 : i1 to i32
    %cond3A_389 = arith.constant 0 : i32
    %cond3A_390 = arith.cmpi ne, %convert_element_type3A_388, %cond3A_389 : i32
    scf.if %cond3A_390 {
      %dma_wait3A = arith.constant 0 : i32
      %dma_wait3A_403 = tpu.memref_slice %arg4[%add3A_380, %dma_wait3A] : memref<32768x256xf32, #tpu.memory_space<hbm>> -> memref<16x256xf32, #tpu.memory_space<hbm>>
      %dma_wait3A_404 = arith.constant 0 : i32
      %dma_wait3A_405 = tpu.memref_slice %arg4[%add3A_380, %dma_wait3A_404] : memref<32768x256xf32, #tpu.memory_space<hbm>> -> memref<16x256xf32, #tpu.memory_space<hbm>>
      tpu.wait_dma2 semaphore(%arg13 : memref<!tpu.dma_semaphore, #tpu.memory_space<semaphore_mem>>) src(%arg9 : memref<16x256xf32, #tpu.memory_space<vmem>>) dst(%dma_wait3A_405 : memref<16x256xf32, #tpu.memory_space<hbm>>)
    } else {
    }
    %add3A_391 = arith.constant 112 : i32
    %add3A_392 = arith.addi %mul3A_306, %add3A_391 : i32
    %gt3A_393 = arith.constant 112 : i32
    %gt3A_394 = arith.cmpi sgt, %squeeze3A_302, %gt3A_393 : i32
    %convert_element_type3A_395 = arith.extui %gt3A_394 : i1 to i32
    %cond3A_396 = arith.constant 0 : i32
    %cond3A_397 = arith.cmpi ne, %convert_element_type3A_395, %cond3A_396 : i32
    scf.if %cond3A_397 {
      %dma_wait3A = arith.constant 112 : i32
      %dma_wait3A_403 = arith.constant 0 : i32
      %dma_wait3A_404 = tpu.memref_slice %arg6[%dma_wait3A, %dma_wait3A_403] : memref<128x256xf32, #tpu.memory_space<vmem>> -> memref<16x256xf32, #tpu.memory_space<vmem>>
      %dma_wait3A_405 = arith.constant 0 : i32
      %dma_wait3A_406 = tpu.memref_slice %arg4[%add3A_392, %dma_wait3A_405] : memref<32768x256xf32, #tpu.memory_space<hbm>> -> memref<16x256xf32, #tpu.memory_space<hbm>>
      %dma_wait3A_407 = arith.constant 0 : i32
      %dma_wait3A_408 = tpu.memref_slice %arg4[%add3A_392, %dma_wait3A_407] : memref<32768x256xf32, #tpu.memory_space<hbm>> -> memref<16x256xf32, #tpu.memory_space<hbm>>
      %dma_wait3A_409 = arith.constant 112 : i32
      %dma_wait3A_410 = arith.constant 0 : i32
      %dma_wait3A_411 = tpu.memref_slice %arg6[%dma_wait3A_409, %dma_wait3A_410] : memref<128x256xf32, #tpu.memory_space<vmem>> -> memref<16x256xf32, #tpu.memory_space<vmem>>
      tpu.wait_dma2 semaphore(%arg13 : memref<!tpu.dma_semaphore, #tpu.memory_space<semaphore_mem>>) src(%dma_wait3A_411 : memref<16x256xf32, #tpu.memory_space<vmem>>) dst(%dma_wait3A_408 : memref<16x256xf32, #tpu.memory_space<hbm>>)
    } else {
    }
    %le3A_398 = arith.constant 112 : i32
    %le3A_399 = arith.cmpi sle, %squeeze3A_302, %le3A_398 : i32
    %convert_element_type3A_400 = arith.extui %le3A_399 : i1 to i32
    %cond3A_401 = arith.constant 0 : i32
    %cond3A_402 = arith.cmpi ne, %convert_element_type3A_400, %cond3A_401 : i32
    scf.if %cond3A_402 {
      %dma_wait3A = arith.constant 0 : i32
      %dma_wait3A_403 = tpu.memref_slice %arg4[%add3A_392, %dma_wait3A] : memref<32768x256xf32, #tpu.memory_space<hbm>> -> memref<16x256xf32, #tpu.memory_space<hbm>>
      %dma_wait3A_404 = arith.constant 0 : i32
      %dma_wait3A_405 = tpu.memref_slice %arg4[%add3A_392, %dma_wait3A_404] : memref<32768x256xf32, #tpu.memory_space<hbm>> -> memref<16x256xf32, #tpu.memory_space<hbm>>
      tpu.wait_dma2 semaphore(%arg13 : memref<!tpu.dma_semaphore, #tpu.memory_space<semaphore_mem>>) src(%arg9 : memref<16x256xf32, #tpu.memory_space<vmem>>) dst(%dma_wait3A_405 : memref<16x256xf32, #tpu.memory_space<hbm>>)
    } else {
    }
    return
  }
}

</mosaic_0001>

<sc_bundles>
// kernel: kernel.3.cloned.1.call-start
scs
__scs_entry_jumppad:
0x0: {  	(pc) =	sbr.rel $0x88, $3  }
0x1: {  	(tag) =	ssettag $0x0;
	lr =	simm.s32 $0x1  }
0x2: {  	[smem:$0x3F9F] =	sst lr;
	_ =	strace $0xD0000000  }
0x3: {  	_ = 	snop  }
0x4: {  	_ = 	snop  }
0x5: {  	_ = 	snop  }
0x6: {  	_ = 	snop  }
0x7: {  	_ = 	snop  }
__scs_overlays_trampoline_lowered:
0x8: {  	[smem:$0x3FAE] =	sst s0  }
0x9: {  	[smem:$0x3FAF] =	sst s1  }
0xa: {  	[smem:$0x3FB0] =	sst s2  }
0xb: {  	[smem:$0x3FB1] =	sst s3  }
0xc: {  	[smem:$0x3FB2] =	sst s4  }
0xd: {  	[smem:$0x3FB3] =	sst s5  }
0xe: {  	[smem:$0x3FB4] =	sst s6  }
0xf: {  	[smem:$0x3FB5] =	sst s7  }
0x10: {  	[smem:$0x3FB6] =	sst s8  }
0x11: {  	[smem:$0x3FB7] =	sst s9;
	s0 =	simm.s32 @!p0 $0x0  }
0x12: {  	s1 =	sld [smem:$0x3F9D];
	s0 =	simm.s32 @p0 $0x1  }
0x13: {  	[smem:$0x3FB8] =	sst s0;
	s0 =	simm.s32 @!p1 $0x0  }
0x14: {  	s2 =	sld [smem:$0x3F9C];
	s0 =	simm.s32 @p1 $0x1  }
0x15: {  	[smem:$0x3FB9] =	sst s0;
	s0 =	simm.s32 @!p2 $0x0  }
0x16: {  	s3 =	sld [smem:$0x3FDB];
	s0 =	simm.s32 @p2 $0x1  }
0x17: {  	s4 =	simm.s32 $0x1BF5;
	[smem:$0x3FBB] =	sst s0  }
0x18: {  	s0 =	sld [smem:$0x3F9E];
	_ =	swait.ge [sflag:s4], $0x0  }
0x19: {  	s7 =	sld [smem:$0x3F9F]  }
0x1a: {  	s8 =	sadd.s32 $0xFFFFE003, lr  }
0x1b: {  	s9 =	sadd.s32 $0xFFFFFEF7, lr;
	s5 =	simm.s32 $0xFFFFFFFF;
	p2 =	slt.u32 s8, $0xFFFFF086  }
0x1c: {  	p1 =	slt.u32 s9, $0xF7A;
	s5 =	simm.s32 @!p2 $0x0  }
0x1d: {  	s5 =	simm.s32 @p1 $0x1;
	p0 =	seq.s32 s7, s2  }
0x1e: {  	s7 =	smul.u32 @!p0 $0xF7A, s2;
	p2 =	seq.s32 @!p0 s5, $0x0  }
0x1f: {  	s9 =	smul.u32 $0xF7A, s1;
	s8 =	simm.s32 @!p0 $0x1BF5;
	p2 =	por !p2, p0  }
0x20: {  	[sflag:s8] =	ssyncset.s32 @!p0 $0xFFFFF086;
	s6 =	sadd.s32 @!p0 s3, s7;
	s7 =	simm.s32 @!p0 $0x108  }
0x21: {  	s3 =	sadd.s32 s3, s9;
	s6 =	sadd.s32 @!p0 $0x88, s6;
	s7 =	simm.s32 @p2 $0x1082  }
0x22: {  	[simem:s7], [sflag:s8] =	dma.local @!p0 [hbm:s6], $0xF7A  }
0x23: {  	s9 =	sor.u32 $0xD0000000, s2;
	s6 =	simm.s32 $0x108;
	_ =	swait.ge @!p0 [sflag:s8], $0x0  }
0x24: {  	s3 =	sadd.s32 $0x88, s3;
	s6 =	simm.s32 @!p1 $0x1082;
	[sflag:s4] =	ssyncset.s32 $0xFFFFF086  }
0x25: {  	[simem:s6], [sflag:s4] =	dma.local [hbm:s3], $0xF7A  }
0x26: {  	[smem:$0x3F9F] =	sst s1;
	(tag) =	ssettag s2;
	_ =	strace s9  }
0x27: {  	s1 =	sld [smem:$0x3FAF]  }
0x28: {  	s2 =	sld [smem:$0x3FB0]  }
0x29: {  	s4 =	sld [smem:$0x3FB2]  }
0x2a: {  	p0 =	seq.s32 s5, $0x0;
	s5 =	sld [smem:$0x3FB3]  }
0x2b: {  	s6 =	sld [smem:$0x3FB4]  }
0x2c: {  	s7 =	sld [smem:$0x3FB5]  }
0x2d: {  	s3 =	simm.s32 $0x108;
	s8 =	sld [smem:$0x3FB6]  }
0x2e: {  	s3 =	simm.s32 @!p0 $0x1082;
	s9 =	sld [smem:$0x3FB7]  }
0x2f: {  	lr =	sadd.s32 s0, s3;
	s0 =	sld [smem:$0x3FAE]  }
0x30: {  	s3 =	sld [smem:$0x3FB1]  }
0x31: {  	[smem:$0x3FBA] =	sst s10  }
0x32: {  	s10 =	sld [smem:$0x3FB8];
	_ =	sdelay $0x3  }
0x33: {  	p0 =	seq.s32 s10, $0x1;
	s10 =	sld [smem:$0x3FBA];
	_ =	sdelay $0x3  }
0x34: {  	[smem:$0x3FBA] =	sst s10  }
0x35: {  	s10 =	sld [smem:$0x3FB9];
	_ =	sdelay $0x3  }
0x36: {  	p1 =	seq.s32 s10, $0x1;
	s10 =	sld [smem:$0x3FBA];
	_ =	sdelay $0x3  }
0x37: {  	[smem:$0x3FBA] =	sst s10  }
0x38: {  	s10 =	sld [smem:$0x3FBB]  }
0x39: {  	_ = 	snop;
	(pc) =	sbr.ind lr, $3  }
0x3a: {  	_ = 	snop  }
0x3b: {  	_ = 	snop  }
0x3c: {  	p2 =	seq.s32 s10, $0x1;
	s10 =	sld [smem:$0x3FBA]  }
0x3d: {  	_ =	shalt  }
0x3e: {  	_ =	shalt  }
0x3f: {  	_ =	shalt  }
0x40: {  	_ =	shalt  }
0x41: {  	_ =	shalt  }
0x42: {  	_ =	shalt  }
0x43: {  	_ =	shalt  }
0x44: {  	_ =	shalt  }
0x45: {  	_ =	shalt  }
0x46: {  	_ =	shalt  }
0x47: {  	_ =	shalt  }
0x48: {  	_ =	shalt  }
0x49: {  	_ =	shalt  }
0x4a: {  	_ =	shalt  }
0x4b: {  	_ =	shalt  }
0x4c: {  	_ =	shalt  }
0x4d: {  	_ =	shalt  }
0x4e: {  	_ =	shalt  }
0x4f: {  	_ =	shalt  }
0x50: {  	_ =	shalt  }
0x51: {  	_ =	shalt  }
0x52: {  	_ =	shalt  }
0x53: {  	_ =	shalt  }
0x54: {  	_ =	shalt  }
0x55: {  	_ =	shalt  }
0x56: {  	_ =	shalt  }
0x57: {  	_ =	shalt  }
0x58: {  	_ =	shalt  }
0x59: {  	_ =	shalt  }
0x5a: {  	_ =	shalt  }
0x5b: {  	_ =	shalt  }
0x5c: {  	_ =	shalt  }
0x5d: {  	_ =	shalt  }
0x5e: {  	_ =	shalt  }
0x5f: {  	_ =	shalt  }
0x60: {  	_ =	shalt  }
0x61: {  	_ =	shalt  }
0x62: {  	_ =	shalt  }
0x63: {  	_ =	shalt  }
0x64: {  	_ =	shalt  }
0x65: {  	_ =	shalt  }
0x66: {  	_ =	shalt  }
0x67: {  	_ =	shalt  }
0x68: {  	_ =	shalt  }
0x69: {  	_ =	shalt  }
0x6a: {  	_ =	shalt  }
0x6b: {  	_ =	shalt  }
0x6c: {  	_ =	shalt  }
0x6d: {  	_ =	shalt  }
0x6e: {  	_ =	shalt  }
0x6f: {  	_ =	shalt  }
0x70: {  	_ =	shalt  }
0x71: {  	_ =	shalt  }
0x72: {  	_ =	shalt  }
0x73: {  	_ =	shalt  }
0x74: {  	_ =	shalt  }
0x75: {  	_ =	shalt  }
0x76: {  	_ =	shalt  }
0x77: {  	_ =	shalt  }
0x78: {  	_ =	shalt  }
0x79: {  	_ =	shalt  }
0x7a: {  	_ =	shalt  }
0x7b: {  	_ =	shalt  }
0x7c: {  	_ =	shalt  }
0x7d: {  	_ =	shalt  }
0x7e: {  	_ =	shalt  }
0x7f: {  	_ =	shalt  }
0x80: {  	_ =	shalt  }
0x81: {  	_ =	shalt  }
0x82: {  	_ =	shalt  }
0x83: {  	_ =	shalt  }
0x84: {  	_ =	shalt  }
0x85: {  	_ =	shalt  }
0x86: {  	_ =	shalt  }
0x87: {  	_ =	shalt  }
.Lfunc_end0:
.L_simem_size_0:
called_computation_lowered:
.L_overlay_start_0:
0x88: {  	s2 =	sld [smem:$0x3FD9]  }
0x89: {  	s3 =	sld [smem:$0x3FFE];
	_ =	sdelay $0x1  }
0x8a: {  	s1 =	srdreg.scid  }
0x8b: {  	s0 =	sand.u32 $0x1, s1  }
0x8c: {  	s17 =	sshll.u32 s0, $0xA;
	s2 =	sadd.s32 s3, s2  }
0x8d: {  	s2 =	sadd.s32 s2, s17  }
0x8e: {  	[smem:$0x3FC6] =	sst s2  }
0x8f: {  	_ = 	snop  }
0x90: {  	s2 =	sld [smem:$0x3FC9]  }
0x91: {  	s18 =	sld [smem:$0x3FD0];
	(tm) =	ssettm $0x1  }
0x92: {  	s4 =	sld [smem:$0x3FFB];
	_ =	sdelay $0x3  }
0x93: {  	_ =	strace s4  }
0x94: {  	s4 =	sld [smem:$0x3FFC];
	_ =	sdelay $0x3  }
0x95: {  	_ =	strace s4  }
0x96: {  	s4 =	sld [smem:$0x3FFD];
	_ =	sdelay $0x3  }
0x97: {  	_ =	strace s4  }
0x98: {  	_ =	strace $0x8FFFFFFF  }
0x99: {  	s19 =	sld [smem:$0x3FDB];
	_ =	sdelay $0x1  }
0x9a: {  	s5 =	simm.s32 $_scs_section_size  }
0x9b: {  	s6 =	simm.s32 $_size__tile_overlayer_lowered;
	s7 =	simm.s32 $_tile_overlayer_lowered  }
0x9c: {  	s22 =	simm.s32 $0x1BFF;
	s21 =	sshll.u32 s7, $0x1;
	s4 =	sadd.s32 s5, s19  }
0x9d: {  	s8 =	simm.s32 $0x0;
	s20 =	sshll.u32 s6, $0x1;
	s6 =	sadd.s32 s21, s4  }
0x9e: {  	[timem:s8], [sflag:s22] =	dma.local [hbm:s6], s20  }
0x9f: {  	_ =	swait.ge [sflag:s22], s20  }
0xa0: {  	s5 =	ssub.s32 $0x0, s20;
	[sflag:s22] =	ssyncset.done $0x0  }
0xa1: {  	[sflag:s22] =	ssyncadd.s32 s5;
	_ =	sdelay $0x1  }
0xa2: {  	s23 =	simm.s32 $0x1B8B  }
0xa3: {  	_ =	swait.ge [sflag:s23], $0x1  }
0xa4: {  	[sflag:s23] =	ssyncset.done $0x0  }
0xa5: {  	s25 =	simm.s32 $0x1B8E;
	s24 =	sld [smem:$0x3FFE];
	[sflag:s23] =	ssyncadd.s32 $0xFFFFFFFF  }
0xa6: {  	s26 =	simm.s32 $execute0_lowered;
	[smem:$0x3FD2] =	sst s25  }
0xa7: {  	s6 =	sshll.u32 s26, $0x1;
	_ =	strace $0x80000046;
	[dreg:$0x1] =	wrdreg $0xFFFFFFFF  }
0xa8: {  	s28 =	simm.s32 $_size_execute0_lowered;
	s4 =	sadd.s32 s4, s6;
	[dreg:$0x0] =	wrdreg $0x0  }
0xa9: {  	s6 =	sshll.u32 s28, $0x1;
	[dreg:$0x2] =	wrdreg s4  }
0xaa: {  	[dreg:$0x3] =	wrdreg s6  }
0xab: {  	[dreg:$0x4] =	wrdreg $0xC0  }
0xac: {  	_ =	task [dreg:s8], $0x5FFFF  }
0xad: {  	[dreg:$0x1] =	wrdreg $0xFFFFFFFF  }
0xae: {  	[dreg:$0x0] =	wrdreg $0x60  }
0xaf: {  	[dreg:$0x2] =	wrdreg s2  }
0xb0: {  	[dreg:$0x3] =	wrdreg s24  }
0xb1: {  	[dreg:$0x4] =	wrdreg s18  }
0xb2: {  	[dreg:$0x5] =	wrdreg $0x9  }
0xb3: {  	_ =	task.clear_ibuf [dreg:s8], $0x6FFFF;
	_ =	strace $0x90000046  }
0xb4: {  	s29 =	simm.s32 $0x9;
	_ =	strace $0x80000048  }
0xb5: {  	_ =	swait.ge [sflag:s29], $0x1  }
0xb6: {  	[sflag:s29] =	ssyncadd.s32 $0xFFFFFFFF  }
0xb7: {  	_ =	strace $0x90000048  }
0xb8: {  	_ =	sfence  }
0xb9: {  	s30 =	sld [smem:$0x0];
	_ =	sdelay $0x2  }
0xba: {  	s31 =	sshll.u32 s1, $0xD;
	s1 =	sshrl.u32 s1, $0x2  }
0xbb: {  	s3 =	sand.u32 $0x4000, s31;
	s1 =	sadd.s32 s1, s30  }
0xbc: {  	s0 =	sor.u32 s3, s0;
	s1 =	sshll.u32 s1, $0x11  }
0xbd: {  	s0 =	sor.u32 s1, s0  }
0xbe: {  	s0 =	sadd.s32 $0x8F2B, s0  }
0xbf: {  	[sflag:s0] =	ssyncadd.remote.s32 $0x1  }
0xc0: {  	_ =	sfence.sel $0xFFFF  }
0xc1: {  	[dreg:$0x0] =	wrdreg $0xFFFFFFFF;
	(pc) =	sbr.abs _section_cstart, $3  }
0xc2: {  	[dreg:$0x1] =	wrdreg $0xFFFFFFFF  }
0xc3: {  	_ =	task.clear_ibuf [dreg:s8], $0x2FFFF;
	_ =	strace $0x9FFFFFFF  }
0xc4: {  	(tm) =	ssettm $0x7FFFFFFF  }
0xc5: {  	_ =	shalt  }
tec
execute0_lowered:
.L_overlay_start_1:
0x0: {  	(tag) =	ssettag $0x1  }
0x1: {  	s0 =	rddreg [dreg:$0x0]  }
0x2: {  	s1 =	rddreg [dreg:$0x1]  }
0x3: {  	s12 =	rddreg [dreg:$0x2];
	s2 =	simm.s32 $0x0;
	s3 =	srdreg.scid  }
0x4: {  	s6 =	stileid.u32;
	s21 =	simm.s32 $0x3;
	s22 =	simm.s32 $0x1  }
0x5: {  	s23 =	simm.s32 $0x2;
	s24 =	simm.s32 $0x80;
	s28 =	simm.s32 $0x0  }
0x6: {  	[smem:$0x7FF] =	sst s2;
	s3 =	sand.u32 $0x1, s3;
	s5 =	sshll.u32 s6, $0xD  }
0x7: {  	s6 =	sshrl.u32 s6, $0x2;
	s4 =	ssub.s32 $0x2, s3;
	s3 =	sshll.u32 s3, $0xC  }
0x8: {  	_ =	strace $0x80000047;
	s7 =	sshrl.u32 s4, $0x1;
	s13 =	sor.u32 s3, s5  }
0x9: {  	s1 =	sadd.s32 s6, s1;
	s20 =	ssub.s32 s4, s7;
	s3 =	sadd.s32 s0, s13  }
0xa: {  	s4 =	sadd.s32 $0x400, s1;
	s12 =	sadd.s32 s12, s13;
	s5 =	sadd.s32 $0x200, s3  }
.Ltmp0:
0xb: {  	s6 =	sadd.s32 $0x400, s3;
	s7 =	sadd.s32 $0x600, s3;
	(pc) =	sbr.rel .LBB2_1-.Ltmp0, $4  }
0xc: {  	s8 =	sadd.s32 $0x800, s3;
	s9 =	sadd.s32 $0xA00, s3;
	s10 =	sadd.s32 $0xC00, s3  }
0xd: {  	s11 =	sadd.s32 $0xE00, s3;
	s13 =	sadd.s32 $0x200, s12;
	s14 =	sadd.s32 $0x400, s12  }
0xe: {  	s15 =	sadd.s32 $0x600, s12;
	s16 =	sadd.s32 $0x800, s12;
	s17 =	sadd.s32 $0xA00, s12  }
0xf: {  	v0 =	vimm.f32 $0.0e+00;
	s18 =	sadd.s32 $0xC00, s12;
	s19 =	sadd.s32 $0xE00, s12;
	s20 =	smax.u32 s20, $0x1  }
.LBB2_54:
0x10: {  	_ = 	snop  }
.LBB2_57:
0x11: {  	s1 =	sor.u32 s25, s26;
	[tilespmem:s0+$0x4E0] =	vst @p0 v0  }
0x12: {  	[tilespmem:s1+$0x4F0] =	vst v0  }
0x13: {  	[tilespmem:s1+$0x80] =	vst v0  }
0x14: {  	[tilespmem:s1+$0x90] =	vst v0  }
0x15: {  	[tilespmem:s1+$0xA0] =	vst v0  }
0x16: {  	[tilespmem:s1+$0xB0] =	vst v0  }
0x17: {  	[tilespmem:s1+$0xC0] =	vst v0  }
0x18: {  	[tilespmem:s1+$0xD0] =	vst v0  }
0x19: {  	[tilespmem:s1+$0xE0] =	vst v0  }
0x1a: {  	[tilespmem:s1+$0xF0] =	vst v0  }
0x1b: {  	[tilespmem:s1+$0x480] =	vst v0  }
0x1c: {  	[tilespmem:s1+$0x490] =	vst v0  }
0x1d: {  	[tilespmem:s1+$0x4A0] =	vst v0  }
0x1e: {  	[tilespmem:s1+$0x4B0] =	vst v0  }
0x1f: {  	[tilespmem:s1+$0x4C0] =	vst v0  }
0x20: {  	[tilespmem:s1+$0x4D0] =	vst v0  }
0x21: {  	[tilespmem:s1+$0x4E0] =	vst v0  }
.LBB2_58:
0x22: {  	s0 =	simm.s32 $0x8080  }
0x23: {  	s31 =	sld [smem:$0x7FC];
	s0 =	simm.s32 @!p6 $0x80  }
0x24: {  	[hbm4b:s12+s2] =	stream.linear.scatter [tilespmem:s0], [sflag:$0x2], $0x1000, $0x38;
	[tilespmem:$0x9080] =	vst v63  }
0x25: {  	s1 =	simm.s32 @p2 $0x1080;
	p1 =	sgt.s32 s29, $0x10;
	s0 =	simm.s32 @p2 $0x0  }
0x26: {  	[hbm4b:s13+s0] =	stream.linear.scatter @p2 [tilespmem:s1], [sflag:$0x2], $0x1000, $0x38;
	[tilespmem:$0x9080] =	vst v63  }
0x27: {  	p0 =	seq.s32 s31, $0x1;
	s0 =	simm.s32 @!p1 $0x0;
	s1 =	simm.s32 @!p1 $0x8080  }
0x28: {  	[hbm4b:s13+s0] =	stream.linear.scatter @!p1 [tilespmem:s1], [sflag:$0x2], $0x1000, $0x38;
	[tilespmem:$0x9080] =	vst v63  }
0x29: {  	s0 =	simm.s32 @!p0 $0x0  }
0x2a: {  	p6 =	sgt.s32 s29, $0x20;
	s0 =	simm.s32 @p0 $0x1  }
0x2b: {  	s1 =	simm.s32 @p0 $0x2080;
	[smem:$0x7FC] =	sst s0;
	s0 =	simm.s32 @p0 $0x0  }
0x2c: {  	[hbm4b:s14+s0] =	stream.linear.scatter @p0 [tilespmem:s1], [sflag:$0x2], $0x1000, $0x38;
	[tilespmem:$0x9080] =	vst v63  }
0x2d: {  	s0 =	simm.s32 @!p6 $0x0;
	s1 =	simm.s32 @!p6 $0x8080  }
0x2e: {  	[hbm4b:s14+s0] =	stream.linear.scatter @!p6 [tilespmem:s1], [sflag:$0x2], $0x1000, $0x38;
	[tilespmem:$0x9080] =	vst v63  }
0x2f: {  	s1 =	sld [smem:$0x7FB];
	_ =	sdelay $0x2  }
0x30: {  	p0 =	seq.s32 s1, $0x1  }
0x31: {  	s0 =	simm.s32 @!p0 $0x0  }
0x32: {  	p5 =	sgt.s32 s29, $0x30;
	s0 =	simm.s32 @p0 $0x1  }
0x33: {  	s1 =	simm.s32 @p0 $0x3080;
	[smem:$0x7FB] =	sst s0;
	s0 =	simm.s32 @p0 $0x0  }
0x34: {  	[hbm4b:s15+s0] =	stream.linear.scatter @p0 [tilespmem:s1], [sflag:$0x2], $0x1000, $0x38;
	[tilespmem:$0x9080] =	vst v63  }
0x35: {  	s0 =	simm.s32 @!p5 $0x0;
	s1 =	simm.s32 @!p5 $0x8080  }
0x36: {  	[hbm4b:s15+s0] =	stream.linear.scatter @!p5 [tilespmem:s1], [sflag:$0x2], $0x1000, $0x38;
	[tilespmem:$0x9080] =	vst v63  }
0x37: {  	p0 =	sgt.s32 s29, $0x40;
	s0 =	simm.s32 @p4 $0x0;
	s1 =	simm.s32 @p4 $0x4080  }
0x38: {  	[hbm4b:s16+s0] =	stream.linear.scatter @p4 [tilespmem:s1], [sflag:$0x2], $0x1000, $0x38;
	[tilespmem:$0x9080] =	vst v63  }
0x39: {  	s0 =	simm.s32 @!p0 $0x0  }
0x3a: {  	s0 =	simm.s32 @p0 $0x1  }
0x3b: {  	s1 =	simm.s32 @!p0 $0x8080;
	[smem:$0x7EF] =	sst s0;
	s0 =	simm.s32 @!p0 $0x0  }
0x3c: {  	[hbm4b:s16+s0] =	stream.linear.scatter @!p0 [tilespmem:s1], [sflag:$0x2], $0x1000, $0x38;
	[tilespmem:$0x9080] =	vst v63  }
0x3d: {  	s0 =	simm.s32 @p3 $0x0;
	s1 =	simm.s32 @p3 $0x5080;
	p0 =	sgt.s32 s29, $0x50  }
0x3e: {  	[hbm4b:s17+s0] =	stream.linear.scatter @p3 [tilespmem:s1], [sflag:$0x2], $0x1000, $0x38;
	[tilespmem:$0x9080] =	vst v63  }
0x3f: {  	s0 =	simm.s32 @!p0 $0x0  }
0x40: {  	s25 =	sld [smem:$0x7FD];
	s0 =	simm.s32 @p0 $0x1  }
0x41: {  	s1 =	simm.s32 @!p0 $0x8080;
	[smem:$0x7F0] =	sst s0;
	s0 =	simm.s32 @!p0 $0x0  }
0x42: {  	[hbm4b:s17+s0] =	stream.linear.scatter @!p0 [tilespmem:s1], [sflag:$0x2], $0x1000, $0x38;
	[tilespmem:$0x9080] =	vst v63  }
0x43: {  	p0 =	seq.s32 s25, $0x1  }
0x44: {  	s0 =	simm.s32 @!p0 $0x0  }
0x45: {  	s0 =	simm.s32 @p0 $0x1  }
0x46: {  	s1 =	simm.s32 @p0 $0x6080;
	[smem:$0x7FD] =	sst s0;
	s0 =	simm.s32 @p0 $0x0  }
0x47: {  	[hbm4b:s18+s0] =	stream.linear.scatter @p0 [tilespmem:s1], [sflag:$0x2], $0x1000, $0x38;
	[tilespmem:$0x9080] =	vst v63  }
0x48: {  	p0 =	sgt.s32 s29, $0x60  }
0x49: {  	s0 =	simm.s32 @!p0 $0x0  }
0x4a: {  	s26 =	sld [smem:$0x7FA];
	s0 =	simm.s32 @p0 $0x1  }
0x4b: {  	s1 =	simm.s32 @!p0 $0x8080;
	[smem:$0x7F1] =	sst s0;
	s0 =	simm.s32 @!p0 $0x0  }
0x4c: {  	[hbm4b:s18+s0] =	stream.linear.scatter @!p0 [tilespmem:s1], [sflag:$0x2], $0x1000, $0x38;
	[tilespmem:$0x9080] =	vst v63  }
0x4d: {  	p0 =	seq.s32 s26, $0x1  }
0x4e: {  	s0 =	simm.s32 @!p0 $0x0  }
0x4f: {  	s0 =	simm.s32 @p0 $0x1  }
0x50: {  	s1 =	simm.s32 @p0 $0x7080;
	[smem:$0x7FA] =	sst s0;
	s0 =	simm.s32 @p0 $0x0  }
0x51: {  	[hbm4b:s19+s0] =	stream.linear.scatter @p0 [tilespmem:s1], [sflag:$0x2], $0x1000, $0x38;
	[tilespmem:$0x9080] =	vst v63  }
0x52: {  	p0 =	sgt.s32 s29, $0x70  }
0x53: {  	s0 =	simm.s32 @!p0 $0x0  }
0x54: {  	s0 =	simm.s32 @p0 $0x1  }
0x55: {  	s1 =	simm.s32 @!p0 $0x8080;
	[smem:$0x7F2] =	sst s0;
	s0 =	simm.s32 @!p0 $0x0  }
0x56: {  	[hbm4b:s19+s0] =	stream.linear.scatter @!p0 [tilespmem:s1], [sflag:$0x2], $0x1000, $0x38;
	[tilespmem:$0x9080] =	vst v63  }
0x57: {  	_ =	swait.ge [sflag:s23], $0x1000  }
0x58: {  	[sflag:s23] =	ssyncset.done $0x0  }
0x59: {  	s0 =	simm.s32 @p2 $0x2;
	[sflag:s23] =	ssyncadd.s32 $0xFFFFF000  }
0x5a: {  	_ =	swait.ge @p2 [sflag:s0], $0x1000  }
0x5b: {  	[sflag:s0] =	ssyncset.done @p2 $0x0  }
0x5c: {  	[sflag:s0] =	ssyncadd.s32 @p2 $0xFFFFF000;
	s0 =	simm.s32 @!p1 $0x2  }
0x5d: {  	_ =	swait.ge @!p1 [sflag:s0], $0x1000  }
0x5e: {  	s30 =	sld [smem:$0x7FC];
	_ =	sdelay $0x2  }
0x5f: {  	[sflag:s0] =	ssyncset.done @!p1 $0x0;
	p0 =	seq.s32 s30, $0x1  }
0x60: {  	[sflag:s0] =	ssyncadd.s32 @!p1 $0xFFFFF000;
	s0 =	simm.s32 @p0 $0x2  }
0x61: {  	_ =	swait.ge @p0 [sflag:s0], $0x1000  }
0x62: {  	[sflag:s0] =	ssyncset.done @p0 $0x0  }
0x63: {  	[sflag:s0] =	ssyncadd.s32 @p0 $0xFFFFF000;
	s0 =	simm.s32 @!p6 $0x2  }
0x64: {  	_ =	swait.ge @!p6 [sflag:s0], $0x1000  }
0x65: {  	s31 =	sld [smem:$0x7FB];
	_ =	sdelay $0x2  }
0x66: {  	[sflag:s0] =	ssyncset.done @!p6 $0x0;
	p0 =	seq.s32 s31, $0x1  }
0x67: {  	[sflag:s0] =	ssyncadd.s32 @!p6 $0xFFFFF000;
	s0 =	simm.s32 @p0 $0x2  }
0x68: {  	_ =	swait.ge @p0 [sflag:s0], $0x1000  }
0x69: {  	[sflag:s0] =	ssyncset.done @p0 $0x0  }
0x6a: {  	[sflag:s0] =	ssyncadd.s32 @p0 $0xFFFFF000;
	s0 =	simm.s32 @!p5 $0x2  }
0x6b: {  	_ =	swait.ge @!p5 [sflag:s0], $0x1000  }
0x6c: {  	[sflag:s0] =	ssyncset.done @!p5 $0x0  }
0x6d: {  	[sflag:s0] =	ssyncadd.s32 @!p5 $0xFFFFF000;
	s0 =	simm.s32 @p4 $0x2  }
0x6e: {  	_ =	swait.ge @p4 [sflag:s0], $0x1000  }
0x6f: {  	s1 =	sld [smem:$0x7EF];
	_ =	sdelay $0x2  }
0x70: {  	[sflag:s0] =	ssyncset.done @p4 $0x0;
	p0 =	seq.s32 s1, $0x1  }
0x71: {  	[sflag:s0] =	ssyncadd.s32 @p4 $0xFFFFF000;
	s0 =	simm.s32 @!p0 $0x2  }
0x72: {  	_ =	swait.ge @!p0 [sflag:s0], $0x1000  }
0x73: {  	[sflag:s0] =	ssyncset.done @!p0 $0x0  }
0x74: {  	[sflag:s0] =	ssyncadd.s32 @!p0 $0xFFFFF000;
	s0 =	simm.s32 @p3 $0x2  }
0x75: {  	_ =	swait.ge @p3 [sflag:s0], $0x1000  }
0x76: {  	s25 =	sld [smem:$0x7F0];
	_ =	sdelay $0x2  }
0x77: {  	[sflag:s0] =	ssyncset.done @p3 $0x0;
	p0 =	seq.s32 s25, $0x1  }
0x78: {  	[sflag:s0] =	ssyncadd.s32 @p3 $0xFFFFF000;
	s0 =	simm.s32 @!p0 $0x2  }
0x79: {  	_ =	swait.ge @!p0 [sflag:s0], $0x1000  }
0x7a: {  	s26 =	sld [smem:$0x7FD];
	_ =	sdelay $0x1  }
0x7b: {  	[sflag:s0] =	ssyncset.done @!p0 $0x0  }
0x7c: {  	[sflag:s0] =	ssyncadd.s32 @!p0 $0xFFFFF000;
	p0 =	seq.s32 s26, $0x1  }
0x7d: {  	s0 =	simm.s32 @p0 $0x2  }
0x7e: {  	_ =	swait.ge @p0 [sflag:s0], $0x1000  }
0x7f: {  	s29 =	sld [smem:$0x7F1];
	_ =	sdelay $0x1  }
0x80: {  	[sflag:s0] =	ssyncset.done @p0 $0x0  }
0x81: {  	[sflag:s0] =	ssyncadd.s32 @p0 $0xFFFFF000;
	p0 =	seq.s32 s29, $0x1  }
0x82: {  	s0 =	simm.s32 @!p0 $0x2  }
0x83: {  	_ =	swait.ge @!p0 [sflag:s0], $0x1000  }
0x84: {  	s30 =	sld [smem:$0x7FA];
	_ =	sdelay $0x1  }
0x85: {  	[sflag:s0] =	ssyncset.done @!p0 $0x0  }
0x86: {  	[sflag:s0] =	ssyncadd.s32 @!p0 $0xFFFFF000;
	p0 =	seq.s32 s30, $0x1  }
0x87: {  	s0 =	simm.s32 @p0 $0x2  }
0x88: {  	_ =	swait.ge @p0 [sflag:s0], $0x1000  }
0x89: {  	s31 =	sld [smem:$0x7F2]  }
0x8a: {  	s28 =	sadd.s32 $0x1, s28  }
0x8b: {  	p1 =	sne.s32 s28, s20;
	[sflag:s0] =	ssyncset.done @p0 $0x0  }
.Ltmp1:
0x8c: {  	[sflag:s0] =	ssyncadd.s32 @p0 $0xFFFFF000;
	p0 =	seq.s32 s31, $0x1;
	(pc) =	sbr.rel @!p1 .LBB2_59-.Ltmp1, $4  }
0x8d: {  	s0 =	simm.s32 @!p0 $0x2  }
0x8e: {  	_ =	swait.ge @!p0 [sflag:s0], $0x1000  }
0x8f: {  	[sflag:s0] =	ssyncset.done @!p0 $0x0  }
0x90: {  	[sflag:s0] =	ssyncadd.s32 @!p0 $0xFFFFF000  }
.LBB2_1:
0x91: {  	[tilespmem:s2], [sflag:$0x3] =	stream.linear.gather [hbm4b:s4+s2], $0x10, $0x38;
	[tilespmem:$0x9080] =	vst v63  }
0x92: {  	_ =	swait.ge [sflag:s21], $0x10  }
0x93: {  	s0 =	sand.u32 $0x800, s2;
	s1 =	sand.u32 $0x380, s2;
	[sflag:s21] =	ssyncset.done $0x0  }
0x94: {  	s0 =	sor.u32 s1, s0;
	[sflag:s21] =	ssyncadd.s32 $0xFFFFFFF0  }
0x95: {  	v1 =	vld [tilespmem:$0x0];
	[tilespmem:s0+$0x84F0] =	vst v0  }
0x96: {  	[tilespmem:s0+$0x8080] =	vst v0  }
0x97: {  	[tilespmem:s0+$0x8090] =	vst v0  }
0x98: {  	[tilespmem:s0+$0x80A0] =	vst v0  }
0x99: {  	[tilespmem:s0+$0x80B0] =	vst v0  }
0x9a: {  	[tilespmem:s0+$0x80C0] =	vst v0  }
0x9b: {  	[tilespmem:s0+$0x80D0] =	vst v0  }
0x9c: {  	[tilespmem:s0+$0x80E0] =	vst v0  }
0x9d: {  	[tilespmem:s0+$0x80F0] =	vst v0  }
0x9e: {  	[tilespmem:s0+$0x8480] =	vst v0  }
0x9f: {  	[tilespmem:s0+$0x8490] =	vst v0  }
0xa0: {  	[tilespmem:s0+$0x84A0] =	vst v0  }
0xa1: {  	[tilespmem:s0+$0x84B0] =	vst v0  }
0xa2: {  	s25 =	simm.s32 $0x100;
	s1 =	simm.s32 $0x80;
	[tilespmem:s0+$0x84C0] =	vst v0  }
0xa3: {  	s29 =	simm.s32 $0x200;
	s25 =	sand.u32 $0x800, s25;
	s26 =	sand.u32 $0x380, s1;
	[tilespmem:s0+$0x84D0] =	vst v0  }
.LBB2_2:
0xa4: {  	p0 =	sne.s32 s29, $0xF00;
	[tilespmem:s0+$0x84E0] =	vst v0;
	s0 =	sor.u32 s26, s25  }
0xa5: {  	[tilespmem:s0+$0x84F0] =	vst v0  }
0xa6: {  	[tilespmem:s0+$0x8080] =	vst v0  }
0xa7: {  	[tilespmem:s0+$0x8090] =	vst v0  }
0xa8: {  	[tilespmem:s0+$0x80A0] =	vst v0  }
0xa9: {  	[tilespmem:s0+$0x80B0] =	vst v0  }
0xaa: {  	[tilespmem:s0+$0x80C0] =	vst v0  }
0xab: {  	[tilespmem:s0+$0x80D0] =	vst v0  }
0xac: {  	[tilespmem:s0+$0x80E0] =	vst v0  }
0xad: {  	[tilespmem:s0+$0x80F0] =	vst v0  }
0xae: {  	[tilespmem:s0+$0x8480] =	vst v0  }
.Ltmp2:
0xaf: {  	[tilespmem:s0+$0x8490] =	vst v0;
	(pc) =	sbr.rel @p0 .LBB2_2-.Ltmp2, $4  }
0xb0: {  	[tilespmem:s0+$0x84A0] =	vst v0  }
0xb1: {  	[tilespmem:s0+$0x84B0] =	vst v0  }
0xb2: {  	s1 =	sadd.s32 $0x80, s1;
	[tilespmem:s0+$0x84C0] =	vst v0  }
0xb3: {  	s25 =	sand.u32 $0x800, s29;
	s29 =	sadd.s32 $0x100, s29;
	s26 =	sand.u32 $0x380, s1;
	[tilespmem:s0+$0x84D0] =	vst v0  }
0xb4: {  	(v2sf) =	vpush v1, $0x0;
	_ =	sdelay $0x4  }
0xb5: {  	s1 =	sor.u32 s26, s25;
	[tilespmem:s0+$0x84E0] =	vst v0  }
0xb6: {  	[tilespmem:s1+$0x84F0] =	vst v0  }
0xb7: {  	[tilespmem:s1+$0x8080] =	vst v0  }
0xb8: {  	[tilespmem:s1+$0x8090] =	vst v0  }
0xb9: {  	[tilespmem:s1+$0x80A0] =	vst v0  }
0xba: {  	[tilespmem:s1+$0x80B0] =	vst v0  }
0xbb: {  	[tilespmem:s1+$0x80C0] =	vst v0  }
0xbc: {  	[tilespmem:s1+$0x80D0] =	vst v0  }
0xbd: {  	[tilespmem:s1+$0x80E0] =	vst v0  }
0xbe: {  	[tilespmem:s1+$0x80F0] =	vst v0  }
0xbf: {  	[tilespmem:s1+$0x8480] =	vst v0;
	s29 =	spop (v2sf)  }
0xc0: {  	[tilespmem:s1+$0x8490] =	vst v0;
	p6 =	slt.s32 s29, $0x1  }
.Ltmp3:
0xc1: {  	[tilespmem:s1+$0x84A0] =	vst v0;
	(pc) =	sbr.rel @p6 .LBB2_4-.Ltmp3, $4  }
0xc2: {  	[tilespmem:s1+$0x84B0] =	vst v0  }
0xc3: {  	[tilespmem:s1+$0x84C0] =	vst v0  }
0xc4: {  	[tilespmem:s1+$0x84D0] =	vst v0  }
0xc5: {  	[tilespmem:s1+$0x84E0] =	vst v0  }
0xc6: {  	[tilespmem:s24], [sflag:$0x1] =	stream.linear.gather [hbm4b:s3+s2], $0x1000, $0x38;
	[tilespmem:$0x9080] =	vst v63  }
0xc7: {  	p0 =	por $0x0, $0x0  }
0xc8: {  	p1 =	por p6, p6;
	s0 =	simm.s32 @!p0 $0x0  }
0xc9: {  	p6 =	slt.u32 s29, $0x11;
	s0 =	simm.s32 @p0 $0x1;
	p0 =	por $0x0, $0x0  }
.Ltmp4:
0xca: {  	[smem:$0x7FB] =	sst s0;
	s0 =	simm.s32 @!p0 $0x0;
	(pc) =	sbr.rel @p6 .LBB2_20-.Ltmp4, $4  }
0xcb: {  	s0 =	simm.s32 @p0 $0x1  }
0xcc: {  	[smem:$0x7FC] =	sst s0;
	s0 =	simm.s32 @!p6 $0x0  }
0xcd: {  	p2 =	sgt.u32 s29, $0x10;
	p3 =	por $0x0, $0x0;
	s0 =	simm.s32 @p6 $0x1  }
0xce: {  	p5 =	por $0x0, $0x0;
	p4 =	por $0x0, $0x0;
	[smem:$0x7F9] =	sst s0  }
0xcf: {  	s31 =	simm.s32 $0x1080;
	p3 =	slt.u32 s29, $0x21  }
0xd0: {  	[tilespmem:s31], [sflag:$0x1] =	stream.linear.gather [hbm4b:s5+s2], $0x1000, $0x38;
	[tilespmem:$0x9080] =	vst v63  }
0xd1: {  	s0 =	simm.s32 @!p1 $0x0;
	p0 =	slt.u32 @!p3 s29, $0x31  }
0xd2: {  	s0 =	simm.s32 @p1 $0x1;
	p1 =	por p3, p0  }
0xd3: {  	p0 =	slt.u32 @!p1 s29, $0x41  }
0xd4: {  	[smem:$0x7F7] =	sst s0;
	s0 =	simm.s32 @!p2 $0x0;
	p0 =	por p1, p0  }
.Ltmp5:
0xd5: {  	s0 =	simm.s32 @p2 $0x1;
	(pc) =	sbr.rel @p0 .LBB2_7-.Ltmp5, $4  }
0xd6: {  	s1 =	simm.s32 @!p3 $0x2080;
	[smem:$0x7F8] =	sst s0;
	s0 =	simm.s32 @!p3 $0x0  }
0xd7: {  	[tilespmem:s1], [sflag:$0x1] =	stream.linear.gather @!p3 [hbm4b:s6+s0], $0x1000, $0x38;
	[tilespmem:$0x9080] =	vst v63  }
0xd8: {  	s0 =	simm.s32 @!p1 $0x0;
	s1 =	simm.s32 @!p1 $0x3080  }
0xd9: {  	[tilespmem:s1], [sflag:$0x1] =	stream.linear.gather @!p1 [hbm4b:s7+s0], $0x1000, $0x38;
	[tilespmem:$0x9080] =	vst v63  }
0xda: {  	s0 =	simm.s32 $0x4080;
	p5 =	slt.u32 s29, $0x51  }
0xdb: {  	[tilespmem:s0], [sflag:$0x1] =	stream.linear.gather [hbm4b:s8+s2], $0x1000, $0x38;
	[tilespmem:$0x9080] =	vst v63  }
0xdc: {  	p0 =	slt.u32 @!p5 s29, $0x61  }
0xdd: {  	s0 =	simm.s32 @!p5 $0x0;
	s1 =	simm.s32 @!p5 $0x5080;
	p2 =	por p0, p5  }
0xde: {  	[tilespmem:s1], [sflag:$0x1] =	stream.linear.gather @!p5 [hbm4b:s9+s0], $0x1000, $0x38;
	[tilespmem:$0x9080] =	vst v63  }
0xdf: {  	p1 =	slt.u32 @!p2 s29, $0x71  }
0xe0: {  	s0 =	simm.s32 @!p2 $0x0;
	s1 =	simm.s32 @!p2 $0x6080;
	p4 =	por @!p5 p1, p0  }
0xe1: {  	[tilespmem:s1], [sflag:$0x1] =	stream.linear.gather @!p2 [hbm4b:s10+s0], $0x1000, $0x38;
	[tilespmem:$0x9080] =	vst v63  }
0xe2: {  	p4 =	por p4, p5  }
0xe3: {  	p6 =	por @!p5 !p1, p0;
	s0 =	simm.s32 @!p4 $0x0;
	s1 =	simm.s32 @!p4 $0x7080  }
0xe4: {  	[tilespmem:s1], [sflag:$0x1] =	stream.linear.gather @!p4 [hbm4b:s11+s0], $0x1000, $0x38;
	[tilespmem:$0x9080] =	vst v63  }
0xe5: {  	p1 =	por @!p2 $0x1, $0x1;
	p6 =	por !p6, p5;
	p4 =	por @!p4 $0x1, $0x1  }
0xe6: {  	p0 =	por !p0, p5;
	p2 =	por @!p2 $0x0, $0x0;
	p1 =	por @!p6 p4, p4  }
0xe7: {  	p2 =	por @!p6 p4, p4;
	p4 =	por @!p5 $0x0, $0x0;
	p6 =	por p1, p1  }
0xe8: {  	p6 =	por @!p0 p4, p4;
	p4 =	por @!p5 $0x1, $0x1  }
0xe9: {  	p1 =	por @!p0 p4, p4;
	p4 =	por @!p5 $0x0, $0x0  }
0xea: {  	p2 =	por @!p0 p4, p4;
	p0 =	por $0x0, $0x0  }
0xeb: {  	p0 =	por @!p5 p6, p6  }
0xec: {  	p4 =	por $0x1, $0x1;
	s0 =	simm.s32 @!p0 $0x0  }
0xed: {  	p4 =	por @!p5 p1, p1;
	s0 =	simm.s32 @p0 $0x1  }
0xee: {  	[smem:$0x7F5] =	sst s0;
	s0 =	simm.s32 @!p4 $0x0  }
0xef: {  	s0 =	simm.s32 @p4 $0x1  }
.Ltmp6:
0xf0: {  	p4 =	por $0x0, $0x0;
	[smem:$0x7F4] =	sst s0;
	(pc) =	sbr.rel .LBB2_9-.Ltmp6, $4  }
0xf1: {  	p4 =	por @!p5 p1, p1;
	s31 =	sld [smem:$0x7F4]  }
0xf2: {  	p6 =	por $0x0, $0x0;
	s0 =	simm.s32 @!p4 $0x0  }
0xf3: {  	p6 =	por @!p5 p2, p2;
	p0 =	por $0x1, $0x1;
	s0 =	simm.s32 @p4 $0x1  }
0xf4: {  	p0 =	por @!p5 p1, p1;
	[smem:$0x7F6] =	sst s0;
	p4 =	seq.s32 s31, $0x1  }
.LBB2_4:
0xf5: {  	p0 =	por $0x0, $0x0  }
0xf6: {  	s0 =	simm.s32 @!p0 $0x0  }
0xf7: {  	s0 =	simm.s32 @p0 $0x1;
	p0 =	por $0x0, $0x0  }
0xf8: {  	[smem:$0x7FA] =	sst s0;
	s0 =	simm.s32 @!p0 $0x0  }
0xf9: {  	s0 =	simm.s32 @p0 $0x1;
	p0 =	por $0x0, $0x0  }
.Ltmp7:
0xfa: {  	[smem:$0x7FB] =	sst s0;
	s0 =	simm.s32 @!p0 $0x0;
	(pc) =	sbr.rel .LBB2_52-.Ltmp7, $4  }
0xfb: {  	s0 =	simm.s32 @p0 $0x1;
	p0 =	por $0x0, $0x0  }
0xfc: {  	[smem:$0x7FC] =	sst s0;
	s0 =	simm.s32 @!p0 $0x0  }
0xfd: {  	p3 =	por $0x0, $0x0;
	s0 =	simm.s32 @p0 $0x1  }
0xfe: {  	p2 =	por $0x0, $0x0;
	p4 =	por $0x0, $0x0;
	[smem:$0x7FD] =	sst s0  }
.LBB2_7:
0xff: {  	p0 =	por @!p3 $0x0, $0x0;
	p6 =	por $0x0, $0x0  }
0x100: {  	p6 =	por @!p3 p0, p0  }
0x101: {  	p2 =	por @!p1 $0x0, $0x0;
	p0 =	por p6, p6  }
0x102: {  	p0 =	por @!p1 p2, p2  }
0x103: {  	s0 =	simm.s32 @!p0 $0x0  }
0x104: {  	p5 =	por @!p1 $0x1, $0x1;
	s0 =	simm.s32 @p0 $0x1;
	p0 =	por p6, p6  }
0x105: {  	p0 =	por @!p1 p5, p5;
	p5 =	por p6, p6  }
0x106: {  	p5 =	por @!p1 p2, p2  }
0x107: {  	[smem:$0x7F5] =	sst s0;
	s0 =	simm.s32 @!p5 $0x0  }
0x108: {  	p4 =	por p6, p6;
	s0 =	simm.s32 @p5 $0x1  }
0x109: {  	p4 =	por @!p1 p2, p2;
	p6 =	por @!p1 p2, p2;
	[smem:$0x7F6] =	sst s0  }
.LBB2_9:
0x10a: {  	_ =	swait.ge [sflag:s22], $0x1000  }
.Ltmp8:
0x10b: {  	[sflag:s22] =	ssyncset.done $0x0;
	(pc) =	sbr.rel @p3 .LBB2_15-.Ltmp8, $4  }
0x10c: {  	p1 =	sgt.u32 s29, $0x20;
	[sflag:s22] =	ssyncadd.s32 $0xFFFFF000  }
0x10d: {  	s0 =	simm.s32 @!p1 $0x0;
	_ =	swait.ge [sflag:s22], $0x1000  }
0x10e: {  	s0 =	simm.s32 @p1 $0x1;
	[sflag:s22] =	ssyncset.done $0x0  }
0x10f: {  	[smem:$0x7FC] =	sst s0;
	[sflag:s22] =	ssyncadd.s32 $0xFFFFF000  }
.Ltmp9:
0x110: {  	_ =	swait.ge [sflag:s22], $0x1000;
	(pc) =	sbr.rel @p0 .LBB2_16-.Ltmp9, $3  }
0x111: {  	s0 =	sld [smem:$0x7F8];
	_ =	sdelay $0x1  }
0x112: {  	[sflag:s22] =	ssyncset.done $0x0  }
0x113: {  	[sflag:s22] =	ssyncadd.s32 $0xFFFFF000;
	p2 =	seq.s32 s0, $0x1  }
.LBB2_11:
.Ltmp10:
0x114: {  	(pc) =	sbr.rel @!p4 .LBB2_12-.Ltmp10, $2  }
0x115: {  	s0 =	sld [smem:$0x7F7];
	_ =	sdelay $0x2  }
0x116: {  	p0 =	por $0x0, $0x0;
	p1 =	seq.s32 s0, $0x1  }
.LBB2_17:
0x117: {  	_ =	swait.ge [sflag:s22], $0x1000  }
0x118: {  	s0 =	sld [smem:$0x7F6];
	_ =	sdelay $0x2  }
0x119: {  	p3 =	seq.s32 s0, $0x1  }
.Ltmp11:
0x11a: {  	_ = 	snop;
	(pc) =	sbr.rel @p3 .LBB2_18-.Ltmp11, $3  }
0x11b: {  	_ =	sdelay $0x1  }
0x11c: {  	[sflag:s22] =	ssyncset.done $0x0  }
0x11d: {  	p5 =	por $0x1, $0x1;
	[sflag:s22] =	ssyncadd.s32 $0xFFFFF000  }
.LBB2_13:
0x11e: {  	s31 =	sld [smem:$0x7F5];
	_ =	sdelay $0x1  }
0x11f: {  	s0 =	simm.s32 @!p0 $0x0  }
0x120: {  	s0 =	simm.s32 @p0 $0x1;
	p0 =	seq.s32 s31, $0x1  }
.Ltmp12:
0x121: {  	_ = 	snop;
	(pc) =	sbr.rel @!p0 .LBB2_14-.Ltmp12, $2  }
0x122: {  	_ =	sdelay $0x2  }
0x123: {  	p3 =	por $0x0, $0x0;
	[smem:$0x7FB] =	sst s0  }
.LBB2_19:
.Ltmp13:
0x124: {  	(pc) =	sbr.rel @!p6 .LBB2_21-.Ltmp13, $4  }
.Ltmp14:
0x125: {  	(pc) =	sbr.rel @p6 .LBB2_20-.Ltmp14, $4  }
0x126: {  	_ =	swait.ge [sflag:s22], $0x1000  }
0x127: {  	[sflag:s22] =	ssyncset.done $0x0  }
0x128: {  	p0 =	por $0x0, $0x0;
	p4 =	por $0x1, $0x1;
	[sflag:s22] =	ssyncadd.s32 $0xFFFFF000  }
0x129: {  	_ = 	snop  }
.LBB2_15:
.Ltmp15:
0x12a: {  	(pc) =	sbr.rel @!p0 .LBB2_11-.Ltmp15, $2  }
0x12b: {  	s0 =	sld [smem:$0x7F8];
	_ =	sdelay $0x2  }
0x12c: {  	p2 =	seq.s32 s0, $0x1  }
.LBB2_16:
.Ltmp16:
0x12d: {  	_ =	swait.ge [sflag:s22], $0x1000;
	(pc) =	sbr.rel @p4 .LBB2_17-.Ltmp16, $3  }
0x12e: {  	s0 =	sld [smem:$0x7F7];
	_ =	sdelay $0x1  }
0x12f: {  	[sflag:s22] =	ssyncset.done $0x0  }
0x130: {  	p0 =	por $0x1, $0x1;
	[sflag:s22] =	ssyncadd.s32 $0xFFFFF000;
	p1 =	seq.s32 s0, $0x1  }
.LBB2_12:
0x131: {  	s0 =	sld [smem:$0x7F6];
	_ =	sdelay $0x2  }
0x132: {  	p3 =	seq.s32 s0, $0x1  }
.Ltmp17:
0x133: {  	_ = 	snop;
	(pc) =	sbr.rel @!p3 .LBB2_13-.Ltmp17, $2  }
0x134: {  	_ =	sdelay $0x2  }
0x135: {  	p5 =	por $0x0, $0x0  }
.LBB2_18:
0x136: {  	s0 =	simm.s32 @!p0 $0x0  }
0x137: {  	s0 =	simm.s32 @p0 $0x1  }
0x138: {  	[smem:$0x7FB] =	sst s0  }
0x139: {  	_ =	swait.ge [sflag:s22], $0x1000  }
0x13a: {  	s31 =	sld [smem:$0x7F5];
	_ =	sdelay $0x2  }
0x13b: {  	p0 =	seq.s32 s31, $0x1  }
.Ltmp18:
0x13c: {  	_ = 	snop;
	(pc) =	sbr.rel @p0 .LBB2_19-.Ltmp18, $3  }
0x13d: {  	_ =	sdelay $0x1  }
0x13e: {  	[sflag:s22] =	ssyncset.done $0x0  }
0x13f: {  	p3 =	por $0x1, $0x1;
	[sflag:s22] =	ssyncadd.s32 $0xFFFFF000  }
.LBB2_14:
.Ltmp19:
0x140: {  	(pc) =	sbr.rel @!p6 .LBB2_21-.Ltmp19, $2  }
0x141: {  	_ =	sdelay $0x2  }
0x142: {  	p4 =	por $0x0, $0x0;
	p0 =	por $0x0, $0x0  }
.LBB2_20:
0x143: {  	_ =	swait.ge [sflag:s22], $0x1000  }
0x144: {  	[sflag:s22] =	ssyncset.done $0x0  }
0x145: {  	p0 =	por p2, p2;
	[sflag:s22] =	ssyncadd.s32 $0xFFFFF000  }
.LBB2_21:
0x146: {  	s0 =	simm.s32 @!p0 $0x0  }
0x147: {  	s26 =	simm.s32 $0x0;
	s0 =	simm.s32 @p0 $0x1  }
0x148: {  	s1 =	sand.u32 $0x800, s26;
	[smem:$0x7F3] =	sst s0;
	s0 =	sand.u32 $0x300, s26  }
0x149: {  	s30 =	sor.u32 s0, s1  }
0x14a: {  	v1 =	vld [tilespmem:s30+$0x80]  }
0x14b: {  	v2 =	vld [tilespmem:s30+$0x90]  }
0x14c: {  	v3 =	vld [tilespmem:s30+$0xA0]  }
0x14d: {  	v4 =	vld [tilespmem:s30+$0xB0]  }
0x14e: {  	v5 =	vld [tilespmem:s30+$0xC0]  }
0x14f: {  	v6 =	vld [tilespmem:s30+$0xD0];
	v1 =	vmul.f32 $1.100000020e+00, v1  }
0x150: {  	v7 =	vld [tilespmem:s30+$0xE0];
	v2 =	vmul.f32 $1.100000020e+00, v2  }
0x151: {  	v3 =	vmul.f32 $1.100000020e+00, v3;
	[tilespmem:s30+$0x80] =	vst v1;
	v1 =	vld [tilespmem:s30+$0xF0]  }
0x152: {  	v4 =	vmul.f32 $1.100000020e+00, v4;
	[tilespmem:s30+$0x90] =	vst v2;
	v2 =	vld [tilespmem:s30+$0x480]  }
0x153: {  	v8 =	vld [tilespmem:s30+$0x570];
	v5 =	vmul.f32 $1.100000020e+00, v5;
	[tilespmem:s30+$0xA0] =	vst v3  }
0x154: {  	v6 =	vmul.f32 $1.100000020e+00, v6;
	v3 =	vld [tilespmem:s30+$0x490];
	[tilespmem:s30+$0xB0] =	vst v4  }
0x155: {  	v7 =	vmul.f32 $1.100000020e+00, v7;
	v4 =	vld [tilespmem:s30+$0x4A0];
	[tilespmem:s30+$0xC0] =	vst v5  }
0x156: {  	v10 =	vld [tilespmem:s30+$0x120];
	[tilespmem:s30+$0xD0] =	vst v6;
	v1 =	vmul.f32 $1.100000020e+00, v1  }
0x157: {  	v6 =	vld [tilespmem:s30+$0x4C0];
	[tilespmem:s30+$0xE0] =	vst v7;
	v2 =	vmul.f32 $1.100000020e+00, v2  }
0x158: {  	v7 =	vld [tilespmem:s30+$0x4D0];
	[tilespmem:s30+$0xF0] =	vst v1;
	v1 =	vmul.f32 $1.100000020e+00, v8  }
0x159: {  	v11 =	vld [tilespmem:s30+$0x130];
	v3 =	vmul.f32 $1.100000020e+00, v3;
	[tilespmem:s30+$0x480] =	vst v2  }
0x15a: {  	v4 =	vmul.f32 $1.100000020e+00, v4;
	[tilespmem:s30+$0x570] =	vst v1;
	v1 =	vld [tilespmem:s30+$0x100]  }
0x15b: {  	v12 =	vld [tilespmem:s30+$0x140];
	[tilespmem:s30+$0x490] =	vst v3;
	v3 =	vmul.f32 $1.100000020e+00, v10  }
0x15c: {  	v2 =	vld [tilespmem:s30+$0x110];
	[tilespmem:s30+$0x4A0] =	vst v4;
	v4 =	vmul.f32 $1.100000020e+00, v6  }
0x15d: {  	v5 =	vld [tilespmem:s30+$0x4B0];
	v6 =	vmul.f32 $1.100000020e+00, v7;
	[tilespmem:s30+$0x120] =	vst v3  }
0x15e: {  	v13 =	vld [tilespmem:s30+$0x150];
	v3 =	vmul.f32 $1.100000020e+00, v11;
	[tilespmem:s30+$0x4C0] =	vst v4  }
0x15f: {  	v8 =	vld [tilespmem:s30+$0x4E0];
	[tilespmem:s30+$0x4D0] =	vst v6;
	v1 =	vmul.f32 $1.100000020e+00, v1  }
0x160: {  	v9 =	vld [tilespmem:s30+$0x4F0];
	v4 =	vmul.f32 $1.100000020e+00, v12;
	[tilespmem:s30+$0x130] =	vst v3  }
0x161: {  	v14 =	vld [tilespmem:s30+$0x160];
	[tilespmem:s30+$0x100] =	vst v1;
	v1 =	vmul.f32 $1.100000020e+00, v2  }
0x162: {  	[tilespmem:s30+$0x140] =	vst v4;
	v2 =	vmul.f32 $1.100000020e+00, v5;
	v5 =	vld [tilespmem:s30+$0x170]  }
0x163: {  	v6 =	vmul.f32 $1.100000020e+00, v13;
	[tilespmem:s30+$0x110] =	vst v1;
	v1 =	vld [tilespmem:s30+$0x500]  }
0x164: {  	v7 =	vmul.f32 $1.100000020e+00, v8;
	[tilespmem:s30+$0x4B0] =	vst v2;
	v2 =	vld [tilespmem:s30+$0x510]  }
0x165: {  	v3 =	vld [tilespmem:s30+$0x520];
	[tilespmem:s30+$0x150] =	vst v6;
	v8 =	vmul.f32 $1.100000020e+00, v9  }
0x166: {  	v4 =	vld [tilespmem:s30+$0x530];
	[tilespmem:s30+$0x4E0] =	vst v7;
	v7 =	vmul.f32 $1.100000020e+00, v14  }
0x167: {  	s31 =	simm.s32 $0x0;
	s0 =	simm.s32 $0x100;
	s1 =	simm.s32 $0x200;
	[tilespmem:s30+$0x4F0] =	vst v8;
	v6 =	vmul.f32 $1.100000020e+00, v5;
	v5 =	vld [tilespmem:s30+$0x540]  }
.LBB2_22:
0x168: {  	s25 =	sand.u32 $0x800, s1;
	s26 =	sand.u32 $0x300, s0;
	s31 =	sadd.s32 $0x2, s31;
	[tilespmem:s30+$0x160] =	vst v7;
	v1 =	vmul.f32 $1.100000020e+00, v1;
	v7 =	vld [tilespmem:s30+$0x550]  }
0x169: {  	s25 =	sor.u32 s26, s25;
	p0 =	slt.u32 s31, $0xE;
	[tilespmem:s30+$0x170] =	vst v6;
	v2 =	vmul.f32 $1.100000020e+00, v2;
	v6 =	vld [tilespmem:s30+$0x560]  }
0x16a: {  	v8 =	vld [tilespmem:s25+$0x570];
	[tilespmem:s30+$0x500] =	vst v1;
	v1 =	vmul.f32 $1.100000020e+00, v3  }
0x16b: {  	v3 =	vld [tilespmem:s25+$0x80];
	[tilespmem:s30+$0x510] =	vst v2;
	v2 =	vmul.f32 $1.100000020e+00, v4  }
0x16c: {  	v4 =	vld [tilespmem:s25+$0x90];
	[tilespmem:s30+$0x520] =	vst v1;
	v1 =	vmul.f32 $1.100000020e+00, v5  }
0x16d: {  	v5 =	vld [tilespmem:s25+$0xA0];
	[tilespmem:s30+$0x530] =	vst v2;
	v2 =	vmul.f32 $1.100000020e+00, v7  }
0x16e: {  	v7 =	vld [tilespmem:s25+$0xB0];
	[tilespmem:s30+$0x540] =	vst v1;
	v1 =	vmul.f32 $1.100000020e+00, v6  }
0x16f: {  	v6 =	vld [tilespmem:s25+$0xC0];
	v8 =	vmul.f32 $1.100000020e+00, v8;
	[tilespmem:s30+$0x550] =	vst v2  }
0x170: {  	v2 =	vmul.f32 $1.100000020e+00, v3;
	v3 =	vld [tilespmem:s25+$0xD0];
	[tilespmem:s30+$0x560] =	vst v1;
	s30 =	smov.u32 s25  }
0x171: {  	v1 =	vmul.f32 $1.100000020e+00, v4;
	v4 =	vld [tilespmem:s30+$0xE0];
	[tilespmem:s30+$0x570] =	vst v8  }
0x172: {  	[tilespmem:s30+$0x80] =	vst v2;
	v2 =	vmul.f32 $1.100000020e+00, v5;
	v5 =	vld [tilespmem:s30+$0xF0]  }
0x173: {  	[tilespmem:s30+$0x90] =	vst v1;
	v1 =	vmul.f32 $1.100000020e+00, v7;
	v7 =	vld [tilespmem:s30+$0x480]  }
0x174: {  	[tilespmem:s30+$0xA0] =	vst v2;
	v2 =	vmul.f32 $1.100000020e+00, v6;
	v6 =	vld [tilespmem:s30+$0x490]  }
0x175: {  	[tilespmem:s30+$0xB0] =	vst v1;
	v1 =	vmul.f32 $1.100000020e+00, v3;
	v3 =	vld [tilespmem:s30+$0x4A0]  }
0x176: {  	[tilespmem:s30+$0xC0] =	vst v2;
	v2 =	vmul.f32 $1.100000020e+00, v4;
	v4 =	vld [tilespmem:s30+$0x4B0]  }
0x177: {  	[tilespmem:s30+$0xD0] =	vst v1;
	v1 =	vmul.f32 $1.100000020e+00, v5;
	v5 =	vld [tilespmem:s30+$0x4C0]  }
0x178: {  	[tilespmem:s30+$0xE0] =	vst v2;
	v2 =	vmul.f32 $1.100000020e+00, v7;
	v7 =	vld [tilespmem:s30+$0x4D0]  }
0x179: {  	[tilespmem:s30+$0xF0] =	vst v1;
	v1 =	vmul.f32 $1.100000020e+00, v6;
	v6 =	vld [tilespmem:s30+$0x4E0]  }
0x17a: {  	[tilespmem:s30+$0x480] =	vst v2;
	v2 =	vmul.f32 $1.100000020e+00, v3;
	v3 =	vld [tilespmem:s30+$0x4F0]  }
0x17b: {  	[tilespmem:s30+$0x490] =	vst v1;
	v1 =	vmul.f32 $1.100000020e+00, v4;
	v4 =	vld [tilespmem:s30+$0x100]  }
0x17c: {  	[tilespmem:s30+$0x4A0] =	vst v2;
	v2 =	vmul.f32 $1.100000020e+00, v5;
	v5 =	vld [tilespmem:s30+$0x110]  }
0x17d: {  	[tilespmem:s30+$0x4B0] =	vst v1;
	v1 =	vmul.f32 $1.100000020e+00, v7;
	v7 =	vld [tilespmem:s30+$0x120]  }
0x17e: {  	[tilespmem:s30+$0x4C0] =	vst v2;
	v2 =	vmul.f32 $1.100000020e+00, v6;
	v6 =	vld [tilespmem:s30+$0x130]  }
0x17f: {  	[tilespmem:s30+$0x4D0] =	vst v1;
	v1 =	vmul.f32 $1.100000020e+00, v3;
	v3 =	vld [tilespmem:s30+$0x140]  }
0x180: {  	[tilespmem:s30+$0x4E0] =	vst v2;
	v2 =	vmul.f32 $1.100000020e+00, v4;
	v4 =	vld [tilespmem:s30+$0x150]  }
0x181: {  	[tilespmem:s30+$0x4F0] =	vst v1;
	v1 =	vmul.f32 $1.100000020e+00, v5;
	v5 =	vld [tilespmem:s30+$0x160]  }
0x182: {  	[tilespmem:s30+$0x100] =	vst v2;
	v2 =	vmul.f32 $1.100000020e+00, v7;
	v8 =	vld [tilespmem:s30+$0x170]  }
.Ltmp20:
0x183: {  	[tilespmem:s30+$0x110] =	vst v1;
	v6 =	vmul.f32 $1.100000020e+00, v6;
	v1 =	vld [tilespmem:s30+$0x500];
	(pc) =	sbr.rel @p0 .LBB2_22-.Ltmp20, $4  }
0x184: {  	[tilespmem:s30+$0x120] =	vst v2;
	v7 =	vmul.f32 $1.100000020e+00, v3;
	v2 =	vld [tilespmem:s30+$0x510]  }
0x185: {  	[tilespmem:s30+$0x130] =	vst v6;
	v6 =	vmul.f32 $1.100000020e+00, v4;
	v3 =	vld [tilespmem:s30+$0x520]  }
0x186: {  	[tilespmem:s30+$0x140] =	vst v7;
	v7 =	vmul.f32 $1.100000020e+00, v5;
	v4 =	vld [tilespmem:s30+$0x530]  }
0x187: {  	s0 =	sadd.s32 $0x100, s0;
	s1 =	sadd.s32 $0x200, s1;
	[tilespmem:s30+$0x150] =	vst v6;
	v6 =	vmul.f32 $1.100000020e+00, v8;
	v5 =	vld [tilespmem:s30+$0x540]  }
0x188: {  	[tilespmem:s30+$0x160] =	vst v7;
	v62 =	vld [tilespmem:s30+$0x550];
	v1 =	vmul.f32 $1.100000020e+00, v1  }
0x189: {  	v63 =	vld [tilespmem:s30+$0x560];
	[tilespmem:s30+$0x170] =	vst v6;
	v2 =	vmul.f32 $1.100000020e+00, v2  }
0x18a: {  	[tilespmem:s30+$0x500] =	vst v1;
	v1 =	vmul.f32 $1.100000020e+00, v3  }
0x18b: {  	[tilespmem:s30+$0x510] =	vst v2;
	v2 =	vmul.f32 $1.100000020e+00, v4  }
0x18c: {  	[tilespmem:s30+$0x520] =	vst v1;
	v1 =	vmul.f32 $1.100000020e+00, v5  }
0x18d: {  	[tilespmem:s30+$0x530] =	vst v2;
	v2 =	vmul.f32 $1.100000020e+00, v62  }
0x18e: {  	[tilespmem:s30+$0x540] =	vst v1;
	v1 =	vmul.f32 $1.100000020e+00, v63  }
0x18f: {  	[tilespmem:s30+$0x550] =	vst v2  }
0x190: {  	[tilespmem:s30+$0x560] =	vst v1  }
0x191: {  	s0 =	sld [smem:$0x7F9];
	_ =	sdelay $0x2  }
0x192: {  	p0 =	seq.s32 s0, $0x1  }
.Ltmp21:
0x193: {  	_ = 	snop;
	(pc) =	sbr.rel @p0 .LBB2_27-.Ltmp21, $1  }
0x194: {  	_ =	sdelay $0x3  }
0x195: {  	s0 =	simm.s32 $0x800;
	s1 =	simm.s32 $0x1000  }
0x196: {  	s1 =	sand.u32 $0x1800, s1;
	s0 =	sand.u32 $0x300, s0  }
0x197: {  	s30 =	sor.u32 s0, s1  }
0x198: {  	v1 =	vld [tilespmem:s30+$0x80]  }
0x199: {  	v2 =	vld [tilespmem:s30+$0x90]  }
0x19a: {  	v3 =	vld [tilespmem:s30+$0xA0]  }
0x19b: {  	v4 =	vld [tilespmem:s30+$0xB0]  }
0x19c: {  	v5 =	vld [tilespmem:s30+$0xC0]  }
0x19d: {  	v6 =	vld [tilespmem:s30+$0xD0];
	v1 =	vmul.f32 $1.100000020e+00, v1  }
0x19e: {  	v7 =	vld [tilespmem:s30+$0xE0];
	v2 =	vmul.f32 $1.100000020e+00, v2  }
0x19f: {  	v3 =	vmul.f32 $1.100000020e+00, v3;
	[tilespmem:s30+$0x80] =	vst v1;
	v1 =	vld [tilespmem:s30+$0xF0]  }
0x1a0: {  	v4 =	vmul.f32 $1.100000020e+00, v4;
	[tilespmem:s30+$0x90] =	vst v2;
	v2 =	vld [tilespmem:s30+$0x480]  }
0x1a1: {  	v8 =	vld [tilespmem:s30+$0x570];
	v5 =	vmul.f32 $1.100000020e+00, v5;
	[tilespmem:s30+$0xA0] =	vst v3  }
0x1a2: {  	v6 =	vmul.f32 $1.100000020e+00, v6;
	v3 =	vld [tilespmem:s30+$0x490];
	[tilespmem:s30+$0xB0] =	vst v4  }
0x1a3: {  	v7 =	vmul.f32 $1.100000020e+00, v7;
	v4 =	vld [tilespmem:s30+$0x4A0];
	[tilespmem:s30+$0xC0] =	vst v5  }
0x1a4: {  	v10 =	vld [tilespmem:s30+$0x120];
	[tilespmem:s30+$0xD0] =	vst v6;
	v1 =	vmul.f32 $1.100000020e+00, v1  }
0x1a5: {  	v6 =	vld [tilespmem:s30+$0x4C0];
	[tilespmem:s30+$0xE0] =	vst v7;
	v2 =	vmul.f32 $1.100000020e+00, v2  }
0x1a6: {  	v7 =	vld [tilespmem:s30+$0x4D0];
	[tilespmem:s30+$0xF0] =	vst v1;
	v1 =	vmul.f32 $1.100000020e+00, v8  }
0x1a7: {  	v11 =	vld [tilespmem:s30+$0x130];
	v3 =	vmul.f32 $1.100000020e+00, v3;
	[tilespmem:s30+$0x480] =	vst v2  }
0x1a8: {  	v4 =	vmul.f32 $1.100000020e+00, v4;
	[tilespmem:s30+$0x570] =	vst v1;
	v1 =	vld [tilespmem:s30+$0x100]  }
0x1a9: {  	v12 =	vld [tilespmem:s30+$0x140];
	[tilespmem:s30+$0x490] =	vst v3;
	v3 =	vmul.f32 $1.100000020e+00, v10  }
0x1aa: {  	v2 =	vld [tilespmem:s30+$0x110];
	[tilespmem:s30+$0x4A0] =	vst v4;
	v4 =	vmul.f32 $1.100000020e+00, v6  }
0x1ab: {  	v5 =	vld [tilespmem:s30+$0x4B0];
	v6 =	vmul.f32 $1.100000020e+00, v7;
	[tilespmem:s30+$0x120] =	vst v3  }
0x1ac: {  	v13 =	vld [tilespmem:s30+$0x150];
	v3 =	vmul.f32 $1.100000020e+00, v11;
	[tilespmem:s30+$0x4C0] =	vst v4  }
0x1ad: {  	v8 =	vld [tilespmem:s30+$0x4E0];
	[tilespmem:s30+$0x4D0] =	vst v6;
	v1 =	vmul.f32 $1.100000020e+00, v1  }
0x1ae: {  	v9 =	vld [tilespmem:s30+$0x4F0];
	v4 =	vmul.f32 $1.100000020e+00, v12;
	[tilespmem:s30+$0x130] =	vst v3  }
0x1af: {  	v14 =	vld [tilespmem:s30+$0x160];
	[tilespmem:s30+$0x100] =	vst v1;
	v1 =	vmul.f32 $1.100000020e+00, v2  }
0x1b0: {  	[tilespmem:s30+$0x140] =	vst v4;
	v2 =	vmul.f32 $1.100000020e+00, v5;
	v5 =	vld [tilespmem:s30+$0x170]  }
0x1b1: {  	v6 =	vmul.f32 $1.100000020e+00, v13;
	[tilespmem:s30+$0x110] =	vst v1;
	v1 =	vld [tilespmem:s30+$0x500]  }
0x1b2: {  	v7 =	vmul.f32 $1.100000020e+00, v8;
	[tilespmem:s30+$0x4B0] =	vst v2;
	v2 =	vld [tilespmem:s30+$0x510]  }
0x1b3: {  	v3 =	vld [tilespmem:s30+$0x520];
	[tilespmem:s30+$0x150] =	vst v6;
	v8 =	vmul.f32 $1.100000020e+00, v9  }
0x1b4: {  	v4 =	vld [tilespmem:s30+$0x530];
	[tilespmem:s30+$0x4E0] =	vst v7;
	v7 =	vmul.f32 $1.100000020e+00, v14  }
0x1b5: {  	s31 =	simm.s32 $0x10;
	s0 =	simm.s32 $0x900;
	s1 =	simm.s32 $0x1200;
	[tilespmem:s30+$0x4F0] =	vst v8;
	v6 =	vmul.f32 $1.100000020e+00, v5;
	v5 =	vld [tilespmem:s30+$0x540]  }
.LBB2_25:
0x1b6: {  	s25 =	sand.u32 $0x1800, s1;
	s26 =	sand.u32 $0x300, s0;
	s31 =	sadd.s32 $0x2, s31;
	[tilespmem:s30+$0x160] =	vst v7;
	v1 =	vmul.f32 $1.100000020e+00, v1;
	v7 =	vld [tilespmem:s30+$0x550]  }
0x1b7: {  	s25 =	sor.u32 s26, s25;
	p0 =	slt.u32 s31, $0x1E;
	[tilespmem:s30+$0x170] =	vst v6;
	v2 =	vmul.f32 $1.100000020e+00, v2;
	v6 =	vld [tilespmem:s30+$0x560]  }
0x1b8: {  	v8 =	vld [tilespmem:s25+$0x570];
	[tilespmem:s30+$0x500] =	vst v1;
	v1 =	vmul.f32 $1.100000020e+00, v3  }
0x1b9: {  	v3 =	vld [tilespmem:s25+$0x80];
	[tilespmem:s30+$0x510] =	vst v2;
	v2 =	vmul.f32 $1.100000020e+00, v4  }
0x1ba: {  	v4 =	vld [tilespmem:s25+$0x90];
	[tilespmem:s30+$0x520] =	vst v1;
	v1 =	vmul.f32 $1.100000020e+00, v5  }
0x1bb: {  	v5 =	vld [tilespmem:s25+$0xA0];
	[tilespmem:s30+$0x530] =	vst v2;
	v2 =	vmul.f32 $1.100000020e+00, v7  }
0x1bc: {  	v7 =	vld [tilespmem:s25+$0xB0];
	[tilespmem:s30+$0x540] =	vst v1;
	v1 =	vmul.f32 $1.100000020e+00, v6  }
0x1bd: {  	v6 =	vld [tilespmem:s25+$0xC0];
	v8 =	vmul.f32 $1.100000020e+00, v8;
	[tilespmem:s30+$0x550] =	vst v2  }
0x1be: {  	v2 =	vmul.f32 $1.100000020e+00, v3;
	v3 =	vld [tilespmem:s25+$0xD0];
	[tilespmem:s30+$0x560] =	vst v1;
	s30 =	smov.u32 s25  }
0x1bf: {  	v1 =	vmul.f32 $1.100000020e+00, v4;
	v4 =	vld [tilespmem:s30+$0xE0];
	[tilespmem:s30+$0x570] =	vst v8  }
0x1c0: {  	[tilespmem:s30+$0x80] =	vst v2;
	v2 =	vmul.f32 $1.100000020e+00, v5;
	v5 =	vld [tilespmem:s30+$0xF0]  }
0x1c1: {  	[tilespmem:s30+$0x90] =	vst v1;
	v1 =	vmul.f32 $1.100000020e+00, v7;
	v7 =	vld [tilespmem:s30+$0x480]  }
0x1c2: {  	[tilespmem:s30+$0xA0] =	vst v2;
	v2 =	vmul.f32 $1.100000020e+00, v6;
	v6 =	vld [tilespmem:s30+$0x490]  }
0x1c3: {  	[tilespmem:s30+$0xB0] =	vst v1;
	v1 =	vmul.f32 $1.100000020e+00, v3;
	v3 =	vld [tilespmem:s30+$0x4A0]  }
0x1c4: {  	[tilespmem:s30+$0xC0] =	vst v2;
	v2 =	vmul.f32 $1.100000020e+00, v4;
	v4 =	vld [tilespmem:s30+$0x4B0]  }
0x1c5: {  	[tilespmem:s30+$0xD0] =	vst v1;
	v1 =	vmul.f32 $1.100000020e+00, v5;
	v5 =	vld [tilespmem:s30+$0x4C0]  }
0x1c6: {  	[tilespmem:s30+$0xE0] =	vst v2;
	v2 =	vmul.f32 $1.100000020e+00, v7;
	v7 =	vld [tilespmem:s30+$0x4D0]  }
0x1c7: {  	[tilespmem:s30+$0xF0] =	vst v1;
	v1 =	vmul.f32 $1.100000020e+00, v6;
	v6 =	vld [tilespmem:s30+$0x4E0]  }
0x1c8: {  	[tilespmem:s30+$0x480] =	vst v2;
	v2 =	vmul.f32 $1.100000020e+00, v3;
	v3 =	vld [tilespmem:s30+$0x4F0]  }
0x1c9: {  	[tilespmem:s30+$0x490] =	vst v1;
	v1 =	vmul.f32 $1.100000020e+00, v4;
	v4 =	vld [tilespmem:s30+$0x100]  }
0x1ca: {  	[tilespmem:s30+$0x4A0] =	vst v2;
	v2 =	vmul.f32 $1.100000020e+00, v5;
	v5 =	vld [tilespmem:s30+$0x110]  }
0x1cb: {  	[tilespmem:s30+$0x4B0] =	vst v1;
	v1 =	vmul.f32 $1.100000020e+00, v7;
	v7 =	vld [tilespmem:s30+$0x120]  }
0x1cc: {  	[tilespmem:s30+$0x4C0] =	vst v2;
	v2 =	vmul.f32 $1.100000020e+00, v6;
	v6 =	vld [tilespmem:s30+$0x130]  }
0x1cd: {  	[tilespmem:s30+$0x4D0] =	vst v1;
	v1 =	vmul.f32 $1.100000020e+00, v3;
	v3 =	vld [tilespmem:s30+$0x140]  }
0x1ce: {  	[tilespmem:s30+$0x4E0] =	vst v2;
	v2 =	vmul.f32 $1.100000020e+00, v4;
	v4 =	vld [tilespmem:s30+$0x150]  }
0x1cf: {  	[tilespmem:s30+$0x4F0] =	vst v1;
	v1 =	vmul.f32 $1.100000020e+00, v5;
	v5 =	vld [tilespmem:s30+$0x160]  }
0x1d0: {  	[tilespmem:s30+$0x100] =	vst v2;
	v2 =	vmul.f32 $1.100000020e+00, v7;
	v8 =	vld [tilespmem:s30+$0x170]  }
.Ltmp22:
0x1d1: {  	[tilespmem:s30+$0x110] =	vst v1;
	v6 =	vmul.f32 $1.100000020e+00, v6;
	v1 =	vld [tilespmem:s30+$0x500];
	(pc) =	sbr.rel @p0 .LBB2_25-.Ltmp22, $4  }
0x1d2: {  	[tilespmem:s30+$0x120] =	vst v2;
	v7 =	vmul.f32 $1.100000020e+00, v3;
	v2 =	vld [tilespmem:s30+$0x510]  }
0x1d3: {  	[tilespmem:s30+$0x130] =	vst v6;
	v6 =	vmul.f32 $1.100000020e+00, v4;
	v3 =	vld [tilespmem:s30+$0x520]  }
0x1d4: {  	[tilespmem:s30+$0x140] =	vst v7;
	v7 =	vmul.f32 $1.100000020e+00, v5;
	v4 =	vld [tilespmem:s30+$0x530]  }
0x1d5: {  	s0 =	sadd.s32 $0x100, s0;
	s1 =	sadd.s32 $0x200, s1;
	[tilespmem:s30+$0x150] =	vst v6;
	v6 =	vmul.f32 $1.100000020e+00, v8;
	v5 =	vld [tilespmem:s30+$0x540]  }
0x1d6: {  	[tilespmem:s30+$0x160] =	vst v7;
	v62 =	vld [tilespmem:s30+$0x550];
	v1 =	vmul.f32 $1.100000020e+00, v1  }
0x1d7: {  	v63 =	vld [tilespmem:s30+$0x560];
	[tilespmem:s30+$0x170] =	vst v6;
	v2 =	vmul.f32 $1.100000020e+00, v2  }
0x1d8: {  	[tilespmem:s30+$0x500] =	vst v1;
	v1 =	vmul.f32 $1.100000020e+00, v3  }
0x1d9: {  	[tilespmem:s30+$0x510] =	vst v2;
	v2 =	vmul.f32 $1.100000020e+00, v4  }
0x1da: {  	[tilespmem:s30+$0x520] =	vst v1;
	v1 =	vmul.f32 $1.100000020e+00, v5  }
0x1db: {  	[tilespmem:s30+$0x530] =	vst v2;
	v2 =	vmul.f32 $1.100000020e+00, v62  }
0x1dc: {  	[tilespmem:s30+$0x540] =	vst v1;
	v1 =	vmul.f32 $1.100000020e+00, v63  }
0x1dd: {  	[tilespmem:s30+$0x550] =	vst v2  }
0x1de: {  	[tilespmem:s30+$0x560] =	vst v1  }
.LBB2_27:
0x1df: {  	s0 =	sld [smem:$0x7FC];
	_ =	sdelay $0x2  }
0x1e0: {  	p0 =	seq.s32 s0, $0x1  }
.Ltmp23:
0x1e1: {  	_ = 	snop;
	(pc) =	sbr.rel @!p0 .LBB2_31-.Ltmp23, $2  }
0x1e2: {  	_ =	sdelay $0x2  }
0x1e3: {  	p6 =	por p1, p1;
	p1 =	por p3, p3  }
0x1e4: {  	s0 =	simm.s32 $0x1000;
	s1 =	simm.s32 $0x2000  }
0x1e5: {  	s1 =	sand.u32 $0x3800, s1;
	s0 =	sand.u32 $0x300, s0  }
0x1e6: {  	s30 =	sor.u32 s0, s1  }
0x1e7: {  	v1 =	vld [tilespmem:s30+$0x80]  }
0x1e8: {  	v2 =	vld [tilespmem:s30+$0x90]  }
0x1e9: {  	v3 =	vld [tilespmem:s30+$0xA0]  }
0x1ea: {  	v4 =	vld [tilespmem:s30+$0xB0]  }
0x1eb: {  	v5 =	vld [tilespmem:s30+$0xC0]  }
0x1ec: {  	v6 =	vld [tilespmem:s30+$0xD0];
	v1 =	vmul.f32 $1.100000020e+00, v1  }
0x1ed: {  	v7 =	vld [tilespmem:s30+$0xE0];
	v2 =	vmul.f32 $1.100000020e+00, v2  }
0x1ee: {  	v3 =	vmul.f32 $1.100000020e+00, v3;
	[tilespmem:s30+$0x80] =	vst v1;
	v1 =	vld [tilespmem:s30+$0xF0]  }
0x1ef: {  	v4 =	vmul.f32 $1.100000020e+00, v4;
	[tilespmem:s30+$0x90] =	vst v2;
	v2 =	vld [tilespmem:s30+$0x480]  }
0x1f0: {  	v8 =	vld [tilespmem:s30+$0x570];
	v5 =	vmul.f32 $1.100000020e+00, v5;
	[tilespmem:s30+$0xA0] =	vst v3  }
0x1f1: {  	v6 =	vmul.f32 $1.100000020e+00, v6;
	v3 =	vld [tilespmem:s30+$0x490];
	[tilespmem:s30+$0xB0] =	vst v4  }
0x1f2: {  	v7 =	vmul.f32 $1.100000020e+00, v7;
	v4 =	vld [tilespmem:s30+$0x4A0];
	[tilespmem:s30+$0xC0] =	vst v5  }
0x1f3: {  	v10 =	vld [tilespmem:s30+$0x120];
	[tilespmem:s30+$0xD0] =	vst v6;
	v1 =	vmul.f32 $1.100000020e+00, v1  }
0x1f4: {  	v6 =	vld [tilespmem:s30+$0x4C0];
	[tilespmem:s30+$0xE0] =	vst v7;
	v2 =	vmul.f32 $1.100000020e+00, v2  }
0x1f5: {  	v7 =	vld [tilespmem:s30+$0x4D0];
	[tilespmem:s30+$0xF0] =	vst v1;
	v1 =	vmul.f32 $1.100000020e+00, v8  }
0x1f6: {  	v11 =	vld [tilespmem:s30+$0x130];
	v3 =	vmul.f32 $1.100000020e+00, v3;
	[tilespmem:s30+$0x480] =	vst v2  }
0x1f7: {  	v4 =	vmul.f32 $1.100000020e+00, v4;
	[tilespmem:s30+$0x570] =	vst v1;
	v1 =	vld [tilespmem:s30+$0x100]  }
0x1f8: {  	v12 =	vld [tilespmem:s30+$0x140];
	[tilespmem:s30+$0x490] =	vst v3;
	v3 =	vmul.f32 $1.100000020e+00, v10  }
0x1f9: {  	v2 =	vld [tilespmem:s30+$0x110];
	[tilespmem:s30+$0x4A0] =	vst v4;
	v4 =	vmul.f32 $1.100000020e+00, v6  }
0x1fa: {  	v5 =	vld [tilespmem:s30+$0x4B0];
	v6 =	vmul.f32 $1.100000020e+00, v7;
	[tilespmem:s30+$0x120] =	vst v3  }
0x1fb: {  	v13 =	vld [tilespmem:s30+$0x150];
	v3 =	vmul.f32 $1.100000020e+00, v11;
	[tilespmem:s30+$0x4C0] =	vst v4  }
0x1fc: {  	v8 =	vld [tilespmem:s30+$0x4E0];
	[tilespmem:s30+$0x4D0] =	vst v6;
	v1 =	vmul.f32 $1.100000020e+00, v1  }
0x1fd: {  	v9 =	vld [tilespmem:s30+$0x4F0];
	v4 =	vmul.f32 $1.100000020e+00, v12;
	[tilespmem:s30+$0x130] =	vst v3  }
0x1fe: {  	v14 =	vld [tilespmem:s30+$0x160];
	[tilespmem:s30+$0x100] =	vst v1;
	v1 =	vmul.f32 $1.100000020e+00, v2  }
0x1ff: {  	[tilespmem:s30+$0x140] =	vst v4;
	v2 =	vmul.f32 $1.100000020e+00, v5;
	v5 =	vld [tilespmem:s30+$0x170]  }
0x200: {  	v6 =	vmul.f32 $1.100000020e+00, v13;
	[tilespmem:s30+$0x110] =	vst v1;
	v1 =	vld [tilespmem:s30+$0x500]  }
0x201: {  	v7 =	vmul.f32 $1.100000020e+00, v8;
	[tilespmem:s30+$0x4B0] =	vst v2;
	v2 =	vld [tilespmem:s30+$0x510]  }
0x202: {  	v3 =	vld [tilespmem:s30+$0x520];
	[tilespmem:s30+$0x150] =	vst v6;
	v8 =	vmul.f32 $1.100000020e+00, v9  }
0x203: {  	v4 =	vld [tilespmem:s30+$0x530];
	[tilespmem:s30+$0x4E0] =	vst v7;
	v7 =	vmul.f32 $1.100000020e+00, v14  }
0x204: {  	s31 =	simm.s32 $0x20;
	s0 =	simm.s32 $0x1100;
	s1 =	simm.s32 $0x2200;
	[tilespmem:s30+$0x4F0] =	vst v8;
	v6 =	vmul.f32 $1.100000020e+00, v5;
	v5 =	vld [tilespmem:s30+$0x540]  }
.LBB2_29:
0x205: {  	s25 =	sand.u32 $0x3800, s1;
	s26 =	sand.u32 $0x300, s0;
	s31 =	sadd.s32 $0x2, s31;
	[tilespmem:s30+$0x160] =	vst v7;
	v1 =	vmul.f32 $1.100000020e+00, v1;
	v7 =	vld [tilespmem:s30+$0x550]  }
0x206: {  	s25 =	sor.u32 s26, s25;
	p0 =	slt.u32 s31, $0x2E;
	[tilespmem:s30+$0x170] =	vst v6;
	v2 =	vmul.f32 $1.100000020e+00, v2;
	v6 =	vld [tilespmem:s30+$0x560]  }
0x207: {  	v8 =	vld [tilespmem:s25+$0x570];
	[tilespmem:s30+$0x500] =	vst v1;
	v1 =	vmul.f32 $1.100000020e+00, v3  }
0x208: {  	v3 =	vld [tilespmem:s25+$0x80];
	[tilespmem:s30+$0x510] =	vst v2;
	v2 =	vmul.f32 $1.100000020e+00, v4  }
0x209: {  	v4 =	vld [tilespmem:s25+$0x90];
	[tilespmem:s30+$0x520] =	vst v1;
	v1 =	vmul.f32 $1.100000020e+00, v5  }
0x20a: {  	v5 =	vld [tilespmem:s25+$0xA0];
	[tilespmem:s30+$0x530] =	vst v2;
	v2 =	vmul.f32 $1.100000020e+00, v7  }
0x20b: {  	v7 =	vld [tilespmem:s25+$0xB0];
	[tilespmem:s30+$0x540] =	vst v1;
	v1 =	vmul.f32 $1.100000020e+00, v6  }
0x20c: {  	v6 =	vld [tilespmem:s25+$0xC0];
	v8 =	vmul.f32 $1.100000020e+00, v8;
	[tilespmem:s30+$0x550] =	vst v2  }
0x20d: {  	v2 =	vmul.f32 $1.100000020e+00, v3;
	v3 =	vld [tilespmem:s25+$0xD0];
	[tilespmem:s30+$0x560] =	vst v1;
	s30 =	smov.u32 s25  }
0x20e: {  	v1 =	vmul.f32 $1.100000020e+00, v4;
	v4 =	vld [tilespmem:s30+$0xE0];
	[tilespmem:s30+$0x570] =	vst v8  }
0x20f: {  	[tilespmem:s30+$0x80] =	vst v2;
	v2 =	vmul.f32 $1.100000020e+00, v5;
	v5 =	vld [tilespmem:s30+$0xF0]  }
0x210: {  	[tilespmem:s30+$0x90] =	vst v1;
	v1 =	vmul.f32 $1.100000020e+00, v7;
	v7 =	vld [tilespmem:s30+$0x480]  }
0x211: {  	[tilespmem:s30+$0xA0] =	vst v2;
	v2 =	vmul.f32 $1.100000020e+00, v6;
	v6 =	vld [tilespmem:s30+$0x490]  }
0x212: {  	[tilespmem:s30+$0xB0] =	vst v1;
	v1 =	vmul.f32 $1.100000020e+00, v3;
	v3 =	vld [tilespmem:s30+$0x4A0]  }
0x213: {  	[tilespmem:s30+$0xC0] =	vst v2;
	v2 =	vmul.f32 $1.100000020e+00, v4;
	v4 =	vld [tilespmem:s30+$0x4B0]  }
0x214: {  	[tilespmem:s30+$0xD0] =	vst v1;
	v1 =	vmul.f32 $1.100000020e+00, v5;
	v5 =	vld [tilespmem:s30+$0x4C0]  }
0x215: {  	[tilespmem:s30+$0xE0] =	vst v2;
	v2 =	vmul.f32 $1.100000020e+00, v7;
	v7 =	vld [tilespmem:s30+$0x4D0]  }
0x216: {  	[tilespmem:s30+$0xF0] =	vst v1;
	v1 =	vmul.f32 $1.100000020e+00, v6;
	v6 =	vld [tilespmem:s30+$0x4E0]  }
0x217: {  	[tilespmem:s30+$0x480] =	vst v2;
	v2 =	vmul.f32 $1.100000020e+00, v3;
	v3 =	vld [tilespmem:s30+$0x4F0]  }
0x218: {  	[tilespmem:s30+$0x490] =	vst v1;
	v1 =	vmul.f32 $1.100000020e+00, v4;
	v4 =	vld [tilespmem:s30+$0x100]  }
0x219: {  	[tilespmem:s30+$0x4A0] =	vst v2;
	v2 =	vmul.f32 $1.100000020e+00, v5;
	v5 =	vld [tilespmem:s30+$0x110]  }
0x21a: {  	[tilespmem:s30+$0x4B0] =	vst v1;
	v1 =	vmul.f32 $1.100000020e+00, v7;
	v7 =	vld [tilespmem:s30+$0x120]  }
0x21b: {  	[tilespmem:s30+$0x4C0] =	vst v2;
	v2 =	vmul.f32 $1.100000020e+00, v6;
	v6 =	vld [tilespmem:s30+$0x130]  }
0x21c: {  	[tilespmem:s30+$0x4D0] =	vst v1;
	v1 =	vmul.f32 $1.100000020e+00, v3;
	v3 =	vld [tilespmem:s30+$0x140]  }
0x21d: {  	[tilespmem:s30+$0x4E0] =	vst v2;
	v2 =	vmul.f32 $1.100000020e+00, v4;
	v4 =	vld [tilespmem:s30+$0x150]  }
0x21e: {  	[tilespmem:s30+$0x4F0] =	vst v1;
	v1 =	vmul.f32 $1.100000020e+00, v5;
	v5 =	vld [tilespmem:s30+$0x160]  }
0x21f: {  	[tilespmem:s30+$0x100] =	vst v2;
	v2 =	vmul.f32 $1.100000020e+00, v7;
	v8 =	vld [tilespmem:s30+$0x170]  }
.Ltmp24:
0x220: {  	[tilespmem:s30+$0x110] =	vst v1;
	v6 =	vmul.f32 $1.100000020e+00, v6;
	v1 =	vld [tilespmem:s30+$0x500];
	(pc) =	sbr.rel @p0 .LBB2_29-.Ltmp24, $4  }
0x221: {  	[tilespmem:s30+$0x120] =	vst v2;
	v7 =	vmul.f32 $1.100000020e+00, v3;
	v2 =	vld [tilespmem:s30+$0x510]  }
0x222: {  	[tilespmem:s30+$0x130] =	vst v6;
	v6 =	vmul.f32 $1.100000020e+00, v4;
	v3 =	vld [tilespmem:s30+$0x520]  }
0x223: {  	[tilespmem:s30+$0x140] =	vst v7;
	v7 =	vmul.f32 $1.100000020e+00, v5;
	v4 =	vld [tilespmem:s30+$0x530]  }
0x224: {  	s0 =	sadd.s32 $0x100, s0;
	s1 =	sadd.s32 $0x200, s1;
	[tilespmem:s30+$0x150] =	vst v6;
	v6 =	vmul.f32 $1.100000020e+00, v8;
	v5 =	vld [tilespmem:s30+$0x540]  }
0x225: {  	[tilespmem:s30+$0x160] =	vst v7;
	v62 =	vld [tilespmem:s30+$0x550];
	v1 =	vmul.f32 $1.100000020e+00, v1  }
0x226: {  	v63 =	vld [tilespmem:s30+$0x560];
	[tilespmem:s30+$0x170] =	vst v6;
	v2 =	vmul.f32 $1.100000020e+00, v2  }
0x227: {  	[tilespmem:s30+$0x500] =	vst v1;
	v1 =	vmul.f32 $1.100000020e+00, v3  }
0x228: {  	[tilespmem:s30+$0x510] =	vst v2;
	v2 =	vmul.f32 $1.100000020e+00, v4  }
0x229: {  	[tilespmem:s30+$0x520] =	vst v1;
	v1 =	vmul.f32 $1.100000020e+00, v5  }
0x22a: {  	[tilespmem:s30+$0x530] =	vst v2;
	v2 =	vmul.f32 $1.100000020e+00, v62  }
0x22b: {  	[tilespmem:s30+$0x540] =	vst v1;
	v1 =	vmul.f32 $1.100000020e+00, v63  }
0x22c: {  	[tilespmem:s30+$0x550] =	vst v2  }
0x22d: {  	[tilespmem:s30+$0x560] =	vst v1  }
.LBB2_31:
0x22e: {  	s0 =	sld [smem:$0x7FB];
	_ =	sdelay $0x2  }
0x22f: {  	p0 =	seq.s32 s0, $0x1  }
.Ltmp25:
0x230: {  	_ = 	snop;
	(pc) =	sbr.rel @!p0 .LBB2_35-.Ltmp25, $1  }
0x231: {  	_ =	sdelay $0x3  }
0x232: {  	s0 =	simm.s32 $0x1800;
	s1 =	simm.s32 $0x3000  }
0x233: {  	s1 =	sand.u32 $0x3800, s1;
	s0 =	sand.u32 $0x300, s0  }
0x234: {  	s30 =	sor.u32 s0, s1  }
0x235: {  	v1 =	vld [tilespmem:s30+$0x80]  }
0x236: {  	v2 =	vld [tilespmem:s30+$0x90]  }
0x237: {  	v3 =	vld [tilespmem:s30+$0xA0]  }
0x238: {  	v4 =	vld [tilespmem:s30+$0xB0]  }
0x239: {  	v5 =	vld [tilespmem:s30+$0xC0]  }
0x23a: {  	v6 =	vld [tilespmem:s30+$0xD0];
	v1 =	vmul.f32 $1.100000020e+00, v1  }
0x23b: {  	v7 =	vld [tilespmem:s30+$0xE0];
	v2 =	vmul.f32 $1.100000020e+00, v2  }
0x23c: {  	v3 =	vmul.f32 $1.100000020e+00, v3;
	[tilespmem:s30+$0x80] =	vst v1;
	v1 =	vld [tilespmem:s30+$0xF0]  }
0x23d: {  	v4 =	vmul.f32 $1.100000020e+00, v4;
	[tilespmem:s30+$0x90] =	vst v2;
	v2 =	vld [tilespmem:s30+$0x480]  }
0x23e: {  	v8 =	vld [tilespmem:s30+$0x570];
	v5 =	vmul.f32 $1.100000020e+00, v5;
	[tilespmem:s30+$0xA0] =	vst v3  }
0x23f: {  	v6 =	vmul.f32 $1.100000020e+00, v6;
	v3 =	vld [tilespmem:s30+$0x490];
	[tilespmem:s30+$0xB0] =	vst v4  }
0x240: {  	v7 =	vmul.f32 $1.100000020e+00, v7;
	v4 =	vld [tilespmem:s30+$0x4A0];
	[tilespmem:s30+$0xC0] =	vst v5  }
0x241: {  	v10 =	vld [tilespmem:s30+$0x120];
	[tilespmem:s30+$0xD0] =	vst v6;
	v1 =	vmul.f32 $1.100000020e+00, v1  }
0x242: {  	v6 =	vld [tilespmem:s30+$0x4C0];
	[tilespmem:s30+$0xE0] =	vst v7;
	v2 =	vmul.f32 $1.100000020e+00, v2  }
0x243: {  	v7 =	vld [tilespmem:s30+$0x4D0];
	[tilespmem:s30+$0xF0] =	vst v1;
	v1 =	vmul.f32 $1.100000020e+00, v8  }
0x244: {  	v11 =	vld [tilespmem:s30+$0x130];
	v3 =	vmul.f32 $1.100000020e+00, v3;
	[tilespmem:s30+$0x480] =	vst v2  }
0x245: {  	v4 =	vmul.f32 $1.100000020e+00, v4;
	[tilespmem:s30+$0x570] =	vst v1;
	v1 =	vld [tilespmem:s30+$0x100]  }
0x246: {  	v12 =	vld [tilespmem:s30+$0x140];
	[tilespmem:s30+$0x490] =	vst v3;
	v3 =	vmul.f32 $1.100000020e+00, v10  }
0x247: {  	v2 =	vld [tilespmem:s30+$0x110];
	[tilespmem:s30+$0x4A0] =	vst v4;
	v4 =	vmul.f32 $1.100000020e+00, v6  }
0x248: {  	v5 =	vld [tilespmem:s30+$0x4B0];
	v6 =	vmul.f32 $1.100000020e+00, v7;
	[tilespmem:s30+$0x120] =	vst v3  }
0x249: {  	v13 =	vld [tilespmem:s30+$0x150];
	v3 =	vmul.f32 $1.100000020e+00, v11;
	[tilespmem:s30+$0x4C0] =	vst v4  }
0x24a: {  	v8 =	vld [tilespmem:s30+$0x4E0];
	[tilespmem:s30+$0x4D0] =	vst v6;
	v1 =	vmul.f32 $1.100000020e+00, v1  }
0x24b: {  	v9 =	vld [tilespmem:s30+$0x4F0];
	v4 =	vmul.f32 $1.100000020e+00, v12;
	[tilespmem:s30+$0x130] =	vst v3  }
0x24c: {  	v14 =	vld [tilespmem:s30+$0x160];
	[tilespmem:s30+$0x100] =	vst v1;
	v1 =	vmul.f32 $1.100000020e+00, v2  }
0x24d: {  	[tilespmem:s30+$0x140] =	vst v4;
	v2 =	vmul.f32 $1.100000020e+00, v5;
	v5 =	vld [tilespmem:s30+$0x170]  }
0x24e: {  	v6 =	vmul.f32 $1.100000020e+00, v13;
	[tilespmem:s30+$0x110] =	vst v1;
	v1 =	vld [tilespmem:s30+$0x500]  }
0x24f: {  	v7 =	vmul.f32 $1.100000020e+00, v8;
	[tilespmem:s30+$0x4B0] =	vst v2;
	v2 =	vld [tilespmem:s30+$0x510]  }
0x250: {  	v3 =	vld [tilespmem:s30+$0x520];
	[tilespmem:s30+$0x150] =	vst v6;
	v8 =	vmul.f32 $1.100000020e+00, v9  }
0x251: {  	v4 =	vld [tilespmem:s30+$0x530];
	[tilespmem:s30+$0x4E0] =	vst v7;
	v7 =	vmul.f32 $1.100000020e+00, v14  }
0x252: {  	s31 =	simm.s32 $0x30;
	s0 =	simm.s32 $0x1900;
	s1 =	simm.s32 $0x3200;
	[tilespmem:s30+$0x4F0] =	vst v8;
	v6 =	vmul.f32 $1.100000020e+00, v5;
	v5 =	vld [tilespmem:s30+$0x540]  }
.LBB2_33:
0x253: {  	s25 =	sand.u32 $0x3800, s1;
	s26 =	sand.u32 $0x300, s0;
	s31 =	sadd.s32 $0x2, s31;
	[tilespmem:s30+$0x160] =	vst v7;
	v1 =	vmul.f32 $1.100000020e+00, v1;
	v7 =	vld [tilespmem:s30+$0x550]  }
0x254: {  	s25 =	sor.u32 s26, s25;
	p0 =	slt.u32 s31, $0x3E;
	[tilespmem:s30+$0x170] =	vst v6;
	v2 =	vmul.f32 $1.100000020e+00, v2;
	v6 =	vld [tilespmem:s30+$0x560]  }
0x255: {  	v8 =	vld [tilespmem:s25+$0x570];
	[tilespmem:s30+$0x500] =	vst v1;
	v1 =	vmul.f32 $1.100000020e+00, v3  }
0x256: {  	v3 =	vld [tilespmem:s25+$0x80];
	[tilespmem:s30+$0x510] =	vst v2;
	v2 =	vmul.f32 $1.100000020e+00, v4  }
0x257: {  	v4 =	vld [tilespmem:s25+$0x90];
	[tilespmem:s30+$0x520] =	vst v1;
	v1 =	vmul.f32 $1.100000020e+00, v5  }
0x258: {  	v5 =	vld [tilespmem:s25+$0xA0];
	[tilespmem:s30+$0x530] =	vst v2;
	v2 =	vmul.f32 $1.100000020e+00, v7  }
0x259: {  	v7 =	vld [tilespmem:s25+$0xB0];
	[tilespmem:s30+$0x540] =	vst v1;
	v1 =	vmul.f32 $1.100000020e+00, v6  }
0x25a: {  	v6 =	vld [tilespmem:s25+$0xC0];
	v8 =	vmul.f32 $1.100000020e+00, v8;
	[tilespmem:s30+$0x550] =	vst v2  }
0x25b: {  	v2 =	vmul.f32 $1.100000020e+00, v3;
	v3 =	vld [tilespmem:s25+$0xD0];
	[tilespmem:s30+$0x560] =	vst v1;
	s30 =	smov.u32 s25  }
0x25c: {  	v1 =	vmul.f32 $1.100000020e+00, v4;
	v4 =	vld [tilespmem:s30+$0xE0];
	[tilespmem:s30+$0x570] =	vst v8  }
0x25d: {  	[tilespmem:s30+$0x80] =	vst v2;
	v2 =	vmul.f32 $1.100000020e+00, v5;
	v5 =	vld [tilespmem:s30+$0xF0]  }
0x25e: {  	[tilespmem:s30+$0x90] =	vst v1;
	v1 =	vmul.f32 $1.100000020e+00, v7;
	v7 =	vld [tilespmem:s30+$0x480]  }
0x25f: {  	[tilespmem:s30+$0xA0] =	vst v2;
	v2 =	vmul.f32 $1.100000020e+00, v6;
	v6 =	vld [tilespmem:s30+$0x490]  }
0x260: {  	[tilespmem:s30+$0xB0] =	vst v1;
	v1 =	vmul.f32 $1.100000020e+00, v3;
	v3 =	vld [tilespmem:s30+$0x4A0]  }
0x261: {  	[tilespmem:s30+$0xC0] =	vst v2;
	v2 =	vmul.f32 $1.100000020e+00, v4;
	v4 =	vld [tilespmem:s30+$0x4B0]  }
0x262: {  	[tilespmem:s30+$0xD0] =	vst v1;
	v1 =	vmul.f32 $1.100000020e+00, v5;
	v5 =	vld [tilespmem:s30+$0x4C0]  }
0x263: {  	[tilespmem:s30+$0xE0] =	vst v2;
	v2 =	vmul.f32 $1.100000020e+00, v7;
	v7 =	vld [tilespmem:s30+$0x4D0]  }
0x264: {  	[tilespmem:s30+$0xF0] =	vst v1;
	v1 =	vmul.f32 $1.100000020e+00, v6;
	v6 =	vld [tilespmem:s30+$0x4E0]  }
0x265: {  	[tilespmem:s30+$0x480] =	vst v2;
	v2 =	vmul.f32 $1.100000020e+00, v3;
	v3 =	vld [tilespmem:s30+$0x4F0]  }
0x266: {  	[tilespmem:s30+$0x490] =	vst v1;
	v1 =	vmul.f32 $1.100000020e+00, v4;
	v4 =	vld [tilespmem:s30+$0x100]  }
0x267: {  	[tilespmem:s30+$0x4A0] =	vst v2;
	v2 =	vmul.f32 $1.100000020e+00, v5;
	v5 =	vld [tilespmem:s30+$0x110]  }
0x268: {  	[tilespmem:s30+$0x4B0] =	vst v1;
	v1 =	vmul.f32 $1.100000020e+00, v7;
	v7 =	vld [tilespmem:s30+$0x120]  }
0x269: {  	[tilespmem:s30+$0x4C0] =	vst v2;
	v2 =	vmul.f32 $1.100000020e+00, v6;
	v6 =	vld [tilespmem:s30+$0x130]  }
0x26a: {  	[tilespmem:s30+$0x4D0] =	vst v1;
	v1 =	vmul.f32 $1.100000020e+00, v3;
	v3 =	vld [tilespmem:s30+$0x140]  }
0x26b: {  	[tilespmem:s30+$0x4E0] =	vst v2;
	v2 =	vmul.f32 $1.100000020e+00, v4;
	v4 =	vld [tilespmem:s30+$0x150]  }
0x26c: {  	[tilespmem:s30+$0x4F0] =	vst v1;
	v1 =	vmul.f32 $1.100000020e+00, v5;
	v5 =	vld [tilespmem:s30+$0x160]  }
0x26d: {  	[tilespmem:s30+$0x100] =	vst v2;
	v2 =	vmul.f32 $1.100000020e+00, v7;
	v8 =	vld [tilespmem:s30+$0x170]  }
.Ltmp26:
0x26e: {  	[tilespmem:s30+$0x110] =	vst v1;
	v6 =	vmul.f32 $1.100000020e+00, v6;
	v1 =	vld [tilespmem:s30+$0x500];
	(pc) =	sbr.rel @p0 .LBB2_33-.Ltmp26, $4  }
0x26f: {  	[tilespmem:s30+$0x120] =	vst v2;
	v7 =	vmul.f32 $1.100000020e+00, v3;
	v2 =	vld [tilespmem:s30+$0x510]  }
0x270: {  	[tilespmem:s30+$0x130] =	vst v6;
	v6 =	vmul.f32 $1.100000020e+00, v4;
	v3 =	vld [tilespmem:s30+$0x520]  }
0x271: {  	[tilespmem:s30+$0x140] =	vst v7;
	v7 =	vmul.f32 $1.100000020e+00, v5;
	v4 =	vld [tilespmem:s30+$0x530]  }
0x272: {  	s0 =	sadd.s32 $0x100, s0;
	s1 =	sadd.s32 $0x200, s1;
	[tilespmem:s30+$0x150] =	vst v6;
	v6 =	vmul.f32 $1.100000020e+00, v8;
	v5 =	vld [tilespmem:s30+$0x540]  }
0x273: {  	[tilespmem:s30+$0x160] =	vst v7;
	v62 =	vld [tilespmem:s30+$0x550];
	v1 =	vmul.f32 $1.100000020e+00, v1  }
0x274: {  	v63 =	vld [tilespmem:s30+$0x560];
	[tilespmem:s30+$0x170] =	vst v6;
	v2 =	vmul.f32 $1.100000020e+00, v2  }
0x275: {  	[tilespmem:s30+$0x500] =	vst v1;
	v1 =	vmul.f32 $1.100000020e+00, v3  }
0x276: {  	[tilespmem:s30+$0x510] =	vst v2;
	v2 =	vmul.f32 $1.100000020e+00, v4  }
0x277: {  	[tilespmem:s30+$0x520] =	vst v1;
	v1 =	vmul.f32 $1.100000020e+00, v5  }
0x278: {  	[tilespmem:s30+$0x530] =	vst v2;
	v2 =	vmul.f32 $1.100000020e+00, v62  }
0x279: {  	[tilespmem:s30+$0x540] =	vst v1;
	v1 =	vmul.f32 $1.100000020e+00, v63  }
0x27a: {  	[tilespmem:s30+$0x550] =	vst v2  }
0x27b: {  	[tilespmem:s30+$0x560] =	vst v1  }
.LBB2_35:
.Ltmp27:
0x27c: {  	(pc) =	sbr.rel @!p5 .LBB2_39-.Ltmp27, $1  }
0x27d: {  	_ =	sdelay $0x3  }
0x27e: {  	s0 =	simm.s32 $0x2000;
	s1 =	simm.s32 $0x4000  }
0x27f: {  	s1 =	sand.u32 $0x7800, s1;
	s0 =	sand.u32 $0x300, s0  }
0x280: {  	s30 =	sor.u32 s0, s1  }
0x281: {  	v1 =	vld [tilespmem:s30+$0x80]  }
0x282: {  	v2 =	vld [tilespmem:s30+$0x90]  }
0x283: {  	v3 =	vld [tilespmem:s30+$0xA0]  }
0x284: {  	v4 =	vld [tilespmem:s30+$0xB0]  }
0x285: {  	v5 =	vld [tilespmem:s30+$0xC0]  }
0x286: {  	v6 =	vld [tilespmem:s30+$0xD0];
	v1 =	vmul.f32 $1.100000020e+00, v1  }
0x287: {  	v7 =	vld [tilespmem:s30+$0xE0];
	v2 =	vmul.f32 $1.100000020e+00, v2  }
0x288: {  	v3 =	vmul.f32 $1.100000020e+00, v3;
	[tilespmem:s30+$0x80] =	vst v1;
	v1 =	vld [tilespmem:s30+$0xF0]  }
0x289: {  	v4 =	vmul.f32 $1.100000020e+00, v4;
	[tilespmem:s30+$0x90] =	vst v2;
	v2 =	vld [tilespmem:s30+$0x480]  }
0x28a: {  	v8 =	vld [tilespmem:s30+$0x570];
	v5 =	vmul.f32 $1.100000020e+00, v5;
	[tilespmem:s30+$0xA0] =	vst v3  }
0x28b: {  	v6 =	vmul.f32 $1.100000020e+00, v6;
	v3 =	vld [tilespmem:s30+$0x490];
	[tilespmem:s30+$0xB0] =	vst v4  }
0x28c: {  	v7 =	vmul.f32 $1.100000020e+00, v7;
	v4 =	vld [tilespmem:s30+$0x4A0];
	[tilespmem:s30+$0xC0] =	vst v5  }
0x28d: {  	v10 =	vld [tilespmem:s30+$0x120];
	[tilespmem:s30+$0xD0] =	vst v6;
	v1 =	vmul.f32 $1.100000020e+00, v1  }
0x28e: {  	v6 =	vld [tilespmem:s30+$0x4C0];
	[tilespmem:s30+$0xE0] =	vst v7;
	v2 =	vmul.f32 $1.100000020e+00, v2  }
0x28f: {  	v7 =	vld [tilespmem:s30+$0x4D0];
	[tilespmem:s30+$0xF0] =	vst v1;
	v1 =	vmul.f32 $1.100000020e+00, v8  }
0x290: {  	v11 =	vld [tilespmem:s30+$0x130];
	v3 =	vmul.f32 $1.100000020e+00, v3;
	[tilespmem:s30+$0x480] =	vst v2  }
0x291: {  	v4 =	vmul.f32 $1.100000020e+00, v4;
	[tilespmem:s30+$0x570] =	vst v1;
	v1 =	vld [tilespmem:s30+$0x100]  }
0x292: {  	v12 =	vld [tilespmem:s30+$0x140];
	[tilespmem:s30+$0x490] =	vst v3;
	v3 =	vmul.f32 $1.100000020e+00, v10  }
0x293: {  	v2 =	vld [tilespmem:s30+$0x110];
	[tilespmem:s30+$0x4A0] =	vst v4;
	v4 =	vmul.f32 $1.100000020e+00, v6  }
0x294: {  	v5 =	vld [tilespmem:s30+$0x4B0];
	v6 =	vmul.f32 $1.100000020e+00, v7;
	[tilespmem:s30+$0x120] =	vst v3  }
0x295: {  	v13 =	vld [tilespmem:s30+$0x150];
	v3 =	vmul.f32 $1.100000020e+00, v11;
	[tilespmem:s30+$0x4C0] =	vst v4  }
0x296: {  	v8 =	vld [tilespmem:s30+$0x4E0];
	[tilespmem:s30+$0x4D0] =	vst v6;
	v1 =	vmul.f32 $1.100000020e+00, v1  }
0x297: {  	v9 =	vld [tilespmem:s30+$0x4F0];
	v4 =	vmul.f32 $1.100000020e+00, v12;
	[tilespmem:s30+$0x130] =	vst v3  }
0x298: {  	v14 =	vld [tilespmem:s30+$0x160];
	[tilespmem:s30+$0x100] =	vst v1;
	v1 =	vmul.f32 $1.100000020e+00, v2  }
0x299: {  	[tilespmem:s30+$0x140] =	vst v4;
	v2 =	vmul.f32 $1.100000020e+00, v5;
	v5 =	vld [tilespmem:s30+$0x170]  }
0x29a: {  	v6 =	vmul.f32 $1.100000020e+00, v13;
	[tilespmem:s30+$0x110] =	vst v1;
	v1 =	vld [tilespmem:s30+$0x500]  }
0x29b: {  	v7 =	vmul.f32 $1.100000020e+00, v8;
	[tilespmem:s30+$0x4B0] =	vst v2;
	v2 =	vld [tilespmem:s30+$0x510]  }
0x29c: {  	v3 =	vld [tilespmem:s30+$0x520];
	[tilespmem:s30+$0x150] =	vst v6;
	v8 =	vmul.f32 $1.100000020e+00, v9  }
0x29d: {  	v4 =	vld [tilespmem:s30+$0x530];
	[tilespmem:s30+$0x4E0] =	vst v7;
	v7 =	vmul.f32 $1.100000020e+00, v14  }
0x29e: {  	s31 =	simm.s32 $0x40;
	s0 =	simm.s32 $0x2100;
	s1 =	simm.s32 $0x4200;
	[tilespmem:s30+$0x4F0] =	vst v8;
	v6 =	vmul.f32 $1.100000020e+00, v5;
	v5 =	vld [tilespmem:s30+$0x540]  }
.LBB2_37:
0x29f: {  	s25 =	sand.u32 $0x7800, s1;
	s26 =	sand.u32 $0x300, s0;
	s31 =	sadd.s32 $0x2, s31;
	[tilespmem:s30+$0x160] =	vst v7;
	v1 =	vmul.f32 $1.100000020e+00, v1;
	v7 =	vld [tilespmem:s30+$0x550]  }
0x2a0: {  	s25 =	sor.u32 s26, s25;
	p0 =	slt.u32 s31, $0x4E;
	[tilespmem:s30+$0x170] =	vst v6;
	v2 =	vmul.f32 $1.100000020e+00, v2;
	v6 =	vld [tilespmem:s30+$0x560]  }
0x2a1: {  	v8 =	vld [tilespmem:s25+$0x570];
	[tilespmem:s30+$0x500] =	vst v1;
	v1 =	vmul.f32 $1.100000020e+00, v3  }
0x2a2: {  	v3 =	vld [tilespmem:s25+$0x80];
	[tilespmem:s30+$0x510] =	vst v2;
	v2 =	vmul.f32 $1.100000020e+00, v4  }
0x2a3: {  	v4 =	vld [tilespmem:s25+$0x90];
	[tilespmem:s30+$0x520] =	vst v1;
	v1 =	vmul.f32 $1.100000020e+00, v5  }
0x2a4: {  	v5 =	vld [tilespmem:s25+$0xA0];
	[tilespmem:s30+$0x530] =	vst v2;
	v2 =	vmul.f32 $1.100000020e+00, v7  }
0x2a5: {  	v7 =	vld [tilespmem:s25+$0xB0];
	[tilespmem:s30+$0x540] =	vst v1;
	v1 =	vmul.f32 $1.100000020e+00, v6  }
0x2a6: {  	v6 =	vld [tilespmem:s25+$0xC0];
	v8 =	vmul.f32 $1.100000020e+00, v8;
	[tilespmem:s30+$0x550] =	vst v2  }
0x2a7: {  	v2 =	vmul.f32 $1.100000020e+00, v3;
	v3 =	vld [tilespmem:s25+$0xD0];
	[tilespmem:s30+$0x560] =	vst v1;
	s30 =	smov.u32 s25  }
0x2a8: {  	v1 =	vmul.f32 $1.100000020e+00, v4;
	v4 =	vld [tilespmem:s30+$0xE0];
	[tilespmem:s30+$0x570] =	vst v8  }
0x2a9: {  	[tilespmem:s30+$0x80] =	vst v2;
	v2 =	vmul.f32 $1.100000020e+00, v5;
	v5 =	vld [tilespmem:s30+$0xF0]  }
0x2aa: {  	[tilespmem:s30+$0x90] =	vst v1;
	v1 =	vmul.f32 $1.100000020e+00, v7;
	v7 =	vld [tilespmem:s30+$0x480]  }
0x2ab: {  	[tilespmem:s30+$0xA0] =	vst v2;
	v2 =	vmul.f32 $1.100000020e+00, v6;
	v6 =	vld [tilespmem:s30+$0x490]  }
0x2ac: {  	[tilespmem:s30+$0xB0] =	vst v1;
	v1 =	vmul.f32 $1.100000020e+00, v3;
	v3 =	vld [tilespmem:s30+$0x4A0]  }
0x2ad: {  	[tilespmem:s30+$0xC0] =	vst v2;
	v2 =	vmul.f32 $1.100000020e+00, v4;
	v4 =	vld [tilespmem:s30+$0x4B0]  }
0x2ae: {  	[tilespmem:s30+$0xD0] =	vst v1;
	v1 =	vmul.f32 $1.100000020e+00, v5;
	v5 =	vld [tilespmem:s30+$0x4C0]  }
0x2af: {  	[tilespmem:s30+$0xE0] =	vst v2;
	v2 =	vmul.f32 $1.100000020e+00, v7;
	v7 =	vld [tilespmem:s30+$0x4D0]  }
0x2b0: {  	[tilespmem:s30+$0xF0] =	vst v1;
	v1 =	vmul.f32 $1.100000020e+00, v6;
	v6 =	vld [tilespmem:s30+$0x4E0]  }
0x2b1: {  	[tilespmem:s30+$0x480] =	vst v2;
	v2 =	vmul.f32 $1.100000020e+00, v3;
	v3 =	vld [tilespmem:s30+$0x4F0]  }
0x2b2: {  	[tilespmem:s30+$0x490] =	vst v1;
	v1 =	vmul.f32 $1.100000020e+00, v4;
	v4 =	vld [tilespmem:s30+$0x100]  }
0x2b3: {  	[tilespmem:s30+$0x4A0] =	vst v2;
	v2 =	vmul.f32 $1.100000020e+00, v5;
	v5 =	vld [tilespmem:s30+$0x110]  }
0x2b4: {  	[tilespmem:s30+$0x4B0] =	vst v1;
	v1 =	vmul.f32 $1.100000020e+00, v7;
	v7 =	vld [tilespmem:s30+$0x120]  }
0x2b5: {  	[tilespmem:s30+$0x4C0] =	vst v2;
	v2 =	vmul.f32 $1.100000020e+00, v6;
	v6 =	vld [tilespmem:s30+$0x130]  }
0x2b6: {  	[tilespmem:s30+$0x4D0] =	vst v1;
	v1 =	vmul.f32 $1.100000020e+00, v3;
	v3 =	vld [tilespmem:s30+$0x140]  }
0x2b7: {  	[tilespmem:s30+$0x4E0] =	vst v2;
	v2 =	vmul.f32 $1.100000020e+00, v4;
	v4 =	vld [tilespmem:s30+$0x150]  }
0x2b8: {  	[tilespmem:s30+$0x4F0] =	vst v1;
	v1 =	vmul.f32 $1.100000020e+00, v5;
	v5 =	vld [tilespmem:s30+$0x160]  }
0x2b9: {  	[tilespmem:s30+$0x100] =	vst v2;
	v2 =	vmul.f32 $1.100000020e+00, v7;
	v8 =	vld [tilespmem:s30+$0x170]  }
.Ltmp28:
0x2ba: {  	[tilespmem:s30+$0x110] =	vst v1;
	v6 =	vmul.f32 $1.100000020e+00, v6;
	v1 =	vld [tilespmem:s30+$0x500];
	(pc) =	sbr.rel @p0 .LBB2_37-.Ltmp28, $4  }
0x2bb: {  	[tilespmem:s30+$0x120] =	vst v2;
	v7 =	vmul.f32 $1.100000020e+00, v3;
	v2 =	vld [tilespmem:s30+$0x510]  }
0x2bc: {  	[tilespmem:s30+$0x130] =	vst v6;
	v6 =	vmul.f32 $1.100000020e+00, v4;
	v3 =	vld [tilespmem:s30+$0x520]  }
0x2bd: {  	[tilespmem:s30+$0x140] =	vst v7;
	v7 =	vmul.f32 $1.100000020e+00, v5;
	v4 =	vld [tilespmem:s30+$0x530]  }
0x2be: {  	s0 =	sadd.s32 $0x100, s0;
	s1 =	sadd.s32 $0x200, s1;
	[tilespmem:s30+$0x150] =	vst v6;
	v6 =	vmul.f32 $1.100000020e+00, v8;
	v5 =	vld [tilespmem:s30+$0x540]  }
0x2bf: {  	[tilespmem:s30+$0x160] =	vst v7;
	v62 =	vld [tilespmem:s30+$0x550];
	v1 =	vmul.f32 $1.100000020e+00, v1  }
0x2c0: {  	v63 =	vld [tilespmem:s30+$0x560];
	[tilespmem:s30+$0x170] =	vst v6;
	v2 =	vmul.f32 $1.100000020e+00, v2  }
0x2c1: {  	[tilespmem:s30+$0x500] =	vst v1;
	v1 =	vmul.f32 $1.100000020e+00, v3  }
0x2c2: {  	[tilespmem:s30+$0x510] =	vst v2;
	v2 =	vmul.f32 $1.100000020e+00, v4  }
0x2c3: {  	[tilespmem:s30+$0x520] =	vst v1;
	v1 =	vmul.f32 $1.100000020e+00, v5  }
0x2c4: {  	[tilespmem:s30+$0x530] =	vst v2;
	v2 =	vmul.f32 $1.100000020e+00, v62  }
0x2c5: {  	[tilespmem:s30+$0x540] =	vst v1;
	v1 =	vmul.f32 $1.100000020e+00, v63  }
0x2c6: {  	[tilespmem:s30+$0x550] =	vst v2  }
0x2c7: {  	[tilespmem:s30+$0x560] =	vst v1  }
.LBB2_39:
.Ltmp29:
0x2c8: {  	(pc) =	sbr.rel @!p1 .LBB2_43-.Ltmp29, $1  }
0x2c9: {  	_ =	sdelay $0x3  }
0x2ca: {  	s0 =	simm.s32 $0x2800;
	s1 =	simm.s32 $0x5000  }
0x2cb: {  	s1 =	sand.u32 $0x7800, s1;
	s0 =	sand.u32 $0x300, s0  }
0x2cc: {  	s30 =	sor.u32 s0, s1  }
0x2cd: {  	v1 =	vld [tilespmem:s30+$0x80]  }
0x2ce: {  	v2 =	vld [tilespmem:s30+$0x90]  }
0x2cf: {  	v3 =	vld [tilespmem:s30+$0xA0]  }
0x2d0: {  	v4 =	vld [tilespmem:s30+$0xB0]  }
0x2d1: {  	v5 =	vld [tilespmem:s30+$0xC0]  }
0x2d2: {  	v6 =	vld [tilespmem:s30+$0xD0];
	v1 =	vmul.f32 $1.100000020e+00, v1  }
0x2d3: {  	v7 =	vld [tilespmem:s30+$0xE0];
	v2 =	vmul.f32 $1.100000020e+00, v2  }
0x2d4: {  	v3 =	vmul.f32 $1.100000020e+00, v3;
	[tilespmem:s30+$0x80] =	vst v1;
	v1 =	vld [tilespmem:s30+$0xF0]  }
0x2d5: {  	v4 =	vmul.f32 $1.100000020e+00, v4;
	[tilespmem:s30+$0x90] =	vst v2;
	v2 =	vld [tilespmem:s30+$0x480]  }
0x2d6: {  	v8 =	vld [tilespmem:s30+$0x570];
	v5 =	vmul.f32 $1.100000020e+00, v5;
	[tilespmem:s30+$0xA0] =	vst v3  }
0x2d7: {  	v6 =	vmul.f32 $1.100000020e+00, v6;
	v3 =	vld [tilespmem:s30+$0x490];
	[tilespmem:s30+$0xB0] =	vst v4  }
0x2d8: {  	v7 =	vmul.f32 $1.100000020e+00, v7;
	v4 =	vld [tilespmem:s30+$0x4A0];
	[tilespmem:s30+$0xC0] =	vst v5  }
0x2d9: {  	v10 =	vld [tilespmem:s30+$0x120];
	[tilespmem:s30+$0xD0] =	vst v6;
	v1 =	vmul.f32 $1.100000020e+00, v1  }
0x2da: {  	v6 =	vld [tilespmem:s30+$0x4C0];
	[tilespmem:s30+$0xE0] =	vst v7;
	v2 =	vmul.f32 $1.100000020e+00, v2  }
0x2db: {  	v7 =	vld [tilespmem:s30+$0x4D0];
	[tilespmem:s30+$0xF0] =	vst v1;
	v1 =	vmul.f32 $1.100000020e+00, v8  }
0x2dc: {  	v11 =	vld [tilespmem:s30+$0x130];
	v3 =	vmul.f32 $1.100000020e+00, v3;
	[tilespmem:s30+$0x480] =	vst v2  }
0x2dd: {  	v4 =	vmul.f32 $1.100000020e+00, v4;
	[tilespmem:s30+$0x570] =	vst v1;
	v1 =	vld [tilespmem:s30+$0x100]  }
0x2de: {  	v12 =	vld [tilespmem:s30+$0x140];
	[tilespmem:s30+$0x490] =	vst v3;
	v3 =	vmul.f32 $1.100000020e+00, v10  }
0x2df: {  	v2 =	vld [tilespmem:s30+$0x110];
	[tilespmem:s30+$0x4A0] =	vst v4;
	v4 =	vmul.f32 $1.100000020e+00, v6  }
0x2e0: {  	v5 =	vld [tilespmem:s30+$0x4B0];
	v6 =	vmul.f32 $1.100000020e+00, v7;
	[tilespmem:s30+$0x120] =	vst v3  }
0x2e1: {  	v13 =	vld [tilespmem:s30+$0x150];
	v3 =	vmul.f32 $1.100000020e+00, v11;
	[tilespmem:s30+$0x4C0] =	vst v4  }
0x2e2: {  	v8 =	vld [tilespmem:s30+$0x4E0];
	[tilespmem:s30+$0x4D0] =	vst v6;
	v1 =	vmul.f32 $1.100000020e+00, v1  }
0x2e3: {  	v9 =	vld [tilespmem:s30+$0x4F0];
	v4 =	vmul.f32 $1.100000020e+00, v12;
	[tilespmem:s30+$0x130] =	vst v3  }
0x2e4: {  	v14 =	vld [tilespmem:s30+$0x160];
	[tilespmem:s30+$0x100] =	vst v1;
	v1 =	vmul.f32 $1.100000020e+00, v2  }
0x2e5: {  	[tilespmem:s30+$0x140] =	vst v4;
	v2 =	vmul.f32 $1.100000020e+00, v5;
	v5 =	vld [tilespmem:s30+$0x170]  }
0x2e6: {  	v6 =	vmul.f32 $1.100000020e+00, v13;
	[tilespmem:s30+$0x110] =	vst v1;
	v1 =	vld [tilespmem:s30+$0x500]  }
0x2e7: {  	v7 =	vmul.f32 $1.100000020e+00, v8;
	[tilespmem:s30+$0x4B0] =	vst v2;
	v2 =	vld [tilespmem:s30+$0x510]  }
0x2e8: {  	v3 =	vld [tilespmem:s30+$0x520];
	[tilespmem:s30+$0x150] =	vst v6;
	v8 =	vmul.f32 $1.100000020e+00, v9  }
0x2e9: {  	s31 =	simm.s32 $0x50;
	v4 =	vld [tilespmem:s30+$0x530];
	[tilespmem:s30+$0x4E0] =	vst v7;
	v7 =	vmul.f32 $1.100000020e+00, v14  }
0x2ea: {  	s0 =	simm.s32 $0x2900;
	s1 =	simm.s32 $0x5200;
	[tilespmem:s30+$0x4F0] =	vst v8;
	v6 =	vmul.f32 $1.100000020e+00, v5;
	v5 =	vld [tilespmem:s30+$0x540]  }
.LBB2_41:
0x2eb: {  	s25 =	sand.u32 $0x7800, s1;
	s26 =	sand.u32 $0x300, s0;
	s31 =	sadd.s32 $0x2, s31;
	[tilespmem:s30+$0x160] =	vst v7;
	v1 =	vmul.f32 $1.100000020e+00, v1;
	v7 =	vld [tilespmem:s30+$0x550]  }
0x2ec: {  	s25 =	sor.u32 s26, s25;
	p0 =	slt.u32 s31, $0x5E;
	[tilespmem:s30+$0x170] =	vst v6;
	v2 =	vmul.f32 $1.100000020e+00, v2;
	v6 =	vld [tilespmem:s30+$0x560]  }
0x2ed: {  	v8 =	vld [tilespmem:s25+$0x570];
	[tilespmem:s30+$0x500] =	vst v1;
	v1 =	vmul.f32 $1.100000020e+00, v3  }
0x2ee: {  	v3 =	vld [tilespmem:s25+$0x80];
	[tilespmem:s30+$0x510] =	vst v2;
	v2 =	vmul.f32 $1.100000020e+00, v4  }
0x2ef: {  	v4 =	vld [tilespmem:s25+$0x90];
	[tilespmem:s30+$0x520] =	vst v1;
	v1 =	vmul.f32 $1.100000020e+00, v5  }
0x2f0: {  	v5 =	vld [tilespmem:s25+$0xA0];
	[tilespmem:s30+$0x530] =	vst v2;
	v2 =	vmul.f32 $1.100000020e+00, v7  }
0x2f1: {  	v7 =	vld [tilespmem:s25+$0xB0];
	[tilespmem:s30+$0x540] =	vst v1;
	v1 =	vmul.f32 $1.100000020e+00, v6  }
0x2f2: {  	v6 =	vld [tilespmem:s25+$0xC0];
	v8 =	vmul.f32 $1.100000020e+00, v8;
	[tilespmem:s30+$0x550] =	vst v2  }
0x2f3: {  	v2 =	vmul.f32 $1.100000020e+00, v3;
	v3 =	vld [tilespmem:s25+$0xD0];
	[tilespmem:s30+$0x560] =	vst v1;
	s30 =	smov.u32 s25  }
0x2f4: {  	v1 =	vmul.f32 $1.100000020e+00, v4;
	v4 =	vld [tilespmem:s30+$0xE0];
	[tilespmem:s30+$0x570] =	vst v8  }
0x2f5: {  	[tilespmem:s30+$0x80] =	vst v2;
	v2 =	vmul.f32 $1.100000020e+00, v5;
	v5 =	vld [tilespmem:s30+$0xF0]  }
0x2f6: {  	[tilespmem:s30+$0x90] =	vst v1;
	v1 =	vmul.f32 $1.100000020e+00, v7;
	v7 =	vld [tilespmem:s30+$0x480]  }
0x2f7: {  	[tilespmem:s30+$0xA0] =	vst v2;
	v2 =	vmul.f32 $1.100000020e+00, v6;
	v6 =	vld [tilespmem:s30+$0x490]  }
0x2f8: {  	[tilespmem:s30+$0xB0] =	vst v1;
	v1 =	vmul.f32 $1.100000020e+00, v3;
	v3 =	vld [tilespmem:s30+$0x4A0]  }
0x2f9: {  	[tilespmem:s30+$0xC0] =	vst v2;
	v2 =	vmul.f32 $1.100000020e+00, v4;
	v4 =	vld [tilespmem:s30+$0x4B0]  }
0x2fa: {  	[tilespmem:s30+$0xD0] =	vst v1;
	v1 =	vmul.f32 $1.100000020e+00, v5;
	v5 =	vld [tilespmem:s30+$0x4C0]  }
0x2fb: {  	[tilespmem:s30+$0xE0] =	vst v2;
	v2 =	vmul.f32 $1.100000020e+00, v7;
	v7 =	vld [tilespmem:s30+$0x4D0]  }
0x2fc: {  	[tilespmem:s30+$0xF0] =	vst v1;
	v1 =	vmul.f32 $1.100000020e+00, v6;
	v6 =	vld [tilespmem:s30+$0x4E0]  }
0x2fd: {  	[tilespmem:s30+$0x480] =	vst v2;
	v2 =	vmul.f32 $1.100000020e+00, v3;
	v3 =	vld [tilespmem:s30+$0x4F0]  }
0x2fe: {  	[tilespmem:s30+$0x490] =	vst v1;
	v1 =	vmul.f32 $1.100000020e+00, v4;
	v4 =	vld [tilespmem:s30+$0x100]  }
0x2ff: {  	[tilespmem:s30+$0x4A0] =	vst v2;
	v2 =	vmul.f32 $1.100000020e+00, v5;
	v5 =	vld [tilespmem:s30+$0x110]  }
0x300: {  	[tilespmem:s30+$0x4B0] =	vst v1;
	v1 =	vmul.f32 $1.100000020e+00, v7;
	v7 =	vld [tilespmem:s30+$0x120]  }
0x301: {  	[tilespmem:s30+$0x4C0] =	vst v2;
	v2 =	vmul.f32 $1.100000020e+00, v6;
	v6 =	vld [tilespmem:s30+$0x130]  }
0x302: {  	[tilespmem:s30+$0x4D0] =	vst v1;
	v1 =	vmul.f32 $1.100000020e+00, v3;
	v3 =	vld [tilespmem:s30+$0x140]  }
0x303: {  	[tilespmem:s30+$0x4E0] =	vst v2;
	v2 =	vmul.f32 $1.100000020e+00, v4;
	v4 =	vld [tilespmem:s30+$0x150]  }
0x304: {  	[tilespmem:s30+$0x4F0] =	vst v1;
	v1 =	vmul.f32 $1.100000020e+00, v5;
	v5 =	vld [tilespmem:s30+$0x160]  }
0x305: {  	[tilespmem:s30+$0x100] =	vst v2;
	v2 =	vmul.f32 $1.100000020e+00, v7;
	v8 =	vld [tilespmem:s30+$0x170]  }
.Ltmp30:
0x306: {  	[tilespmem:s30+$0x110] =	vst v1;
	v6 =	vmul.f32 $1.100000020e+00, v6;
	v1 =	vld [tilespmem:s30+$0x500];
	(pc) =	sbr.rel @p0 .LBB2_41-.Ltmp30, $4  }
0x307: {  	[tilespmem:s30+$0x120] =	vst v2;
	v7 =	vmul.f32 $1.100000020e+00, v3;
	v2 =	vld [tilespmem:s30+$0x510]  }
0x308: {  	[tilespmem:s30+$0x130] =	vst v6;
	v6 =	vmul.f32 $1.100000020e+00, v4;
	v3 =	vld [tilespmem:s30+$0x520]  }
0x309: {  	[tilespmem:s30+$0x140] =	vst v7;
	v7 =	vmul.f32 $1.100000020e+00, v5;
	v4 =	vld [tilespmem:s30+$0x530]  }
0x30a: {  	s0 =	sadd.s32 $0x100, s0;
	s1 =	sadd.s32 $0x200, s1;
	[tilespmem:s30+$0x150] =	vst v6;
	v6 =	vmul.f32 $1.100000020e+00, v8;
	v5 =	vld [tilespmem:s30+$0x540]  }
0x30b: {  	[tilespmem:s30+$0x160] =	vst v7;
	v62 =	vld [tilespmem:s30+$0x550];
	v1 =	vmul.f32 $1.100000020e+00, v1  }
0x30c: {  	v63 =	vld [tilespmem:s30+$0x560];
	[tilespmem:s30+$0x170] =	vst v6;
	v2 =	vmul.f32 $1.100000020e+00, v2  }
0x30d: {  	[tilespmem:s30+$0x500] =	vst v1;
	v1 =	vmul.f32 $1.100000020e+00, v3  }
0x30e: {  	[tilespmem:s30+$0x510] =	vst v2;
	v2 =	vmul.f32 $1.100000020e+00, v4  }
0x30f: {  	[tilespmem:s30+$0x520] =	vst v1;
	v1 =	vmul.f32 $1.100000020e+00, v5  }
0x310: {  	[tilespmem:s30+$0x530] =	vst v2;
	v2 =	vmul.f32 $1.100000020e+00, v62  }
0x311: {  	[tilespmem:s30+$0x540] =	vst v1;
	v1 =	vmul.f32 $1.100000020e+00, v63  }
0x312: {  	[tilespmem:s30+$0x550] =	vst v2  }
0x313: {  	[tilespmem:s30+$0x560] =	vst v1  }
.LBB2_43:
.Ltmp31:
0x314: {  	(pc) =	sbr.rel @!p4 .LBB2_47-.Ltmp31, $1  }
0x315: {  	_ =	sdelay $0x3  }
0x316: {  	s0 =	simm.s32 $0x3000;
	s1 =	simm.s32 $0x6000  }
0x317: {  	s1 =	sand.u32 $0x7800, s1;
	s0 =	sand.u32 $0x300, s0  }
0x318: {  	s30 =	sor.u32 s0, s1  }
0x319: {  	v1 =	vld [tilespmem:s30+$0x80]  }
0x31a: {  	v2 =	vld [tilespmem:s30+$0x90]  }
0x31b: {  	v3 =	vld [tilespmem:s30+$0xA0]  }
0x31c: {  	v4 =	vld [tilespmem:s30+$0xB0]  }
0x31d: {  	v5 =	vld [tilespmem:s30+$0xC0]  }
0x31e: {  	v6 =	vld [tilespmem:s30+$0xD0];
	v1 =	vmul.f32 $1.100000020e+00, v1  }
0x31f: {  	v7 =	vld [tilespmem:s30+$0xE0];
	v2 =	vmul.f32 $1.100000020e+00, v2  }
0x320: {  	v3 =	vmul.f32 $1.100000020e+00, v3;
	[tilespmem:s30+$0x80] =	vst v1;
	v1 =	vld [tilespmem:s30+$0xF0]  }
0x321: {  	v4 =	vmul.f32 $1.100000020e+00, v4;
	[tilespmem:s30+$0x90] =	vst v2;
	v2 =	vld [tilespmem:s30+$0x480]  }
0x322: {  	v8 =	vld [tilespmem:s30+$0x570];
	v5 =	vmul.f32 $1.100000020e+00, v5;
	[tilespmem:s30+$0xA0] =	vst v3  }
0x323: {  	v6 =	vmul.f32 $1.100000020e+00, v6;
	v3 =	vld [tilespmem:s30+$0x490];
	[tilespmem:s30+$0xB0] =	vst v4  }
0x324: {  	v7 =	vmul.f32 $1.100000020e+00, v7;
	v4 =	vld [tilespmem:s30+$0x4A0];
	[tilespmem:s30+$0xC0] =	vst v5  }
0x325: {  	v10 =	vld [tilespmem:s30+$0x120];
	[tilespmem:s30+$0xD0] =	vst v6;
	v1 =	vmul.f32 $1.100000020e+00, v1  }
0x326: {  	v6 =	vld [tilespmem:s30+$0x4C0];
	[tilespmem:s30+$0xE0] =	vst v7;
	v2 =	vmul.f32 $1.100000020e+00, v2  }
0x327: {  	v7 =	vld [tilespmem:s30+$0x4D0];
	[tilespmem:s30+$0xF0] =	vst v1;
	v1 =	vmul.f32 $1.100000020e+00, v8  }
0x328: {  	v11 =	vld [tilespmem:s30+$0x130];
	v3 =	vmul.f32 $1.100000020e+00, v3;
	[tilespmem:s30+$0x480] =	vst v2  }
0x329: {  	v4 =	vmul.f32 $1.100000020e+00, v4;
	[tilespmem:s30+$0x570] =	vst v1;
	v1 =	vld [tilespmem:s30+$0x100]  }
0x32a: {  	v12 =	vld [tilespmem:s30+$0x140];
	[tilespmem:s30+$0x490] =	vst v3;
	v3 =	vmul.f32 $1.100000020e+00, v10  }
0x32b: {  	v2 =	vld [tilespmem:s30+$0x110];
	[tilespmem:s30+$0x4A0] =	vst v4;
	v4 =	vmul.f32 $1.100000020e+00, v6  }
0x32c: {  	v5 =	vld [tilespmem:s30+$0x4B0];
	v6 =	vmul.f32 $1.100000020e+00, v7;
	[tilespmem:s30+$0x120] =	vst v3  }
0x32d: {  	v13 =	vld [tilespmem:s30+$0x150];
	v3 =	vmul.f32 $1.100000020e+00, v11;
	[tilespmem:s30+$0x4C0] =	vst v4  }
0x32e: {  	v8 =	vld [tilespmem:s30+$0x4E0];
	[tilespmem:s30+$0x4D0] =	vst v6;
	v1 =	vmul.f32 $1.100000020e+00, v1  }
0x32f: {  	v9 =	vld [tilespmem:s30+$0x4F0];
	v4 =	vmul.f32 $1.100000020e+00, v12;
	[tilespmem:s30+$0x130] =	vst v3  }
0x330: {  	v14 =	vld [tilespmem:s30+$0x160];
	[tilespmem:s30+$0x100] =	vst v1;
	v1 =	vmul.f32 $1.100000020e+00, v2  }
0x331: {  	[tilespmem:s30+$0x140] =	vst v4;
	v2 =	vmul.f32 $1.100000020e+00, v5;
	v5 =	vld [tilespmem:s30+$0x170]  }
0x332: {  	v6 =	vmul.f32 $1.100000020e+00, v13;
	[tilespmem:s30+$0x110] =	vst v1;
	v1 =	vld [tilespmem:s30+$0x500]  }
0x333: {  	v7 =	vmul.f32 $1.100000020e+00, v8;
	[tilespmem:s30+$0x4B0] =	vst v2;
	v2 =	vld [tilespmem:s30+$0x510]  }
0x334: {  	v3 =	vld [tilespmem:s30+$0x520];
	[tilespmem:s30+$0x150] =	vst v6;
	v8 =	vmul.f32 $1.100000020e+00, v9  }
0x335: {  	v4 =	vld [tilespmem:s30+$0x530];
	[tilespmem:s30+$0x4E0] =	vst v7;
	v7 =	vmul.f32 $1.100000020e+00, v14  }
0x336: {  	s31 =	simm.s32 $0x60;
	s0 =	simm.s32 $0x3100;
	s1 =	simm.s32 $0x6200;
	[tilespmem:s30+$0x4F0] =	vst v8;
	v6 =	vmul.f32 $1.100000020e+00, v5;
	v5 =	vld [tilespmem:s30+$0x540]  }
.LBB2_45:
0x337: {  	s25 =	sand.u32 $0x7800, s1;
	s26 =	sand.u32 $0x300, s0;
	s31 =	sadd.s32 $0x2, s31;
	[tilespmem:s30+$0x160] =	vst v7;
	v1 =	vmul.f32 $1.100000020e+00, v1;
	v7 =	vld [tilespmem:s30+$0x550]  }
0x338: {  	s25 =	sor.u32 s26, s25;
	p0 =	slt.u32 s31, $0x6E;
	[tilespmem:s30+$0x170] =	vst v6;
	v2 =	vmul.f32 $1.100000020e+00, v2;
	v6 =	vld [tilespmem:s30+$0x560]  }
0x339: {  	v8 =	vld [tilespmem:s25+$0x570];
	[tilespmem:s30+$0x500] =	vst v1;
	v1 =	vmul.f32 $1.100000020e+00, v3  }
0x33a: {  	v3 =	vld [tilespmem:s25+$0x80];
	[tilespmem:s30+$0x510] =	vst v2;
	v2 =	vmul.f32 $1.100000020e+00, v4  }
0x33b: {  	v4 =	vld [tilespmem:s25+$0x90];
	[tilespmem:s30+$0x520] =	vst v1;
	v1 =	vmul.f32 $1.100000020e+00, v5  }
0x33c: {  	v5 =	vld [tilespmem:s25+$0xA0];
	[tilespmem:s30+$0x530] =	vst v2;
	v2 =	vmul.f32 $1.100000020e+00, v7  }
0x33d: {  	v7 =	vld [tilespmem:s25+$0xB0];
	[tilespmem:s30+$0x540] =	vst v1;
	v1 =	vmul.f32 $1.100000020e+00, v6  }
0x33e: {  	v6 =	vld [tilespmem:s25+$0xC0];
	v8 =	vmul.f32 $1.100000020e+00, v8;
	[tilespmem:s30+$0x550] =	vst v2  }
0x33f: {  	v2 =	vmul.f32 $1.100000020e+00, v3;
	v3 =	vld [tilespmem:s25+$0xD0];
	[tilespmem:s30+$0x560] =	vst v1;
	s30 =	smov.u32 s25  }
0x340: {  	v1 =	vmul.f32 $1.100000020e+00, v4;
	v4 =	vld [tilespmem:s30+$0xE0];
	[tilespmem:s30+$0x570] =	vst v8  }
0x341: {  	[tilespmem:s30+$0x80] =	vst v2;
	v2 =	vmul.f32 $1.100000020e+00, v5;
	v5 =	vld [tilespmem:s30+$0xF0]  }
0x342: {  	[tilespmem:s30+$0x90] =	vst v1;
	v1 =	vmul.f32 $1.100000020e+00, v7;
	v7 =	vld [tilespmem:s30+$0x480]  }
0x343: {  	[tilespmem:s30+$0xA0] =	vst v2;
	v2 =	vmul.f32 $1.100000020e+00, v6;
	v6 =	vld [tilespmem:s30+$0x490]  }
0x344: {  	[tilespmem:s30+$0xB0] =	vst v1;
	v1 =	vmul.f32 $1.100000020e+00, v3;
	v3 =	vld [tilespmem:s30+$0x4A0]  }
0x345: {  	[tilespmem:s30+$0xC0] =	vst v2;
	v2 =	vmul.f32 $1.100000020e+00, v4;
	v4 =	vld [tilespmem:s30+$0x4B0]  }
0x346: {  	[tilespmem:s30+$0xD0] =	vst v1;
	v1 =	vmul.f32 $1.100000020e+00, v5;
	v5 =	vld [tilespmem:s30+$0x4C0]  }
0x347: {  	[tilespmem:s30+$0xE0] =	vst v2;
	v2 =	vmul.f32 $1.100000020e+00, v7;
	v7 =	vld [tilespmem:s30+$0x4D0]  }
0x348: {  	[tilespmem:s30+$0xF0] =	vst v1;
	v1 =	vmul.f32 $1.100000020e+00, v6;
	v6 =	vld [tilespmem:s30+$0x4E0]  }
0x349: {  	[tilespmem:s30+$0x480] =	vst v2;
	v2 =	vmul.f32 $1.100000020e+00, v3;
	v3 =	vld [tilespmem:s30+$0x4F0]  }
0x34a: {  	[tilespmem:s30+$0x490] =	vst v1;
	v1 =	vmul.f32 $1.100000020e+00, v4;
	v4 =	vld [tilespmem:s30+$0x100]  }
0x34b: {  	[tilespmem:s30+$0x4A0] =	vst v2;
	v2 =	vmul.f32 $1.100000020e+00, v5;
	v5 =	vld [tilespmem:s30+$0x110]  }
0x34c: {  	[tilespmem:s30+$0x4B0] =	vst v1;
	v1 =	vmul.f32 $1.100000020e+00, v7;
	v7 =	vld [tilespmem:s30+$0x120]  }
0x34d: {  	[tilespmem:s30+$0x4C0] =	vst v2;
	v2 =	vmul.f32 $1.100000020e+00, v6;
	v6 =	vld [tilespmem:s30+$0x130]  }
0x34e: {  	[tilespmem:s30+$0x4D0] =	vst v1;
	v1 =	vmul.f32 $1.100000020e+00, v3;
	v3 =	vld [tilespmem:s30+$0x140]  }
0x34f: {  	[tilespmem:s30+$0x4E0] =	vst v2;
	v2 =	vmul.f32 $1.100000020e+00, v4;
	v4 =	vld [tilespmem:s30+$0x150]  }
0x350: {  	[tilespmem:s30+$0x4F0] =	vst v1;
	v1 =	vmul.f32 $1.100000020e+00, v5;
	v5 =	vld [tilespmem:s30+$0x160]  }
0x351: {  	[tilespmem:s30+$0x100] =	vst v2;
	v2 =	vmul.f32 $1.100000020e+00, v7;
	v8 =	vld [tilespmem:s30+$0x170]  }
.Ltmp32:
0x352: {  	[tilespmem:s30+$0x110] =	vst v1;
	v6 =	vmul.f32 $1.100000020e+00, v6;
	v1 =	vld [tilespmem:s30+$0x500];
	(pc) =	sbr.rel @p0 .LBB2_45-.Ltmp32, $4  }
0x353: {  	[tilespmem:s30+$0x120] =	vst v2;
	v7 =	vmul.f32 $1.100000020e+00, v3;
	v2 =	vld [tilespmem:s30+$0x510]  }
0x354: {  	[tilespmem:s30+$0x130] =	vst v6;
	v6 =	vmul.f32 $1.100000020e+00, v4;
	v3 =	vld [tilespmem:s30+$0x520]  }
0x355: {  	[tilespmem:s30+$0x140] =	vst v7;
	v7 =	vmul.f32 $1.100000020e+00, v5;
	v4 =	vld [tilespmem:s30+$0x530]  }
0x356: {  	s0 =	sadd.s32 $0x100, s0;
	s1 =	sadd.s32 $0x200, s1;
	[tilespmem:s30+$0x150] =	vst v6;
	v6 =	vmul.f32 $1.100000020e+00, v8;
	v5 =	vld [tilespmem:s30+$0x540]  }
0x357: {  	[tilespmem:s30+$0x160] =	vst v7;
	v62 =	vld [tilespmem:s30+$0x550];
	v1 =	vmul.f32 $1.100000020e+00, v1  }
0x358: {  	v63 =	vld [tilespmem:s30+$0x560];
	[tilespmem:s30+$0x170] =	vst v6;
	v2 =	vmul.f32 $1.100000020e+00, v2  }
0x359: {  	[tilespmem:s30+$0x500] =	vst v1;
	v1 =	vmul.f32 $1.100000020e+00, v3  }
0x35a: {  	[tilespmem:s30+$0x510] =	vst v2;
	v2 =	vmul.f32 $1.100000020e+00, v4  }
0x35b: {  	[tilespmem:s30+$0x520] =	vst v1;
	v1 =	vmul.f32 $1.100000020e+00, v5  }
0x35c: {  	[tilespmem:s30+$0x530] =	vst v2;
	v2 =	vmul.f32 $1.100000020e+00, v62  }
0x35d: {  	[tilespmem:s30+$0x540] =	vst v1;
	v1 =	vmul.f32 $1.100000020e+00, v63  }
0x35e: {  	[tilespmem:s30+$0x550] =	vst v2  }
0x35f: {  	[tilespmem:s30+$0x560] =	vst v1  }
.LBB2_47:
0x360: {  	s31 =	sld [smem:$0x7F3];
	_ =	sdelay $0x2  }
0x361: {  	p0 =	seq.s32 s31, $0x1  }
.Ltmp33:
0x362: {  	_ = 	snop;
	(pc) =	sbr.rel @!p0 .LBB2_48-.Ltmp33, $4  }
0x363: {  	_ = 	snop  }
0x364: {  	s0 =	simm.s32 @!p4 $0x0  }
0x365: {  	s0 =	simm.s32 @p4 $0x1  }
0x366: {  	[smem:$0x7FD] =	sst s0  }
0x367: {  	s0 =	simm.s32 $0x3800;
	s1 =	simm.s32 $0x7000  }
0x368: {  	s1 =	sand.u32 $0x7800, s1;
	s0 =	sand.u32 $0x300, s0  }
0x369: {  	s30 =	sor.u32 s0, s1  }
0x36a: {  	v1 =	vld [tilespmem:s30+$0x80]  }
0x36b: {  	v2 =	vld [tilespmem:s30+$0x90]  }
0x36c: {  	v3 =	vld [tilespmem:s30+$0xA0]  }
0x36d: {  	v4 =	vld [tilespmem:s30+$0xB0]  }
0x36e: {  	v5 =	vld [tilespmem:s30+$0xC0]  }
0x36f: {  	v6 =	vld [tilespmem:s30+$0xD0];
	v1 =	vmul.f32 $1.100000020e+00, v1  }
0x370: {  	v7 =	vld [tilespmem:s30+$0xE0];
	v2 =	vmul.f32 $1.100000020e+00, v2  }
0x371: {  	v3 =	vmul.f32 $1.100000020e+00, v3;
	[tilespmem:s30+$0x80] =	vst v1;
	v1 =	vld [tilespmem:s30+$0xF0]  }
0x372: {  	v4 =	vmul.f32 $1.100000020e+00, v4;
	[tilespmem:s30+$0x90] =	vst v2;
	v2 =	vld [tilespmem:s30+$0x480]  }
0x373: {  	v8 =	vld [tilespmem:s30+$0x570];
	v5 =	vmul.f32 $1.100000020e+00, v5;
	[tilespmem:s30+$0xA0] =	vst v3  }
0x374: {  	v6 =	vmul.f32 $1.100000020e+00, v6;
	v3 =	vld [tilespmem:s30+$0x490];
	[tilespmem:s30+$0xB0] =	vst v4  }
0x375: {  	v7 =	vmul.f32 $1.100000020e+00, v7;
	v4 =	vld [tilespmem:s30+$0x4A0];
	[tilespmem:s30+$0xC0] =	vst v5  }
0x376: {  	v10 =	vld [tilespmem:s30+$0x120];
	[tilespmem:s30+$0xD0] =	vst v6;
	v1 =	vmul.f32 $1.100000020e+00, v1  }
0x377: {  	v6 =	vld [tilespmem:s30+$0x4C0];
	[tilespmem:s30+$0xE0] =	vst v7;
	v2 =	vmul.f32 $1.100000020e+00, v2  }
0x378: {  	v7 =	vld [tilespmem:s30+$0x4D0];
	[tilespmem:s30+$0xF0] =	vst v1;
	v1 =	vmul.f32 $1.100000020e+00, v8  }
0x379: {  	v11 =	vld [tilespmem:s30+$0x130];
	v3 =	vmul.f32 $1.100000020e+00, v3;
	[tilespmem:s30+$0x480] =	vst v2  }
0x37a: {  	v4 =	vmul.f32 $1.100000020e+00, v4;
	[tilespmem:s30+$0x570] =	vst v1;
	v1 =	vld [tilespmem:s30+$0x100]  }
0x37b: {  	v12 =	vld [tilespmem:s30+$0x140];
	[tilespmem:s30+$0x490] =	vst v3;
	v3 =	vmul.f32 $1.100000020e+00, v10  }
0x37c: {  	v2 =	vld [tilespmem:s30+$0x110];
	[tilespmem:s30+$0x4A0] =	vst v4;
	v4 =	vmul.f32 $1.100000020e+00, v6  }
0x37d: {  	v5 =	vld [tilespmem:s30+$0x4B0];
	v6 =	vmul.f32 $1.100000020e+00, v7;
	[tilespmem:s30+$0x120] =	vst v3  }
0x37e: {  	v13 =	vld [tilespmem:s30+$0x150];
	v3 =	vmul.f32 $1.100000020e+00, v11;
	[tilespmem:s30+$0x4C0] =	vst v4  }
0x37f: {  	v8 =	vld [tilespmem:s30+$0x4E0];
	[tilespmem:s30+$0x4D0] =	vst v6;
	v1 =	vmul.f32 $1.100000020e+00, v1  }
0x380: {  	v9 =	vld [tilespmem:s30+$0x4F0];
	v4 =	vmul.f32 $1.100000020e+00, v12;
	[tilespmem:s30+$0x130] =	vst v3  }
0x381: {  	v14 =	vld [tilespmem:s30+$0x160];
	[tilespmem:s30+$0x100] =	vst v1;
	v1 =	vmul.f32 $1.100000020e+00, v2  }
0x382: {  	[tilespmem:s30+$0x140] =	vst v4;
	v2 =	vmul.f32 $1.100000020e+00, v5;
	v5 =	vld [tilespmem:s30+$0x170]  }
0x383: {  	v6 =	vmul.f32 $1.100000020e+00, v13;
	[tilespmem:s30+$0x110] =	vst v1;
	v1 =	vld [tilespmem:s30+$0x500]  }
0x384: {  	v7 =	vmul.f32 $1.100000020e+00, v8;
	[tilespmem:s30+$0x4B0] =	vst v2;
	v2 =	vld [tilespmem:s30+$0x510]  }
0x385: {  	v3 =	vld [tilespmem:s30+$0x520];
	[tilespmem:s30+$0x150] =	vst v6;
	v8 =	vmul.f32 $1.100000020e+00, v9  }
0x386: {  	s31 =	simm.s32 $0x70;
	v4 =	vld [tilespmem:s30+$0x530];
	[tilespmem:s30+$0x4E0] =	vst v7;
	v7 =	vmul.f32 $1.100000020e+00, v14  }
0x387: {  	p4 =	por p5, p5;
	s0 =	simm.s32 $0x3900;
	s1 =	simm.s32 $0x7200;
	[tilespmem:s30+$0x4F0] =	vst v8;
	v6 =	vmul.f32 $1.100000020e+00, v5;
	v5 =	vld [tilespmem:s30+$0x540]  }
.LBB2_50:
0x388: {  	s25 =	sand.u32 $0x7800, s1;
	s26 =	sand.u32 $0x300, s0;
	s31 =	sadd.s32 $0x2, s31;
	[tilespmem:s30+$0x160] =	vst v7;
	v1 =	vmul.f32 $1.100000020e+00, v1;
	v7 =	vld [tilespmem:s30+$0x550]  }
0x389: {  	s25 =	sor.u32 s26, s25;
	p0 =	slt.u32 s31, $0x7E;
	[tilespmem:s30+$0x170] =	vst v6;
	v2 =	vmul.f32 $1.100000020e+00, v2;
	v6 =	vld [tilespmem:s30+$0x560]  }
0x38a: {  	v8 =	vld [tilespmem:s25+$0x570];
	[tilespmem:s30+$0x500] =	vst v1;
	v1 =	vmul.f32 $1.100000020e+00, v3  }
0x38b: {  	v3 =	vld [tilespmem:s25+$0x80];
	[tilespmem:s30+$0x510] =	vst v2;
	v2 =	vmul.f32 $1.100000020e+00, v4  }
0x38c: {  	v4 =	vld [tilespmem:s25+$0x90];
	[tilespmem:s30+$0x520] =	vst v1;
	v1 =	vmul.f32 $1.100000020e+00, v5  }
0x38d: {  	v5 =	vld [tilespmem:s25+$0xA0];
	[tilespmem:s30+$0x530] =	vst v2;
	v2 =	vmul.f32 $1.100000020e+00, v7  }
0x38e: {  	v7 =	vld [tilespmem:s25+$0xB0];
	[tilespmem:s30+$0x540] =	vst v1;
	v1 =	vmul.f32 $1.100000020e+00, v6  }
0x38f: {  	v6 =	vld [tilespmem:s25+$0xC0];
	v8 =	vmul.f32 $1.100000020e+00, v8;
	[tilespmem:s30+$0x550] =	vst v2  }
0x390: {  	v2 =	vmul.f32 $1.100000020e+00, v3;
	v3 =	vld [tilespmem:s25+$0xD0];
	[tilespmem:s30+$0x560] =	vst v1;
	s30 =	smov.u32 s25  }
0x391: {  	v1 =	vmul.f32 $1.100000020e+00, v4;
	v4 =	vld [tilespmem:s30+$0xE0];
	[tilespmem:s30+$0x570] =	vst v8  }
0x392: {  	[tilespmem:s30+$0x80] =	vst v2;
	v2 =	vmul.f32 $1.100000020e+00, v5;
	v5 =	vld [tilespmem:s30+$0xF0]  }
0x393: {  	[tilespmem:s30+$0x90] =	vst v1;
	v1 =	vmul.f32 $1.100000020e+00, v7;
	v7 =	vld [tilespmem:s30+$0x480]  }
0x394: {  	[tilespmem:s30+$0xA0] =	vst v2;
	v2 =	vmul.f32 $1.100000020e+00, v6;
	v6 =	vld [tilespmem:s30+$0x490]  }
0x395: {  	[tilespmem:s30+$0xB0] =	vst v1;
	v1 =	vmul.f32 $1.100000020e+00, v3;
	v3 =	vld [tilespmem:s30+$0x4A0]  }
0x396: {  	[tilespmem:s30+$0xC0] =	vst v2;
	v2 =	vmul.f32 $1.100000020e+00, v4;
	v4 =	vld [tilespmem:s30+$0x4B0]  }
0x397: {  	[tilespmem:s30+$0xD0] =	vst v1;
	v1 =	vmul.f32 $1.100000020e+00, v5;
	v5 =	vld [tilespmem:s30+$0x4C0]  }
0x398: {  	[tilespmem:s30+$0xE0] =	vst v2;
	v2 =	vmul.f32 $1.100000020e+00, v7;
	v7 =	vld [tilespmem:s30+$0x4D0]  }
0x399: {  	[tilespmem:s30+$0xF0] =	vst v1;
	v1 =	vmul.f32 $1.100000020e+00, v6;
	v6 =	vld [tilespmem:s30+$0x4E0]  }
0x39a: {  	[tilespmem:s30+$0x480] =	vst v2;
	v2 =	vmul.f32 $1.100000020e+00, v3;
	v3 =	vld [tilespmem:s30+$0x4F0]  }
0x39b: {  	[tilespmem:s30+$0x490] =	vst v1;
	v1 =	vmul.f32 $1.100000020e+00, v4;
	v4 =	vld [tilespmem:s30+$0x100]  }
0x39c: {  	[tilespmem:s30+$0x4A0] =	vst v2;
	v2 =	vmul.f32 $1.100000020e+00, v5;
	v5 =	vld [tilespmem:s30+$0x110]  }
0x39d: {  	[tilespmem:s30+$0x4B0] =	vst v1;
	v1 =	vmul.f32 $1.100000020e+00, v7;
	v7 =	vld [tilespmem:s30+$0x120]  }
0x39e: {  	[tilespmem:s30+$0x4C0] =	vst v2;
	v2 =	vmul.f32 $1.100000020e+00, v6;
	v6 =	vld [tilespmem:s30+$0x130]  }
0x39f: {  	[tilespmem:s30+$0x4D0] =	vst v1;
	v1 =	vmul.f32 $1.100000020e+00, v3;
	v3 =	vld [tilespmem:s30+$0x140]  }
0x3a0: {  	[tilespmem:s30+$0x4E0] =	vst v2;
	v2 =	vmul.f32 $1.100000020e+00, v4;
	v4 =	vld [tilespmem:s30+$0x150]  }
0x3a1: {  	[tilespmem:s30+$0x4F0] =	vst v1;
	v1 =	vmul.f32 $1.100000020e+00, v5;
	v5 =	vld [tilespmem:s30+$0x160]  }
0x3a2: {  	[tilespmem:s30+$0x100] =	vst v2;
	v2 =	vmul.f32 $1.100000020e+00, v7;
	v8 =	vld [tilespmem:s30+$0x170]  }
.Ltmp34:
0x3a3: {  	[tilespmem:s30+$0x110] =	vst v1;
	v6 =	vmul.f32 $1.100000020e+00, v6;
	v1 =	vld [tilespmem:s30+$0x500];
	(pc) =	sbr.rel @p0 .LBB2_50-.Ltmp34, $4  }
0x3a4: {  	[tilespmem:s30+$0x120] =	vst v2;
	v7 =	vmul.f32 $1.100000020e+00, v3;
	v2 =	vld [tilespmem:s30+$0x510]  }
0x3a5: {  	[tilespmem:s30+$0x130] =	vst v6;
	v6 =	vmul.f32 $1.100000020e+00, v4;
	v3 =	vld [tilespmem:s30+$0x520]  }
0x3a6: {  	[tilespmem:s30+$0x140] =	vst v7;
	v7 =	vmul.f32 $1.100000020e+00, v5;
	v4 =	vld [tilespmem:s30+$0x530]  }
0x3a7: {  	s0 =	sadd.s32 $0x100, s0;
	s1 =	sadd.s32 $0x200, s1;
	[tilespmem:s30+$0x150] =	vst v6;
	v6 =	vmul.f32 $1.100000020e+00, v8;
	v5 =	vld [tilespmem:s30+$0x540]  }
0x3a8: {  	[tilespmem:s30+$0x160] =	vst v7;
	v62 =	vld [tilespmem:s30+$0x550];
	v1 =	vmul.f32 $1.100000020e+00, v1  }
0x3a9: {  	v63 =	vld [tilespmem:s30+$0x560];
	[tilespmem:s30+$0x170] =	vst v6;
	v2 =	vmul.f32 $1.100000020e+00, v2  }
0x3aa: {  	[tilespmem:s30+$0x500] =	vst v1;
	v1 =	vmul.f32 $1.100000020e+00, v3  }
0x3ab: {  	[tilespmem:s30+$0x510] =	vst v2;
	v2 =	vmul.f32 $1.100000020e+00, v4  }
0x3ac: {  	[tilespmem:s30+$0x520] =	vst v1;
	v1 =	vmul.f32 $1.100000020e+00, v5  }
.Ltmp35:
0x3ad: {  	[tilespmem:s30+$0x530] =	vst v2;
	v2 =	vmul.f32 $1.100000020e+00, v62;
	(pc) =	sbr.rel .LBB2_52-.Ltmp35, $4  }
0x3ae: {  	p0 =	por $0x1, $0x1;
	[tilespmem:s30+$0x540] =	vst v1;
	v1 =	vmul.f32 $1.100000020e+00, v63  }
0x3af: {  	s0 =	simm.s32 @!p0 $0x0;
	[tilespmem:s30+$0x550] =	vst v2  }
0x3b0: {  	s0 =	simm.s32 @p0 $0x1;
	[tilespmem:s30+$0x560] =	vst v1  }
0x3b1: {  	p3 =	por p1, p1;
	[smem:$0x7FA] =	sst s0  }
.LBB2_48:
0x3b2: {  	p0 =	por $0x0, $0x0  }
0x3b3: {  	s0 =	simm.s32 @!p0 $0x0  }
0x3b4: {  	s0 =	simm.s32 @p0 $0x1  }
0x3b5: {  	p4 =	por p5, p5;
	p3 =	por p1, p1;
	[smem:$0x7FA] =	sst s0  }
.LBB2_52:
0x3b6: {  	s0 =	sadd.s32 $0xF, s29  }
0x3b7: {  	s1 =	sand.u32 $0xF, s0  }
0x3b8: {  	s31 =	sshra.s32 s0, $0x1F;
	p1 =	slt.s32 s0, $0x1;
	p0 =	sne.s32 s1, $0x0  }
0x3b9: {  	s1 =	sshrl.u32 s31, $0x1C;
	p0 =	por !p1, !p0  }
0x3ba: {  	s0 =	sadd.s32 s1, s0;
	s1 =	simm.s32 $0x1;
	p0 =	por !p0, !p0  }
0x3bb: {  	s0 =	sshrl.u32 s0, $0x4;
	s1 =	simm.s32 @!p0 $0x0  }
0x3bc: {  	s0 =	ssub.s32 s0, s1  }
0x3bd: {  	s0 =	sshll.u32 s0, $0x4  }
0x3be: {  	s0 =	ssub.s32 s0, s29  }
0x3bf: {  	p0 =	slt.s32 s0, $0x1  }
.Ltmp36:
0x3c0: {  	_ = 	snop;
	(pc) =	sbr.rel @p0 .LBB2_58-.Ltmp36, $1  }
0x3c1: {  	_ =	sdelay $0x3  }
0x3c2: {  	p1 =	sne.s32 s0, $0x1  }
.Ltmp37:
0x3c3: {  	_ = 	snop;
	(pc) =	sbr.rel @!p1 .LBB2_54-.Ltmp37, $3  }
0x3c4: {  	_ =	sdelay $0x1  }
0x3c5: {  	s1 =	sshll.u32 s29, $0x8;
	s30 =	sshll.u32 s29, $0x7;
	s31 =	sadd.s32 $0xFFFFFFFF, s0  }
0x3c6: {  	p0 =	por $0x0, $0x0;
	s26 =	sand.u32 $0xFFFFF800, s1;
	s25 =	sand.u32 $0x380, s30  }
0x3c7: {  	s0 =	sor.u32 s25, s26  }
0x3c8: {  	[tilespmem:s0+$0x4F0] =	vst v0  }
0x3c9: {  	[tilespmem:s0+$0x80] =	vst v0  }
0x3ca: {  	[tilespmem:s0+$0x90] =	vst v0  }
0x3cb: {  	[tilespmem:s0+$0xA0] =	vst v0  }
0x3cc: {  	[tilespmem:s0+$0xB0] =	vst v0  }
0x3cd: {  	[tilespmem:s0+$0xC0] =	vst v0  }
0x3ce: {  	[tilespmem:s0+$0xD0] =	vst v0  }
0x3cf: {  	[tilespmem:s0+$0xE0] =	vst v0  }
0x3d0: {  	[tilespmem:s0+$0xF0] =	vst v0  }
0x3d1: {  	p1 =	sne.s32 s31, $0x1;
	[tilespmem:s0+$0x480] =	vst v0  }
.Ltmp38:
0x3d2: {  	[tilespmem:s0+$0x490] =	vst v0;
	(pc) =	sbr.rel @!p1 .LBB2_57-.Ltmp38, $4  }
0x3d3: {  	[tilespmem:s0+$0x4A0] =	vst v0  }
0x3d4: {  	[tilespmem:s0+$0x4B0] =	vst v0  }
0x3d5: {  	s1 =	sadd.s32 $0x100, s1;
	s30 =	sadd.s32 $0x80, s30;
	s31 =	sadd.s32 $0xFFFFFFFF, s31;
	[tilespmem:s0+$0x4C0] =	vst v0  }
0x3d6: {  	p0 =	por $0x1, $0x1;
	s26 =	sand.u32 $0xFFFFF800, s1;
	s25 =	sand.u32 $0x380, s30;
	[tilespmem:s0+$0x4D0] =	vst v0  }
.LBB2_56:
0x3d7: {  	p1 =	sne.s32 s31, $0x1;
	[tilespmem:s0+$0x4E0] =	vst v0;
	s0 =	sor.u32 s25, s26  }
0x3d8: {  	[tilespmem:s0+$0x4F0] =	vst v0  }
0x3d9: {  	[tilespmem:s0+$0x80] =	vst v0  }
0x3da: {  	[tilespmem:s0+$0x90] =	vst v0  }
0x3db: {  	[tilespmem:s0+$0xA0] =	vst v0  }
0x3dc: {  	[tilespmem:s0+$0xB0] =	vst v0  }
0x3dd: {  	[tilespmem:s0+$0xC0] =	vst v0  }
0x3de: {  	[tilespmem:s0+$0xD0] =	vst v0  }
0x3df: {  	[tilespmem:s0+$0xE0] =	vst v0  }
0x3e0: {  	[tilespmem:s0+$0xF0] =	vst v0  }
0x3e1: {  	[tilespmem:s0+$0x480] =	vst v0  }
.Ltmp39:
0x3e2: {  	[tilespmem:s0+$0x490] =	vst v0;
	(pc) =	sbr.rel @p1 .LBB2_56-.Ltmp39, $4  }
0x3e3: {  	[tilespmem:s0+$0x4A0] =	vst v0  }
0x3e4: {  	[tilespmem:s0+$0x4B0] =	vst v0  }
0x3e5: {  	s30 =	sadd.s32 $0x80, s30;
	s1 =	sadd.s32 $0x100, s1;
	[tilespmem:s0+$0x4C0] =	vst v0  }
0x3e6: {  	s31 =	sadd.s32 $0xFFFFFFFF, s31;
	s26 =	sand.u32 $0xFFFFF800, s1;
	s25 =	sand.u32 $0x380, s30;
	[tilespmem:s0+$0x4D0] =	vst v0  }
.Ltmp40:
0x3e7: {  	_ = 	snop;
	(pc) =	sbr.rel .LBB2_57-.Ltmp40, $1  }
0x3e8: {  	_ =	sdelay $0x3  }
.LBB2_59:
0x3e9: {  	_ =	sfence.sel $0x180000  }
0x3ea: {  	[bflag:$0x0] =	sbarrier.arrive $0xFFFF  }
0x3eb: {  	_ =	strace $0x90000047  }
0x3ec: {  	s0 =	stileid.u32;
	[bflag:$0x2] =	sbarrier.arrive $0xFFFF  }
0x3ed: {  	p0 =	sne.s32 s0, $0x0;
	s0 =	rddreg [dreg:$0x3]  }
0x3ee: {  	s0 =	sadd.s32 @!p0 $0x100000, s0  }
0x3ef: {  	[sflag:s0] =	ssyncadd.tile.s32 @!p0 $0x1;
	_ =	shalt  }
.Lfunc_end2:
_tile_overlayer_lowered:
.L_overlay_start_2:
0x3f0: {  	(tag) =	ssettag $0x2  }
0x3f1: {  	s0 =	rddreg [dreg:$0x0];
	s2 =	stileid.u32  }
0x3f2: {  	s1 =	rddreg [dreg:$0x1];
	p0 =	sne.s32 s2, $0x0  }
0x3f3: {  	s3 =	rddreg [dreg:$0x2];
	[bflag:$0x3] =	sbarrier.arrive $0xFFFF;
	s2 =	simm.s32 @!p0 $0x1C03  }
0x3f4: {  	[timem:s3], [sflag:s2] =	dma.local @!p0 [hbm:s0], s1  }
0x3f5: {  	s0 =	simm.s32 @!p0 $0x3  }
0x3f6: {  	_ =	swait.ge @!p0 [sflag:s0], s1  }
0x3f7: {  	s1 =	ssub.s32 @!p0 $0x0, s1;
	[sflag:s0] =	ssyncset.done @!p0 $0x0  }
0x3f8: {  	[sflag:s0] =	ssyncadd.s32 @!p0 s1  }
0x3f9: {  	[bflag:$0x3] =	sbarrier.arrive $0xFFFF  }
0x3fa: {  	_ =	shalt  }

</sc_bundles>
